<compile_context>
chip_gen: v7x
topology: tpu7x:2x2x1
jax: 0.10.2.dev20260603
libtpu: 0.0.44.dev20260713+nightly
codegen_flags: <defaults>
</compile_context>

<pallas_src>
import functools

import jax
import jax.numpy as jnp
from jax import lax
from jax.experimental import pallas as pl
from jax.experimental.pallas import tpu as pltpu
from jax.experimental.pallas import tpu_sc as plsc

N = 10000
NE = 320000
D_IN = 128
D_HID = 128
D_OUT = 40

NW = 32
EPT = NE // NW
K = 80
NCH = EPT // K

RPW = 640
TAIL = N - 15 * RPW

_mesh = plsc.VectorSubcoreMesh(core_axis_name="c", subcore_axis_name="s")


def _zero_acc(zeros_hbm, acc, s):
    @pl.when(s < 15)
    def _():
        pltpu.sync_copy(zeros_hbm, acc.at[pl.ds(s * RPW, RPW)])

    @pl.when(s == 15)
    def _():
        pltpu.sync_copy(zeros_hbm.at[pl.ds(0, TAIL)], acc.at[pl.ds(15 * RPW, TAIL)])


def _write_out(acc, out_hbm, c, s):
    @pl.when(s < 15)
    def _():
        pltpu.sync_copy(acc.at[pl.ds(s * RPW, RPW)], out_hbm.at[c, pl.ds(s * RPW, RPW)])

    @pl.when(s == 15)
    def _():
        pltpu.sync_copy(acc.at[pl.ds(15 * RPW, TAIL)], out_hbm.at[c, pl.ds(15 * RPW, TAIL)])


DW = 16


def _make_deg_kernel():
    @functools.partial(
        pl.kernel,
        out_type=jax.ShapeDtypeStruct((2, N, DW), jnp.float32),
        mesh=_mesh,
        scratch_types=[
            pltpu.VMEM((8, K), jnp.int32),
            pltpu.VMEM((K, DW), jnp.float32),
            pltpu.VMEM_SHARED((N, DW), jnp.float32),
            pltpu.SemaphoreType.DMA,
            pltpu.SemaphoreType.DMA,
            pltpu.SemaphoreType.DMA,
        ],
        compiler_params=pltpu.CompilerParams(use_tc_tiling_on_sc=False),
    )
    def deg_kernel(dsts_hbm, ones_hbm, zeros_hbm, out_hbm,
                   dst_v, ones_v, acc, isem, ssE, ssO):
        c = lax.axis_index("c")
        s = lax.axis_index("s")
        w = c * 16 + s
        _zero_acc(zeros_hbm, acc, s)
        pltpu.sync_copy(ones_hbm, ones_v)

        def scat(c8, sem):
            pltpu.async_copy(ones_v, acc.at[dst_v.at[c8]], sem, add=True)

        def swait(c8, sem):
            pltpu.make_async_copy(ones_v, acc.at[dst_v.at[c8]], sem).wait()

        def pref(j, c8):
            pltpu.async_copy(dsts_hbm.at[w, j], dst_v.at[c8], isem)

        def pwait(c8):
            pltpu.make_async_copy(dsts_hbm.at[w, 0], dst_v.at[c8], isem).wait()

        pltpu.sync_copy(dsts_hbm.at[w, 0], dst_v.at[0])
        plsc.subcore_barrier()
        pref(1, 1)
        scat(0, ssE)
        pwait(1)
        pref(2, 2)
        scat(1, ssO)
        pwait(2)
        pref(3, 3)

        def body(t, carry):
            j = 2 * t
            swait(lax.rem(j + 6, 8), ssE)
            scat(lax.rem(j, 8), ssE)
            pwait(lax.rem(j + 1, 8))
            pref(j + 2, lax.rem(j + 2, 8))
            swait(lax.rem(j + 7, 8), ssO)
            scat(lax.rem(j + 1, 8), ssO)
            pwait(lax.rem(j + 2, 8))
            pref(j + 3, lax.rem(j + 3, 8))
            return carry

        lax.fori_loop(1, (NCH - 3) // 2, body, 0)

        jA = NCH - 3
        jB = NCH - 2
        jC = NCH - 1
        swait((jA - 2) % 8, ssE)
        scat(jA % 8, ssE)
        pwait(jB % 8)
        pref(jC, jC % 8)
        swait((jB - 2) % 8, ssO)
        scat(jB % 8, ssO)
        pwait(jC % 8)
        swait(jA % 8, ssE)
        scat(jC % 8, ssE)
        swait(jB % 8, ssO)
        swait(jC % 8, ssE)

        plsc.subcore_barrier()
        _write_out(acc, out_hbm, c, s)

    return deg_kernel


def _make_agg_kernel(D, WAYS):
    SRING = 2 * WAYS
    DRING = 4 * WAYS
    @functools.partial(
        pl.kernel,
        out_type=jax.ShapeDtypeStruct((2, N, D), jnp.float32),
        mesh=_mesh,
        scratch_types=[
            pltpu.VMEM((SRING, K), jnp.int32),
            pltpu.VMEM((DRING, K), jnp.int32),
            pltpu.VMEM((SRING, K, D), jnp.float32),
            pltpu.VMEM_SHARED((N, D), jnp.float32),
        ] + [pltpu.SemaphoreType.DMA] * WAYS
          + [pltpu.SemaphoreType.DMA]
          + [pltpu.SemaphoreType.DMA] * WAYS,
        compiler_params=pltpu.CompilerParams(use_tc_tiling_on_sc=False),
    )
    def agg_kernel(hs_hbm, srcs_hbm, dsts_hbm, zeros_hbm, out_hbm,
                   src_v, dst_v, stage, acc, *sems):
        gs = sems[:WAYS]
        isem = sems[WAYS]
        ss = sems[WAYS + 1:]
        c = lax.axis_index("c")
        s = lax.axis_index("s")
        w = c * 16 + s
        _zero_acc(zeros_hbm, acc, s)

        def gather(cs, sem):
            pltpu.async_copy(hs_hbm.at[src_v.at[cs]], stage.at[cs], sem)

        def gwait(cs, sem):
            pltpu.make_async_copy(hs_hbm.at[src_v.at[cs]], stage.at[cs], sem).wait()

        def scat(cs, cd, sem):
            pltpu.async_copy(stage.at[cs], acc.at[dst_v.at[cd]], sem, add=True)

        def swait(cs, cd, sem):
            pltpu.make_async_copy(stage.at[cs], acc.at[dst_v.at[cd]], sem).wait()

        def pref(j, cs, cd):
            pltpu.async_copy(srcs_hbm.at[w, j], src_v.at[cs], isem)
            pltpu.async_copy(dsts_hbm.at[w, j], dst_v.at[cd], isem)

        def pwait(cs, cd):
            pltpu.make_async_copy(srcs_hbm.at[w, 0], src_v.at[cs], isem).wait()
            pltpu.make_async_copy(dsts_hbm.at[w, 0], dst_v.at[cd], isem).wait()

        def step(j, u, do_swait, do_gather, do_pref):
            if isinstance(j, int):
                rs, rd = j % SRING, j % DRING
                gs_, gd_ = (j + WAYS) % SRING, (j + WAYS) % DRING
                ws_, wd_ = (j - WAYS) % SRING, (j - WAYS) % DRING
                ps_, pd_ = (j + WAYS + 1) % SRING, (j + WAYS + 1) % DRING
            else:
                rs, rd = lax.rem(j, SRING), lax.rem(j, DRING)
                gs_, gd_ = lax.rem(j + WAYS, SRING), lax.rem(j + WAYS, DRING)
                ws_, wd_ = lax.rem(j + WAYS, SRING), lax.rem(j + 3 * WAYS, DRING)
                ps_, pd_ = lax.rem(j + WAYS + 1, SRING), lax.rem(j + WAYS + 1, DRING)
            gwait(rs, gs[u])
            if do_swait:
                swait(ws_, wd_, ss[u])
            scat(rs, rd, ss[u])
            if do_gather:
                pwait(gs_, gd_)
                gather(gs_, gs[u])
            if do_pref:
                pref(j + WAYS + 1, ps_, pd_)

        pltpu.sync_copy(srcs_hbm.at[w, 0], src_v.at[0])
        pltpu.sync_copy(dsts_hbm.at[w, 0], dst_v.at[0])
        plsc.subcore_barrier()
        gather(0, gs[0])
        pref(1, 1, 1)
        for jj in range(1, WAYS):
            pwait(jj, jj)
            gather(jj, gs[jj])
            pref(jj + 1, jj + 1, jj + 1)

        for jj in range(WAYS):
            step(jj, jj, False, True, True)

        LOOP_END = WAYS + ((NCH - 2 * WAYS - 1) // WAYS) * WAYS

        def body(t, carry):
            j = WAYS + t * WAYS
            for u in range(WAYS):
                step(j + u, u, True, True, True)
            return carry

        lax.fori_loop(0, (LOOP_END - WAYS) // WAYS, body, 0)

        for j in range(LOOP_END, NCH):
            u = j % WAYS
            step(j, u, True, j + WAYS < NCH, j + WAYS + 1 < NCH)

        for j in range(NCH - WAYS, NCH):
            swait(j % SRING, j % DRING, ss[j % WAYS])

        plsc.subcore_barrier()
        _write_out(acc, out_hbm, c, s)

    return agg_kernel


_deg_kernel = _make_deg_kernel()
_agg128 = _make_agg_kernel(D_HID, 2)
_agg40 = _make_agg_kernel(D_OUT, 2)

_TCB = 1000


def _tc1_body(deg_ref, x_ref, w_ref, hs_ref, dinv_ref):
    deg = (jnp.sum(deg_ref[...], axis=(0, 2)) * (1.0 / DW))[:, None] + 1.0
    dinv = lax.rsqrt(deg)
    h = jnp.dot(x_ref[...], w_ref[...], preferred_element_type=jnp.float32)
    hs_ref[...] = h * dinv
    dinv_ref[...] = dinv


def _tc1(degp, x, W1):
    grid = (N // _TCB,)
    return pl.pallas_call(
        _tc1_body,
        grid=grid,
        in_specs=[
            pl.BlockSpec((2, _TCB, DW), lambda i: (0, i, 0)),
            pl.BlockSpec((_TCB, D_IN), lambda i: (i, 0)),
            pl.BlockSpec((D_IN, D_HID), lambda i: (0, 0)),
        ],
        out_specs=[
            pl.BlockSpec((_TCB, D_HID), lambda i: (i, 0)),
            pl.BlockSpec((_TCB, 1), lambda i: (i, 0)),
        ],
        out_shape=[
            jax.ShapeDtypeStruct((N, D_HID), jnp.float32),
            jax.ShapeDtypeStruct((N, 1), jnp.float32),
        ],
    )(degp, x, W1)


def _tc2_body(agg_ref, hs1_ref, dinv_ref, b1_ref, w2_ref, hs2_ref):
    dinv = dinv_ref[...]
    o = (agg_ref[0] + agg_ref[1] + hs1_ref[...]) * dinv + b1_ref[...]
    o = jnp.maximum(o, 0.0)
    h2 = jnp.dot(o, w2_ref[...], preferred_element_type=jnp.float32)
    hs2_ref[...] = h2 * dinv


def _tc2(agg, hs1, dinv, b1, W2):
    grid = (N // _TCB,)
    return pl.pallas_call(
        _tc2_body,
        grid=grid,
        in_specs=[
            pl.BlockSpec((2, _TCB, D_HID), lambda i: (0, i, 0)),
            pl.BlockSpec((_TCB, D_HID), lambda i: (i, 0)),
            pl.BlockSpec((_TCB, 1), lambda i: (i, 0)),
            pl.BlockSpec((1, D_HID), lambda i: (0, 0)),
            pl.BlockSpec((D_HID, D_OUT), lambda i: (0, 0)),
        ],
        out_specs=pl.BlockSpec((_TCB, D_OUT), lambda i: (i, 0)),
        out_shape=jax.ShapeDtypeStruct((N, D_OUT), jnp.float32),
    )(agg, hs1, dinv, b1, W2)


def _tc3_body(agg_ref, hs2_ref, dinv_ref, b2_ref, out_ref):
    z = (agg_ref[0] + agg_ref[1] + hs2_ref[...]) * dinv_ref[...] + b2_ref[...]
    m = jnp.max(z, axis=1, keepdims=True)
    e = jnp.exp(z - m)
    lse = jnp.log(jnp.sum(e, axis=1, keepdims=True)) + m
    out_ref[...] = z - lse


def _tc3(agg, hs2, dinv, b2):
    grid = (N // _TCB,)
    return pl.pallas_call(
        _tc3_body,
        grid=grid,
        in_specs=[
            pl.BlockSpec((2, _TCB, D_OUT), lambda i: (0, i, 0)),
            pl.BlockSpec((_TCB, D_OUT), lambda i: (i, 0)),
            pl.BlockSpec((_TCB, 1), lambda i: (i, 0)),
            pl.BlockSpec((1, D_OUT), lambda i: (0, 0)),
        ],
        out_specs=pl.BlockSpec((_TCB, D_OUT), lambda i: (i, 0)),
        out_shape=jax.ShapeDtypeStruct((N, D_OUT), jnp.float32),
    )(agg, hs2, dinv, b2)


def kernel(x, edge_index, W1, b1, W2, b2):
    e = edge_index.astype(jnp.int32)
    src_r = e[0].reshape(NW, NCH, K)
    dst_r = e[1].reshape(NW, NCH, K)

    ones_kd = jnp.ones((K, DW), jnp.float32)
    zeros_d = jnp.zeros((RPW, DW), jnp.float32)
    zeros_h = jnp.zeros((RPW, D_HID), jnp.float32)
    zeros_o = jnp.zeros((RPW, D_OUT), jnp.float32)

    degp = _deg_kernel(dst_r, ones_kd, zeros_d)
    hs1, dinv = _tc1(degp, x, W1)
    agg1 = _agg128(hs1, src_r, dst_r, zeros_h)
    hs2 = _tc2(agg1, hs1, dinv, b1.reshape(1, D_HID), W2)
    agg2 = _agg40(hs2, src_r, dst_r, zeros_o)
    return _tc3(agg2, hs2, dinv, b2.reshape(1, D_OUT))

# --- scband reference (transcript-rebuilt; emitter-appended) ---
"""Pipeline reference for scband-gcn-84902913507477 (READ-ONLY COPY).

The authoritative reference and input builder live on the scoring server;
editing this copy changes nothing except your own understanding.
"""

import jax, jax.numpy as jnp
import numpy as np

N_NODES = 10000
N_EDGES = 320000
D_IN = 128
D_HID = 128
D_OUT = 40


def setup_inputs(seed: int = 0) -> dict:
    key = jax.random.key(seed)
    k1, k2, k3, k4 = jax.random.split(key, 4)
    x = jax.random.normal(k1, (N_NODES, D_IN), dtype=jnp.float32)
    edge_index = jax.random.randint(k2, (2, N_EDGES), 0, N_NODES)
    W1 = jax.random.normal(k3, (D_IN, D_HID), dtype=jnp.float32) * 0.05
    b1 = jnp.zeros((D_HID,), dtype=jnp.float32)
    W2 = jax.random.normal(k4, (D_HID, D_OUT), dtype=jnp.float32) * 0.05
    b2 = jnp.zeros((D_OUT,), dtype=jnp.float32)
    return {"x": x, "edge_index": edge_index, "W1": W1, "b1": b1, "W2": W2, "b2": b2}


def gcn_conv(x, edge_index, W, b):
    # PyG-style GCNConv: add self-loops, symmetric normalization D^-1/2 (A+I) D^-1/2 X W + b
    n = x.shape[0]
    loop = jnp.arange(n, dtype=edge_index.dtype)
    src = jnp.concatenate([edge_index[0], loop])
    dst = jnp.concatenate([edge_index[1], loop])
    deg = jnp.zeros((n,), dtype=x.dtype).at[dst].add(1.0)
    dinv = jnp.where(deg > 0, deg ** -0.5, 0.0)
    norm = dinv[src] * dinv[dst]
    h = x @ W
    msg = h[src] * norm[:, None]
    out = jnp.zeros((n, h.shape[1]), dtype=x.dtype).at[dst].add(msg)
    return out + b


def reference(x, edge_index, W1, b1, W2, b2):
    h = gcn_conv(x, edge_index, W1, b1)
    h = jax.nn.relu(h)
    h = gcn_conv(h, edge_index, W2, b2)
    return jax.nn.log_softmax(h, axis=1)

if __name__ == "__main__":
    import jax
    _d = setup_inputs()
    print(jax.jit(kernel)(*tuple(_d.values())))

</pallas_src>

<mosaic_0001>
#map = affine_map<(d0, d1) -> (0, 0)>
#map1 = affine_map<(d0, d1) -> (0, 0, 0)>
module attributes {stable_mosaic.version = 14 : i64} {
  func.func @agg_kernel(%arg0: i32, %arg1: i32, %arg2: memref<10000x40xf32, #tpu.memory_space<hbm>>, %arg3: memref<32x125x80xi32, #tpu.memory_space<hbm>>, %arg4: memref<32x125x80xi32, #tpu.memory_space<hbm>>, %arg5: memref<640x40xf32, #tpu.memory_space<hbm>>, %arg6: memref<2x10000x40xf32, #tpu.memory_space<hbm>>, %arg7: memref<4x80xi32, #tpu.memory_space<vmem>>, %arg8: memref<8x80xi32, #tpu.memory_space<vmem>>, %arg9: memref<4x80x40xf32, #tpu.memory_space<vmem>>, %arg10: memref<10000x40xf32, #tpu.memory_space<vmem_shared>>, %arg11: memref<!tpu.dma_semaphore, #tpu.memory_space<semaphore_mem>>, %arg12: memref<!tpu.dma_semaphore, #tpu.memory_space<semaphore_mem>>, %arg13: memref<!tpu.dma_semaphore, #tpu.memory_space<semaphore_mem>>, %arg14: memref<!tpu.dma_semaphore, #tpu.memory_space<semaphore_mem>>, %arg15: memref<!tpu.dma_semaphore, #tpu.memory_space<semaphore_mem>>) attributes {dimension_semantics = [#tpu.dimension_semantics<core_parallel>, #tpu.dimension_semantics<subcore_parallel>], iteration_bounds = array<i64: 2, 16>, scalar_prefetch = 0 : i64, scratch_operands = 9 : i64, tpu.core_type = #tpu.core_type<sc_vector_subcore>, window_params = [{transform_indices = #map}, {transform_indices = #map1}, {transform_indices = #map1}, {transform_indices = #map}, {transform_indices = #map1}]} {
    %mul3A = arith.constant 16 : i32
    %mul3A_0 = arith.muli %arg0, %mul3A : i32
    %add3A = arith.addi %mul3A_0, %arg1 : i32
    %lt3A = arith.constant 15 : i32
    %lt3A_1 = arith.cmpi slt, %arg1, %lt3A : i32
    %convert_element_type3A = arith.extui %lt3A_1 : i1 to i32
    %cond3A = arith.constant 0 : i32
    %cond3A_2 = arith.cmpi ne, %convert_element_type3A, %cond3A : i32
    scf.if %cond3A_2 {
      %mul3A_488 = arith.constant 640 : i32
      %mul3A_489 = arith.muli %arg1, %mul3A_488 : i32
      "tpu.region"() ({
        %run_scoped3A_490 = tpu.sem_alloc : memref<!tpu.dma_semaphore, #tpu.memory_space<semaphore_mem>>
        %dma_start3A_491 = arith.constant 0 : i32
        %dma_start3A_492 = tpu.memref_slice %arg10[%mul3A_489, %dma_start3A_491] : memref<10000x40xf32, #tpu.memory_space<vmem_shared>> -> memref<640x40xf32, #tpu.memory_space<vmem_shared>>
        tpu.enqueue_dma source(%arg5 : memref<640x40xf32, #tpu.memory_space<hbm>>) target(%dma_start3A_492 : memref<640x40xf32, #tpu.memory_space<vmem_shared>>) target_semaphore(%run_scoped3A_490 : memref<!tpu.dma_semaphore, #tpu.memory_space<semaphore_mem>>)
        %dma_wait3A_493 = arith.constant 0 : i32
        %dma_wait3A_494 = tpu.memref_slice %arg10[%mul3A_489, %dma_wait3A_493] : memref<10000x40xf32, #tpu.memory_space<vmem_shared>> -> memref<640x40xf32, #tpu.memory_space<vmem_shared>>
        tpu.wait_dma2 semaphore(%run_scoped3A_490 : memref<!tpu.dma_semaphore, #tpu.memory_space<semaphore_mem>>) src(%arg5 : memref<640x40xf32, #tpu.memory_space<hbm>>) dst(%dma_wait3A_494 : memref<640x40xf32, #tpu.memory_space<vmem_shared>>)
        tpu.yield
      }) : () -> ()
    } else {
    }
    %eq3A = arith.constant 15 : i32
    %eq3A_3 = arith.cmpi eq, %arg1, %eq3A : i32
    %convert_element_type3A_4 = arith.extui %eq3A_3 : i1 to i32
    %cond3A_5 = arith.constant 0 : i32
    %cond3A_6 = arith.cmpi ne, %convert_element_type3A_4, %cond3A_5 : i32
    scf.if %cond3A_6 {
      "tpu.region"() ({
        %run_scoped3A_488 = tpu.sem_alloc : memref<!tpu.dma_semaphore, #tpu.memory_space<semaphore_mem>>
        %dma_start3A_489 = arith.constant 9600 : i32
        %dma_start3A_490 = arith.constant 0 : i32
        %dma_start3A_491 = tpu.memref_slice %arg10[%dma_start3A_489, %dma_start3A_490] : memref<10000x40xf32, #tpu.memory_space<vmem_shared>> -> memref<400x40xf32, #tpu.memory_space<vmem_shared>>
        %dma_start3A_492 = arith.constant 0 : i32
        %dma_start3A_493 = arith.constant 0 : i32
        %dma_start3A_494 = tpu.memref_slice %arg5[%dma_start3A_492, %dma_start3A_493] : memref<640x40xf32, #tpu.memory_space<hbm>> -> memref<400x40xf32, #tpu.memory_space<hbm>>
        tpu.enqueue_dma source(%dma_start3A_494 : memref<400x40xf32, #tpu.memory_space<hbm>>) target(%dma_start3A_491 : memref<400x40xf32, #tpu.memory_space<vmem_shared>>) target_semaphore(%run_scoped3A_488 : memref<!tpu.dma_semaphore, #tpu.memory_space<semaphore_mem>>)
        %dma_wait3A_495 = arith.constant 9600 : i32
        %dma_wait3A_496 = arith.constant 0 : i32
        %dma_wait3A_497 = tpu.memref_slice %arg10[%dma_wait3A_495, %dma_wait3A_496] : memref<10000x40xf32, #tpu.memory_space<vmem_shared>> -> memref<400x40xf32, #tpu.memory_space<vmem_shared>>
        %dma_wait3A_498 = arith.constant 0 : i32
        %dma_wait3A_499 = arith.constant 0 : i32
        %dma_wait3A_500 = tpu.memref_slice %arg5[%dma_wait3A_498, %dma_wait3A_499] : memref<640x40xf32, #tpu.memory_space<hbm>> -> memref<400x40xf32, #tpu.memory_space<hbm>>
        tpu.wait_dma2 semaphore(%run_scoped3A_488 : memref<!tpu.dma_semaphore, #tpu.memory_space<semaphore_mem>>) src(%dma_wait3A_500 : memref<400x40xf32, #tpu.memory_space<hbm>>) dst(%dma_wait3A_497 : memref<400x40xf32, #tpu.memory_space<vmem_shared>>)
        tpu.yield
      }) : () -> ()
    } else {
    }
    %run_scoped3A = arith.constant 0 : i32
    %run_scoped3A_7 = arith.constant 0 : i32
    "tpu.region"() ({
      %run_scoped3A_488 = tpu.sem_alloc : memref<!tpu.dma_semaphore, #tpu.memory_space<semaphore_mem>>
      %dma_start3A_489 = arith.constant 0 : i32
      %dma_start3A_490 = tpu.memref_slice %arg7[%run_scoped3A_7, %dma_start3A_489] : memref<4x80xi32, #tpu.memory_space<vmem>> -> memref<1x80xi32, #tpu.memory_space<vmem>>
      %dma_start3A_491 = tpu.memref_squeeze %dma_start3A_490 : memref<1x80xi32, #tpu.memory_space<vmem>> -> memref<80xi32, #tpu.memory_space<vmem>>
      %dma_start3A_492 = arith.constant 0 : i32
      %dma_start3A_493 = tpu.memref_slice %arg3[%add3A, %run_scoped3A, %dma_start3A_492] : memref<32x125x80xi32, #tpu.memory_space<hbm>> -> memref<1x1x80xi32, #tpu.memory_space<hbm>>
      %dma_start3A_494 = tpu.memref_squeeze %dma_start3A_493 : memref<1x1x80xi32, #tpu.memory_space<hbm>> -> memref<80xi32, #tpu.memory_space<hbm>>
      %dma_start3A_495 = arith.constant 0 : i32
      %dma_start3A_496 = tpu.memref_slice %arg7[%run_scoped3A_7, %dma_start3A_495] : memref<4x80xi32, #tpu.memory_space<vmem>> -> memref<1x80xi32, #tpu.memory_space<vmem>>
      %dma_start3A_497 = tpu.memref_squeeze %dma_start3A_496 : memref<1x80xi32, #tpu.memory_space<vmem>> -> memref<80xi32, #tpu.memory_space<vmem>>
      %dma_start3A_498 = arith.constant 0 : i32
      %dma_start3A_499 = tpu.memref_slice %arg3[%add3A, %run_scoped3A, %dma_start3A_498] : memref<32x125x80xi32, #tpu.memory_space<hbm>> -> memref<1x1x80xi32, #tpu.memory_space<hbm>>
      %dma_start3A_500 = tpu.memref_squeeze %dma_start3A_499 : memref<1x1x80xi32, #tpu.memory_space<hbm>> -> memref<80xi32, #tpu.memory_space<hbm>>
      tpu.enqueue_dma source(%dma_start3A_500 : memref<80xi32, #tpu.memory_space<hbm>>) target(%dma_start3A_497 : memref<80xi32, #tpu.memory_space<vmem>>) target_semaphore(%run_scoped3A_488 : memref<!tpu.dma_semaphore, #tpu.memory_space<semaphore_mem>>)
      %dma_wait3A_501 = arith.constant 0 : i32
      %dma_wait3A_502 = tpu.memref_slice %arg7[%run_scoped3A_7, %dma_wait3A_501] : memref<4x80xi32, #tpu.memory_space<vmem>> -> memref<1x80xi32, #tpu.memory_space<vmem>>
      %dma_wait3A_503 = tpu.memref_squeeze %dma_wait3A_502 : memref<1x80xi32, #tpu.memory_space<vmem>> -> memref<80xi32, #tpu.memory_space<vmem>>
      %dma_wait3A_504 = arith.constant 0 : i32
      %dma_wait3A_505 = tpu.memref_slice %arg3[%add3A, %run_scoped3A, %dma_wait3A_504] : memref<32x125x80xi32, #tpu.memory_space<hbm>> -> memref<1x1x80xi32, #tpu.memory_space<hbm>>
      %dma_wait3A_506 = tpu.memref_squeeze %dma_wait3A_505 : memref<1x1x80xi32, #tpu.memory_space<hbm>> -> memref<80xi32, #tpu.memory_space<hbm>>
      %dma_wait3A_507 = arith.constant 0 : i32
      %dma_wait3A_508 = tpu.memref_slice %arg7[%run_scoped3A_7, %dma_wait3A_507] : memref<4x80xi32, #tpu.memory_space<vmem>> -> memref<1x80xi32, #tpu.memory_space<vmem>>
      %dma_wait3A_509 = tpu.memref_squeeze %dma_wait3A_508 : memref<1x80xi32, #tpu.memory_space<vmem>> -> memref<80xi32, #tpu.memory_space<vmem>>
      %dma_wait3A_510 = arith.constant 0 : i32
      %dma_wait3A_511 = tpu.memref_slice %arg3[%add3A, %run_scoped3A, %dma_wait3A_510] : memref<32x125x80xi32, #tpu.memory_space<hbm>> -> memref<1x1x80xi32, #tpu.memory_space<hbm>>
      %dma_wait3A_512 = tpu.memref_squeeze %dma_wait3A_511 : memref<1x1x80xi32, #tpu.memory_space<hbm>> -> memref<80xi32, #tpu.memory_space<hbm>>
      tpu.wait_dma2 semaphore(%run_scoped3A_488 : memref<!tpu.dma_semaphore, #tpu.memory_space<semaphore_mem>>) src(%dma_wait3A_512 : memref<80xi32, #tpu.memory_space<hbm>>) dst(%dma_wait3A_509 : memref<80xi32, #tpu.memory_space<vmem>>)
      tpu.yield
    }) : () -> ()
    %run_scoped3A_8 = arith.constant 0 : i32
    %run_scoped3A_9 = arith.constant 0 : i32
    "tpu.region"() ({
      %run_scoped3A_488 = tpu.sem_alloc : memref<!tpu.dma_semaphore, #tpu.memory_space<semaphore_mem>>
      %dma_start3A_489 = arith.constant 0 : i32
      %dma_start3A_490 = tpu.memref_slice %arg8[%run_scoped3A_9, %dma_start3A_489] : memref<8x80xi32, #tpu.memory_space<vmem>> -> memref<1x80xi32, #tpu.memory_space<vmem>>
      %dma_start3A_491 = tpu.memref_squeeze %dma_start3A_490 : memref<1x80xi32, #tpu.memory_space<vmem>> -> memref<80xi32, #tpu.memory_space<vmem>>
      %dma_start3A_492 = arith.constant 0 : i32
      %dma_start3A_493 = tpu.memref_slice %arg4[%add3A, %run_scoped3A_8, %dma_start3A_492] : memref<32x125x80xi32, #tpu.memory_space<hbm>> -> memref<1x1x80xi32, #tpu.memory_space<hbm>>
      %dma_start3A_494 = tpu.memref_squeeze %dma_start3A_493 : memref<1x1x80xi32, #tpu.memory_space<hbm>> -> memref<80xi32, #tpu.memory_space<hbm>>
      %dma_start3A_495 = arith.constant 0 : i32
      %dma_start3A_496 = tpu.memref_slice %arg8[%run_scoped3A_9, %dma_start3A_495] : memref<8x80xi32, #tpu.memory_space<vmem>> -> memref<1x80xi32, #tpu.memory_space<vmem>>
      %dma_start3A_497 = tpu.memref_squeeze %dma_start3A_496 : memref<1x80xi32, #tpu.memory_space<vmem>> -> memref<80xi32, #tpu.memory_space<vmem>>
      %dma_start3A_498 = arith.constant 0 : i32
      %dma_start3A_499 = tpu.memref_slice %arg4[%add3A, %run_scoped3A_8, %dma_start3A_498] : memref<32x125x80xi32, #tpu.memory_space<hbm>> -> memref<1x1x80xi32, #tpu.memory_space<hbm>>
      %dma_start3A_500 = tpu.memref_squeeze %dma_start3A_499 : memref<1x1x80xi32, #tpu.memory_space<hbm>> -> memref<80xi32, #tpu.memory_space<hbm>>
      tpu.enqueue_dma source(%dma_start3A_500 : memref<80xi32, #tpu.memory_space<hbm>>) target(%dma_start3A_497 : memref<80xi32, #tpu.memory_space<vmem>>) target_semaphore(%run_scoped3A_488 : memref<!tpu.dma_semaphore, #tpu.memory_space<semaphore_mem>>)
      %dma_wait3A_501 = arith.constant 0 : i32
      %dma_wait3A_502 = tpu.memref_slice %arg8[%run_scoped3A_9, %dma_wait3A_501] : memref<8x80xi32, #tpu.memory_space<vmem>> -> memref<1x80xi32, #tpu.memory_space<vmem>>
      %dma_wait3A_503 = tpu.memref_squeeze %dma_wait3A_502 : memref<1x80xi32, #tpu.memory_space<vmem>> -> memref<80xi32, #tpu.memory_space<vmem>>
      %dma_wait3A_504 = arith.constant 0 : i32
      %dma_wait3A_505 = tpu.memref_slice %arg4[%add3A, %run_scoped3A_8, %dma_wait3A_504] : memref<32x125x80xi32, #tpu.memory_space<hbm>> -> memref<1x1x80xi32, #tpu.memory_space<hbm>>
      %dma_wait3A_506 = tpu.memref_squeeze %dma_wait3A_505 : memref<1x1x80xi32, #tpu.memory_space<hbm>> -> memref<80xi32, #tpu.memory_space<hbm>>
      %dma_wait3A_507 = arith.constant 0 : i32
      %dma_wait3A_508 = tpu.memref_slice %arg8[%run_scoped3A_9, %dma_wait3A_507] : memref<8x80xi32, #tpu.memory_space<vmem>> -> memref<1x80xi32, #tpu.memory_space<vmem>>
      %dma_wait3A_509 = tpu.memref_squeeze %dma_wait3A_508 : memref<1x80xi32, #tpu.memory_space<vmem>> -> memref<80xi32, #tpu.memory_space<vmem>>
      %dma_wait3A_510 = arith.constant 0 : i32
      %dma_wait3A_511 = tpu.memref_slice %arg4[%add3A, %run_scoped3A_8, %dma_wait3A_510] : memref<32x125x80xi32, #tpu.memory_space<hbm>> -> memref<1x1x80xi32, #tpu.memory_space<hbm>>
      %dma_wait3A_512 = tpu.memref_squeeze %dma_wait3A_511 : memref<1x1x80xi32, #tpu.memory_space<hbm>> -> memref<80xi32, #tpu.memory_space<hbm>>
      tpu.wait_dma2 semaphore(%run_scoped3A_488 : memref<!tpu.dma_semaphore, #tpu.memory_space<semaphore_mem>>) src(%dma_wait3A_512 : memref<80xi32, #tpu.memory_space<hbm>>) dst(%dma_wait3A_509 : memref<80xi32, #tpu.memory_space<vmem>>)
      tpu.yield
    }) : () -> ()
    %barrier3A = arith.constant 0 : index
    tpu.barrier barrier_id(%barrier3A)
    %dma_start3A = arith.constant 0 : i32
    %dma_start3A_10 = arith.constant 0 : i32
    %dma_start3A_11 = arith.constant 0 : i32
    %dma_start3A_12 = arith.constant 0 : i32
    %dma_start3A_13 = tpu.memref_slice %arg9[%dma_start3A_10, %dma_start3A_11, %dma_start3A_12] : memref<4x80x40xf32, #tpu.memory_space<vmem>> -> memref<1x80x40xf32, #tpu.memory_space<vmem>>
    %dma_start3A_14 = tpu.memref_squeeze %dma_start3A_13 : memref<1x80x40xf32, #tpu.memory_space<vmem>> -> memref<80x40xf32, #tpu.memory_space<vmem>>
    %dma_start3A_15 = arith.constant 0 : i32
    %dma_start3A_16 = tpu.memref_slice %arg7[%dma_start3A, %dma_start3A_15] : memref<4x80xi32, #tpu.memory_space<vmem>> -> memref<1x80xi32, #tpu.memory_space<vmem>>
    %dma_start3A_17 = tpu.memref_squeeze %dma_start3A_16 : memref<1x80xi32, #tpu.memory_space<vmem>> -> memref<80xi32, #tpu.memory_space<vmem>>
    %dma_start3A_18 = arith.constant 0 : i32
    %dma_start3A_19 = arith.constant 0 : i32
    %dma_start3A_20 = tpu.memref_slice %arg2[%dma_start3A_18, %dma_start3A_19] : memref<10000x40xf32, #tpu.memory_space<hbm>> -> memref<10000x40xf32, #tpu.memory_space<hbm>>
    tpu.enqueue_indirect_dma source(%dma_start3A_20 : memref<10000x40xf32, #tpu.memory_space<hbm>>) target(%dma_start3A_14 : memref<80x40xf32, #tpu.memory_space<vmem>>) offsets(%dma_start3A_17 : memref<80xi32, #tpu.memory_space<vmem>>) semaphore(%arg11 : memref<!tpu.dma_semaphore, #tpu.memory_space<semaphore_mem>>)
    %dma_start3A_21 = arith.constant 1 : i32
    %dma_start3A_22 = arith.constant 1 : i32
    %dma_start3A_23 = arith.constant 0 : i32
    %dma_start3A_24 = tpu.memref_slice %arg7[%dma_start3A_22, %dma_start3A_23] : memref<4x80xi32, #tpu.memory_space<vmem>> -> memref<1x80xi32, #tpu.memory_space<vmem>>
    %dma_start3A_25 = tpu.memref_squeeze %dma_start3A_24 : memref<1x80xi32, #tpu.memory_space<vmem>> -> memref<80xi32, #tpu.memory_space<vmem>>
    %dma_start3A_26 = arith.constant 0 : i32
    %dma_start3A_27 = tpu.memref_slice %arg3[%add3A, %dma_start3A_21, %dma_start3A_26] : memref<32x125x80xi32, #tpu.memory_space<hbm>> -> memref<1x1x80xi32, #tpu.memory_space<hbm>>
    %dma_start3A_28 = tpu.memref_squeeze %dma_start3A_27 : memref<1x1x80xi32, #tpu.memory_space<hbm>> -> memref<80xi32, #tpu.memory_space<hbm>>
    %dma_start3A_29 = arith.constant 0 : i32
    %dma_start3A_30 = tpu.memref_slice %arg7[%dma_start3A_22, %dma_start3A_29] : memref<4x80xi32, #tpu.memory_space<vmem>> -> memref<1x80xi32, #tpu.memory_space<vmem>>
    %dma_start3A_31 = tpu.memref_squeeze %dma_start3A_30 : memref<1x80xi32, #tpu.memory_space<vmem>> -> memref<80xi32, #tpu.memory_space<vmem>>
    %dma_start3A_32 = arith.constant 0 : i32
    %dma_start3A_33 = tpu.memref_slice %arg3[%add3A, %dma_start3A_21, %dma_start3A_32] : memref<32x125x80xi32, #tpu.memory_space<hbm>> -> memref<1x1x80xi32, #tpu.memory_space<hbm>>
    %dma_start3A_34 = tpu.memref_squeeze %dma_start3A_33 : memref<1x1x80xi32, #tpu.memory_space<hbm>> -> memref<80xi32, #tpu.memory_space<hbm>>
    tpu.enqueue_dma source(%dma_start3A_34 : memref<80xi32, #tpu.memory_space<hbm>>) target(%dma_start3A_31 : memref<80xi32, #tpu.memory_space<vmem>>) target_semaphore(%arg13 : memref<!tpu.dma_semaphore, #tpu.memory_space<semaphore_mem>>)
    %dma_start3A_35 = arith.constant 1 : i32
    %dma_start3A_36 = arith.constant 1 : i32
    %dma_start3A_37 = arith.constant 0 : i32
    %dma_start3A_38 = tpu.memref_slice %arg8[%dma_start3A_36, %dma_start3A_37] : memref<8x80xi32, #tpu.memory_space<vmem>> -> memref<1x80xi32, #tpu.memory_space<vmem>>
    %dma_start3A_39 = tpu.memref_squeeze %dma_start3A_38 : memref<1x80xi32, #tpu.memory_space<vmem>> -> memref<80xi32, #tpu.memory_space<vmem>>
    %dma_start3A_40 = arith.constant 0 : i32
    %dma_start3A_41 = tpu.memref_slice %arg4[%add3A, %dma_start3A_35, %dma_start3A_40] : memref<32x125x80xi32, #tpu.memory_space<hbm>> -> memref<1x1x80xi32, #tpu.memory_space<hbm>>
    %dma_start3A_42 = tpu.memref_squeeze %dma_start3A_41 : memref<1x1x80xi32, #tpu.memory_space<hbm>> -> memref<80xi32, #tpu.memory_space<hbm>>
    %dma_start3A_43 = arith.constant 0 : i32
    %dma_start3A_44 = tpu.memref_slice %arg8[%dma_start3A_36, %dma_start3A_43] : memref<8x80xi32, #tpu.memory_space<vmem>> -> memref<1x80xi32, #tpu.memory_space<vmem>>
    %dma_start3A_45 = tpu.memref_squeeze %dma_start3A_44 : memref<1x80xi32, #tpu.memory_space<vmem>> -> memref<80xi32, #tpu.memory_space<vmem>>
    %dma_start3A_46 = arith.constant 0 : i32
    %dma_start3A_47 = tpu.memref_slice %arg4[%add3A, %dma_start3A_35, %dma_start3A_46] : memref<32x125x80xi32, #tpu.memory_space<hbm>> -> memref<1x1x80xi32, #tpu.memory_space<hbm>>
    %dma_start3A_48 = tpu.memref_squeeze %dma_start3A_47 : memref<1x1x80xi32, #tpu.memory_space<hbm>> -> memref<80xi32, #tpu.memory_space<hbm>>
    tpu.enqueue_dma source(%dma_start3A_48 : memref<80xi32, #tpu.memory_space<hbm>>) target(%dma_start3A_45 : memref<80xi32, #tpu.memory_space<vmem>>) target_semaphore(%arg13 : memref<!tpu.dma_semaphore, #tpu.memory_space<semaphore_mem>>)
    %dma_wait3A = arith.constant 0 : i32
    %dma_wait3A_49 = arith.constant 1 : i32
    %dma_wait3A_50 = arith.constant 0 : i32
    %dma_wait3A_51 = tpu.memref_slice %arg7[%dma_wait3A_49, %dma_wait3A_50] : memref<4x80xi32, #tpu.memory_space<vmem>> -> memref<1x80xi32, #tpu.memory_space<vmem>>
    %dma_wait3A_52 = tpu.memref_squeeze %dma_wait3A_51 : memref<1x80xi32, #tpu.memory_space<vmem>> -> memref<80xi32, #tpu.memory_space<vmem>>
    %dma_wait3A_53 = arith.constant 0 : i32
    %dma_wait3A_54 = tpu.memref_slice %arg3[%add3A, %dma_wait3A, %dma_wait3A_53] : memref<32x125x80xi32, #tpu.memory_space<hbm>> -> memref<1x1x80xi32, #tpu.memory_space<hbm>>
    %dma_wait3A_55 = tpu.memref_squeeze %dma_wait3A_54 : memref<1x1x80xi32, #tpu.memory_space<hbm>> -> memref<80xi32, #tpu.memory_space<hbm>>
    %dma_wait3A_56 = arith.constant 0 : i32
    %dma_wait3A_57 = tpu.memref_slice %arg7[%dma_wait3A_49, %dma_wait3A_56] : memref<4x80xi32, #tpu.memory_space<vmem>> -> memref<1x80xi32, #tpu.memory_space<vmem>>
    %dma_wait3A_58 = tpu.memref_squeeze %dma_wait3A_57 : memref<1x80xi32, #tpu.memory_space<vmem>> -> memref<80xi32, #tpu.memory_space<vmem>>
    %dma_wait3A_59 = arith.constant 0 : i32
    %dma_wait3A_60 = tpu.memref_slice %arg3[%add3A, %dma_wait3A, %dma_wait3A_59] : memref<32x125x80xi32, #tpu.memory_space<hbm>> -> memref<1x1x80xi32, #tpu.memory_space<hbm>>
    %dma_wait3A_61 = tpu.memref_squeeze %dma_wait3A_60 : memref<1x1x80xi32, #tpu.memory_space<hbm>> -> memref<80xi32, #tpu.memory_space<hbm>>
    tpu.wait_dma2 semaphore(%arg13 : memref<!tpu.dma_semaphore, #tpu.memory_space<semaphore_mem>>) src(%dma_wait3A_61 : memref<80xi32, #tpu.memory_space<hbm>>) dst(%dma_wait3A_58 : memref<80xi32, #tpu.memory_space<vmem>>)
    %dma_wait3A_62 = arith.constant 0 : i32
    %dma_wait3A_63 = arith.constant 1 : i32
    %dma_wait3A_64 = arith.constant 0 : i32
    %dma_wait3A_65 = tpu.memref_slice %arg8[%dma_wait3A_63, %dma_wait3A_64] : memref<8x80xi32, #tpu.memory_space<vmem>> -> memref<1x80xi32, #tpu.memory_space<vmem>>
    %dma_wait3A_66 = tpu.memref_squeeze %dma_wait3A_65 : memref<1x80xi32, #tpu.memory_space<vmem>> -> memref<80xi32, #tpu.memory_space<vmem>>
    %dma_wait3A_67 = arith.constant 0 : i32
    %dma_wait3A_68 = tpu.memref_slice %arg4[%add3A, %dma_wait3A_62, %dma_wait3A_67] : memref<32x125x80xi32, #tpu.memory_space<hbm>> -> memref<1x1x80xi32, #tpu.memory_space<hbm>>
    %dma_wait3A_69 = tpu.memref_squeeze %dma_wait3A_68 : memref<1x1x80xi32, #tpu.memory_space<hbm>> -> memref<80xi32, #tpu.memory_space<hbm>>
    %dma_wait3A_70 = arith.constant 0 : i32
    %dma_wait3A_71 = tpu.memref_slice %arg8[%dma_wait3A_63, %dma_wait3A_70] : memref<8x80xi32, #tpu.memory_space<vmem>> -> memref<1x80xi32, #tpu.memory_space<vmem>>
    %dma_wait3A_72 = tpu.memref_squeeze %dma_wait3A_71 : memref<1x80xi32, #tpu.memory_space<vmem>> -> memref<80xi32, #tpu.memory_space<vmem>>
    %dma_wait3A_73 = arith.constant 0 : i32
    %dma_wait3A_74 = tpu.memref_slice %arg4[%add3A, %dma_wait3A_62, %dma_wait3A_73] : memref<32x125x80xi32, #tpu.memory_space<hbm>> -> memref<1x1x80xi32, #tpu.memory_space<hbm>>
    %dma_wait3A_75 = tpu.memref_squeeze %dma_wait3A_74 : memref<1x1x80xi32, #tpu.memory_space<hbm>> -> memref<80xi32, #tpu.memory_space<hbm>>
    tpu.wait_dma2 semaphore(%arg13 : memref<!tpu.dma_semaphore, #tpu.memory_space<semaphore_mem>>) src(%dma_wait3A_75 : memref<80xi32, #tpu.memory_space<hbm>>) dst(%dma_wait3A_72 : memref<80xi32, #tpu.memory_space<vmem>>)
    %dma_start3A_76 = arith.constant 1 : i32
    %dma_start3A_77 = arith.constant 1 : i32
    %dma_start3A_78 = arith.constant 0 : i32
    %dma_start3A_79 = arith.constant 0 : i32
    %dma_start3A_80 = tpu.memref_slice %arg9[%dma_start3A_77, %dma_start3A_78, %dma_start3A_79] : memref<4x80x40xf32, #tpu.memory_space<vmem>> -> memref<1x80x40xf32, #tpu.memory_space<vmem>>
    %dma_start3A_81 = tpu.memref_squeeze %dma_start3A_80 : memref<1x80x40xf32, #tpu.memory_space<vmem>> -> memref<80x40xf32, #tpu.memory_space<vmem>>
    %dma_start3A_82 = arith.constant 0 : i32
    %dma_start3A_83 = tpu.memref_slice %arg7[%dma_start3A_76, %dma_start3A_82] : memref<4x80xi32, #tpu.memory_space<vmem>> -> memref<1x80xi32, #tpu.memory_space<vmem>>
    %dma_start3A_84 = tpu.memref_squeeze %dma_start3A_83 : memref<1x80xi32, #tpu.memory_space<vmem>> -> memref<80xi32, #tpu.memory_space<vmem>>
    %dma_start3A_85 = arith.constant 0 : i32
    %dma_start3A_86 = arith.constant 0 : i32
    %dma_start3A_87 = tpu.memref_slice %arg2[%dma_start3A_85, %dma_start3A_86] : memref<10000x40xf32, #tpu.memory_space<hbm>> -> memref<10000x40xf32, #tpu.memory_space<hbm>>
    tpu.enqueue_indirect_dma source(%dma_start3A_87 : memref<10000x40xf32, #tpu.memory_space<hbm>>) target(%dma_start3A_81 : memref<80x40xf32, #tpu.memory_space<vmem>>) offsets(%dma_start3A_84 : memref<80xi32, #tpu.memory_space<vmem>>) semaphore(%arg12 : memref<!tpu.dma_semaphore, #tpu.memory_space<semaphore_mem>>)
    %dma_start3A_88 = arith.constant 2 : i32
    %dma_start3A_89 = arith.constant 2 : i32
    %dma_start3A_90 = arith.constant 0 : i32
    %dma_start3A_91 = tpu.memref_slice %arg7[%dma_start3A_89, %dma_start3A_90] : memref<4x80xi32, #tpu.memory_space<vmem>> -> memref<1x80xi32, #tpu.memory_space<vmem>>
    %dma_start3A_92 = tpu.memref_squeeze %dma_start3A_91 : memref<1x80xi32, #tpu.memory_space<vmem>> -> memref<80xi32, #tpu.memory_space<vmem>>
    %dma_start3A_93 = arith.constant 0 : i32
    %dma_start3A_94 = tpu.memref_slice %arg3[%add3A, %dma_start3A_88, %dma_start3A_93] : memref<32x125x80xi32, #tpu.memory_space<hbm>> -> memref<1x1x80xi32, #tpu.memory_space<hbm>>
    %dma_start3A_95 = tpu.memref_squeeze %dma_start3A_94 : memref<1x1x80xi32, #tpu.memory_space<hbm>> -> memref<80xi32, #tpu.memory_space<hbm>>
    %dma_start3A_96 = arith.constant 0 : i32
    %dma_start3A_97 = tpu.memref_slice %arg7[%dma_start3A_89, %dma_start3A_96] : memref<4x80xi32, #tpu.memory_space<vmem>> -> memref<1x80xi32, #tpu.memory_space<vmem>>
    %dma_start3A_98 = tpu.memref_squeeze %dma_start3A_97 : memref<1x80xi32, #tpu.memory_space<vmem>> -> memref<80xi32, #tpu.memory_space<vmem>>
    %dma_start3A_99 = arith.constant 0 : i32
    %dma_start3A_100 = tpu.memref_slice %arg3[%add3A, %dma_start3A_88, %dma_start3A_99] : memref<32x125x80xi32, #tpu.memory_space<hbm>> -> memref<1x1x80xi32, #tpu.memory_space<hbm>>
    %dma_start3A_101 = tpu.memref_squeeze %dma_start3A_100 : memref<1x1x80xi32, #tpu.memory_space<hbm>> -> memref<80xi32, #tpu.memory_space<hbm>>
    tpu.enqueue_dma source(%dma_start3A_101 : memref<80xi32, #tpu.memory_space<hbm>>) target(%dma_start3A_98 : memref<80xi32, #tpu.memory_space<vmem>>) target_semaphore(%arg13 : memref<!tpu.dma_semaphore, #tpu.memory_space<semaphore_mem>>)
    %dma_start3A_102 = arith.constant 2 : i32
    %dma_start3A_103 = arith.constant 2 : i32
    %dma_start3A_104 = arith.constant 0 : i32
    %dma_start3A_105 = tpu.memref_slice %arg8[%dma_start3A_103, %dma_start3A_104] : memref<8x80xi32, #tpu.memory_space<vmem>> -> memref<1x80xi32, #tpu.memory_space<vmem>>
    %dma_start3A_106 = tpu.memref_squeeze %dma_start3A_105 : memref<1x80xi32, #tpu.memory_space<vmem>> -> memref<80xi32, #tpu.memory_space<vmem>>
    %dma_start3A_107 = arith.constant 0 : i32
    %dma_start3A_108 = tpu.memref_slice %arg4[%add3A, %dma_start3A_102, %dma_start3A_107] : memref<32x125x80xi32, #tpu.memory_space<hbm>> -> memref<1x1x80xi32, #tpu.memory_space<hbm>>
    %dma_start3A_109 = tpu.memref_squeeze %dma_start3A_108 : memref<1x1x80xi32, #tpu.memory_space<hbm>> -> memref<80xi32, #tpu.memory_space<hbm>>
    %dma_start3A_110 = arith.constant 0 : i32
    %dma_start3A_111 = tpu.memref_slice %arg8[%dma_start3A_103, %dma_start3A_110] : memref<8x80xi32, #tpu.memory_space<vmem>> -> memref<1x80xi32, #tpu.memory_space<vmem>>
    %dma_start3A_112 = tpu.memref_squeeze %dma_start3A_111 : memref<1x80xi32, #tpu.memory_space<vmem>> -> memref<80xi32, #tpu.memory_space<vmem>>
    %dma_start3A_113 = arith.constant 0 : i32
    %dma_start3A_114 = tpu.memref_slice %arg4[%add3A, %dma_start3A_102, %dma_start3A_113] : memref<32x125x80xi32, #tpu.memory_space<hbm>> -> memref<1x1x80xi32, #tpu.memory_space<hbm>>
    %dma_start3A_115 = tpu.memref_squeeze %dma_start3A_114 : memref<1x1x80xi32, #tpu.memory_space<hbm>> -> memref<80xi32, #tpu.memory_space<hbm>>
    tpu.enqueue_dma source(%dma_start3A_115 : memref<80xi32, #tpu.memory_space<hbm>>) target(%dma_start3A_112 : memref<80xi32, #tpu.memory_space<vmem>>) target_semaphore(%arg13 : memref<!tpu.dma_semaphore, #tpu.memory_space<semaphore_mem>>)
    %dma_wait3A_116 = arith.constant 0 : i32
    %dma_wait3A_117 = arith.constant 0 : i32
    %dma_wait3A_118 = arith.constant 0 : i32
    %dma_wait3A_119 = arith.constant 0 : i32
    %dma_wait3A_120 = tpu.memref_slice %arg9[%dma_wait3A_117, %dma_wait3A_118, %dma_wait3A_119] : memref<4x80x40xf32, #tpu.memory_space<vmem>> -> memref<1x80x40xf32, #tpu.memory_space<vmem>>
    %dma_wait3A_121 = tpu.memref_squeeze %dma_wait3A_120 : memref<1x80x40xf32, #tpu.memory_space<vmem>> -> memref<80x40xf32, #tpu.memory_space<vmem>>
    %dma_wait3A_122 = arith.constant 0 : i32
    %dma_wait3A_123 = tpu.memref_slice %arg7[%dma_wait3A_116, %dma_wait3A_122] : memref<4x80xi32, #tpu.memory_space<vmem>> -> memref<1x80xi32, #tpu.memory_space<vmem>>
    %dma_wait3A_124 = tpu.memref_squeeze %dma_wait3A_123 : memref<1x80xi32, #tpu.memory_space<vmem>> -> memref<80xi32, #tpu.memory_space<vmem>>
    %dma_wait3A_125 = arith.constant 0 : i32
    %dma_wait3A_126 = arith.constant 0 : i32
    %dma_wait3A_127 = tpu.memref_slice %arg2[%dma_wait3A_125, %dma_wait3A_126] : memref<10000x40xf32, #tpu.memory_space<hbm>> -> memref<10000x40xf32, #tpu.memory_space<hbm>>
    tpu.wait_indirect_dma semaphore(%arg11 : memref<!tpu.dma_semaphore, #tpu.memory_space<semaphore_mem>>) src(%dma_wait3A_127 : memref<10000x40xf32, #tpu.memory_space<hbm>>) dst(%dma_wait3A_121 : memref<80x40xf32, #tpu.memory_space<vmem>>)
    %dma_start3A_128 = arith.constant 0 : i32
    %dma_start3A_129 = arith.constant 0 : i32
    %dma_start3A_130 = arith.constant 0 : i32
    %dma_start3A_131 = arith.constant 0 : i32
    %dma_start3A_132 = tpu.memref_slice %arg9[%dma_start3A_128, %dma_start3A_130, %dma_start3A_131] : memref<4x80x40xf32, #tpu.memory_space<vmem>> -> memref<1x80x40xf32, #tpu.memory_space<vmem>>
    %dma_start3A_133 = tpu.memref_squeeze %dma_start3A_132 : memref<1x80x40xf32, #tpu.memory_space<vmem>> -> memref<80x40xf32, #tpu.memory_space<vmem>>
    %dma_start3A_134 = arith.constant 0 : i32
    %dma_start3A_135 = tpu.memref_slice %arg8[%dma_start3A_129, %dma_start3A_134] : memref<8x80xi32, #tpu.memory_space<vmem>> -> memref<1x80xi32, #tpu.memory_space<vmem>>
    %dma_start3A_136 = tpu.memref_squeeze %dma_start3A_135 : memref<1x80xi32, #tpu.memory_space<vmem>> -> memref<80xi32, #tpu.memory_space<vmem>>
    %dma_start3A_137 = arith.constant 0 : i32
    %dma_start3A_138 = arith.constant 0 : i32
    %dma_start3A_139 = tpu.memref_slice %arg10[%dma_start3A_137, %dma_start3A_138] : memref<10000x40xf32, #tpu.memory_space<vmem_shared>> -> memref<10000x40xf32, #tpu.memory_space<vmem_shared>>
    tpu.enqueue_indirect_dma source(%dma_start3A_133 : memref<80x40xf32, #tpu.memory_space<vmem>>) target(%dma_start3A_139 : memref<10000x40xf32, #tpu.memory_space<vmem_shared>>) offsets(%dma_start3A_136 : memref<80xi32, #tpu.memory_space<vmem>>) semaphore(%arg14 : memref<!tpu.dma_semaphore, #tpu.memory_space<semaphore_mem>>) {add = true}
    %dma_wait3A_140 = arith.constant 0 : i32
    %dma_wait3A_141 = arith.constant 2 : i32
    %dma_wait3A_142 = arith.constant 0 : i32
    %dma_wait3A_143 = tpu.memref_slice %arg7[%dma_wait3A_141, %dma_wait3A_142] : memref<4x80xi32, #tpu.memory_space<vmem>> -> memref<1x80xi32, #tpu.memory_space<vmem>>
    %dma_wait3A_144 = tpu.memref_squeeze %dma_wait3A_143 : memref<1x80xi32, #tpu.memory_space<vmem>> -> memref<80xi32, #tpu.memory_space<vmem>>
    %dma_wait3A_145 = arith.constant 0 : i32
    %dma_wait3A_146 = tpu.memref_slice %arg3[%add3A, %dma_wait3A_140, %dma_wait3A_145] : memref<32x125x80xi32, #tpu.memory_space<hbm>> -> memref<1x1x80xi32, #tpu.memory_space<hbm>>
    %dma_wait3A_147 = tpu.memref_squeeze %dma_wait3A_146 : memref<1x1x80xi32, #tpu.memory_space<hbm>> -> memref<80xi32, #tpu.memory_space<hbm>>
    %dma_wait3A_148 = arith.constant 0 : i32
    %dma_wait3A_149 = tpu.memref_slice %arg7[%dma_wait3A_141, %dma_wait3A_148] : memref<4x80xi32, #tpu.memory_space<vmem>> -> memref<1x80xi32, #tpu.memory_space<vmem>>
    %dma_wait3A_150 = tpu.memref_squeeze %dma_wait3A_149 : memref<1x80xi32, #tpu.memory_space<vmem>> -> memref<80xi32, #tpu.memory_space<vmem>>
    %dma_wait3A_151 = arith.constant 0 : i32
    %dma_wait3A_152 = tpu.memref_slice %arg3[%add3A, %dma_wait3A_140, %dma_wait3A_151] : memref<32x125x80xi32, #tpu.memory_space<hbm>> -> memref<1x1x80xi32, #tpu.memory_space<hbm>>
    %dma_wait3A_153 = tpu.memref_squeeze %dma_wait3A_152 : memref<1x1x80xi32, #tpu.memory_space<hbm>> -> memref<80xi32, #tpu.memory_space<hbm>>
    tpu.wait_dma2 semaphore(%arg13 : memref<!tpu.dma_semaphore, #tpu.memory_space<semaphore_mem>>) src(%dma_wait3A_153 : memref<80xi32, #tpu.memory_space<hbm>>) dst(%dma_wait3A_150 : memref<80xi32, #tpu.memory_space<vmem>>)
    %dma_wait3A_154 = arith.constant 0 : i32
    %dma_wait3A_155 = arith.constant 2 : i32
    %dma_wait3A_156 = arith.constant 0 : i32
    %dma_wait3A_157 = tpu.memref_slice %arg8[%dma_wait3A_155, %dma_wait3A_156] : memref<8x80xi32, #tpu.memory_space<vmem>> -> memref<1x80xi32, #tpu.memory_space<vmem>>
    %dma_wait3A_158 = tpu.memref_squeeze %dma_wait3A_157 : memref<1x80xi32, #tpu.memory_space<vmem>> -> memref<80xi32, #tpu.memory_space<vmem>>
    %dma_wait3A_159 = arith.constant 0 : i32
    %dma_wait3A_160 = tpu.memref_slice %arg4[%add3A, %dma_wait3A_154, %dma_wait3A_159] : memref<32x125x80xi32, #tpu.memory_space<hbm>> -> memref<1x1x80xi32, #tpu.memory_space<hbm>>
    %dma_wait3A_161 = tpu.memref_squeeze %dma_wait3A_160 : memref<1x1x80xi32, #tpu.memory_space<hbm>> -> memref<80xi32, #tpu.memory_space<hbm>>
    %dma_wait3A_162 = arith.constant 0 : i32
    %dma_wait3A_163 = tpu.memref_slice %arg8[%dma_wait3A_155, %dma_wait3A_162] : memref<8x80xi32, #tpu.memory_space<vmem>> -> memref<1x80xi32, #tpu.memory_space<vmem>>
    %dma_wait3A_164 = tpu.memref_squeeze %dma_wait3A_163 : memref<1x80xi32, #tpu.memory_space<vmem>> -> memref<80xi32, #tpu.memory_space<vmem>>
    %dma_wait3A_165 = arith.constant 0 : i32
    %dma_wait3A_166 = tpu.memref_slice %arg4[%add3A, %dma_wait3A_154, %dma_wait3A_165] : memref<32x125x80xi32, #tpu.memory_space<hbm>> -> memref<1x1x80xi32, #tpu.memory_space<hbm>>
    %dma_wait3A_167 = tpu.memref_squeeze %dma_wait3A_166 : memref<1x1x80xi32, #tpu.memory_space<hbm>> -> memref<80xi32, #tpu.memory_space<hbm>>
    tpu.wait_dma2 semaphore(%arg13 : memref<!tpu.dma_semaphore, #tpu.memory_space<semaphore_mem>>) src(%dma_wait3A_167 : memref<80xi32, #tpu.memory_space<hbm>>) dst(%dma_wait3A_164 : memref<80xi32, #tpu.memory_space<vmem>>)
    %dma_start3A_168 = arith.constant 2 : i32
    %dma_start3A_169 = arith.constant 2 : i32
    %dma_start3A_170 = arith.constant 0 : i32
    %dma_start3A_171 = arith.constant 0 : i32
    %dma_start3A_172 = tpu.memref_slice %arg9[%dma_start3A_169, %dma_start3A_170, %dma_start3A_171] : memref<4x80x40xf32, #tpu.memory_space<vmem>> -> memref<1x80x40xf32, #tpu.memory_space<vmem>>
    %dma_start3A_173 = tpu.memref_squeeze %dma_start3A_172 : memref<1x80x40xf32, #tpu.memory_space<vmem>> -> memref<80x40xf32, #tpu.memory_space<vmem>>
    %dma_start3A_174 = arith.constant 0 : i32
    %dma_start3A_175 = tpu.memref_slice %arg7[%dma_start3A_168, %dma_start3A_174] : memref<4x80xi32, #tpu.memory_space<vmem>> -> memref<1x80xi32, #tpu.memory_space<vmem>>
    %dma_start3A_176 = tpu.memref_squeeze %dma_start3A_175 : memref<1x80xi32, #tpu.memory_space<vmem>> -> memref<80xi32, #tpu.memory_space<vmem>>
    %dma_start3A_177 = arith.constant 0 : i32
    %dma_start3A_178 = arith.constant 0 : i32
    %dma_start3A_179 = tpu.memref_slice %arg2[%dma_start3A_177, %dma_start3A_178] : memref<10000x40xf32, #tpu.memory_space<hbm>> -> memref<10000x40xf32, #tpu.memory_space<hbm>>
    tpu.enqueue_indirect_dma source(%dma_start3A_179 : memref<10000x40xf32, #tpu.memory_space<hbm>>) target(%dma_start3A_173 : memref<80x40xf32, #tpu.memory_space<vmem>>) offsets(%dma_start3A_176 : memref<80xi32, #tpu.memory_space<vmem>>) semaphore(%arg11 : memref<!tpu.dma_semaphore, #tpu.memory_space<semaphore_mem>>)
    %dma_start3A_180 = arith.constant 3 : i32
    %dma_start3A_181 = arith.constant 3 : i32
    %dma_start3A_182 = arith.constant 0 : i32
    %dma_start3A_183 = tpu.memref_slice %arg7[%dma_start3A_181, %dma_start3A_182] : memref<4x80xi32, #tpu.memory_space<vmem>> -> memref<1x80xi32, #tpu.memory_space<vmem>>
    %dma_start3A_184 = tpu.memref_squeeze %dma_start3A_183 : memref<1x80xi32, #tpu.memory_space<vmem>> -> memref<80xi32, #tpu.memory_space<vmem>>
    %dma_start3A_185 = arith.constant 0 : i32
    %dma_start3A_186 = tpu.memref_slice %arg3[%add3A, %dma_start3A_180, %dma_start3A_185] : memref<32x125x80xi32, #tpu.memory_space<hbm>> -> memref<1x1x80xi32, #tpu.memory_space<hbm>>
    %dma_start3A_187 = tpu.memref_squeeze %dma_start3A_186 : memref<1x1x80xi32, #tpu.memory_space<hbm>> -> memref<80xi32, #tpu.memory_space<hbm>>
    %dma_start3A_188 = arith.constant 0 : i32
    %dma_start3A_189 = tpu.memref_slice %arg7[%dma_start3A_181, %dma_start3A_188] : memref<4x80xi32, #tpu.memory_space<vmem>> -> memref<1x80xi32, #tpu.memory_space<vmem>>
    %dma_start3A_190 = tpu.memref_squeeze %dma_start3A_189 : memref<1x80xi32, #tpu.memory_space<vmem>> -> memref<80xi32, #tpu.memory_space<vmem>>
    %dma_start3A_191 = arith.constant 0 : i32
    %dma_start3A_192 = tpu.memref_slice %arg3[%add3A, %dma_start3A_180, %dma_start3A_191] : memref<32x125x80xi32, #tpu.memory_space<hbm>> -> memref<1x1x80xi32, #tpu.memory_space<hbm>>
    %dma_start3A_193 = tpu.memref_squeeze %dma_start3A_192 : memref<1x1x80xi32, #tpu.memory_space<hbm>> -> memref<80xi32, #tpu.memory_space<hbm>>
    tpu.enqueue_dma source(%dma_start3A_193 : memref<80xi32, #tpu.memory_space<hbm>>) target(%dma_start3A_190 : memref<80xi32, #tpu.memory_space<vmem>>) target_semaphore(%arg13 : memref<!tpu.dma_semaphore, #tpu.memory_space<semaphore_mem>>)
    %dma_start3A_194 = arith.constant 3 : i32
    %dma_start3A_195 = arith.constant 3 : i32
    %dma_start3A_196 = arith.constant 0 : i32
    %dma_start3A_197 = tpu.memref_slice %arg8[%dma_start3A_195, %dma_start3A_196] : memref<8x80xi32, #tpu.memory_space<vmem>> -> memref<1x80xi32, #tpu.memory_space<vmem>>
    %dma_start3A_198 = tpu.memref_squeeze %dma_start3A_197 : memref<1x80xi32, #tpu.memory_space<vmem>> -> memref<80xi32, #tpu.memory_space<vmem>>
    %dma_start3A_199 = arith.constant 0 : i32
    %dma_start3A_200 = tpu.memref_slice %arg4[%add3A, %dma_start3A_194, %dma_start3A_199] : memref<32x125x80xi32, #tpu.memory_space<hbm>> -> memref<1x1x80xi32, #tpu.memory_space<hbm>>
    %dma_start3A_201 = tpu.memref_squeeze %dma_start3A_200 : memref<1x1x80xi32, #tpu.memory_space<hbm>> -> memref<80xi32, #tpu.memory_space<hbm>>
    %dma_start3A_202 = arith.constant 0 : i32
    %dma_start3A_203 = tpu.memref_slice %arg8[%dma_start3A_195, %dma_start3A_202] : memref<8x80xi32, #tpu.memory_space<vmem>> -> memref<1x80xi32, #tpu.memory_space<vmem>>
    %dma_start3A_204 = tpu.memref_squeeze %dma_start3A_203 : memref<1x80xi32, #tpu.memory_space<vmem>> -> memref<80xi32, #tpu.memory_space<vmem>>
    %dma_start3A_205 = arith.constant 0 : i32
    %dma_start3A_206 = tpu.memref_slice %arg4[%add3A, %dma_start3A_194, %dma_start3A_205] : memref<32x125x80xi32, #tpu.memory_space<hbm>> -> memref<1x1x80xi32, #tpu.memory_space<hbm>>
    %dma_start3A_207 = tpu.memref_squeeze %dma_start3A_206 : memref<1x1x80xi32, #tpu.memory_space<hbm>> -> memref<80xi32, #tpu.memory_space<hbm>>
    tpu.enqueue_dma source(%dma_start3A_207 : memref<80xi32, #tpu.memory_space<hbm>>) target(%dma_start3A_204 : memref<80xi32, #tpu.memory_space<vmem>>) target_semaphore(%arg13 : memref<!tpu.dma_semaphore, #tpu.memory_space<semaphore_mem>>)
    %dma_wait3A_208 = arith.constant 1 : i32
    %dma_wait3A_209 = arith.constant 1 : i32
    %dma_wait3A_210 = arith.constant 0 : i32
    %dma_wait3A_211 = arith.constant 0 : i32
    %dma_wait3A_212 = tpu.memref_slice %arg9[%dma_wait3A_209, %dma_wait3A_210, %dma_wait3A_211] : memref<4x80x40xf32, #tpu.memory_space<vmem>> -> memref<1x80x40xf32, #tpu.memory_space<vmem>>
    %dma_wait3A_213 = tpu.memref_squeeze %dma_wait3A_212 : memref<1x80x40xf32, #tpu.memory_space<vmem>> -> memref<80x40xf32, #tpu.memory_space<vmem>>
    %dma_wait3A_214 = arith.constant 0 : i32
    %dma_wait3A_215 = tpu.memref_slice %arg7[%dma_wait3A_208, %dma_wait3A_214] : memref<4x80xi32, #tpu.memory_space<vmem>> -> memref<1x80xi32, #tpu.memory_space<vmem>>
    %dma_wait3A_216 = tpu.memref_squeeze %dma_wait3A_215 : memref<1x80xi32, #tpu.memory_space<vmem>> -> memref<80xi32, #tpu.memory_space<vmem>>
    %dma_wait3A_217 = arith.constant 0 : i32
    %dma_wait3A_218 = arith.constant 0 : i32
    %dma_wait3A_219 = tpu.memref_slice %arg2[%dma_wait3A_217, %dma_wait3A_218] : memref<10000x40xf32, #tpu.memory_space<hbm>> -> memref<10000x40xf32, #tpu.memory_space<hbm>>
    tpu.wait_indirect_dma semaphore(%arg12 : memref<!tpu.dma_semaphore, #tpu.memory_space<semaphore_mem>>) src(%dma_wait3A_219 : memref<10000x40xf32, #tpu.memory_space<hbm>>) dst(%dma_wait3A_213 : memref<80x40xf32, #tpu.memory_space<vmem>>)
    %dma_start3A_220 = arith.constant 1 : i32
    %dma_start3A_221 = arith.constant 1 : i32
    %dma_start3A_222 = arith.constant 0 : i32
    %dma_start3A_223 = arith.constant 0 : i32
    %dma_start3A_224 = tpu.memref_slice %arg9[%dma_start3A_220, %dma_start3A_222, %dma_start3A_223] : memref<4x80x40xf32, #tpu.memory_space<vmem>> -> memref<1x80x40xf32, #tpu.memory_space<vmem>>
    %dma_start3A_225 = tpu.memref_squeeze %dma_start3A_224 : memref<1x80x40xf32, #tpu.memory_space<vmem>> -> memref<80x40xf32, #tpu.memory_space<vmem>>
    %dma_start3A_226 = arith.constant 0 : i32
    %dma_start3A_227 = tpu.memref_slice %arg8[%dma_start3A_221, %dma_start3A_226] : memref<8x80xi32, #tpu.memory_space<vmem>> -> memref<1x80xi32, #tpu.memory_space<vmem>>
    %dma_start3A_228 = tpu.memref_squeeze %dma_start3A_227 : memref<1x80xi32, #tpu.memory_space<vmem>> -> memref<80xi32, #tpu.memory_space<vmem>>
    %dma_start3A_229 = arith.constant 0 : i32
    %dma_start3A_230 = arith.constant 0 : i32
    %dma_start3A_231 = tpu.memref_slice %arg10[%dma_start3A_229, %dma_start3A_230] : memref<10000x40xf32, #tpu.memory_space<vmem_shared>> -> memref<10000x40xf32, #tpu.memory_space<vmem_shared>>
    tpu.enqueue_indirect_dma source(%dma_start3A_225 : memref<80x40xf32, #tpu.memory_space<vmem>>) target(%dma_start3A_231 : memref<10000x40xf32, #tpu.memory_space<vmem_shared>>) offsets(%dma_start3A_228 : memref<80xi32, #tpu.memory_space<vmem>>) semaphore(%arg15 : memref<!tpu.dma_semaphore, #tpu.memory_space<semaphore_mem>>) {add = true}
    %dma_wait3A_232 = arith.constant 0 : i32
    %dma_wait3A_233 = arith.constant 3 : i32
    %dma_wait3A_234 = arith.constant 0 : i32
    %dma_wait3A_235 = tpu.memref_slice %arg7[%dma_wait3A_233, %dma_wait3A_234] : memref<4x80xi32, #tpu.memory_space<vmem>> -> memref<1x80xi32, #tpu.memory_space<vmem>>
    %dma_wait3A_236 = tpu.memref_squeeze %dma_wait3A_235 : memref<1x80xi32, #tpu.memory_space<vmem>> -> memref<80xi32, #tpu.memory_space<vmem>>
    %dma_wait3A_237 = arith.constant 0 : i32
    %dma_wait3A_238 = tpu.memref_slice %arg3[%add3A, %dma_wait3A_232, %dma_wait3A_237] : memref<32x125x80xi32, #tpu.memory_space<hbm>> -> memref<1x1x80xi32, #tpu.memory_space<hbm>>
    %dma_wait3A_239 = tpu.memref_squeeze %dma_wait3A_238 : memref<1x1x80xi32, #tpu.memory_space<hbm>> -> memref<80xi32, #tpu.memory_space<hbm>>
    %dma_wait3A_240 = arith.constant 0 : i32
    %dma_wait3A_241 = tpu.memref_slice %arg7[%dma_wait3A_233, %dma_wait3A_240] : memref<4x80xi32, #tpu.memory_space<vmem>> -> memref<1x80xi32, #tpu.memory_space<vmem>>
    %dma_wait3A_242 = tpu.memref_squeeze %dma_wait3A_241 : memref<1x80xi32, #tpu.memory_space<vmem>> -> memref<80xi32, #tpu.memory_space<vmem>>
    %dma_wait3A_243 = arith.constant 0 : i32
    %dma_wait3A_244 = tpu.memref_slice %arg3[%add3A, %dma_wait3A_232, %dma_wait3A_243] : memref<32x125x80xi32, #tpu.memory_space<hbm>> -> memref<1x1x80xi32, #tpu.memory_space<hbm>>
    %dma_wait3A_245 = tpu.memref_squeeze %dma_wait3A_244 : memref<1x1x80xi32, #tpu.memory_space<hbm>> -> memref<80xi32, #tpu.memory_space<hbm>>
    tpu.wait_dma2 semaphore(%arg13 : memref<!tpu.dma_semaphore, #tpu.memory_space<semaphore_mem>>) src(%dma_wait3A_245 : memref<80xi32, #tpu.memory_space<hbm>>) dst(%dma_wait3A_242 : memref<80xi32, #tpu.memory_space<vmem>>)
    %dma_wait3A_246 = arith.constant 0 : i32
    %dma_wait3A_247 = arith.constant 3 : i32
    %dma_wait3A_248 = arith.constant 0 : i32
    %dma_wait3A_249 = tpu.memref_slice %arg8[%dma_wait3A_247, %dma_wait3A_248] : memref<8x80xi32, #tpu.memory_space<vmem>> -> memref<1x80xi32, #tpu.memory_space<vmem>>
    %dma_wait3A_250 = tpu.memref_squeeze %dma_wait3A_249 : memref<1x80xi32, #tpu.memory_space<vmem>> -> memref<80xi32, #tpu.memory_space<vmem>>
    %dma_wait3A_251 = arith.constant 0 : i32
    %dma_wait3A_252 = tpu.memref_slice %arg4[%add3A, %dma_wait3A_246, %dma_wait3A_251] : memref<32x125x80xi32, #tpu.memory_space<hbm>> -> memref<1x1x80xi32, #tpu.memory_space<hbm>>
    %dma_wait3A_253 = tpu.memref_squeeze %dma_wait3A_252 : memref<1x1x80xi32, #tpu.memory_space<hbm>> -> memref<80xi32, #tpu.memory_space<hbm>>
    %dma_wait3A_254 = arith.constant 0 : i32
    %dma_wait3A_255 = tpu.memref_slice %arg8[%dma_wait3A_247, %dma_wait3A_254] : memref<8x80xi32, #tpu.memory_space<vmem>> -> memref<1x80xi32, #tpu.memory_space<vmem>>
    %dma_wait3A_256 = tpu.memref_squeeze %dma_wait3A_255 : memref<1x80xi32, #tpu.memory_space<vmem>> -> memref<80xi32, #tpu.memory_space<vmem>>
    %dma_wait3A_257 = arith.constant 0 : i32
    %dma_wait3A_258 = tpu.memref_slice %arg4[%add3A, %dma_wait3A_246, %dma_wait3A_257] : memref<32x125x80xi32, #tpu.memory_space<hbm>> -> memref<1x1x80xi32, #tpu.memory_space<hbm>>
    %dma_wait3A_259 = tpu.memref_squeeze %dma_wait3A_258 : memref<1x1x80xi32, #tpu.memory_space<hbm>> -> memref<80xi32, #tpu.memory_space<hbm>>
    tpu.wait_dma2 semaphore(%arg13 : memref<!tpu.dma_semaphore, #tpu.memory_space<semaphore_mem>>) src(%dma_wait3A_259 : memref<80xi32, #tpu.memory_space<hbm>>) dst(%dma_wait3A_256 : memref<80xi32, #tpu.memory_space<vmem>>)
    %dma_start3A_260 = arith.constant 3 : i32
    %dma_start3A_261 = arith.constant 3 : i32
    %dma_start3A_262 = arith.constant 0 : i32
    %dma_start3A_263 = arith.constant 0 : i32
    %dma_start3A_264 = tpu.memref_slice %arg9[%dma_start3A_261, %dma_start3A_262, %dma_start3A_263] : memref<4x80x40xf32, #tpu.memory_space<vmem>> -> memref<1x80x40xf32, #tpu.memory_space<vmem>>
    %dma_start3A_265 = tpu.memref_squeeze %dma_start3A_264 : memref<1x80x40xf32, #tpu.memory_space<vmem>> -> memref<80x40xf32, #tpu.memory_space<vmem>>
    %dma_start3A_266 = arith.constant 0 : i32
    %dma_start3A_267 = tpu.memref_slice %arg7[%dma_start3A_260, %dma_start3A_266] : memref<4x80xi32, #tpu.memory_space<vmem>> -> memref<1x80xi32, #tpu.memory_space<vmem>>
    %dma_start3A_268 = tpu.memref_squeeze %dma_start3A_267 : memref<1x80xi32, #tpu.memory_space<vmem>> -> memref<80xi32, #tpu.memory_space<vmem>>
    %dma_start3A_269 = arith.constant 0 : i32
    %dma_start3A_270 = arith.constant 0 : i32
    %dma_start3A_271 = tpu.memref_slice %arg2[%dma_start3A_269, %dma_start3A_270] : memref<10000x40xf32, #tpu.memory_space<hbm>> -> memref<10000x40xf32, #tpu.memory_space<hbm>>
    tpu.enqueue_indirect_dma source(%dma_start3A_271 : memref<10000x40xf32, #tpu.memory_space<hbm>>) target(%dma_start3A_265 : memref<80x40xf32, #tpu.memory_space<vmem>>) offsets(%dma_start3A_268 : memref<80xi32, #tpu.memory_space<vmem>>) semaphore(%arg12 : memref<!tpu.dma_semaphore, #tpu.memory_space<semaphore_mem>>)
    %dma_start3A_272 = arith.constant 4 : i32
    %dma_start3A_273 = arith.constant 0 : i32
    %dma_start3A_274 = arith.constant 0 : i32
    %dma_start3A_275 = tpu.memref_slice %arg7[%dma_start3A_273, %dma_start3A_274] : memref<4x80xi32, #tpu.memory_space<vmem>> -> memref<1x80xi32, #tpu.memory_space<vmem>>
    %dma_start3A_276 = tpu.memref_squeeze %dma_start3A_275 : memref<1x80xi32, #tpu.memory_space<vmem>> -> memref<80xi32, #tpu.memory_space<vmem>>
    %dma_start3A_277 = arith.constant 0 : i32
    %dma_start3A_278 = tpu.memref_slice %arg3[%add3A, %dma_start3A_272, %dma_start3A_277] : memref<32x125x80xi32, #tpu.memory_space<hbm>> -> memref<1x1x80xi32, #tpu.memory_space<hbm>>
    %dma_start3A_279 = tpu.memref_squeeze %dma_start3A_278 : memref<1x1x80xi32, #tpu.memory_space<hbm>> -> memref<80xi32, #tpu.memory_space<hbm>>
    %dma_start3A_280 = arith.constant 0 : i32
    %dma_start3A_281 = tpu.memref_slice %arg7[%dma_start3A_273, %dma_start3A_280] : memref<4x80xi32, #tpu.memory_space<vmem>> -> memref<1x80xi32, #tpu.memory_space<vmem>>
    %dma_start3A_282 = tpu.memref_squeeze %dma_start3A_281 : memref<1x80xi32, #tpu.memory_space<vmem>> -> memref<80xi32, #tpu.memory_space<vmem>>
    %dma_start3A_283 = arith.constant 0 : i32
    %dma_start3A_284 = tpu.memref_slice %arg3[%add3A, %dma_start3A_272, %dma_start3A_283] : memref<32x125x80xi32, #tpu.memory_space<hbm>> -> memref<1x1x80xi32, #tpu.memory_space<hbm>>
    %dma_start3A_285 = tpu.memref_squeeze %dma_start3A_284 : memref<1x1x80xi32, #tpu.memory_space<hbm>> -> memref<80xi32, #tpu.memory_space<hbm>>
    tpu.enqueue_dma source(%dma_start3A_285 : memref<80xi32, #tpu.memory_space<hbm>>) target(%dma_start3A_282 : memref<80xi32, #tpu.memory_space<vmem>>) target_semaphore(%arg13 : memref<!tpu.dma_semaphore, #tpu.memory_space<semaphore_mem>>)
    %dma_start3A_286 = arith.constant 4 : i32
    %dma_start3A_287 = arith.constant 4 : i32
    %dma_start3A_288 = arith.constant 0 : i32
    %dma_start3A_289 = tpu.memref_slice %arg8[%dma_start3A_287, %dma_start3A_288] : memref<8x80xi32, #tpu.memory_space<vmem>> -> memref<1x80xi32, #tpu.memory_space<vmem>>
    %dma_start3A_290 = tpu.memref_squeeze %dma_start3A_289 : memref<1x80xi32, #tpu.memory_space<vmem>> -> memref<80xi32, #tpu.memory_space<vmem>>
    %dma_start3A_291 = arith.constant 0 : i32
    %dma_start3A_292 = tpu.memref_slice %arg4[%add3A, %dma_start3A_286, %dma_start3A_291] : memref<32x125x80xi32, #tpu.memory_space<hbm>> -> memref<1x1x80xi32, #tpu.memory_space<hbm>>
    %dma_start3A_293 = tpu.memref_squeeze %dma_start3A_292 : memref<1x1x80xi32, #tpu.memory_space<hbm>> -> memref<80xi32, #tpu.memory_space<hbm>>
    %dma_start3A_294 = arith.constant 0 : i32
    %dma_start3A_295 = tpu.memref_slice %arg8[%dma_start3A_287, %dma_start3A_294] : memref<8x80xi32, #tpu.memory_space<vmem>> -> memref<1x80xi32, #tpu.memory_space<vmem>>
    %dma_start3A_296 = tpu.memref_squeeze %dma_start3A_295 : memref<1x80xi32, #tpu.memory_space<vmem>> -> memref<80xi32, #tpu.memory_space<vmem>>
    %dma_start3A_297 = arith.constant 0 : i32
    %dma_start3A_298 = tpu.memref_slice %arg4[%add3A, %dma_start3A_286, %dma_start3A_297] : memref<32x125x80xi32, #tpu.memory_space<hbm>> -> memref<1x1x80xi32, #tpu.memory_space<hbm>>
    %dma_start3A_299 = tpu.memref_squeeze %dma_start3A_298 : memref<1x1x80xi32, #tpu.memory_space<hbm>> -> memref<80xi32, #tpu.memory_space<hbm>>
    tpu.enqueue_dma source(%dma_start3A_299 : memref<80xi32, #tpu.memory_space<hbm>>) target(%dma_start3A_296 : memref<80xi32, #tpu.memory_space<vmem>>) target_semaphore(%arg13 : memref<!tpu.dma_semaphore, #tpu.memory_space<semaphore_mem>>)
    %scan3A = arith.constant 0 : i32
    %scan3A_300 = arith.constant 0 : i32
    %scan3A_301 = arith.constant 60 : i32
    %scan3A_302 = arith.addi %scan3A_300, %scan3A_301 : i32
    %scan3A_303 = arith.constant 1 : i32
    scf.for %scan3A_488 = %scan3A_300 to %scan3A_302 step %scan3A_303  : i32 {
      %mul3A_489 = arith.constant 2 : i32
      %mul3A_490 = arith.muli %scan3A_488, %mul3A_489 : i32
      %add3A_491 = arith.constant 2 : i32
      %add3A_492 = arith.addi %add3A_491, %mul3A_490 : i32
      %add3A_493 = arith.constant 0 : i32
      %add3A_494 = arith.addi %add3A_492, %add3A_493 : i32
      %rem3A = arith.constant 4 : i32
      %rem3A_495 = arith.remsi %add3A_494, %rem3A : i32
      %rem3A_496 = arith.constant 8 : i32
      %rem3A_497 = arith.remsi %add3A_494, %rem3A_496 : i32
      %add3A_498 = arith.constant 2 : i32
      %add3A_499 = arith.addi %add3A_494, %add3A_498 : i32
      %rem3A_500 = arith.constant 4 : i32
      %rem3A_501 = arith.remsi %add3A_499, %rem3A_500 : i32
      %add3A_502 = arith.constant 2 : i32
      %add3A_503 = arith.addi %add3A_494, %add3A_502 : i32
      %rem3A_504 = arith.constant 8 : i32
      %rem3A_505 = arith.remsi %add3A_503, %rem3A_504 : i32
      %add3A_506 = arith.constant 2 : i32
      %add3A_507 = arith.addi %add3A_494, %add3A_506 : i32
      %rem3A_508 = arith.constant 4 : i32
      %rem3A_509 = arith.remsi %add3A_507, %rem3A_508 : i32
      %add3A_510 = arith.constant 6 : i32
      %add3A_511 = arith.addi %add3A_494, %add3A_510 : i32
      %rem3A_512 = arith.constant 8 : i32
      %rem3A_513 = arith.remsi %add3A_511, %rem3A_512 : i32
      %add3A_514 = arith.constant 2 : i32
      %add3A_515 = arith.addi %add3A_494, %add3A_514 : i32
      %add3A_516 = arith.constant 1 : i32
      %add3A_517 = arith.addi %add3A_515, %add3A_516 : i32
      %rem3A_518 = arith.constant 4 : i32
      %rem3A_519 = arith.remsi %add3A_517, %rem3A_518 : i32
      %add3A_520 = arith.constant 2 : i32
      %add3A_521 = arith.addi %add3A_494, %add3A_520 : i32
      %add3A_522 = arith.constant 1 : i32
      %add3A_523 = arith.addi %add3A_521, %add3A_522 : i32
      %rem3A_524 = arith.constant 8 : i32
      %rem3A_525 = arith.remsi %add3A_523, %rem3A_524 : i32
      %dma_wait3A_526 = arith.constant 0 : i32
      %dma_wait3A_527 = arith.constant 0 : i32
      %dma_wait3A_528 = tpu.memref_slice %arg9[%rem3A_495, %dma_wait3A_526, %dma_wait3A_527] : memref<4x80x40xf32, #tpu.memory_space<vmem>> -> memref<1x80x40xf32, #tpu.memory_space<vmem>>
      %dma_wait3A_529 = tpu.memref_squeeze %dma_wait3A_528 : memref<1x80x40xf32, #tpu.memory_space<vmem>> -> memref<80x40xf32, #tpu.memory_space<vmem>>
      %dma_wait3A_530 = arith.constant 0 : i32
      %dma_wait3A_531 = tpu.memref_slice %arg7[%rem3A_495, %dma_wait3A_530] : memref<4x80xi32, #tpu.memory_space<vmem>> -> memref<1x80xi32, #tpu.memory_space<vmem>>
      %dma_wait3A_532 = tpu.memref_squeeze %dma_wait3A_531 : memref<1x80xi32, #tpu.memory_space<vmem>> -> memref<80xi32, #tpu.memory_space<vmem>>
      %dma_wait3A_533 = arith.constant 0 : i32
      %dma_wait3A_534 = arith.constant 0 : i32
      %dma_wait3A_535 = tpu.memref_slice %arg2[%dma_wait3A_533, %dma_wait3A_534] : memref<10000x40xf32, #tpu.memory_space<hbm>> -> memref<10000x40xf32, #tpu.memory_space<hbm>>
      tpu.wait_indirect_dma semaphore(%arg11 : memref<!tpu.dma_semaphore, #tpu.memory_space<semaphore_mem>>) src(%dma_wait3A_535 : memref<10000x40xf32, #tpu.memory_space<hbm>>) dst(%dma_wait3A_529 : memref<80x40xf32, #tpu.memory_space<vmem>>)
      %dma_wait3A_536 = arith.constant 0 : i32
      %dma_wait3A_537 = arith.constant 0 : i32
      %dma_wait3A_538 = tpu.memref_slice %arg9[%rem3A_509, %dma_wait3A_536, %dma_wait3A_537] : memref<4x80x40xf32, #tpu.memory_space<vmem>> -> memref<1x80x40xf32, #tpu.memory_space<vmem>>
      %dma_wait3A_539 = tpu.memref_squeeze %dma_wait3A_538 : memref<1x80x40xf32, #tpu.memory_space<vmem>> -> memref<80x40xf32, #tpu.memory_space<vmem>>
      %dma_wait3A_540 = arith.constant 0 : i32
      %dma_wait3A_541 = tpu.memref_slice %arg8[%rem3A_513, %dma_wait3A_540] : memref<8x80xi32, #tpu.memory_space<vmem>> -> memref<1x80xi32, #tpu.memory_space<vmem>>
      %dma_wait3A_542 = tpu.memref_squeeze %dma_wait3A_541 : memref<1x80xi32, #tpu.memory_space<vmem>> -> memref<80xi32, #tpu.memory_space<vmem>>
      %dma_wait3A_543 = arith.constant 0 : i32
      %dma_wait3A_544 = arith.constant 0 : i32
      %dma_wait3A_545 = tpu.memref_slice %arg10[%dma_wait3A_543, %dma_wait3A_544] : memref<10000x40xf32, #tpu.memory_space<vmem_shared>> -> memref<10000x40xf32, #tpu.memory_space<vmem_shared>>
      tpu.wait_indirect_dma semaphore(%arg14 : memref<!tpu.dma_semaphore, #tpu.memory_space<semaphore_mem>>) src(%dma_wait3A_539 : memref<80x40xf32, #tpu.memory_space<vmem>>) dst(%dma_wait3A_545 : memref<10000x40xf32, #tpu.memory_space<vmem_shared>>)
      %dma_start3A_546 = arith.constant 0 : i32
      %dma_start3A_547 = arith.constant 0 : i32
      %dma_start3A_548 = tpu.memref_slice %arg9[%rem3A_495, %dma_start3A_546, %dma_start3A_547] : memref<4x80x40xf32, #tpu.memory_space<vmem>> -> memref<1x80x40xf32, #tpu.memory_space<vmem>>
      %dma_start3A_549 = tpu.memref_squeeze %dma_start3A_548 : memref<1x80x40xf32, #tpu.memory_space<vmem>> -> memref<80x40xf32, #tpu.memory_space<vmem>>
      %dma_start3A_550 = arith.constant 0 : i32
      %dma_start3A_551 = tpu.memref_slice %arg8[%rem3A_497, %dma_start3A_550] : memref<8x80xi32, #tpu.memory_space<vmem>> -> memref<1x80xi32, #tpu.memory_space<vmem>>
      %dma_start3A_552 = tpu.memref_squeeze %dma_start3A_551 : memref<1x80xi32, #tpu.memory_space<vmem>> -> memref<80xi32, #tpu.memory_space<vmem>>
      %dma_start3A_553 = arith.constant 0 : i32
      %dma_start3A_554 = arith.constant 0 : i32
      %dma_start3A_555 = tpu.memref_slice %arg10[%dma_start3A_553, %dma_start3A_554] : memref<10000x40xf32, #tpu.memory_space<vmem_shared>> -> memref<10000x40xf32, #tpu.memory_space<vmem_shared>>
      tpu.enqueue_indirect_dma source(%dma_start3A_549 : memref<80x40xf32, #tpu.memory_space<vmem>>) target(%dma_start3A_555 : memref<10000x40xf32, #tpu.memory_space<vmem_shared>>) offsets(%dma_start3A_552 : memref<80xi32, #tpu.memory_space<vmem>>) semaphore(%arg14 : memref<!tpu.dma_semaphore, #tpu.memory_space<semaphore_mem>>) {add = true}
      %dma_wait3A_556 = arith.constant 0 : i32
      %dma_wait3A_557 = arith.constant 0 : i32
      %dma_wait3A_558 = tpu.memref_slice %arg7[%rem3A_501, %dma_wait3A_557] : memref<4x80xi32, #tpu.memory_space<vmem>> -> memref<1x80xi32, #tpu.memory_space<vmem>>
      %dma_wait3A_559 = tpu.memref_squeeze %dma_wait3A_558 : memref<1x80xi32, #tpu.memory_space<vmem>> -> memref<80xi32, #tpu.memory_space<vmem>>
      %dma_wait3A_560 = arith.constant 0 : i32
      %dma_wait3A_561 = tpu.memref_slice %arg3[%add3A, %dma_wait3A_556, %dma_wait3A_560] : memref<32x125x80xi32, #tpu.memory_space<hbm>> -> memref<1x1x80xi32, #tpu.memory_space<hbm>>
      %dma_wait3A_562 = tpu.memref_squeeze %dma_wait3A_561 : memref<1x1x80xi32, #tpu.memory_space<hbm>> -> memref<80xi32, #tpu.memory_space<hbm>>
      %dma_wait3A_563 = arith.constant 0 : i32
      %dma_wait3A_564 = tpu.memref_slice %arg7[%rem3A_501, %dma_wait3A_563] : memref<4x80xi32, #tpu.memory_space<vmem>> -> memref<1x80xi32, #tpu.memory_space<vmem>>
      %dma_wait3A_565 = tpu.memref_squeeze %dma_wait3A_564 : memref<1x80xi32, #tpu.memory_space<vmem>> -> memref<80xi32, #tpu.memory_space<vmem>>
      %dma_wait3A_566 = arith.constant 0 : i32
      %dma_wait3A_567 = tpu.memref_slice %arg3[%add3A, %dma_wait3A_556, %dma_wait3A_566] : memref<32x125x80xi32, #tpu.memory_space<hbm>> -> memref<1x1x80xi32, #tpu.memory_space<hbm>>
      %dma_wait3A_568 = tpu.memref_squeeze %dma_wait3A_567 : memref<1x1x80xi32, #tpu.memory_space<hbm>> -> memref<80xi32, #tpu.memory_space<hbm>>
      tpu.wait_dma2 semaphore(%arg13 : memref<!tpu.dma_semaphore, #tpu.memory_space<semaphore_mem>>) src(%dma_wait3A_568 : memref<80xi32, #tpu.memory_space<hbm>>) dst(%dma_wait3A_565 : memref<80xi32, #tpu.memory_space<vmem>>)
      %dma_wait3A_569 = arith.constant 0 : i32
      %dma_wait3A_570 = arith.constant 0 : i32
      %dma_wait3A_571 = tpu.memref_slice %arg8[%rem3A_505, %dma_wait3A_570] : memref<8x80xi32, #tpu.memory_space<vmem>> -> memref<1x80xi32, #tpu.memory_space<vmem>>
      %dma_wait3A_572 = tpu.memref_squeeze %dma_wait3A_571 : memref<1x80xi32, #tpu.memory_space<vmem>> -> memref<80xi32, #tpu.memory_space<vmem>>
      %dma_wait3A_573 = arith.constant 0 : i32
      %dma_wait3A_574 = tpu.memref_slice %arg4[%add3A, %dma_wait3A_569, %dma_wait3A_573] : memref<32x125x80xi32, #tpu.memory_space<hbm>> -> memref<1x1x80xi32, #tpu.memory_space<hbm>>
      %dma_wait3A_575 = tpu.memref_squeeze %dma_wait3A_574 : memref<1x1x80xi32, #tpu.memory_space<hbm>> -> memref<80xi32, #tpu.memory_space<hbm>>
      %dma_wait3A_576 = arith.constant 0 : i32
      %dma_wait3A_577 = tpu.memref_slice %arg8[%rem3A_505, %dma_wait3A_576] : memref<8x80xi32, #tpu.memory_space<vmem>> -> memref<1x80xi32, #tpu.memory_space<vmem>>
      %dma_wait3A_578 = tpu.memref_squeeze %dma_wait3A_577 : memref<1x80xi32, #tpu.memory_space<vmem>> -> memref<80xi32, #tpu.memory_space<vmem>>
      %dma_wait3A_579 = arith.constant 0 : i32
      %dma_wait3A_580 = tpu.memref_slice %arg4[%add3A, %dma_wait3A_569, %dma_wait3A_579] : memref<32x125x80xi32, #tpu.memory_space<hbm>> -> memref<1x1x80xi32, #tpu.memory_space<hbm>>
      %dma_wait3A_581 = tpu.memref_squeeze %dma_wait3A_580 : memref<1x1x80xi32, #tpu.memory_space<hbm>> -> memref<80xi32, #tpu.memory_space<hbm>>
      tpu.wait_dma2 semaphore(%arg13 : memref<!tpu.dma_semaphore, #tpu.memory_space<semaphore_mem>>) src(%dma_wait3A_581 : memref<80xi32, #tpu.memory_space<hbm>>) dst(%dma_wait3A_578 : memref<80xi32, #tpu.memory_space<vmem>>)
      %dma_start3A_582 = arith.constant 0 : i32
      %dma_start3A_583 = arith.constant 0 : i32
      %dma_start3A_584 = tpu.memref_slice %arg9[%rem3A_501, %dma_start3A_582, %dma_start3A_583] : memref<4x80x40xf32, #tpu.memory_space<vmem>> -> memref<1x80x40xf32, #tpu.memory_space<vmem>>
      %dma_start3A_585 = tpu.memref_squeeze %dma_start3A_584 : memref<1x80x40xf32, #tpu.memory_space<vmem>> -> memref<80x40xf32, #tpu.memory_space<vmem>>
      %dma_start3A_586 = arith.constant 0 : i32
      %dma_start3A_587 = tpu.memref_slice %arg7[%rem3A_501, %dma_start3A_586] : memref<4x80xi32, #tpu.memory_space<vmem>> -> memref<1x80xi32, #tpu.memory_space<vmem>>
      %dma_start3A_588 = tpu.memref_squeeze %dma_start3A_587 : memref<1x80xi32, #tpu.memory_space<vmem>> -> memref<80xi32, #tpu.memory_space<vmem>>
      %dma_start3A_589 = arith.constant 0 : i32
      %dma_start3A_590 = arith.constant 0 : i32
      %dma_start3A_591 = tpu.memref_slice %arg2[%dma_start3A_589, %dma_start3A_590] : memref<10000x40xf32, #tpu.memory_space<hbm>> -> memref<10000x40xf32, #tpu.memory_space<hbm>>
      tpu.enqueue_indirect_dma source(%dma_start3A_591 : memref<10000x40xf32, #tpu.memory_space<hbm>>) target(%dma_start3A_585 : memref<80x40xf32, #tpu.memory_space<vmem>>) offsets(%dma_start3A_588 : memref<80xi32, #tpu.memory_space<vmem>>) semaphore(%arg11 : memref<!tpu.dma_semaphore, #tpu.memory_space<semaphore_mem>>)
      %add3A_592 = arith.constant 2 : i32
      %add3A_593 = arith.addi %add3A_494, %add3A_592 : i32
      %add3A_594 = arith.constant 1 : i32
      %add3A_595 = arith.addi %add3A_593, %add3A_594 : i32
      %dma_start3A_596 = arith.constant 0 : i32
      %dma_start3A_597 = tpu.memref_slice %arg7[%rem3A_519, %dma_start3A_596] : memref<4x80xi32, #tpu.memory_space<vmem>> -> memref<1x80xi32, #tpu.memory_space<vmem>>
      %dma_start3A_598 = tpu.memref_squeeze %dma_start3A_597 : memref<1x80xi32, #tpu.memory_space<vmem>> -> memref<80xi32, #tpu.memory_space<vmem>>
      %dma_start3A_599 = arith.constant 0 : i32
      %dma_start3A_600 = tpu.memref_slice %arg3[%add3A, %add3A_595, %dma_start3A_599] : memref<32x125x80xi32, #tpu.memory_space<hbm>> -> memref<1x1x80xi32, #tpu.memory_space<hbm>>
      %dma_start3A_601 = tpu.memref_squeeze %dma_start3A_600 : memref<1x1x80xi32, #tpu.memory_space<hbm>> -> memref<80xi32, #tpu.memory_space<hbm>>
      %dma_start3A_602 = arith.constant 0 : i32
      %dma_start3A_603 = tpu.memref_slice %arg7[%rem3A_519, %dma_start3A_602] : memref<4x80xi32, #tpu.memory_space<vmem>> -> memref<1x80xi32, #tpu.memory_space<vmem>>
      %dma_start3A_604 = tpu.memref_squeeze %dma_start3A_603 : memref<1x80xi32, #tpu.memory_space<vmem>> -> memref<80xi32, #tpu.memory_space<vmem>>
      %dma_start3A_605 = arith.constant 0 : i32
      %dma_start3A_606 = tpu.memref_slice %arg3[%add3A, %add3A_595, %dma_start3A_605] : memref<32x125x80xi32, #tpu.memory_space<hbm>> -> memref<1x1x80xi32, #tpu.memory_space<hbm>>
      %dma_start3A_607 = tpu.memref_squeeze %dma_start3A_606 : memref<1x1x80xi32, #tpu.memory_space<hbm>> -> memref<80xi32, #tpu.memory_space<hbm>>
      tpu.enqueue_dma source(%dma_start3A_607 : memref<80xi32, #tpu.memory_space<hbm>>) target(%dma_start3A_604 : memref<80xi32, #tpu.memory_space<vmem>>) target_semaphore(%arg13 : memref<!tpu.dma_semaphore, #tpu.memory_space<semaphore_mem>>)
      %dma_start3A_608 = arith.constant 0 : i32
      %dma_start3A_609 = tpu.memref_slice %arg8[%rem3A_525, %dma_start3A_608] : memref<8x80xi32, #tpu.memory_space<vmem>> -> memref<1x80xi32, #tpu.memory_space<vmem>>
      %dma_start3A_610 = tpu.memref_squeeze %dma_start3A_609 : memref<1x80xi32, #tpu.memory_space<vmem>> -> memref<80xi32, #tpu.memory_space<vmem>>
      %dma_start3A_611 = arith.constant 0 : i32
      %dma_start3A_612 = tpu.memref_slice %arg4[%add3A, %add3A_595, %dma_start3A_611] : memref<32x125x80xi32, #tpu.memory_space<hbm>> -> memref<1x1x80xi32, #tpu.memory_space<hbm>>
      %dma_start3A_613 = tpu.memref_squeeze %dma_start3A_612 : memref<1x1x80xi32, #tpu.memory_space<hbm>> -> memref<80xi32, #tpu.memory_space<hbm>>
      %dma_start3A_614 = arith.constant 0 : i32
      %dma_start3A_615 = tpu.memref_slice %arg8[%rem3A_525, %dma_start3A_614] : memref<8x80xi32, #tpu.memory_space<vmem>> -> memref<1x80xi32, #tpu.memory_space<vmem>>
      %dma_start3A_616 = tpu.memref_squeeze %dma_start3A_615 : memref<1x80xi32, #tpu.memory_space<vmem>> -> memref<80xi32, #tpu.memory_space<vmem>>
      %dma_start3A_617 = arith.constant 0 : i32
      %dma_start3A_618 = tpu.memref_slice %arg4[%add3A, %add3A_595, %dma_start3A_617] : memref<32x125x80xi32, #tpu.memory_space<hbm>> -> memref<1x1x80xi32, #tpu.memory_space<hbm>>
      %dma_start3A_619 = tpu.memref_squeeze %dma_start3A_618 : memref<1x1x80xi32, #tpu.memory_space<hbm>> -> memref<80xi32, #tpu.memory_space<hbm>>
      tpu.enqueue_dma source(%dma_start3A_619 : memref<80xi32, #tpu.memory_space<hbm>>) target(%dma_start3A_616 : memref<80xi32, #tpu.memory_space<vmem>>) target_semaphore(%arg13 : memref<!tpu.dma_semaphore, #tpu.memory_space<semaphore_mem>>)
      %add3A_620 = arith.constant 1 : i32
      %add3A_621 = arith.addi %add3A_492, %add3A_620 : i32
      %rem3A_622 = arith.constant 4 : i32
      %rem3A_623 = arith.remsi %add3A_621, %rem3A_622 : i32
      %rem3A_624 = arith.constant 8 : i32
      %rem3A_625 = arith.remsi %add3A_621, %rem3A_624 : i32
      %add3A_626 = arith.constant 2 : i32
      %add3A_627 = arith.addi %add3A_621, %add3A_626 : i32
      %rem3A_628 = arith.constant 4 : i32
      %rem3A_629 = arith.remsi %add3A_627, %rem3A_628 : i32
      %add3A_630 = arith.constant 2 : i32
      %add3A_631 = arith.addi %add3A_621, %add3A_630 : i32
      %rem3A_632 = arith.constant 8 : i32
      %rem3A_633 = arith.remsi %add3A_631, %rem3A_632 : i32
      %add3A_634 = arith.constant 2 : i32
      %add3A_635 = arith.addi %add3A_621, %add3A_634 : i32
      %rem3A_636 = arith.constant 4 : i32
      %rem3A_637 = arith.remsi %add3A_635, %rem3A_636 : i32
      %add3A_638 = arith.constant 6 : i32
      %add3A_639 = arith.addi %add3A_621, %add3A_638 : i32
      %rem3A_640 = arith.constant 8 : i32
      %rem3A_641 = arith.remsi %add3A_639, %rem3A_640 : i32
      %add3A_642 = arith.constant 2 : i32
      %add3A_643 = arith.addi %add3A_621, %add3A_642 : i32
      %add3A_644 = arith.constant 1 : i32
      %add3A_645 = arith.addi %add3A_643, %add3A_644 : i32
      %rem3A_646 = arith.constant 4 : i32
      %rem3A_647 = arith.remsi %add3A_645, %rem3A_646 : i32
      %add3A_648 = arith.constant 2 : i32
      %add3A_649 = arith.addi %add3A_621, %add3A_648 : i32
      %add3A_650 = arith.constant 1 : i32
      %add3A_651 = arith.addi %add3A_649, %add3A_650 : i32
      %rem3A_652 = arith.constant 8 : i32
      %rem3A_653 = arith.remsi %add3A_651, %rem3A_652 : i32
      %dma_wait3A_654 = arith.constant 0 : i32
      %dma_wait3A_655 = arith.constant 0 : i32
      %dma_wait3A_656 = tpu.memref_slice %arg9[%rem3A_623, %dma_wait3A_654, %dma_wait3A_655] : memref<4x80x40xf32, #tpu.memory_space<vmem>> -> memref<1x80x40xf32, #tpu.memory_space<vmem>>
      %dma_wait3A_657 = tpu.memref_squeeze %dma_wait3A_656 : memref<1x80x40xf32, #tpu.memory_space<vmem>> -> memref<80x40xf32, #tpu.memory_space<vmem>>
      %dma_wait3A_658 = arith.constant 0 : i32
      %dma_wait3A_659 = tpu.memref_slice %arg7[%rem3A_623, %dma_wait3A_658] : memref<4x80xi32, #tpu.memory_space<vmem>> -> memref<1x80xi32, #tpu.memory_space<vmem>>
      %dma_wait3A_660 = tpu.memref_squeeze %dma_wait3A_659 : memref<1x80xi32, #tpu.memory_space<vmem>> -> memref<80xi32, #tpu.memory_space<vmem>>
      %dma_wait3A_661 = arith.constant 0 : i32
      %dma_wait3A_662 = arith.constant 0 : i32
      %dma_wait3A_663 = tpu.memref_slice %arg2[%dma_wait3A_661, %dma_wait3A_662] : memref<10000x40xf32, #tpu.memory_space<hbm>> -> memref<10000x40xf32, #tpu.memory_space<hbm>>
      tpu.wait_indirect_dma semaphore(%arg12 : memref<!tpu.dma_semaphore, #tpu.memory_space<semaphore_mem>>) src(%dma_wait3A_663 : memref<10000x40xf32, #tpu.memory_space<hbm>>) dst(%dma_wait3A_657 : memref<80x40xf32, #tpu.memory_space<vmem>>)
      %dma_wait3A_664 = arith.constant 0 : i32
      %dma_wait3A_665 = arith.constant 0 : i32
      %dma_wait3A_666 = tpu.memref_slice %arg9[%rem3A_637, %dma_wait3A_664, %dma_wait3A_665] : memref<4x80x40xf32, #tpu.memory_space<vmem>> -> memref<1x80x40xf32, #tpu.memory_space<vmem>>
      %dma_wait3A_667 = tpu.memref_squeeze %dma_wait3A_666 : memref<1x80x40xf32, #tpu.memory_space<vmem>> -> memref<80x40xf32, #tpu.memory_space<vmem>>
      %dma_wait3A_668 = arith.constant 0 : i32
      %dma_wait3A_669 = tpu.memref_slice %arg8[%rem3A_641, %dma_wait3A_668] : memref<8x80xi32, #tpu.memory_space<vmem>> -> memref<1x80xi32, #tpu.memory_space<vmem>>
      %dma_wait3A_670 = tpu.memref_squeeze %dma_wait3A_669 : memref<1x80xi32, #tpu.memory_space<vmem>> -> memref<80xi32, #tpu.memory_space<vmem>>
      %dma_wait3A_671 = arith.constant 0 : i32
      %dma_wait3A_672 = arith.constant 0 : i32
      %dma_wait3A_673 = tpu.memref_slice %arg10[%dma_wait3A_671, %dma_wait3A_672] : memref<10000x40xf32, #tpu.memory_space<vmem_shared>> -> memref<10000x40xf32, #tpu.memory_space<vmem_shared>>
      tpu.wait_indirect_dma semaphore(%arg15 : memref<!tpu.dma_semaphore, #tpu.memory_space<semaphore_mem>>) src(%dma_wait3A_667 : memref<80x40xf32, #tpu.memory_space<vmem>>) dst(%dma_wait3A_673 : memref<10000x40xf32, #tpu.memory_space<vmem_shared>>)
      %dma_start3A_674 = arith.constant 0 : i32
      %dma_start3A_675 = arith.constant 0 : i32
      %dma_start3A_676 = tpu.memref_slice %arg9[%rem3A_623, %dma_start3A_674, %dma_start3A_675] : memref<4x80x40xf32, #tpu.memory_space<vmem>> -> memref<1x80x40xf32, #tpu.memory_space<vmem>>
      %dma_start3A_677 = tpu.memref_squeeze %dma_start3A_676 : memref<1x80x40xf32, #tpu.memory_space<vmem>> -> memref<80x40xf32, #tpu.memory_space<vmem>>
      %dma_start3A_678 = arith.constant 0 : i32
      %dma_start3A_679 = tpu.memref_slice %arg8[%rem3A_625, %dma_start3A_678] : memref<8x80xi32, #tpu.memory_space<vmem>> -> memref<1x80xi32, #tpu.memory_space<vmem>>
      %dma_start3A_680 = tpu.memref_squeeze %dma_start3A_679 : memref<1x80xi32, #tpu.memory_space<vmem>> -> memref<80xi32, #tpu.memory_space<vmem>>
      %dma_start3A_681 = arith.constant 0 : i32
      %dma_start3A_682 = arith.constant 0 : i32
      %dma_start3A_683 = tpu.memref_slice %arg10[%dma_start3A_681, %dma_start3A_682] : memref<10000x40xf32, #tpu.memory_space<vmem_shared>> -> memref<10000x40xf32, #tpu.memory_space<vmem_shared>>
      tpu.enqueue_indirect_dma source(%dma_start3A_677 : memref<80x40xf32, #tpu.memory_space<vmem>>) target(%dma_start3A_683 : memref<10000x40xf32, #tpu.memory_space<vmem_shared>>) offsets(%dma_start3A_680 : memref<80xi32, #tpu.memory_space<vmem>>) semaphore(%arg15 : memref<!tpu.dma_semaphore, #tpu.memory_space<semaphore_mem>>) {add = true}
      %dma_wait3A_684 = arith.constant 0 : i32
      %dma_wait3A_685 = arith.constant 0 : i32
      %dma_wait3A_686 = tpu.memref_slice %arg7[%rem3A_629, %dma_wait3A_685] : memref<4x80xi32, #tpu.memory_space<vmem>> -> memref<1x80xi32, #tpu.memory_space<vmem>>
      %dma_wait3A_687 = tpu.memref_squeeze %dma_wait3A_686 : memref<1x80xi32, #tpu.memory_space<vmem>> -> memref<80xi32, #tpu.memory_space<vmem>>
      %dma_wait3A_688 = arith.constant 0 : i32
      %dma_wait3A_689 = tpu.memref_slice %arg3[%add3A, %dma_wait3A_684, %dma_wait3A_688] : memref<32x125x80xi32, #tpu.memory_space<hbm>> -> memref<1x1x80xi32, #tpu.memory_space<hbm>>
      %dma_wait3A_690 = tpu.memref_squeeze %dma_wait3A_689 : memref<1x1x80xi32, #tpu.memory_space<hbm>> -> memref<80xi32, #tpu.memory_space<hbm>>
      %dma_wait3A_691 = arith.constant 0 : i32
      %dma_wait3A_692 = tpu.memref_slice %arg7[%rem3A_629, %dma_wait3A_691] : memref<4x80xi32, #tpu.memory_space<vmem>> -> memref<1x80xi32, #tpu.memory_space<vmem>>
      %dma_wait3A_693 = tpu.memref_squeeze %dma_wait3A_692 : memref<1x80xi32, #tpu.memory_space<vmem>> -> memref<80xi32, #tpu.memory_space<vmem>>
      %dma_wait3A_694 = arith.constant 0 : i32
      %dma_wait3A_695 = tpu.memref_slice %arg3[%add3A, %dma_wait3A_684, %dma_wait3A_694] : memref<32x125x80xi32, #tpu.memory_space<hbm>> -> memref<1x1x80xi32, #tpu.memory_space<hbm>>
      %dma_wait3A_696 = tpu.memref_squeeze %dma_wait3A_695 : memref<1x1x80xi32, #tpu.memory_space<hbm>> -> memref<80xi32, #tpu.memory_space<hbm>>
      tpu.wait_dma2 semaphore(%arg13 : memref<!tpu.dma_semaphore, #tpu.memory_space<semaphore_mem>>) src(%dma_wait3A_696 : memref<80xi32, #tpu.memory_space<hbm>>) dst(%dma_wait3A_693 : memref<80xi32, #tpu.memory_space<vmem>>)
      %dma_wait3A_697 = arith.constant 0 : i32
      %dma_wait3A_698 = arith.constant 0 : i32
      %dma_wait3A_699 = tpu.memref_slice %arg8[%rem3A_633, %dma_wait3A_698] : memref<8x80xi32, #tpu.memory_space<vmem>> -> memref<1x80xi32, #tpu.memory_space<vmem>>
      %dma_wait3A_700 = tpu.memref_squeeze %dma_wait3A_699 : memref<1x80xi32, #tpu.memory_space<vmem>> -> memref<80xi32, #tpu.memory_space<vmem>>
      %dma_wait3A_701 = arith.constant 0 : i32
      %dma_wait3A_702 = tpu.memref_slice %arg4[%add3A, %dma_wait3A_697, %dma_wait3A_701] : memref<32x125x80xi32, #tpu.memory_space<hbm>> -> memref<1x1x80xi32, #tpu.memory_space<hbm>>
      %dma_wait3A_703 = tpu.memref_squeeze %dma_wait3A_702 : memref<1x1x80xi32, #tpu.memory_space<hbm>> -> memref<80xi32, #tpu.memory_space<hbm>>
      %dma_wait3A_704 = arith.constant 0 : i32
      %dma_wait3A_705 = tpu.memref_slice %arg8[%rem3A_633, %dma_wait3A_704] : memref<8x80xi32, #tpu.memory_space<vmem>> -> memref<1x80xi32, #tpu.memory_space<vmem>>
      %dma_wait3A_706 = tpu.memref_squeeze %dma_wait3A_705 : memref<1x80xi32, #tpu.memory_space<vmem>> -> memref<80xi32, #tpu.memory_space<vmem>>
      %dma_wait3A_707 = arith.constant 0 : i32
      %dma_wait3A_708 = tpu.memref_slice %arg4[%add3A, %dma_wait3A_697, %dma_wait3A_707] : memref<32x125x80xi32, #tpu.memory_space<hbm>> -> memref<1x1x80xi32, #tpu.memory_space<hbm>>
      %dma_wait3A_709 = tpu.memref_squeeze %dma_wait3A_708 : memref<1x1x80xi32, #tpu.memory_space<hbm>> -> memref<80xi32, #tpu.memory_space<hbm>>
      tpu.wait_dma2 semaphore(%arg13 : memref<!tpu.dma_semaphore, #tpu.memory_space<semaphore_mem>>) src(%dma_wait3A_709 : memref<80xi32, #tpu.memory_space<hbm>>) dst(%dma_wait3A_706 : memref<80xi32, #tpu.memory_space<vmem>>)
      %dma_start3A_710 = arith.constant 0 : i32
      %dma_start3A_711 = arith.constant 0 : i32
      %dma_start3A_712 = tpu.memref_slice %arg9[%rem3A_629, %dma_start3A_710, %dma_start3A_711] : memref<4x80x40xf32, #tpu.memory_space<vmem>> -> memref<1x80x40xf32, #tpu.memory_space<vmem>>
      %dma_start3A_713 = tpu.memref_squeeze %dma_start3A_712 : memref<1x80x40xf32, #tpu.memory_space<vmem>> -> memref<80x40xf32, #tpu.memory_space<vmem>>
      %dma_start3A_714 = arith.constant 0 : i32
      %dma_start3A_715 = tpu.memref_slice %arg7[%rem3A_629, %dma_start3A_714] : memref<4x80xi32, #tpu.memory_space<vmem>> -> memref<1x80xi32, #tpu.memory_space<vmem>>
      %dma_start3A_716 = tpu.memref_squeeze %dma_start3A_715 : memref<1x80xi32, #tpu.memory_space<vmem>> -> memref<80xi32, #tpu.memory_space<vmem>>
      %dma_start3A_717 = arith.constant 0 : i32
      %dma_start3A_718 = arith.constant 0 : i32
      %dma_start3A_719 = tpu.memref_slice %arg2[%dma_start3A_717, %dma_start3A_718] : memref<10000x40xf32, #tpu.memory_space<hbm>> -> memref<10000x40xf32, #tpu.memory_space<hbm>>
      tpu.enqueue_indirect_dma source(%dma_start3A_719 : memref<10000x40xf32, #tpu.memory_space<hbm>>) target(%dma_start3A_713 : memref<80x40xf32, #tpu.memory_space<vmem>>) offsets(%dma_start3A_716 : memref<80xi32, #tpu.memory_space<vmem>>) semaphore(%arg12 : memref<!tpu.dma_semaphore, #tpu.memory_space<semaphore_mem>>)
      %add3A_720 = arith.constant 2 : i32
      %add3A_721 = arith.addi %add3A_621, %add3A_720 : i32
      %add3A_722 = arith.constant 1 : i32
      %add3A_723 = arith.addi %add3A_721, %add3A_722 : i32
      %dma_start3A_724 = arith.constant 0 : i32
      %dma_start3A_725 = tpu.memref_slice %arg7[%rem3A_647, %dma_start3A_724] : memref<4x80xi32, #tpu.memory_space<vmem>> -> memref<1x80xi32, #tpu.memory_space<vmem>>
      %dma_start3A_726 = tpu.memref_squeeze %dma_start3A_725 : memref<1x80xi32, #tpu.memory_space<vmem>> -> memref<80xi32, #tpu.memory_space<vmem>>
      %dma_start3A_727 = arith.constant 0 : i32
      %dma_start3A_728 = tpu.memref_slice %arg3[%add3A, %add3A_723, %dma_start3A_727] : memref<32x125x80xi32, #tpu.memory_space<hbm>> -> memref<1x1x80xi32, #tpu.memory_space<hbm>>
      %dma_start3A_729 = tpu.memref_squeeze %dma_start3A_728 : memref<1x1x80xi32, #tpu.memory_space<hbm>> -> memref<80xi32, #tpu.memory_space<hbm>>
      %dma_start3A_730 = arith.constant 0 : i32
      %dma_start3A_731 = tpu.memref_slice %arg7[%rem3A_647, %dma_start3A_730] : memref<4x80xi32, #tpu.memory_space<vmem>> -> memref<1x80xi32, #tpu.memory_space<vmem>>
      %dma_start3A_732 = tpu.memref_squeeze %dma_start3A_731 : memref<1x80xi32, #tpu.memory_space<vmem>> -> memref<80xi32, #tpu.memory_space<vmem>>
      %dma_start3A_733 = arith.constant 0 : i32
      %dma_start3A_734 = tpu.memref_slice %arg3[%add3A, %add3A_723, %dma_start3A_733] : memref<32x125x80xi32, #tpu.memory_space<hbm>> -> memref<1x1x80xi32, #tpu.memory_space<hbm>>
      %dma_start3A_735 = tpu.memref_squeeze %dma_start3A_734 : memref<1x1x80xi32, #tpu.memory_space<hbm>> -> memref<80xi32, #tpu.memory_space<hbm>>
      tpu.enqueue_dma source(%dma_start3A_735 : memref<80xi32, #tpu.memory_space<hbm>>) target(%dma_start3A_732 : memref<80xi32, #tpu.memory_space<vmem>>) target_semaphore(%arg13 : memref<!tpu.dma_semaphore, #tpu.memory_space<semaphore_mem>>)
      %dma_start3A_736 = arith.constant 0 : i32
      %dma_start3A_737 = tpu.memref_slice %arg8[%rem3A_653, %dma_start3A_736] : memref<8x80xi32, #tpu.memory_space<vmem>> -> memref<1x80xi32, #tpu.memory_space<vmem>>
      %dma_start3A_738 = tpu.memref_squeeze %dma_start3A_737 : memref<1x80xi32, #tpu.memory_space<vmem>> -> memref<80xi32, #tpu.memory_space<vmem>>
      %dma_start3A_739 = arith.constant 0 : i32
      %dma_start3A_740 = tpu.memref_slice %arg4[%add3A, %add3A_723, %dma_start3A_739] : memref<32x125x80xi32, #tpu.memory_space<hbm>> -> memref<1x1x80xi32, #tpu.memory_space<hbm>>
      %dma_start3A_741 = tpu.memref_squeeze %dma_start3A_740 : memref<1x1x80xi32, #tpu.memory_space<hbm>> -> memref<80xi32, #tpu.memory_space<hbm>>
      %dma_start3A_742 = arith.constant 0 : i32
      %dma_start3A_743 = tpu.memref_slice %arg8[%rem3A_653, %dma_start3A_742] : memref<8x80xi32, #tpu.memory_space<vmem>> -> memref<1x80xi32, #tpu.memory_space<vmem>>
      %dma_start3A_744 = tpu.memref_squeeze %dma_start3A_743 : memref<1x80xi32, #tpu.memory_space<vmem>> -> memref<80xi32, #tpu.memory_space<vmem>>
      %dma_start3A_745 = arith.constant 0 : i32
      %dma_start3A_746 = tpu.memref_slice %arg4[%add3A, %add3A_723, %dma_start3A_745] : memref<32x125x80xi32, #tpu.memory_space<hbm>> -> memref<1x1x80xi32, #tpu.memory_space<hbm>>
      %dma_start3A_747 = tpu.memref_squeeze %dma_start3A_746 : memref<1x1x80xi32, #tpu.memory_space<hbm>> -> memref<80xi32, #tpu.memory_space<hbm>>
      tpu.enqueue_dma source(%dma_start3A_747 : memref<80xi32, #tpu.memory_space<hbm>>) target(%dma_start3A_744 : memref<80xi32, #tpu.memory_space<vmem>>) target_semaphore(%arg13 : memref<!tpu.dma_semaphore, #tpu.memory_space<semaphore_mem>>)
    }
    %scan3A_304 = arith.constant 60 : i32
    %dma_wait3A_305 = arith.constant 2 : i32
    %dma_wait3A_306 = arith.constant 2 : i32
    %dma_wait3A_307 = arith.constant 0 : i32
    %dma_wait3A_308 = arith.constant 0 : i32
    %dma_wait3A_309 = tpu.memref_slice %arg9[%dma_wait3A_306, %dma_wait3A_307, %dma_wait3A_308] : memref<4x80x40xf32, #tpu.memory_space<vmem>> -> memref<1x80x40xf32, #tpu.memory_space<vmem>>
    %dma_wait3A_310 = tpu.memref_squeeze %dma_wait3A_309 : memref<1x80x40xf32, #tpu.memory_space<vmem>> -> memref<80x40xf32, #tpu.memory_space<vmem>>
    %dma_wait3A_311 = arith.constant 0 : i32
    %dma_wait3A_312 = tpu.memref_slice %arg7[%dma_wait3A_305, %dma_wait3A_311] : memref<4x80xi32, #tpu.memory_space<vmem>> -> memref<1x80xi32, #tpu.memory_space<vmem>>
    %dma_wait3A_313 = tpu.memref_squeeze %dma_wait3A_312 : memref<1x80xi32, #tpu.memory_space<vmem>> -> memref<80xi32, #tpu.memory_space<vmem>>
    %dma_wait3A_314 = arith.constant 0 : i32
    %dma_wait3A_315 = arith.constant 0 : i32
    %dma_wait3A_316 = tpu.memref_slice %arg2[%dma_wait3A_314, %dma_wait3A_315] : memref<10000x40xf32, #tpu.memory_space<hbm>> -> memref<10000x40xf32, #tpu.memory_space<hbm>>
    tpu.wait_indirect_dma semaphore(%arg11 : memref<!tpu.dma_semaphore, #tpu.memory_space<semaphore_mem>>) src(%dma_wait3A_316 : memref<10000x40xf32, #tpu.memory_space<hbm>>) dst(%dma_wait3A_310 : memref<80x40xf32, #tpu.memory_space<vmem>>)
    %dma_wait3A_317 = arith.constant 0 : i32
    %dma_wait3A_318 = arith.constant 0 : i32
    %dma_wait3A_319 = arith.constant 0 : i32
    %dma_wait3A_320 = arith.constant 0 : i32
    %dma_wait3A_321 = tpu.memref_slice %arg9[%dma_wait3A_317, %dma_wait3A_319, %dma_wait3A_320] : memref<4x80x40xf32, #tpu.memory_space<vmem>> -> memref<1x80x40xf32, #tpu.memory_space<vmem>>
    %dma_wait3A_322 = tpu.memref_squeeze %dma_wait3A_321 : memref<1x80x40xf32, #tpu.memory_space<vmem>> -> memref<80x40xf32, #tpu.memory_space<vmem>>
    %dma_wait3A_323 = arith.constant 0 : i32
    %dma_wait3A_324 = tpu.memref_slice %arg8[%dma_wait3A_318, %dma_wait3A_323] : memref<8x80xi32, #tpu.memory_space<vmem>> -> memref<1x80xi32, #tpu.memory_space<vmem>>
    %dma_wait3A_325 = tpu.memref_squeeze %dma_wait3A_324 : memref<1x80xi32, #tpu.memory_space<vmem>> -> memref<80xi32, #tpu.memory_space<vmem>>
    %dma_wait3A_326 = arith.constant 0 : i32
    %dma_wait3A_327 = arith.constant 0 : i32
    %dma_wait3A_328 = tpu.memref_slice %arg10[%dma_wait3A_326, %dma_wait3A_327] : memref<10000x40xf32, #tpu.memory_space<vmem_shared>> -> memref<10000x40xf32, #tpu.memory_space<vmem_shared>>
    tpu.wait_indirect_dma semaphore(%arg14 : memref<!tpu.dma_semaphore, #tpu.memory_space<semaphore_mem>>) src(%dma_wait3A_322 : memref<80x40xf32, #tpu.memory_space<vmem>>) dst(%dma_wait3A_328 : memref<10000x40xf32, #tpu.memory_space<vmem_shared>>)
    %dma_start3A_329 = arith.constant 2 : i32
    %dma_start3A_330 = arith.constant 2 : i32
    %dma_start3A_331 = arith.constant 0 : i32
    %dma_start3A_332 = arith.constant 0 : i32
    %dma_start3A_333 = tpu.memref_slice %arg9[%dma_start3A_329, %dma_start3A_331, %dma_start3A_332] : memref<4x80x40xf32, #tpu.memory_space<vmem>> -> memref<1x80x40xf32, #tpu.memory_space<vmem>>
    %dma_start3A_334 = tpu.memref_squeeze %dma_start3A_333 : memref<1x80x40xf32, #tpu.memory_space<vmem>> -> memref<80x40xf32, #tpu.memory_space<vmem>>
    %dma_start3A_335 = arith.constant 0 : i32
    %dma_start3A_336 = tpu.memref_slice %arg8[%dma_start3A_330, %dma_start3A_335] : memref<8x80xi32, #tpu.memory_space<vmem>> -> memref<1x80xi32, #tpu.memory_space<vmem>>
    %dma_start3A_337 = tpu.memref_squeeze %dma_start3A_336 : memref<1x80xi32, #tpu.memory_space<vmem>> -> memref<80xi32, #tpu.memory_space<vmem>>
    %dma_start3A_338 = arith.constant 0 : i32
    %dma_start3A_339 = arith.constant 0 : i32
    %dma_start3A_340 = tpu.memref_slice %arg10[%dma_start3A_338, %dma_start3A_339] : memref<10000x40xf32, #tpu.memory_space<vmem_shared>> -> memref<10000x40xf32, #tpu.memory_space<vmem_shared>>
    tpu.enqueue_indirect_dma source(%dma_start3A_334 : memref<80x40xf32, #tpu.memory_space<vmem>>) target(%dma_start3A_340 : memref<10000x40xf32, #tpu.memory_space<vmem_shared>>) offsets(%dma_start3A_337 : memref<80xi32, #tpu.memory_space<vmem>>) semaphore(%arg14 : memref<!tpu.dma_semaphore, #tpu.memory_space<semaphore_mem>>) {add = true}
    %dma_wait3A_341 = arith.constant 0 : i32
    %dma_wait3A_342 = arith.constant 0 : i32
    %dma_wait3A_343 = arith.constant 0 : i32
    %dma_wait3A_344 = tpu.memref_slice %arg7[%dma_wait3A_342, %dma_wait3A_343] : memref<4x80xi32, #tpu.memory_space<vmem>> -> memref<1x80xi32, #tpu.memory_space<vmem>>
    %dma_wait3A_345 = tpu.memref_squeeze %dma_wait3A_344 : memref<1x80xi32, #tpu.memory_space<vmem>> -> memref<80xi32, #tpu.memory_space<vmem>>
    %dma_wait3A_346 = arith.constant 0 : i32
    %dma_wait3A_347 = tpu.memref_slice %arg3[%add3A, %dma_wait3A_341, %dma_wait3A_346] : memref<32x125x80xi32, #tpu.memory_space<hbm>> -> memref<1x1x80xi32, #tpu.memory_space<hbm>>
    %dma_wait3A_348 = tpu.memref_squeeze %dma_wait3A_347 : memref<1x1x80xi32, #tpu.memory_space<hbm>> -> memref<80xi32, #tpu.memory_space<hbm>>
    %dma_wait3A_349 = arith.constant 0 : i32
    %dma_wait3A_350 = tpu.memref_slice %arg7[%dma_wait3A_342, %dma_wait3A_349] : memref<4x80xi32, #tpu.memory_space<vmem>> -> memref<1x80xi32, #tpu.memory_space<vmem>>
    %dma_wait3A_351 = tpu.memref_squeeze %dma_wait3A_350 : memref<1x80xi32, #tpu.memory_space<vmem>> -> memref<80xi32, #tpu.memory_space<vmem>>
    %dma_wait3A_352 = arith.constant 0 : i32
    %dma_wait3A_353 = tpu.memref_slice %arg3[%add3A, %dma_wait3A_341, %dma_wait3A_352] : memref<32x125x80xi32, #tpu.memory_space<hbm>> -> memref<1x1x80xi32, #tpu.memory_space<hbm>>
    %dma_wait3A_354 = tpu.memref_squeeze %dma_wait3A_353 : memref<1x1x80xi32, #tpu.memory_space<hbm>> -> memref<80xi32, #tpu.memory_space<hbm>>
    tpu.wait_dma2 semaphore(%arg13 : memref<!tpu.dma_semaphore, #tpu.memory_space<semaphore_mem>>) src(%dma_wait3A_354 : memref<80xi32, #tpu.memory_space<hbm>>) dst(%dma_wait3A_351 : memref<80xi32, #tpu.memory_space<vmem>>)
    %dma_wait3A_355 = arith.constant 0 : i32
    %dma_wait3A_356 = arith.constant 4 : i32
    %dma_wait3A_357 = arith.constant 0 : i32
    %dma_wait3A_358 = tpu.memref_slice %arg8[%dma_wait3A_356, %dma_wait3A_357] : memref<8x80xi32, #tpu.memory_space<vmem>> -> memref<1x80xi32, #tpu.memory_space<vmem>>
    %dma_wait3A_359 = tpu.memref_squeeze %dma_wait3A_358 : memref<1x80xi32, #tpu.memory_space<vmem>> -> memref<80xi32, #tpu.memory_space<vmem>>
    %dma_wait3A_360 = arith.constant 0 : i32
    %dma_wait3A_361 = tpu.memref_slice %arg4[%add3A, %dma_wait3A_355, %dma_wait3A_360] : memref<32x125x80xi32, #tpu.memory_space<hbm>> -> memref<1x1x80xi32, #tpu.memory_space<hbm>>
    %dma_wait3A_362 = tpu.memref_squeeze %dma_wait3A_361 : memref<1x1x80xi32, #tpu.memory_space<hbm>> -> memref<80xi32, #tpu.memory_space<hbm>>
    %dma_wait3A_363 = arith.constant 0 : i32
    %dma_wait3A_364 = tpu.memref_slice %arg8[%dma_wait3A_356, %dma_wait3A_363] : memref<8x80xi32, #tpu.memory_space<vmem>> -> memref<1x80xi32, #tpu.memory_space<vmem>>
    %dma_wait3A_365 = tpu.memref_squeeze %dma_wait3A_364 : memref<1x80xi32, #tpu.memory_space<vmem>> -> memref<80xi32, #tpu.memory_space<vmem>>
    %dma_wait3A_366 = arith.constant 0 : i32
    %dma_wait3A_367 = tpu.memref_slice %arg4[%add3A, %dma_wait3A_355, %dma_wait3A_366] : memref<32x125x80xi32, #tpu.memory_space<hbm>> -> memref<1x1x80xi32, #tpu.memory_space<hbm>>
    %dma_wait3A_368 = tpu.memref_squeeze %dma_wait3A_367 : memref<1x1x80xi32, #tpu.memory_space<hbm>> -> memref<80xi32, #tpu.memory_space<hbm>>
    tpu.wait_dma2 semaphore(%arg13 : memref<!tpu.dma_semaphore, #tpu.memory_space<semaphore_mem>>) src(%dma_wait3A_368 : memref<80xi32, #tpu.memory_space<hbm>>) dst(%dma_wait3A_365 : memref<80xi32, #tpu.memory_space<vmem>>)
    %dma_start3A_369 = arith.constant 0 : i32
    %dma_start3A_370 = arith.constant 0 : i32
    %dma_start3A_371 = arith.constant 0 : i32
    %dma_start3A_372 = arith.constant 0 : i32
    %dma_start3A_373 = tpu.memref_slice %arg9[%dma_start3A_370, %dma_start3A_371, %dma_start3A_372] : memref<4x80x40xf32, #tpu.memory_space<vmem>> -> memref<1x80x40xf32, #tpu.memory_space<vmem>>
    %dma_start3A_374 = tpu.memref_squeeze %dma_start3A_373 : memref<1x80x40xf32, #tpu.memory_space<vmem>> -> memref<80x40xf32, #tpu.memory_space<vmem>>
    %dma_start3A_375 = arith.constant 0 : i32
    %dma_start3A_376 = tpu.memref_slice %arg7[%dma_start3A_369, %dma_start3A_375] : memref<4x80xi32, #tpu.memory_space<vmem>> -> memref<1x80xi32, #tpu.memory_space<vmem>>
    %dma_start3A_377 = tpu.memref_squeeze %dma_start3A_376 : memref<1x80xi32, #tpu.memory_space<vmem>> -> memref<80xi32, #tpu.memory_space<vmem>>
    %dma_start3A_378 = arith.constant 0 : i32
    %dma_start3A_379 = arith.constant 0 : i32
    %dma_start3A_380 = tpu.memref_slice %arg2[%dma_start3A_378, %dma_start3A_379] : memref<10000x40xf32, #tpu.memory_space<hbm>> -> memref<10000x40xf32, #tpu.memory_space<hbm>>
    tpu.enqueue_indirect_dma source(%dma_start3A_380 : memref<10000x40xf32, #tpu.memory_space<hbm>>) target(%dma_start3A_374 : memref<80x40xf32, #tpu.memory_space<vmem>>) offsets(%dma_start3A_377 : memref<80xi32, #tpu.memory_space<vmem>>) semaphore(%arg11 : memref<!tpu.dma_semaphore, #tpu.memory_space<semaphore_mem>>)
    %dma_wait3A_381 = arith.constant 3 : i32
    %dma_wait3A_382 = arith.constant 3 : i32
    %dma_wait3A_383 = arith.constant 0 : i32
    %dma_wait3A_384 = arith.constant 0 : i32
    %dma_wait3A_385 = tpu.memref_slice %arg9[%dma_wait3A_382, %dma_wait3A_383, %dma_wait3A_384] : memref<4x80x40xf32, #tpu.memory_space<vmem>> -> memref<1x80x40xf32, #tpu.memory_space<vmem>>
    %dma_wait3A_386 = tpu.memref_squeeze %dma_wait3A_385 : memref<1x80x40xf32, #tpu.memory_space<vmem>> -> memref<80x40xf32, #tpu.memory_space<vmem>>
    %dma_wait3A_387 = arith.constant 0 : i32
    %dma_wait3A_388 = tpu.memref_slice %arg7[%dma_wait3A_381, %dma_wait3A_387] : memref<4x80xi32, #tpu.memory_space<vmem>> -> memref<1x80xi32, #tpu.memory_space<vmem>>
    %dma_wait3A_389 = tpu.memref_squeeze %dma_wait3A_388 : memref<1x80xi32, #tpu.memory_space<vmem>> -> memref<80xi32, #tpu.memory_space<vmem>>
    %dma_wait3A_390 = arith.constant 0 : i32
    %dma_wait3A_391 = arith.constant 0 : i32
    %dma_wait3A_392 = tpu.memref_slice %arg2[%dma_wait3A_390, %dma_wait3A_391] : memref<10000x40xf32, #tpu.memory_space<hbm>> -> memref<10000x40xf32, #tpu.memory_space<hbm>>
    tpu.wait_indirect_dma semaphore(%arg12 : memref<!tpu.dma_semaphore, #tpu.memory_space<semaphore_mem>>) src(%dma_wait3A_392 : memref<10000x40xf32, #tpu.memory_space<hbm>>) dst(%dma_wait3A_386 : memref<80x40xf32, #tpu.memory_space<vmem>>)
    %dma_wait3A_393 = arith.constant 1 : i32
    %dma_wait3A_394 = arith.constant 1 : i32
    %dma_wait3A_395 = arith.constant 0 : i32
    %dma_wait3A_396 = arith.constant 0 : i32
    %dma_wait3A_397 = tpu.memref_slice %arg9[%dma_wait3A_393, %dma_wait3A_395, %dma_wait3A_396] : memref<4x80x40xf32, #tpu.memory_space<vmem>> -> memref<1x80x40xf32, #tpu.memory_space<vmem>>
    %dma_wait3A_398 = tpu.memref_squeeze %dma_wait3A_397 : memref<1x80x40xf32, #tpu.memory_space<vmem>> -> memref<80x40xf32, #tpu.memory_space<vmem>>
    %dma_wait3A_399 = arith.constant 0 : i32
    %dma_wait3A_400 = tpu.memref_slice %arg8[%dma_wait3A_394, %dma_wait3A_399] : memref<8x80xi32, #tpu.memory_space<vmem>> -> memref<1x80xi32, #tpu.memory_space<vmem>>
    %dma_wait3A_401 = tpu.memref_squeeze %dma_wait3A_400 : memref<1x80xi32, #tpu.memory_space<vmem>> -> memref<80xi32, #tpu.memory_space<vmem>>
    %dma_wait3A_402 = arith.constant 0 : i32
    %dma_wait3A_403 = arith.constant 0 : i32
    %dma_wait3A_404 = tpu.memref_slice %arg10[%dma_wait3A_402, %dma_wait3A_403] : memref<10000x40xf32, #tpu.memory_space<vmem_shared>> -> memref<10000x40xf32, #tpu.memory_space<vmem_shared>>
    tpu.wait_indirect_dma semaphore(%arg15 : memref<!tpu.dma_semaphore, #tpu.memory_space<semaphore_mem>>) src(%dma_wait3A_398 : memref<80x40xf32, #tpu.memory_space<vmem>>) dst(%dma_wait3A_404 : memref<10000x40xf32, #tpu.memory_space<vmem_shared>>)
    %dma_start3A_405 = arith.constant 3 : i32
    %dma_start3A_406 = arith.constant 3 : i32
    %dma_start3A_407 = arith.constant 0 : i32
    %dma_start3A_408 = arith.constant 0 : i32
    %dma_start3A_409 = tpu.memref_slice %arg9[%dma_start3A_405, %dma_start3A_407, %dma_start3A_408] : memref<4x80x40xf32, #tpu.memory_space<vmem>> -> memref<1x80x40xf32, #tpu.memory_space<vmem>>
    %dma_start3A_410 = tpu.memref_squeeze %dma_start3A_409 : memref<1x80x40xf32, #tpu.memory_space<vmem>> -> memref<80x40xf32, #tpu.memory_space<vmem>>
    %dma_start3A_411 = arith.constant 0 : i32
    %dma_start3A_412 = tpu.memref_slice %arg8[%dma_start3A_406, %dma_start3A_411] : memref<8x80xi32, #tpu.memory_space<vmem>> -> memref<1x80xi32, #tpu.memory_space<vmem>>
    %dma_start3A_413 = tpu.memref_squeeze %dma_start3A_412 : memref<1x80xi32, #tpu.memory_space<vmem>> -> memref<80xi32, #tpu.memory_space<vmem>>
    %dma_start3A_414 = arith.constant 0 : i32
    %dma_start3A_415 = arith.constant 0 : i32
    %dma_start3A_416 = tpu.memref_slice %arg10[%dma_start3A_414, %dma_start3A_415] : memref<10000x40xf32, #tpu.memory_space<vmem_shared>> -> memref<10000x40xf32, #tpu.memory_space<vmem_shared>>
    tpu.enqueue_indirect_dma source(%dma_start3A_410 : memref<80x40xf32, #tpu.memory_space<vmem>>) target(%dma_start3A_416 : memref<10000x40xf32, #tpu.memory_space<vmem_shared>>) offsets(%dma_start3A_413 : memref<80xi32, #tpu.memory_space<vmem>>) semaphore(%arg15 : memref<!tpu.dma_semaphore, #tpu.memory_space<semaphore_mem>>) {add = true}
    %dma_wait3A_417 = arith.constant 0 : i32
    %dma_wait3A_418 = arith.constant 0 : i32
    %dma_wait3A_419 = arith.constant 0 : i32
    %dma_wait3A_420 = arith.constant 0 : i32
    %dma_wait3A_421 = tpu.memref_slice %arg9[%dma_wait3A_418, %dma_wait3A_419, %dma_wait3A_420] : memref<4x80x40xf32, #tpu.memory_space<vmem>> -> memref<1x80x40xf32, #tpu.memory_space<vmem>>
    %dma_wait3A_422 = tpu.memref_squeeze %dma_wait3A_421 : memref<1x80x40xf32, #tpu.memory_space<vmem>> -> memref<80x40xf32, #tpu.memory_space<vmem>>
    %dma_wait3A_423 = arith.constant 0 : i32
    %dma_wait3A_424 = tpu.memref_slice %arg7[%dma_wait3A_417, %dma_wait3A_423] : memref<4x80xi32, #tpu.memory_space<vmem>> -> memref<1x80xi32, #tpu.memory_space<vmem>>
    %dma_wait3A_425 = tpu.memref_squeeze %dma_wait3A_424 : memref<1x80xi32, #tpu.memory_space<vmem>> -> memref<80xi32, #tpu.memory_space<vmem>>
    %dma_wait3A_426 = arith.constant 0 : i32
    %dma_wait3A_427 = arith.constant 0 : i32
    %dma_wait3A_428 = tpu.memref_slice %arg2[%dma_wait3A_426, %dma_wait3A_427] : memref<10000x40xf32, #tpu.memory_space<hbm>> -> memref<10000x40xf32, #tpu.memory_space<hbm>>
    tpu.wait_indirect_dma semaphore(%arg11 : memref<!tpu.dma_semaphore, #tpu.memory_space<semaphore_mem>>) src(%dma_wait3A_428 : memref<10000x40xf32, #tpu.memory_space<hbm>>) dst(%dma_wait3A_422 : memref<80x40xf32, #tpu.memory_space<vmem>>)
    %dma_wait3A_429 = arith.constant 2 : i32
    %dma_wait3A_430 = arith.constant 2 : i32
    %dma_wait3A_431 = arith.constant 0 : i32
    %dma_wait3A_432 = arith.constant 0 : i32
    %dma_wait3A_433 = tpu.memref_slice %arg9[%dma_wait3A_429, %dma_wait3A_431, %dma_wait3A_432] : memref<4x80x40xf32, #tpu.memory_space<vmem>> -> memref<1x80x40xf32, #tpu.memory_space<vmem>>
    %dma_wait3A_434 = tpu.memref_squeeze %dma_wait3A_433 : memref<1x80x40xf32, #tpu.memory_space<vmem>> -> memref<80x40xf32, #tpu.memory_space<vmem>>
    %dma_wait3A_435 = arith.constant 0 : i32
    %dma_wait3A_436 = tpu.memref_slice %arg8[%dma_wait3A_430, %dma_wait3A_435] : memref<8x80xi32, #tpu.memory_space<vmem>> -> memref<1x80xi32, #tpu.memory_space<vmem>>
    %dma_wait3A_437 = tpu.memref_squeeze %dma_wait3A_436 : memref<1x80xi32, #tpu.memory_space<vmem>> -> memref<80xi32, #tpu.memory_space<vmem>>
    %dma_wait3A_438 = arith.constant 0 : i32
    %dma_wait3A_439 = arith.constant 0 : i32
    %dma_wait3A_440 = tpu.memref_slice %arg10[%dma_wait3A_438, %dma_wait3A_439] : memref<10000x40xf32, #tpu.memory_space<vmem_shared>> -> memref<10000x40xf32, #tpu.memory_space<vmem_shared>>
    tpu.wait_indirect_dma semaphore(%arg14 : memref<!tpu.dma_semaphore, #tpu.memory_space<semaphore_mem>>) src(%dma_wait3A_434 : memref<80x40xf32, #tpu.memory_space<vmem>>) dst(%dma_wait3A_440 : memref<10000x40xf32, #tpu.memory_space<vmem_shared>>)
    %dma_start3A_441 = arith.constant 0 : i32
    %dma_start3A_442 = arith.constant 4 : i32
    %dma_start3A_443 = arith.constant 0 : i32
    %dma_start3A_444 = arith.constant 0 : i32
    %dma_start3A_445 = tpu.memref_slice %arg9[%dma_start3A_441, %dma_start3A_443, %dma_start3A_444] : memref<4x80x40xf32, #tpu.memory_space<vmem>> -> memref<1x80x40xf32, #tpu.memory_space<vmem>>
    %dma_start3A_446 = tpu.memref_squeeze %dma_start3A_445 : memref<1x80x40xf32, #tpu.memory_space<vmem>> -> memref<80x40xf32, #tpu.memory_space<vmem>>
    %dma_start3A_447 = arith.constant 0 : i32
    %dma_start3A_448 = tpu.memref_slice %arg8[%dma_start3A_442, %dma_start3A_447] : memref<8x80xi32, #tpu.memory_space<vmem>> -> memref<1x80xi32, #tpu.memory_space<vmem>>
    %dma_start3A_449 = tpu.memref_squeeze %dma_start3A_448 : memref<1x80xi32, #tpu.memory_space<vmem>> -> memref<80xi32, #tpu.memory_space<vmem>>
    %dma_start3A_450 = arith.constant 0 : i32
    %dma_start3A_451 = arith.constant 0 : i32
    %dma_start3A_452 = tpu.memref_slice %arg10[%dma_start3A_450, %dma_start3A_451] : memref<10000x40xf32, #tpu.memory_space<vmem_shared>> -> memref<10000x40xf32, #tpu.memory_space<vmem_shared>>
    tpu.enqueue_indirect_dma source(%dma_start3A_446 : memref<80x40xf32, #tpu.memory_space<vmem>>) target(%dma_start3A_452 : memref<10000x40xf32, #tpu.memory_space<vmem_shared>>) offsets(%dma_start3A_449 : memref<80xi32, #tpu.memory_space<vmem>>) semaphore(%arg14 : memref<!tpu.dma_semaphore, #tpu.memory_space<semaphore_mem>>) {add = true}
    %dma_wait3A_453 = arith.constant 3 : i32
    %dma_wait3A_454 = arith.constant 3 : i32
    %dma_wait3A_455 = arith.constant 0 : i32
    %dma_wait3A_456 = arith.constant 0 : i32
    %dma_wait3A_457 = tpu.memref_slice %arg9[%dma_wait3A_453, %dma_wait3A_455, %dma_wait3A_456] : memref<4x80x40xf32, #tpu.memory_space<vmem>> -> memref<1x80x40xf32, #tpu.memory_space<vmem>>
    %dma_wait3A_458 = tpu.memref_squeeze %dma_wait3A_457 : memref<1x80x40xf32, #tpu.memory_space<vmem>> -> memref<80x40xf32, #tpu.memory_space<vmem>>
    %dma_wait3A_459 = arith.constant 0 : i32
    %dma_wait3A_460 = tpu.memref_slice %arg8[%dma_wait3A_454, %dma_wait3A_459] : memref<8x80xi32, #tpu.memory_space<vmem>> -> memref<1x80xi32, #tpu.memory_space<vmem>>
    %dma_wait3A_461 = tpu.memref_squeeze %dma_wait3A_460 : memref<1x80xi32, #tpu.memory_space<vmem>> -> memref<80xi32, #tpu.memory_space<vmem>>
    %dma_wait3A_462 = arith.constant 0 : i32
    %dma_wait3A_463 = arith.constant 0 : i32
    %dma_wait3A_464 = tpu.memref_slice %arg10[%dma_wait3A_462, %dma_wait3A_463] : memref<10000x40xf32, #tpu.memory_space<vmem_shared>> -> memref<10000x40xf32, #tpu.memory_space<vmem_shared>>
    tpu.wait_indirect_dma semaphore(%arg15 : memref<!tpu.dma_semaphore, #tpu.memory_space<semaphore_mem>>) src(%dma_wait3A_458 : memref<80x40xf32, #tpu.memory_space<vmem>>) dst(%dma_wait3A_464 : memref<10000x40xf32, #tpu.memory_space<vmem_shared>>)
    %dma_wait3A_465 = arith.constant 0 : i32
    %dma_wait3A_466 = arith.constant 4 : i32
    %dma_wait3A_467 = arith.constant 0 : i32
    %dma_wait3A_468 = arith.constant 0 : i32
    %dma_wait3A_469 = tpu.memref_slice %arg9[%dma_wait3A_465, %dma_wait3A_467, %dma_wait3A_468] : memref<4x80x40xf32, #tpu.memory_space<vmem>> -> memref<1x80x40xf32, #tpu.memory_space<vmem>>
    %dma_wait3A_470 = tpu.memref_squeeze %dma_wait3A_469 : memref<1x80x40xf32, #tpu.memory_space<vmem>> -> memref<80x40xf32, #tpu.memory_space<vmem>>
    %dma_wait3A_471 = arith.constant 0 : i32
    %dma_wait3A_472 = tpu.memref_slice %arg8[%dma_wait3A_466, %dma_wait3A_471] : memref<8x80xi32, #tpu.memory_space<vmem>> -> memref<1x80xi32, #tpu.memory_space<vmem>>
    %dma_wait3A_473 = tpu.memref_squeeze %dma_wait3A_472 : memref<1x80xi32, #tpu.memory_space<vmem>> -> memref<80xi32, #tpu.memory_space<vmem>>
    %dma_wait3A_474 = arith.constant 0 : i32
    %dma_wait3A_475 = arith.constant 0 : i32
    %dma_wait3A_476 = tpu.memref_slice %arg10[%dma_wait3A_474, %dma_wait3A_475] : memref<10000x40xf32, #tpu.memory_space<vmem_shared>> -> memref<10000x40xf32, #tpu.memory_space<vmem_shared>>
    tpu.wait_indirect_dma semaphore(%arg14 : memref<!tpu.dma_semaphore, #tpu.memory_space<semaphore_mem>>) src(%dma_wait3A_470 : memref<80x40xf32, #tpu.memory_space<vmem>>) dst(%dma_wait3A_476 : memref<10000x40xf32, #tpu.memory_space<vmem_shared>>)
    %barrier3A_477 = arith.constant 0 : index
    tpu.barrier barrier_id(%barrier3A_477)
    %lt3A_478 = arith.constant 15 : i32
    %lt3A_479 = arith.cmpi slt, %arg1, %lt3A_478 : i32
    %convert_element_type3A_480 = arith.extui %lt3A_479 : i1 to i32
    %cond3A_481 = arith.constant 0 : i32
    %cond3A_482 = arith.cmpi ne, %convert_element_type3A_480, %cond3A_481 : i32
    scf.if %cond3A_482 {
      %mul3A_488 = arith.constant 640 : i32
      %mul3A_489 = arith.muli %arg1, %mul3A_488 : i32
      %mul3A_490 = arith.constant 640 : i32
      %mul3A_491 = arith.muli %arg1, %mul3A_490 : i32
      "tpu.region"() ({
        %run_scoped3A_492 = tpu.sem_alloc : memref<!tpu.dma_semaphore, #tpu.memory_space<semaphore_mem>>
        %dma_start3A_493 = arith.constant 0 : i32
        %dma_start3A_494 = tpu.memref_slice %arg6[%arg0, %mul3A_491, %dma_start3A_493] : memref<2x10000x40xf32, #tpu.memory_space<hbm>> -> memref<1x640x40xf32, #tpu.memory_space<hbm>>
        %dma_start3A_495 = tpu.memref_squeeze %dma_start3A_494 : memref<1x640x40xf32, #tpu.memory_space<hbm>> -> memref<640x40xf32, #tpu.memory_space<hbm>>
        %dma_start3A_496 = arith.constant 0 : i32
        %dma_start3A_497 = tpu.memref_slice %arg10[%mul3A_489, %dma_start3A_496] : memref<10000x40xf32, #tpu.memory_space<vmem_shared>> -> memref<640x40xf32, #tpu.memory_space<vmem_shared>>
        tpu.enqueue_dma source(%dma_start3A_497 : memref<640x40xf32, #tpu.memory_space<vmem_shared>>) target(%dma_start3A_495 : memref<640x40xf32, #tpu.memory_space<hbm>>) target_semaphore(%run_scoped3A_492 : memref<!tpu.dma_semaphore, #tpu.memory_space<semaphore_mem>>)
        %dma_wait3A_498 = arith.constant 0 : i32
        %dma_wait3A_499 = tpu.memref_slice %arg6[%arg0, %mul3A_491, %dma_wait3A_498] : memref<2x10000x40xf32, #tpu.memory_space<hbm>> -> memref<1x640x40xf32, #tpu.memory_space<hbm>>
        %dma_wait3A_500 = tpu.memref_squeeze %dma_wait3A_499 : memref<1x640x40xf32, #tpu.memory_space<hbm>> -> memref<640x40xf32, #tpu.memory_space<hbm>>
        %dma_wait3A_501 = arith.constant 0 : i32
        %dma_wait3A_502 = tpu.memref_slice %arg10[%mul3A_489, %dma_wait3A_501] : memref<10000x40xf32, #tpu.memory_space<vmem_shared>> -> memref<640x40xf32, #tpu.memory_space<vmem_shared>>
        tpu.wait_dma2 semaphore(%run_scoped3A_492 : memref<!tpu.dma_semaphore, #tpu.memory_space<semaphore_mem>>) src(%dma_wait3A_502 : memref<640x40xf32, #tpu.memory_space<vmem_shared>>) dst(%dma_wait3A_500 : memref<640x40xf32, #tpu.memory_space<hbm>>)
        tpu.yield
      }) : () -> ()
    } else {
    }
    %eq3A_483 = arith.constant 15 : i32
    %eq3A_484 = arith.cmpi eq, %arg1, %eq3A_483 : i32
    %convert_element_type3A_485 = arith.extui %eq3A_484 : i1 to i32
    %cond3A_486 = arith.constant 0 : i32
    %cond3A_487 = arith.cmpi ne, %convert_element_type3A_485, %cond3A_486 : i32
    scf.if %cond3A_487 {
      "tpu.region"() ({
        %run_scoped3A_488 = tpu.sem_alloc : memref<!tpu.dma_semaphore, #tpu.memory_space<semaphore_mem>>
        %dma_start3A_489 = arith.constant 9600 : i32
        %dma_start3A_490 = arith.constant 0 : i32
        %dma_start3A_491 = tpu.memref_slice %arg6[%arg0, %dma_start3A_489, %dma_start3A_490] : memref<2x10000x40xf32, #tpu.memory_space<hbm>> -> memref<1x400x40xf32, #tpu.memory_space<hbm>>
        %dma_start3A_492 = tpu.memref_squeeze %dma_start3A_491 : memref<1x400x40xf32, #tpu.memory_space<hbm>> -> memref<400x40xf32, #tpu.memory_space<hbm>>
        %dma_start3A_493 = arith.constant 9600 : i32
        %dma_start3A_494 = arith.constant 0 : i32
        %dma_start3A_495 = tpu.memref_slice %arg10[%dma_start3A_493, %dma_start3A_494] : memref<10000x40xf32, #tpu.memory_space<vmem_shared>> -> memref<400x40xf32, #tpu.memory_space<vmem_shared>>
        tpu.enqueue_dma source(%dma_start3A_495 : memref<400x40xf32, #tpu.memory_space<vmem_shared>>) target(%dma_start3A_492 : memref<400x40xf32, #tpu.memory_space<hbm>>) target_semaphore(%run_scoped3A_488 : memref<!tpu.dma_semaphore, #tpu.memory_space<semaphore_mem>>)
        %dma_wait3A_496 = arith.constant 9600 : i32
        %dma_wait3A_497 = arith.constant 0 : i32
        %dma_wait3A_498 = tpu.memref_slice %arg6[%arg0, %dma_wait3A_496, %dma_wait3A_497] : memref<2x10000x40xf32, #tpu.memory_space<hbm>> -> memref<1x400x40xf32, #tpu.memory_space<hbm>>
        %dma_wait3A_499 = tpu.memref_squeeze %dma_wait3A_498 : memref<1x400x40xf32, #tpu.memory_space<hbm>> -> memref<400x40xf32, #tpu.memory_space<hbm>>
        %dma_wait3A_500 = arith.constant 9600 : i32
        %dma_wait3A_501 = arith.constant 0 : i32
        %dma_wait3A_502 = tpu.memref_slice %arg10[%dma_wait3A_500, %dma_wait3A_501] : memref<10000x40xf32, #tpu.memory_space<vmem_shared>> -> memref<400x40xf32, #tpu.memory_space<vmem_shared>>
        tpu.wait_dma2 semaphore(%run_scoped3A_488 : memref<!tpu.dma_semaphore, #tpu.memory_space<semaphore_mem>>) src(%dma_wait3A_502 : memref<400x40xf32, #tpu.memory_space<vmem_shared>>) dst(%dma_wait3A_499 : memref<400x40xf32, #tpu.memory_space<hbm>>)
        tpu.yield
      }) : () -> ()
    } else {
    }
    return
  }
}

#map = affine_map<(d0, d1) -> (0, 0)>
#map1 = affine_map<(d0, d1) -> (0, 0, 0)>
module attributes {stable_mosaic.version = 14 : i64} {
  func.func @agg_kernel(%arg0: i32, %arg1: i32, %arg2: memref<10000x128xf32, #tpu.memory_space<hbm>>, %arg3: memref<32x125x80xi32, #tpu.memory_space<hbm>>, %arg4: memref<32x125x80xi32, #tpu.memory_space<hbm>>, %arg5: memref<640x128xf32, #tpu.memory_space<hbm>>, %arg6: memref<2x10000x128xf32, #tpu.memory_space<hbm>>, %arg7: memref<4x80xi32, #tpu.memory_space<vmem>>, %arg8: memref<8x80xi32, #tpu.memory_space<vmem>>, %arg9: memref<4x80x128xf32, #tpu.memory_space<vmem>>, %arg10: memref<10000x128xf32, #tpu.memory_space<vmem_shared>>, %arg11: memref<!tpu.dma_semaphore, #tpu.memory_space<semaphore_mem>>, %arg12: memref<!tpu.dma_semaphore, #tpu.memory_space<semaphore_mem>>, %arg13: memref<!tpu.dma_semaphore, #tpu.memory_space<semaphore_mem>>, %arg14: memref<!tpu.dma_semaphore, #tpu.memory_space<semaphore_mem>>, %arg15: memref<!tpu.dma_semaphore, #tpu.memory_space<semaphore_mem>>) attributes {dimension_semantics = [#tpu.dimension_semantics<core_parallel>, #tpu.dimension_semantics<subcore_parallel>], iteration_bounds = array<i64: 2, 16>, scalar_prefetch = 0 : i64, scratch_operands = 9 : i64, tpu.core_type = #tpu.core_type<sc_vector_subcore>, window_params = [{transform_indices = #map}, {transform_indices = #map1}, {transform_indices = #map1}, {transform_indices = #map}, {transform_indices = #map1}]} {
    %mul3A = arith.constant 16 : i32
    %mul3A_0 = arith.muli %arg0, %mul3A : i32
    %add3A = arith.addi %mul3A_0, %arg1 : i32
    %lt3A = arith.constant 15 : i32
    %lt3A_1 = arith.cmpi slt, %arg1, %lt3A : i32
    %convert_element_type3A = arith.extui %lt3A_1 : i1 to i32
    %cond3A = arith.constant 0 : i32
    %cond3A_2 = arith.cmpi ne, %convert_element_type3A, %cond3A : i32
    scf.if %cond3A_2 {
      %mul3A_488 = arith.constant 640 : i32
      %mul3A_489 = arith.muli %arg1, %mul3A_488 : i32
      "tpu.region"() ({
        %run_scoped3A_490 = tpu.sem_alloc : memref<!tpu.dma_semaphore, #tpu.memory_space<semaphore_mem>>
        %dma_start3A_491 = arith.constant 0 : i32
        %dma_start3A_492 = tpu.memref_slice %arg10[%mul3A_489, %dma_start3A_491] : memref<10000x128xf32, #tpu.memory_space<vmem_shared>> -> memref<640x128xf32, #tpu.memory_space<vmem_shared>>
        tpu.enqueue_dma source(%arg5 : memref<640x128xf32, #tpu.memory_space<hbm>>) target(%dma_start3A_492 : memref<640x128xf32, #tpu.memory_space<vmem_shared>>) target_semaphore(%run_scoped3A_490 : memref<!tpu.dma_semaphore, #tpu.memory_space<semaphore_mem>>)
        %dma_wait3A_493 = arith.constant 0 : i32
        %dma_wait3A_494 = tpu.memref_slice %arg10[%mul3A_489, %dma_wait3A_493] : memref<10000x128xf32, #tpu.memory_space<vmem_shared>> -> memref<640x128xf32, #tpu.memory_space<vmem_shared>>
        tpu.wait_dma2 semaphore(%run_scoped3A_490 : memref<!tpu.dma_semaphore, #tpu.memory_space<semaphore_mem>>) src(%arg5 : memref<640x128xf32, #tpu.memory_space<hbm>>) dst(%dma_wait3A_494 : memref<640x128xf32, #tpu.memory_space<vmem_shared>>)
        tpu.yield
      }) : () -> ()
    } else {
    }
    %eq3A = arith.constant 15 : i32
    %eq3A_3 = arith.cmpi eq, %arg1, %eq3A : i32
    %convert_element_type3A_4 = arith.extui %eq3A_3 : i1 to i32
    %cond3A_5 = arith.constant 0 : i32
    %cond3A_6 = arith.cmpi ne, %convert_element_type3A_4, %cond3A_5 : i32
    scf.if %cond3A_6 {
      "tpu.region"() ({
        %run_scoped3A_488 = tpu.sem_alloc : memref<!tpu.dma_semaphore, #tpu.memory_space<semaphore_mem>>
        %dma_start3A_489 = arith.constant 9600 : i32
        %dma_start3A_490 = arith.constant 0 : i32
        %dma_start3A_491 = tpu.memref_slice %arg10[%dma_start3A_489, %dma_start3A_490] : memref<10000x128xf32, #tpu.memory_space<vmem_shared>> -> memref<400x128xf32, #tpu.memory_space<vmem_shared>>
        %dma_start3A_492 = arith.constant 0 : i32
        %dma_start3A_493 = arith.constant 0 : i32
        %dma_start3A_494 = tpu.memref_slice %arg5[%dma_start3A_492, %dma_start3A_493] : memref<640x128xf32, #tpu.memory_space<hbm>> -> memref<400x128xf32, #tpu.memory_space<hbm>>
        tpu.enqueue_dma source(%dma_start3A_494 : memref<400x128xf32, #tpu.memory_space<hbm>>) target(%dma_start3A_491 : memref<400x128xf32, #tpu.memory_space<vmem_shared>>) target_semaphore(%run_scoped3A_488 : memref<!tpu.dma_semaphore, #tpu.memory_space<semaphore_mem>>)
        %dma_wait3A_495 = arith.constant 9600 : i32
        %dma_wait3A_496 = arith.constant 0 : i32
        %dma_wait3A_497 = tpu.memref_slice %arg10[%dma_wait3A_495, %dma_wait3A_496] : memref<10000x128xf32, #tpu.memory_space<vmem_shared>> -> memref<400x128xf32, #tpu.memory_space<vmem_shared>>
        %dma_wait3A_498 = arith.constant 0 : i32
        %dma_wait3A_499 = arith.constant 0 : i32
        %dma_wait3A_500 = tpu.memref_slice %arg5[%dma_wait3A_498, %dma_wait3A_499] : memref<640x128xf32, #tpu.memory_space<hbm>> -> memref<400x128xf32, #tpu.memory_space<hbm>>
        tpu.wait_dma2 semaphore(%run_scoped3A_488 : memref<!tpu.dma_semaphore, #tpu.memory_space<semaphore_mem>>) src(%dma_wait3A_500 : memref<400x128xf32, #tpu.memory_space<hbm>>) dst(%dma_wait3A_497 : memref<400x128xf32, #tpu.memory_space<vmem_shared>>)
        tpu.yield
      }) : () -> ()
    } else {
    }
    %run_scoped3A = arith.constant 0 : i32
    %run_scoped3A_7 = arith.constant 0 : i32
    "tpu.region"() ({
      %run_scoped3A_488 = tpu.sem_alloc : memref<!tpu.dma_semaphore, #tpu.memory_space<semaphore_mem>>
      %dma_start3A_489 = arith.constant 0 : i32
      %dma_start3A_490 = tpu.memref_slice %arg7[%run_scoped3A_7, %dma_start3A_489] : memref<4x80xi32, #tpu.memory_space<vmem>> -> memref<1x80xi32, #tpu.memory_space<vmem>>
      %dma_start3A_491 = tpu.memref_squeeze %dma_start3A_490 : memref<1x80xi32, #tpu.memory_space<vmem>> -> memref<80xi32, #tpu.memory_space<vmem>>
      %dma_start3A_492 = arith.constant 0 : i32
      %dma_start3A_493 = tpu.memref_slice %arg3[%add3A, %run_scoped3A, %dma_start3A_492] : memref<32x125x80xi32, #tpu.memory_space<hbm>> -> memref<1x1x80xi32, #tpu.memory_space<hbm>>
      %dma_start3A_494 = tpu.memref_squeeze %dma_start3A_493 : memref<1x1x80xi32, #tpu.memory_space<hbm>> -> memref<80xi32, #tpu.memory_space<hbm>>
      %dma_start3A_495 = arith.constant 0 : i32
      %dma_start3A_496 = tpu.memref_slice %arg7[%run_scoped3A_7, %dma_start3A_495] : memref<4x80xi32, #tpu.memory_space<vmem>> -> memref<1x80xi32, #tpu.memory_space<vmem>>
      %dma_start3A_497 = tpu.memref_squeeze %dma_start3A_496 : memref<1x80xi32, #tpu.memory_space<vmem>> -> memref<80xi32, #tpu.memory_space<vmem>>
      %dma_start3A_498 = arith.constant 0 : i32
      %dma_start3A_499 = tpu.memref_slice %arg3[%add3A, %run_scoped3A, %dma_start3A_498] : memref<32x125x80xi32, #tpu.memory_space<hbm>> -> memref<1x1x80xi32, #tpu.memory_space<hbm>>
      %dma_start3A_500 = tpu.memref_squeeze %dma_start3A_499 : memref<1x1x80xi32, #tpu.memory_space<hbm>> -> memref<80xi32, #tpu.memory_space<hbm>>
      tpu.enqueue_dma source(%dma_start3A_500 : memref<80xi32, #tpu.memory_space<hbm>>) target(%dma_start3A_497 : memref<80xi32, #tpu.memory_space<vmem>>) target_semaphore(%run_scoped3A_488 : memref<!tpu.dma_semaphore, #tpu.memory_space<semaphore_mem>>)
      %dma_wait3A_501 = arith.constant 0 : i32
      %dma_wait3A_502 = tpu.memref_slice %arg7[%run_scoped3A_7, %dma_wait3A_501] : memref<4x80xi32, #tpu.memory_space<vmem>> -> memref<1x80xi32, #tpu.memory_space<vmem>>
      %dma_wait3A_503 = tpu.memref_squeeze %dma_wait3A_502 : memref<1x80xi32, #tpu.memory_space<vmem>> -> memref<80xi32, #tpu.memory_space<vmem>>
      %dma_wait3A_504 = arith.constant 0 : i32
      %dma_wait3A_505 = tpu.memref_slice %arg3[%add3A, %run_scoped3A, %dma_wait3A_504] : memref<32x125x80xi32, #tpu.memory_space<hbm>> -> memref<1x1x80xi32, #tpu.memory_space<hbm>>
      %dma_wait3A_506 = tpu.memref_squeeze %dma_wait3A_505 : memref<1x1x80xi32, #tpu.memory_space<hbm>> -> memref<80xi32, #tpu.memory_space<hbm>>
      %dma_wait3A_507 = arith.constant 0 : i32
      %dma_wait3A_508 = tpu.memref_slice %arg7[%run_scoped3A_7, %dma_wait3A_507] : memref<4x80xi32, #tpu.memory_space<vmem>> -> memref<1x80xi32, #tpu.memory_space<vmem>>
      %dma_wait3A_509 = tpu.memref_squeeze %dma_wait3A_508 : memref<1x80xi32, #tpu.memory_space<vmem>> -> memref<80xi32, #tpu.memory_space<vmem>>
      %dma_wait3A_510 = arith.constant 0 : i32
      %dma_wait3A_511 = tpu.memref_slice %arg3[%add3A, %run_scoped3A, %dma_wait3A_510] : memref<32x125x80xi32, #tpu.memory_space<hbm>> -> memref<1x1x80xi32, #tpu.memory_space<hbm>>
      %dma_wait3A_512 = tpu.memref_squeeze %dma_wait3A_511 : memref<1x1x80xi32, #tpu.memory_space<hbm>> -> memref<80xi32, #tpu.memory_space<hbm>>
      tpu.wait_dma2 semaphore(%run_scoped3A_488 : memref<!tpu.dma_semaphore, #tpu.memory_space<semaphore_mem>>) src(%dma_wait3A_512 : memref<80xi32, #tpu.memory_space<hbm>>) dst(%dma_wait3A_509 : memref<80xi32, #tpu.memory_space<vmem>>)
      tpu.yield
    }) : () -> ()
    %run_scoped3A_8 = arith.constant 0 : i32
    %run_scoped3A_9 = arith.constant 0 : i32
    "tpu.region"() ({
      %run_scoped3A_488 = tpu.sem_alloc : memref<!tpu.dma_semaphore, #tpu.memory_space<semaphore_mem>>
      %dma_start3A_489 = arith.constant 0 : i32
      %dma_start3A_490 = tpu.memref_slice %arg8[%run_scoped3A_9, %dma_start3A_489] : memref<8x80xi32, #tpu.memory_space<vmem>> -> memref<1x80xi32, #tpu.memory_space<vmem>>
      %dma_start3A_491 = tpu.memref_squeeze %dma_start3A_490 : memref<1x80xi32, #tpu.memory_space<vmem>> -> memref<80xi32, #tpu.memory_space<vmem>>
      %dma_start3A_492 = arith.constant 0 : i32
      %dma_start3A_493 = tpu.memref_slice %arg4[%add3A, %run_scoped3A_8, %dma_start3A_492] : memref<32x125x80xi32, #tpu.memory_space<hbm>> -> memref<1x1x80xi32, #tpu.memory_space<hbm>>
      %dma_start3A_494 = tpu.memref_squeeze %dma_start3A_493 : memref<1x1x80xi32, #tpu.memory_space<hbm>> -> memref<80xi32, #tpu.memory_space<hbm>>
      %dma_start3A_495 = arith.constant 0 : i32
      %dma_start3A_496 = tpu.memref_slice %arg8[%run_scoped3A_9, %dma_start3A_495] : memref<8x80xi32, #tpu.memory_space<vmem>> -> memref<1x80xi32, #tpu.memory_space<vmem>>
      %dma_start3A_497 = tpu.memref_squeeze %dma_start3A_496 : memref<1x80xi32, #tpu.memory_space<vmem>> -> memref<80xi32, #tpu.memory_space<vmem>>
      %dma_start3A_498 = arith.constant 0 : i32
      %dma_start3A_499 = tpu.memref_slice %arg4[%add3A, %run_scoped3A_8, %dma_start3A_498] : memref<32x125x80xi32, #tpu.memory_space<hbm>> -> memref<1x1x80xi32, #tpu.memory_space<hbm>>
      %dma_start3A_500 = tpu.memref_squeeze %dma_start3A_499 : memref<1x1x80xi32, #tpu.memory_space<hbm>> -> memref<80xi32, #tpu.memory_space<hbm>>
      tpu.enqueue_dma source(%dma_start3A_500 : memref<80xi32, #tpu.memory_space<hbm>>) target(%dma_start3A_497 : memref<80xi32, #tpu.memory_space<vmem>>) target_semaphore(%run_scoped3A_488 : memref<!tpu.dma_semaphore, #tpu.memory_space<semaphore_mem>>)
      %dma_wait3A_501 = arith.constant 0 : i32
      %dma_wait3A_502 = tpu.memref_slice %arg8[%run_scoped3A_9, %dma_wait3A_501] : memref<8x80xi32, #tpu.memory_space<vmem>> -> memref<1x80xi32, #tpu.memory_space<vmem>>
      %dma_wait3A_503 = tpu.memref_squeeze %dma_wait3A_502 : memref<1x80xi32, #tpu.memory_space<vmem>> -> memref<80xi32, #tpu.memory_space<vmem>>
      %dma_wait3A_504 = arith.constant 0 : i32
      %dma_wait3A_505 = tpu.memref_slice %arg4[%add3A, %run_scoped3A_8, %dma_wait3A_504] : memref<32x125x80xi32, #tpu.memory_space<hbm>> -> memref<1x1x80xi32, #tpu.memory_space<hbm>>
      %dma_wait3A_506 = tpu.memref_squeeze %dma_wait3A_505 : memref<1x1x80xi32, #tpu.memory_space<hbm>> -> memref<80xi32, #tpu.memory_space<hbm>>
      %dma_wait3A_507 = arith.constant 0 : i32
      %dma_wait3A_508 = tpu.memref_slice %arg8[%run_scoped3A_9, %dma_wait3A_507] : memref<8x80xi32, #tpu.memory_space<vmem>> -> memref<1x80xi32, #tpu.memory_space<vmem>>
      %dma_wait3A_509 = tpu.memref_squeeze %dma_wait3A_508 : memref<1x80xi32, #tpu.memory_space<vmem>> -> memref<80xi32, #tpu.memory_space<vmem>>
      %dma_wait3A_510 = arith.constant 0 : i32
      %dma_wait3A_511 = tpu.memref_slice %arg4[%add3A, %run_scoped3A_8, %dma_wait3A_510] : memref<32x125x80xi32, #tpu.memory_space<hbm>> -> memref<1x1x80xi32, #tpu.memory_space<hbm>>
      %dma_wait3A_512 = tpu.memref_squeeze %dma_wait3A_511 : memref<1x1x80xi32, #tpu.memory_space<hbm>> -> memref<80xi32, #tpu.memory_space<hbm>>
      tpu.wait_dma2 semaphore(%run_scoped3A_488 : memref<!tpu.dma_semaphore, #tpu.memory_space<semaphore_mem>>) src(%dma_wait3A_512 : memref<80xi32, #tpu.memory_space<hbm>>) dst(%dma_wait3A_509 : memref<80xi32, #tpu.memory_space<vmem>>)
      tpu.yield
    }) : () -> ()
    %barrier3A = arith.constant 0 : index
    tpu.barrier barrier_id(%barrier3A)
    %dma_start3A = arith.constant 0 : i32
    %dma_start3A_10 = arith.constant 0 : i32
    %dma_start3A_11 = arith.constant 0 : i32
    %dma_start3A_12 = arith.constant 0 : i32
    %dma_start3A_13 = tpu.memref_slice %arg9[%dma_start3A_10, %dma_start3A_11, %dma_start3A_12] : memref<4x80x128xf32, #tpu.memory_space<vmem>> -> memref<1x80x128xf32, #tpu.memory_space<vmem>>
    %dma_start3A_14 = tpu.memref_squeeze %dma_start3A_13 : memref<1x80x128xf32, #tpu.memory_space<vmem>> -> memref<80x128xf32, #tpu.memory_space<vmem>>
    %dma_start3A_15 = arith.constant 0 : i32
    %dma_start3A_16 = tpu.memref_slice %arg7[%dma_start3A, %dma_start3A_15] : memref<4x80xi32, #tpu.memory_space<vmem>> -> memref<1x80xi32, #tpu.memory_space<vmem>>
    %dma_start3A_17 = tpu.memref_squeeze %dma_start3A_16 : memref<1x80xi32, #tpu.memory_space<vmem>> -> memref<80xi32, #tpu.memory_space<vmem>>
    %dma_start3A_18 = arith.constant 0 : i32
    %dma_start3A_19 = arith.constant 0 : i32
    %dma_start3A_20 = tpu.memref_slice %arg2[%dma_start3A_18, %dma_start3A_19] : memref<10000x128xf32, #tpu.memory_space<hbm>> -> memref<10000x128xf32, #tpu.memory_space<hbm>>
    tpu.enqueue_indirect_dma source(%dma_start3A_20 : memref<10000x128xf32, #tpu.memory_space<hbm>>) target(%dma_start3A_14 : memref<80x128xf32, #tpu.memory_space<vmem>>) offsets(%dma_start3A_17 : memref<80xi32, #tpu.memory_space<vmem>>) semaphore(%arg11 : memref<!tpu.dma_semaphore, #tpu.memory_space<semaphore_mem>>)
    %dma_start3A_21 = arith.constant 1 : i32
    %dma_start3A_22 = arith.constant 1 : i32
    %dma_start3A_23 = arith.constant 0 : i32
    %dma_start3A_24 = tpu.memref_slice %arg7[%dma_start3A_22, %dma_start3A_23] : memref<4x80xi32, #tpu.memory_space<vmem>> -> memref<1x80xi32, #tpu.memory_space<vmem>>
    %dma_start3A_25 = tpu.memref_squeeze %dma_start3A_24 : memref<1x80xi32, #tpu.memory_space<vmem>> -> memref<80xi32, #tpu.memory_space<vmem>>
    %dma_start3A_26 = arith.constant 0 : i32
    %dma_start3A_27 = tpu.memref_slice %arg3[%add3A, %dma_start3A_21, %dma_start3A_26] : memref<32x125x80xi32, #tpu.memory_space<hbm>> -> memref<1x1x80xi32, #tpu.memory_space<hbm>>
    %dma_start3A_28 = tpu.memref_squeeze %dma_start3A_27 : memref<1x1x80xi32, #tpu.memory_space<hbm>> -> memref<80xi32, #tpu.memory_space<hbm>>
    %dma_start3A_29 = arith.constant 0 : i32
    %dma_start3A_30 = tpu.memref_slice %arg7[%dma_start3A_22, %dma_start3A_29] : memref<4x80xi32, #tpu.memory_space<vmem>> -> memref<1x80xi32, #tpu.memory_space<vmem>>
    %dma_start3A_31 = tpu.memref_squeeze %dma_start3A_30 : memref<1x80xi32, #tpu.memory_space<vmem>> -> memref<80xi32, #tpu.memory_space<vmem>>
    %dma_start3A_32 = arith.constant 0 : i32
    %dma_start3A_33 = tpu.memref_slice %arg3[%add3A, %dma_start3A_21, %dma_start3A_32] : memref<32x125x80xi32, #tpu.memory_space<hbm>> -> memref<1x1x80xi32, #tpu.memory_space<hbm>>
    %dma_start3A_34 = tpu.memref_squeeze %dma_start3A_33 : memref<1x1x80xi32, #tpu.memory_space<hbm>> -> memref<80xi32, #tpu.memory_space<hbm>>
    tpu.enqueue_dma source(%dma_start3A_34 : memref<80xi32, #tpu.memory_space<hbm>>) target(%dma_start3A_31 : memref<80xi32, #tpu.memory_space<vmem>>) target_semaphore(%arg13 : memref<!tpu.dma_semaphore, #tpu.memory_space<semaphore_mem>>)
    %dma_start3A_35 = arith.constant 1 : i32
    %dma_start3A_36 = arith.constant 1 : i32
    %dma_start3A_37 = arith.constant 0 : i32
    %dma_start3A_38 = tpu.memref_slice %arg8[%dma_start3A_36, %dma_start3A_37] : memref<8x80xi32, #tpu.memory_space<vmem>> -> memref<1x80xi32, #tpu.memory_space<vmem>>
    %dma_start3A_39 = tpu.memref_squeeze %dma_start3A_38 : memref<1x80xi32, #tpu.memory_space<vmem>> -> memref<80xi32, #tpu.memory_space<vmem>>
    %dma_start3A_40 = arith.constant 0 : i32
    %dma_start3A_41 = tpu.memref_slice %arg4[%add3A, %dma_start3A_35, %dma_start3A_40] : memref<32x125x80xi32, #tpu.memory_space<hbm>> -> memref<1x1x80xi32, #tpu.memory_space<hbm>>
    %dma_start3A_42 = tpu.memref_squeeze %dma_start3A_41 : memref<1x1x80xi32, #tpu.memory_space<hbm>> -> memref<80xi32, #tpu.memory_space<hbm>>
    %dma_start3A_43 = arith.constant 0 : i32
    %dma_start3A_44 = tpu.memref_slice %arg8[%dma_start3A_36, %dma_start3A_43] : memref<8x80xi32, #tpu.memory_space<vmem>> -> memref<1x80xi32, #tpu.memory_space<vmem>>
    %dma_start3A_45 = tpu.memref_squeeze %dma_start3A_44 : memref<1x80xi32, #tpu.memory_space<vmem>> -> memref<80xi32, #tpu.memory_space<vmem>>
    %dma_start3A_46 = arith.constant 0 : i32
    %dma_start3A_47 = tpu.memref_slice %arg4[%add3A, %dma_start3A_35, %dma_start3A_46] : memref<32x125x80xi32, #tpu.memory_space<hbm>> -> memref<1x1x80xi32, #tpu.memory_space<hbm>>
    %dma_start3A_48 = tpu.memref_squeeze %dma_start3A_47 : memref<1x1x80xi32, #tpu.memory_space<hbm>> -> memref<80xi32, #tpu.memory_space<hbm>>
    tpu.enqueue_dma source(%dma_start3A_48 : memref<80xi32, #tpu.memory_space<hbm>>) target(%dma_start3A_45 : memref<80xi32, #tpu.memory_space<vmem>>) target_semaphore(%arg13 : memref<!tpu.dma_semaphore, #tpu.memory_space<semaphore_mem>>)
    %dma_wait3A = arith.constant 0 : i32
    %dma_wait3A_49 = arith.constant 1 : i32
    %dma_wait3A_50 = arith.constant 0 : i32
    %dma_wait3A_51 = tpu.memref_slice %arg7[%dma_wait3A_49, %dma_wait3A_50] : memref<4x80xi32, #tpu.memory_space<vmem>> -> memref<1x80xi32, #tpu.memory_space<vmem>>
    %dma_wait3A_52 = tpu.memref_squeeze %dma_wait3A_51 : memref<1x80xi32, #tpu.memory_space<vmem>> -> memref<80xi32, #tpu.memory_space<vmem>>
    %dma_wait3A_53 = arith.constant 0 : i32
    %dma_wait3A_54 = tpu.memref_slice %arg3[%add3A, %dma_wait3A, %dma_wait3A_53] : memref<32x125x80xi32, #tpu.memory_space<hbm>> -> memref<1x1x80xi32, #tpu.memory_space<hbm>>
    %dma_wait3A_55 = tpu.memref_squeeze %dma_wait3A_54 : memref<1x1x80xi32, #tpu.memory_space<hbm>> -> memref<80xi32, #tpu.memory_space<hbm>>
    %dma_wait3A_56 = arith.constant 0 : i32
    %dma_wait3A_57 = tpu.memref_slice %arg7[%dma_wait3A_49, %dma_wait3A_56] : memref<4x80xi32, #tpu.memory_space<vmem>> -> memref<1x80xi32, #tpu.memory_space<vmem>>
    %dma_wait3A_58 = tpu.memref_squeeze %dma_wait3A_57 : memref<1x80xi32, #tpu.memory_space<vmem>> -> memref<80xi32, #tpu.memory_space<vmem>>
    %dma_wait3A_59 = arith.constant 0 : i32
    %dma_wait3A_60 = tpu.memref_slice %arg3[%add3A, %dma_wait3A, %dma_wait3A_59] : memref<32x125x80xi32, #tpu.memory_space<hbm>> -> memref<1x1x80xi32, #tpu.memory_space<hbm>>
    %dma_wait3A_61 = tpu.memref_squeeze %dma_wait3A_60 : memref<1x1x80xi32, #tpu.memory_space<hbm>> -> memref<80xi32, #tpu.memory_space<hbm>>
    tpu.wait_dma2 semaphore(%arg13 : memref<!tpu.dma_semaphore, #tpu.memory_space<semaphore_mem>>) src(%dma_wait3A_61 : memref<80xi32, #tpu.memory_space<hbm>>) dst(%dma_wait3A_58 : memref<80xi32, #tpu.memory_space<vmem>>)
    %dma_wait3A_62 = arith.constant 0 : i32
    %dma_wait3A_63 = arith.constant 1 : i32
    %dma_wait3A_64 = arith.constant 0 : i32
    %dma_wait3A_65 = tpu.memref_slice %arg8[%dma_wait3A_63, %dma_wait3A_64] : memref<8x80xi32, #tpu.memory_space<vmem>> -> memref<1x80xi32, #tpu.memory_space<vmem>>
    %dma_wait3A_66 = tpu.memref_squeeze %dma_wait3A_65 : memref<1x80xi32, #tpu.memory_space<vmem>> -> memref<80xi32, #tpu.memory_space<vmem>>
    %dma_wait3A_67 = arith.constant 0 : i32
    %dma_wait3A_68 = tpu.memref_slice %arg4[%add3A, %dma_wait3A_62, %dma_wait3A_67] : memref<32x125x80xi32, #tpu.memory_space<hbm>> -> memref<1x1x80xi32, #tpu.memory_space<hbm>>
    %dma_wait3A_69 = tpu.memref_squeeze %dma_wait3A_68 : memref<1x1x80xi32, #tpu.memory_space<hbm>> -> memref<80xi32, #tpu.memory_space<hbm>>
    %dma_wait3A_70 = arith.constant 0 : i32
    %dma_wait3A_71 = tpu.memref_slice %arg8[%dma_wait3A_63, %dma_wait3A_70] : memref<8x80xi32, #tpu.memory_space<vmem>> -> memref<1x80xi32, #tpu.memory_space<vmem>>
    %dma_wait3A_72 = tpu.memref_squeeze %dma_wait3A_71 : memref<1x80xi32, #tpu.memory_space<vmem>> -> memref<80xi32, #tpu.memory_space<vmem>>
    %dma_wait3A_73 = arith.constant 0 : i32
    %dma_wait3A_74 = tpu.memref_slice %arg4[%add3A, %dma_wait3A_62, %dma_wait3A_73] : memref<32x125x80xi32, #tpu.memory_space<hbm>> -> memref<1x1x80xi32, #tpu.memory_space<hbm>>
    %dma_wait3A_75 = tpu.memref_squeeze %dma_wait3A_74 : memref<1x1x80xi32, #tpu.memory_space<hbm>> -> memref<80xi32, #tpu.memory_space<hbm>>
    tpu.wait_dma2 semaphore(%arg13 : memref<!tpu.dma_semaphore, #tpu.memory_space<semaphore_mem>>) src(%dma_wait3A_75 : memref<80xi32, #tpu.memory_space<hbm>>) dst(%dma_wait3A_72 : memref<80xi32, #tpu.memory_space<vmem>>)
    %dma_start3A_76 = arith.constant 1 : i32
    %dma_start3A_77 = arith.constant 1 : i32
    %dma_start3A_78 = arith.constant 0 : i32
    %dma_start3A_79 = arith.constant 0 : i32
    %dma_start3A_80 = tpu.memref_slice %arg9[%dma_start3A_77, %dma_start3A_78, %dma_start3A_79] : memref<4x80x128xf32, #tpu.memory_space<vmem>> -> memref<1x80x128xf32, #tpu.memory_space<vmem>>
    %dma_start3A_81 = tpu.memref_squeeze %dma_start3A_80 : memref<1x80x128xf32, #tpu.memory_space<vmem>> -> memref<80x128xf32, #tpu.memory_space<vmem>>
    %dma_start3A_82 = arith.constant 0 : i32
    %dma_start3A_83 = tpu.memref_slice %arg7[%dma_start3A_76, %dma_start3A_82] : memref<4x80xi32, #tpu.memory_space<vmem>> -> memref<1x80xi32, #tpu.memory_space<vmem>>
    %dma_start3A_84 = tpu.memref_squeeze %dma_start3A_83 : memref<1x80xi32, #tpu.memory_space<vmem>> -> memref<80xi32, #tpu.memory_space<vmem>>
    %dma_start3A_85 = arith.constant 0 : i32
    %dma_start3A_86 = arith.constant 0 : i32
    %dma_start3A_87 = tpu.memref_slice %arg2[%dma_start3A_85, %dma_start3A_86] : memref<10000x128xf32, #tpu.memory_space<hbm>> -> memref<10000x128xf32, #tpu.memory_space<hbm>>
    tpu.enqueue_indirect_dma source(%dma_start3A_87 : memref<10000x128xf32, #tpu.memory_space<hbm>>) target(%dma_start3A_81 : memref<80x128xf32, #tpu.memory_space<vmem>>) offsets(%dma_start3A_84 : memref<80xi32, #tpu.memory_space<vmem>>) semaphore(%arg12 : memref<!tpu.dma_semaphore, #tpu.memory_space<semaphore_mem>>)
    %dma_start3A_88 = arith.constant 2 : i32
    %dma_start3A_89 = arith.constant 2 : i32
    %dma_start3A_90 = arith.constant 0 : i32
    %dma_start3A_91 = tpu.memref_slice %arg7[%dma_start3A_89, %dma_start3A_90] : memref<4x80xi32, #tpu.memory_space<vmem>> -> memref<1x80xi32, #tpu.memory_space<vmem>>
    %dma_start3A_92 = tpu.memref_squeeze %dma_start3A_91 : memref<1x80xi32, #tpu.memory_space<vmem>> -> memref<80xi32, #tpu.memory_space<vmem>>
    %dma_start3A_93 = arith.constant 0 : i32
    %dma_start3A_94 = tpu.memref_slice %arg3[%add3A, %dma_start3A_88, %dma_start3A_93] : memref<32x125x80xi32, #tpu.memory_space<hbm>> -> memref<1x1x80xi32, #tpu.memory_space<hbm>>
    %dma_start3A_95 = tpu.memref_squeeze %dma_start3A_94 : memref<1x1x80xi32, #tpu.memory_space<hbm>> -> memref<80xi32, #tpu.memory_space<hbm>>
    %dma_start3A_96 = arith.constant 0 : i32
    %dma_start3A_97 = tpu.memref_slice %arg7[%dma_start3A_89, %dma_start3A_96] : memref<4x80xi32, #tpu.memory_space<vmem>> -> memref<1x80xi32, #tpu.memory_space<vmem>>
    %dma_start3A_98 = tpu.memref_squeeze %dma_start3A_97 : memref<1x80xi32, #tpu.memory_space<vmem>> -> memref<80xi32, #tpu.memory_space<vmem>>
    %dma_start3A_99 = arith.constant 0 : i32
    %dma_start3A_100 = tpu.memref_slice %arg3[%add3A, %dma_start3A_88, %dma_start3A_99] : memref<32x125x80xi32, #tpu.memory_space<hbm>> -> memref<1x1x80xi32, #tpu.memory_space<hbm>>
    %dma_start3A_101 = tpu.memref_squeeze %dma_start3A_100 : memref<1x1x80xi32, #tpu.memory_space<hbm>> -> memref<80xi32, #tpu.memory_space<hbm>>
    tpu.enqueue_dma source(%dma_start3A_101 : memref<80xi32, #tpu.memory_space<hbm>>) target(%dma_start3A_98 : memref<80xi32, #tpu.memory_space<vmem>>) target_semaphore(%arg13 : memref<!tpu.dma_semaphore, #tpu.memory_space<semaphore_mem>>)
    %dma_start3A_102 = arith.constant 2 : i32
    %dma_start3A_103 = arith.constant 2 : i32
    %dma_start3A_104 = arith.constant 0 : i32
    %dma_start3A_105 = tpu.memref_slice %arg8[%dma_start3A_103, %dma_start3A_104] : memref<8x80xi32, #tpu.memory_space<vmem>> -> memref<1x80xi32, #tpu.memory_space<vmem>>
    %dma_start3A_106 = tpu.memref_squeeze %dma_start3A_105 : memref<1x80xi32, #tpu.memory_space<vmem>> -> memref<80xi32, #tpu.memory_space<vmem>>
    %dma_start3A_107 = arith.constant 0 : i32
    %dma_start3A_108 = tpu.memref_slice %arg4[%add3A, %dma_start3A_102, %dma_start3A_107] : memref<32x125x80xi32, #tpu.memory_space<hbm>> -> memref<1x1x80xi32, #tpu.memory_space<hbm>>
    %dma_start3A_109 = tpu.memref_squeeze %dma_start3A_108 : memref<1x1x80xi32, #tpu.memory_space<hbm>> -> memref<80xi32, #tpu.memory_space<hbm>>
    %dma_start3A_110 = arith.constant 0 : i32
    %dma_start3A_111 = tpu.memref_slice %arg8[%dma_start3A_103, %dma_start3A_110] : memref<8x80xi32, #tpu.memory_space<vmem>> -> memref<1x80xi32, #tpu.memory_space<vmem>>
    %dma_start3A_112 = tpu.memref_squeeze %dma_start3A_111 : memref<1x80xi32, #tpu.memory_space<vmem>> -> memref<80xi32, #tpu.memory_space<vmem>>
    %dma_start3A_113 = arith.constant 0 : i32
    %dma_start3A_114 = tpu.memref_slice %arg4[%add3A, %dma_start3A_102, %dma_start3A_113] : memref<32x125x80xi32, #tpu.memory_space<hbm>> -> memref<1x1x80xi32, #tpu.memory_space<hbm>>
    %dma_start3A_115 = tpu.memref_squeeze %dma_start3A_114 : memref<1x1x80xi32, #tpu.memory_space<hbm>> -> memref<80xi32, #tpu.memory_space<hbm>>
    tpu.enqueue_dma source(%dma_start3A_115 : memref<80xi32, #tpu.memory_space<hbm>>) target(%dma_start3A_112 : memref<80xi32, #tpu.memory_space<vmem>>) target_semaphore(%arg13 : memref<!tpu.dma_semaphore, #tpu.memory_space<semaphore_mem>>)
    %dma_wait3A_116 = arith.constant 0 : i32
    %dma_wait3A_117 = arith.constant 0 : i32
    %dma_wait3A_118 = arith.constant 0 : i32
    %dma_wait3A_119 = arith.constant 0 : i32
    %dma_wait3A_120 = tpu.memref_slice %arg9[%dma_wait3A_117, %dma_wait3A_118, %dma_wait3A_119] : memref<4x80x128xf32, #tpu.memory_space<vmem>> -> memref<1x80x128xf32, #tpu.memory_space<vmem>>
    %dma_wait3A_121 = tpu.memref_squeeze %dma_wait3A_120 : memref<1x80x128xf32, #tpu.memory_space<vmem>> -> memref<80x128xf32, #tpu.memory_space<vmem>>
    %dma_wait3A_122 = arith.constant 0 : i32
    %dma_wait3A_123 = tpu.memref_slice %arg7[%dma_wait3A_116, %dma_wait3A_122] : memref<4x80xi32, #tpu.memory_space<vmem>> -> memref<1x80xi32, #tpu.memory_space<vmem>>
    %dma_wait3A_124 = tpu.memref_squeeze %dma_wait3A_123 : memref<1x80xi32, #tpu.memory_space<vmem>> -> memref<80xi32, #tpu.memory_space<vmem>>
    %dma_wait3A_125 = arith.constant 0 : i32
    %dma_wait3A_126 = arith.constant 0 : i32
    %dma_wait3A_127 = tpu.memref_slice %arg2[%dma_wait3A_125, %dma_wait3A_126] : memref<10000x128xf32, #tpu.memory_space<hbm>> -> memref<10000x128xf32, #tpu.memory_space<hbm>>
    tpu.wait_indirect_dma semaphore(%arg11 : memref<!tpu.dma_semaphore, #tpu.memory_space<semaphore_mem>>) src(%dma_wait3A_127 : memref<10000x128xf32, #tpu.memory_space<hbm>>) dst(%dma_wait3A_121 : memref<80x128xf32, #tpu.memory_space<vmem>>)
    %dma_start3A_128 = arith.constant 0 : i32
    %dma_start3A_129 = arith.constant 0 : i32
    %dma_start3A_130 = arith.constant 0 : i32
    %dma_start3A_131 = arith.constant 0 : i32
    %dma_start3A_132 = tpu.memref_slice %arg9[%dma_start3A_128, %dma_start3A_130, %dma_start3A_131] : memref<4x80x128xf32, #tpu.memory_space<vmem>> -> memref<1x80x128xf32, #tpu.memory_space<vmem>>
    %dma_start3A_133 = tpu.memref_squeeze %dma_start3A_132 : memref<1x80x128xf32, #tpu.memory_space<vmem>> -> memref<80x128xf32, #tpu.memory_space<vmem>>
    %dma_start3A_134 = arith.constant 0 : i32
    %dma_start3A_135 = tpu.memref_slice %arg8[%dma_start3A_129, %dma_start3A_134] : memref<8x80xi32, #tpu.memory_space<vmem>> -> memref<1x80xi32, #tpu.memory_space<vmem>>
    %dma_start3A_136 = tpu.memref_squeeze %dma_start3A_135 : memref<1x80xi32, #tpu.memory_space<vmem>> -> memref<80xi32, #tpu.memory_space<vmem>>
    %dma_start3A_137 = arith.constant 0 : i32
    %dma_start3A_138 = arith.constant 0 : i32
    %dma_start3A_139 = tpu.memref_slice %arg10[%dma_start3A_137, %dma_start3A_138] : memref<10000x128xf32, #tpu.memory_space<vmem_shared>> -> memref<10000x128xf32, #tpu.memory_space<vmem_shared>>
    tpu.enqueue_indirect_dma source(%dma_start3A_133 : memref<80x128xf32, #tpu.memory_space<vmem>>) target(%dma_start3A_139 : memref<10000x128xf32, #tpu.memory_space<vmem_shared>>) offsets(%dma_start3A_136 : memref<80xi32, #tpu.memory_space<vmem>>) semaphore(%arg14 : memref<!tpu.dma_semaphore, #tpu.memory_space<semaphore_mem>>) {add = true}
    %dma_wait3A_140 = arith.constant 0 : i32
    %dma_wait3A_141 = arith.constant 2 : i32
    %dma_wait3A_142 = arith.constant 0 : i32
    %dma_wait3A_143 = tpu.memref_slice %arg7[%dma_wait3A_141, %dma_wait3A_142] : memref<4x80xi32, #tpu.memory_space<vmem>> -> memref<1x80xi32, #tpu.memory_space<vmem>>
    %dma_wait3A_144 = tpu.memref_squeeze %dma_wait3A_143 : memref<1x80xi32, #tpu.memory_space<vmem>> -> memref<80xi32, #tpu.memory_space<vmem>>
    %dma_wait3A_145 = arith.constant 0 : i32
    %dma_wait3A_146 = tpu.memref_slice %arg3[%add3A, %dma_wait3A_140, %dma_wait3A_145] : memref<32x125x80xi32, #tpu.memory_space<hbm>> -> memref<1x1x80xi32, #tpu.memory_space<hbm>>
    %dma_wait3A_147 = tpu.memref_squeeze %dma_wait3A_146 : memref<1x1x80xi32, #tpu.memory_space<hbm>> -> memref<80xi32, #tpu.memory_space<hbm>>
    %dma_wait3A_148 = arith.constant 0 : i32
    %dma_wait3A_149 = tpu.memref_slice %arg7[%dma_wait3A_141, %dma_wait3A_148] : memref<4x80xi32, #tpu.memory_space<vmem>> -> memref<1x80xi32, #tpu.memory_space<vmem>>
    %dma_wait3A_150 = tpu.memref_squeeze %dma_wait3A_149 : memref<1x80xi32, #tpu.memory_space<vmem>> -> memref<80xi32, #tpu.memory_space<vmem>>
    %dma_wait3A_151 = arith.constant 0 : i32
    %dma_wait3A_152 = tpu.memref_slice %arg3[%add3A, %dma_wait3A_140, %dma_wait3A_151] : memref<32x125x80xi32, #tpu.memory_space<hbm>> -> memref<1x1x80xi32, #tpu.memory_space<hbm>>
    %dma_wait3A_153 = tpu.memref_squeeze %dma_wait3A_152 : memref<1x1x80xi32, #tpu.memory_space<hbm>> -> memref<80xi32, #tpu.memory_space<hbm>>
    tpu.wait_dma2 semaphore(%arg13 : memref<!tpu.dma_semaphore, #tpu.memory_space<semaphore_mem>>) src(%dma_wait3A_153 : memref<80xi32, #tpu.memory_space<hbm>>) dst(%dma_wait3A_150 : memref<80xi32, #tpu.memory_space<vmem>>)
    %dma_wait3A_154 = arith.constant 0 : i32
    %dma_wait3A_155 = arith.constant 2 : i32
    %dma_wait3A_156 = arith.constant 0 : i32
    %dma_wait3A_157 = tpu.memref_slice %arg8[%dma_wait3A_155, %dma_wait3A_156] : memref<8x80xi32, #tpu.memory_space<vmem>> -> memref<1x80xi32, #tpu.memory_space<vmem>>
    %dma_wait3A_158 = tpu.memref_squeeze %dma_wait3A_157 : memref<1x80xi32, #tpu.memory_space<vmem>> -> memref<80xi32, #tpu.memory_space<vmem>>
    %dma_wait3A_159 = arith.constant 0 : i32
    %dma_wait3A_160 = tpu.memref_slice %arg4[%add3A, %dma_wait3A_154, %dma_wait3A_159] : memref<32x125x80xi32, #tpu.memory_space<hbm>> -> memref<1x1x80xi32, #tpu.memory_space<hbm>>
    %dma_wait3A_161 = tpu.memref_squeeze %dma_wait3A_160 : memref<1x1x80xi32, #tpu.memory_space<hbm>> -> memref<80xi32, #tpu.memory_space<hbm>>
    %dma_wait3A_162 = arith.constant 0 : i32
    %dma_wait3A_163 = tpu.memref_slice %arg8[%dma_wait3A_155, %dma_wait3A_162] : memref<8x80xi32, #tpu.memory_space<vmem>> -> memref<1x80xi32, #tpu.memory_space<vmem>>
    %dma_wait3A_164 = tpu.memref_squeeze %dma_wait3A_163 : memref<1x80xi32, #tpu.memory_space<vmem>> -> memref<80xi32, #tpu.memory_space<vmem>>
    %dma_wait3A_165 = arith.constant 0 : i32
    %dma_wait3A_166 = tpu.memref_slice %arg4[%add3A, %dma_wait3A_154, %dma_wait3A_165] : memref<32x125x80xi32, #tpu.memory_space<hbm>> -> memref<1x1x80xi32, #tpu.memory_space<hbm>>
    %dma_wait3A_167 = tpu.memref_squeeze %dma_wait3A_166 : memref<1x1x80xi32, #tpu.memory_space<hbm>> -> memref<80xi32, #tpu.memory_space<hbm>>
    tpu.wait_dma2 semaphore(%arg13 : memref<!tpu.dma_semaphore, #tpu.memory_space<semaphore_mem>>) src(%dma_wait3A_167 : memref<80xi32, #tpu.memory_space<hbm>>) dst(%dma_wait3A_164 : memref<80xi32, #tpu.memory_space<vmem>>)
    %dma_start3A_168 = arith.constant 2 : i32
    %dma_start3A_169 = arith.constant 2 : i32
    %dma_start3A_170 = arith.constant 0 : i32
    %dma_start3A_171 = arith.constant 0 : i32
    %dma_start3A_172 = tpu.memref_slice %arg9[%dma_start3A_169, %dma_start3A_170, %dma_start3A_171] : memref<4x80x128xf32, #tpu.memory_space<vmem>> -> memref<1x80x128xf32, #tpu.memory_space<vmem>>
    %dma_start3A_173 = tpu.memref_squeeze %dma_start3A_172 : memref<1x80x128xf32, #tpu.memory_space<vmem>> -> memref<80x128xf32, #tpu.memory_space<vmem>>
    %dma_start3A_174 = arith.constant 0 : i32
    %dma_start3A_175 = tpu.memref_slice %arg7[%dma_start3A_168, %dma_start3A_174] : memref<4x80xi32, #tpu.memory_space<vmem>> -> memref<1x80xi32, #tpu.memory_space<vmem>>
    %dma_start3A_176 = tpu.memref_squeeze %dma_start3A_175 : memref<1x80xi32, #tpu.memory_space<vmem>> -> memref<80xi32, #tpu.memory_space<vmem>>
    %dma_start3A_177 = arith.constant 0 : i32
    %dma_start3A_178 = arith.constant 0 : i32
    %dma_start3A_179 = tpu.memref_slice %arg2[%dma_start3A_177, %dma_start3A_178] : memref<10000x128xf32, #tpu.memory_space<hbm>> -> memref<10000x128xf32, #tpu.memory_space<hbm>>
    tpu.enqueue_indirect_dma source(%dma_start3A_179 : memref<10000x128xf32, #tpu.memory_space<hbm>>) target(%dma_start3A_173 : memref<80x128xf32, #tpu.memory_space<vmem>>) offsets(%dma_start3A_176 : memref<80xi32, #tpu.memory_space<vmem>>) semaphore(%arg11 : memref<!tpu.dma_semaphore, #tpu.memory_space<semaphore_mem>>)
    %dma_start3A_180 = arith.constant 3 : i32
    %dma_start3A_181 = arith.constant 3 : i32
    %dma_start3A_182 = arith.constant 0 : i32
    %dma_start3A_183 = tpu.memref_slice %arg7[%dma_start3A_181, %dma_start3A_182] : memref<4x80xi32, #tpu.memory_space<vmem>> -> memref<1x80xi32, #tpu.memory_space<vmem>>
    %dma_start3A_184 = tpu.memref_squeeze %dma_start3A_183 : memref<1x80xi32, #tpu.memory_space<vmem>> -> memref<80xi32, #tpu.memory_space<vmem>>
    %dma_start3A_185 = arith.constant 0 : i32
    %dma_start3A_186 = tpu.memref_slice %arg3[%add3A, %dma_start3A_180, %dma_start3A_185] : memref<32x125x80xi32, #tpu.memory_space<hbm>> -> memref<1x1x80xi32, #tpu.memory_space<hbm>>
    %dma_start3A_187 = tpu.memref_squeeze %dma_start3A_186 : memref<1x1x80xi32, #tpu.memory_space<hbm>> -> memref<80xi32, #tpu.memory_space<hbm>>
    %dma_start3A_188 = arith.constant 0 : i32
    %dma_start3A_189 = tpu.memref_slice %arg7[%dma_start3A_181, %dma_start3A_188] : memref<4x80xi32, #tpu.memory_space<vmem>> -> memref<1x80xi32, #tpu.memory_space<vmem>>
    %dma_start3A_190 = tpu.memref_squeeze %dma_start3A_189 : memref<1x80xi32, #tpu.memory_space<vmem>> -> memref<80xi32, #tpu.memory_space<vmem>>
    %dma_start3A_191 = arith.constant 0 : i32
    %dma_start3A_192 = tpu.memref_slice %arg3[%add3A, %dma_start3A_180, %dma_start3A_191] : memref<32x125x80xi32, #tpu.memory_space<hbm>> -> memref<1x1x80xi32, #tpu.memory_space<hbm>>
    %dma_start3A_193 = tpu.memref_squeeze %dma_start3A_192 : memref<1x1x80xi32, #tpu.memory_space<hbm>> -> memref<80xi32, #tpu.memory_space<hbm>>
    tpu.enqueue_dma source(%dma_start3A_193 : memref<80xi32, #tpu.memory_space<hbm>>) target(%dma_start3A_190 : memref<80xi32, #tpu.memory_space<vmem>>) target_semaphore(%arg13 : memref<!tpu.dma_semaphore, #tpu.memory_space<semaphore_mem>>)
    %dma_start3A_194 = arith.constant 3 : i32
    %dma_start3A_195 = arith.constant 3 : i32
    %dma_start3A_196 = arith.constant 0 : i32
    %dma_start3A_197 = tpu.memref_slice %arg8[%dma_start3A_195, %dma_start3A_196] : memref<8x80xi32, #tpu.memory_space<vmem>> -> memref<1x80xi32, #tpu.memory_space<vmem>>
    %dma_start3A_198 = tpu.memref_squeeze %dma_start3A_197 : memref<1x80xi32, #tpu.memory_space<vmem>> -> memref<80xi32, #tpu.memory_space<vmem>>
    %dma_start3A_199 = arith.constant 0 : i32
    %dma_start3A_200 = tpu.memref_slice %arg4[%add3A, %dma_start3A_194, %dma_start3A_199] : memref<32x125x80xi32, #tpu.memory_space<hbm>> -> memref<1x1x80xi32, #tpu.memory_space<hbm>>
    %dma_start3A_201 = tpu.memref_squeeze %dma_start3A_200 : memref<1x1x80xi32, #tpu.memory_space<hbm>> -> memref<80xi32, #tpu.memory_space<hbm>>
    %dma_start3A_202 = arith.constant 0 : i32
    %dma_start3A_203 = tpu.memref_slice %arg8[%dma_start3A_195, %dma_start3A_202] : memref<8x80xi32, #tpu.memory_space<vmem>> -> memref<1x80xi32, #tpu.memory_space<vmem>>
    %dma_start3A_204 = tpu.memref_squeeze %dma_start3A_203 : memref<1x80xi32, #tpu.memory_space<vmem>> -> memref<80xi32, #tpu.memory_space<vmem>>
    %dma_start3A_205 = arith.constant 0 : i32
    %dma_start3A_206 = tpu.memref_slice %arg4[%add3A, %dma_start3A_194, %dma_start3A_205] : memref<32x125x80xi32, #tpu.memory_space<hbm>> -> memref<1x1x80xi32, #tpu.memory_space<hbm>>
    %dma_start3A_207 = tpu.memref_squeeze %dma_start3A_206 : memref<1x1x80xi32, #tpu.memory_space<hbm>> -> memref<80xi32, #tpu.memory_space<hbm>>
    tpu.enqueue_dma source(%dma_start3A_207 : memref<80xi32, #tpu.memory_space<hbm>>) target(%dma_start3A_204 : memref<80xi32, #tpu.memory_space<vmem>>) target_semaphore(%arg13 : memref<!tpu.dma_semaphore, #tpu.memory_space<semaphore_mem>>)
    %dma_wait3A_208 = arith.constant 1 : i32
    %dma_wait3A_209 = arith.constant 1 : i32
    %dma_wait3A_210 = arith.constant 0 : i32
    %dma_wait3A_211 = arith.constant 0 : i32
    %dma_wait3A_212 = tpu.memref_slice %arg9[%dma_wait3A_209, %dma_wait3A_210, %dma_wait3A_211] : memref<4x80x128xf32, #tpu.memory_space<vmem>> -> memref<1x80x128xf32, #tpu.memory_space<vmem>>
    %dma_wait3A_213 = tpu.memref_squeeze %dma_wait3A_212 : memref<1x80x128xf32, #tpu.memory_space<vmem>> -> memref<80x128xf32, #tpu.memory_space<vmem>>
    %dma_wait3A_214 = arith.constant 0 : i32
    %dma_wait3A_215 = tpu.memref_slice %arg7[%dma_wait3A_208, %dma_wait3A_214] : memref<4x80xi32, #tpu.memory_space<vmem>> -> memref<1x80xi32, #tpu.memory_space<vmem>>
    %dma_wait3A_216 = tpu.memref_squeeze %dma_wait3A_215 : memref<1x80xi32, #tpu.memory_space<vmem>> -> memref<80xi32, #tpu.memory_space<vmem>>
    %dma_wait3A_217 = arith.constant 0 : i32
    %dma_wait3A_218 = arith.constant 0 : i32
    %dma_wait3A_219 = tpu.memref_slice %arg2[%dma_wait3A_217, %dma_wait3A_218] : memref<10000x128xf32, #tpu.memory_space<hbm>> -> memref<10000x128xf32, #tpu.memory_space<hbm>>
    tpu.wait_indirect_dma semaphore(%arg12 : memref<!tpu.dma_semaphore, #tpu.memory_space<semaphore_mem>>) src(%dma_wait3A_219 : memref<10000x128xf32, #tpu.memory_space<hbm>>) dst(%dma_wait3A_213 : memref<80x128xf32, #tpu.memory_space<vmem>>)
    %dma_start3A_220 = arith.constant 1 : i32
    %dma_start3A_221 = arith.constant 1 : i32
    %dma_start3A_222 = arith.constant 0 : i32
    %dma_start3A_223 = arith.constant 0 : i32
    %dma_start3A_224 = tpu.memref_slice %arg9[%dma_start3A_220, %dma_start3A_222, %dma_start3A_223] : memref<4x80x128xf32, #tpu.memory_space<vmem>> -> memref<1x80x128xf32, #tpu.memory_space<vmem>>
    %dma_start3A_225 = tpu.memref_squeeze %dma_start3A_224 : memref<1x80x128xf32, #tpu.memory_space<vmem>> -> memref<80x128xf32, #tpu.memory_space<vmem>>
    %dma_start3A_226 = arith.constant 0 : i32
    %dma_start3A_227 = tpu.memref_slice %arg8[%dma_start3A_221, %dma_start3A_226] : memref<8x80xi32, #tpu.memory_space<vmem>> -> memref<1x80xi32, #tpu.memory_space<vmem>>
    %dma_start3A_228 = tpu.memref_squeeze %dma_start3A_227 : memref<1x80xi32, #tpu.memory_space<vmem>> -> memref<80xi32, #tpu.memory_space<vmem>>
    %dma_start3A_229 = arith.constant 0 : i32
    %dma_start3A_230 = arith.constant 0 : i32
    %dma_start3A_231 = tpu.memref_slice %arg10[%dma_start3A_229, %dma_start3A_230] : memref<10000x128xf32, #tpu.memory_space<vmem_shared>> -> memref<10000x128xf32, #tpu.memory_space<vmem_shared>>
    tpu.enqueue_indirect_dma source(%dma_start3A_225 : memref<80x128xf32, #tpu.memory_space<vmem>>) target(%dma_start3A_231 : memref<10000x128xf32, #tpu.memory_space<vmem_shared>>) offsets(%dma_start3A_228 : memref<80xi32, #tpu.memory_space<vmem>>) semaphore(%arg15 : memref<!tpu.dma_semaphore, #tpu.memory_space<semaphore_mem>>) {add = true}
    %dma_wait3A_232 = arith.constant 0 : i32
    %dma_wait3A_233 = arith.constant 3 : i32
    %dma_wait3A_234 = arith.constant 0 : i32
    %dma_wait3A_235 = tpu.memref_slice %arg7[%dma_wait3A_233, %dma_wait3A_234] : memref<4x80xi32, #tpu.memory_space<vmem>> -> memref<1x80xi32, #tpu.memory_space<vmem>>
    %dma_wait3A_236 = tpu.memref_squeeze %dma_wait3A_235 : memref<1x80xi32, #tpu.memory_space<vmem>> -> memref<80xi32, #tpu.memory_space<vmem>>
    %dma_wait3A_237 = arith.constant 0 : i32
    %dma_wait3A_238 = tpu.memref_slice %arg3[%add3A, %dma_wait3A_232, %dma_wait3A_237] : memref<32x125x80xi32, #tpu.memory_space<hbm>> -> memref<1x1x80xi32, #tpu.memory_space<hbm>>
    %dma_wait3A_239 = tpu.memref_squeeze %dma_wait3A_238 : memref<1x1x80xi32, #tpu.memory_space<hbm>> -> memref<80xi32, #tpu.memory_space<hbm>>
    %dma_wait3A_240 = arith.constant 0 : i32
    %dma_wait3A_241 = tpu.memref_slice %arg7[%dma_wait3A_233, %dma_wait3A_240] : memref<4x80xi32, #tpu.memory_space<vmem>> -> memref<1x80xi32, #tpu.memory_space<vmem>>
    %dma_wait3A_242 = tpu.memref_squeeze %dma_wait3A_241 : memref<1x80xi32, #tpu.memory_space<vmem>> -> memref<80xi32, #tpu.memory_space<vmem>>
    %dma_wait3A_243 = arith.constant 0 : i32
    %dma_wait3A_244 = tpu.memref_slice %arg3[%add3A, %dma_wait3A_232, %dma_wait3A_243] : memref<32x125x80xi32, #tpu.memory_space<hbm>> -> memref<1x1x80xi32, #tpu.memory_space<hbm>>
    %dma_wait3A_245 = tpu.memref_squeeze %dma_wait3A_244 : memref<1x1x80xi32, #tpu.memory_space<hbm>> -> memref<80xi32, #tpu.memory_space<hbm>>
    tpu.wait_dma2 semaphore(%arg13 : memref<!tpu.dma_semaphore, #tpu.memory_space<semaphore_mem>>) src(%dma_wait3A_245 : memref<80xi32, #tpu.memory_space<hbm>>) dst(%dma_wait3A_242 : memref<80xi32, #tpu.memory_space<vmem>>)
    %dma_wait3A_246 = arith.constant 0 : i32
    %dma_wait3A_247 = arith.constant 3 : i32
    %dma_wait3A_248 = arith.constant 0 : i32
    %dma_wait3A_249 = tpu.memref_slice %arg8[%dma_wait3A_247, %dma_wait3A_248] : memref<8x80xi32, #tpu.memory_space<vmem>> -> memref<1x80xi32, #tpu.memory_space<vmem>>
    %dma_wait3A_250 = tpu.memref_squeeze %dma_wait3A_249 : memref<1x80xi32, #tpu.memory_space<vmem>> -> memref<80xi32, #tpu.memory_space<vmem>>
    %dma_wait3A_251 = arith.constant 0 : i32
    %dma_wait3A_252 = tpu.memref_slice %arg4[%add3A, %dma_wait3A_246, %dma_wait3A_251] : memref<32x125x80xi32, #tpu.memory_space<hbm>> -> memref<1x1x80xi32, #tpu.memory_space<hbm>>
    %dma_wait3A_253 = tpu.memref_squeeze %dma_wait3A_252 : memref<1x1x80xi32, #tpu.memory_space<hbm>> -> memref<80xi32, #tpu.memory_space<hbm>>
    %dma_wait3A_254 = arith.constant 0 : i32
    %dma_wait3A_255 = tpu.memref_slice %arg8[%dma_wait3A_247, %dma_wait3A_254] : memref<8x80xi32, #tpu.memory_space<vmem>> -> memref<1x80xi32, #tpu.memory_space<vmem>>
    %dma_wait3A_256 = tpu.memref_squeeze %dma_wait3A_255 : memref<1x80xi32, #tpu.memory_space<vmem>> -> memref<80xi32, #tpu.memory_space<vmem>>
    %dma_wait3A_257 = arith.constant 0 : i32
    %dma_wait3A_258 = tpu.memref_slice %arg4[%add3A, %dma_wait3A_246, %dma_wait3A_257] : memref<32x125x80xi32, #tpu.memory_space<hbm>> -> memref<1x1x80xi32, #tpu.memory_space<hbm>>
    %dma_wait3A_259 = tpu.memref_squeeze %dma_wait3A_258 : memref<1x1x80xi32, #tpu.memory_space<hbm>> -> memref<80xi32, #tpu.memory_space<hbm>>
    tpu.wait_dma2 semaphore(%arg13 : memref<!tpu.dma_semaphore, #tpu.memory_space<semaphore_mem>>) src(%dma_wait3A_259 : memref<80xi32, #tpu.memory_space<hbm>>) dst(%dma_wait3A_256 : memref<80xi32, #tpu.memory_space<vmem>>)
    %dma_start3A_260 = arith.constant 3 : i32
    %dma_start3A_261 = arith.constant 3 : i32
    %dma_start3A_262 = arith.constant 0 : i32
    %dma_start3A_263 = arith.constant 0 : i32
    %dma_start3A_264 = tpu.memref_slice %arg9[%dma_start3A_261, %dma_start3A_262, %dma_start3A_263] : memref<4x80x128xf32, #tpu.memory_space<vmem>> -> memref<1x80x128xf32, #tpu.memory_space<vmem>>
    %dma_start3A_265 = tpu.memref_squeeze %dma_start3A_264 : memref<1x80x128xf32, #tpu.memory_space<vmem>> -> memref<80x128xf32, #tpu.memory_space<vmem>>
    %dma_start3A_266 = arith.constant 0 : i32
    %dma_start3A_267 = tpu.memref_slice %arg7[%dma_start3A_260, %dma_start3A_266] : memref<4x80xi32, #tpu.memory_space<vmem>> -> memref<1x80xi32, #tpu.memory_space<vmem>>
    %dma_start3A_268 = tpu.memref_squeeze %dma_start3A_267 : memref<1x80xi32, #tpu.memory_space<vmem>> -> memref<80xi32, #tpu.memory_space<vmem>>
    %dma_start3A_269 = arith.constant 0 : i32
    %dma_start3A_270 = arith.constant 0 : i32
    %dma_start3A_271 = tpu.memref_slice %arg2[%dma_start3A_269, %dma_start3A_270] : memref<10000x128xf32, #tpu.memory_space<hbm>> -> memref<10000x128xf32, #tpu.memory_space<hbm>>
    tpu.enqueue_indirect_dma source(%dma_start3A_271 : memref<10000x128xf32, #tpu.memory_space<hbm>>) target(%dma_start3A_265 : memref<80x128xf32, #tpu.memory_space<vmem>>) offsets(%dma_start3A_268 : memref<80xi32, #tpu.memory_space<vmem>>) semaphore(%arg12 : memref<!tpu.dma_semaphore, #tpu.memory_space<semaphore_mem>>)
    %dma_start3A_272 = arith.constant 4 : i32
    %dma_start3A_273 = arith.constant 0 : i32
    %dma_start3A_274 = arith.constant 0 : i32
    %dma_start3A_275 = tpu.memref_slice %arg7[%dma_start3A_273, %dma_start3A_274] : memref<4x80xi32, #tpu.memory_space<vmem>> -> memref<1x80xi32, #tpu.memory_space<vmem>>
    %dma_start3A_276 = tpu.memref_squeeze %dma_start3A_275 : memref<1x80xi32, #tpu.memory_space<vmem>> -> memref<80xi32, #tpu.memory_space<vmem>>
    %dma_start3A_277 = arith.constant 0 : i32
    %dma_start3A_278 = tpu.memref_slice %arg3[%add3A, %dma_start3A_272, %dma_start3A_277] : memref<32x125x80xi32, #tpu.memory_space<hbm>> -> memref<1x1x80xi32, #tpu.memory_space<hbm>>
    %dma_start3A_279 = tpu.memref_squeeze %dma_start3A_278 : memref<1x1x80xi32, #tpu.memory_space<hbm>> -> memref<80xi32, #tpu.memory_space<hbm>>
    %dma_start3A_280 = arith.constant 0 : i32
    %dma_start3A_281 = tpu.memref_slice %arg7[%dma_start3A_273, %dma_start3A_280] : memref<4x80xi32, #tpu.memory_space<vmem>> -> memref<1x80xi32, #tpu.memory_space<vmem>>
    %dma_start3A_282 = tpu.memref_squeeze %dma_start3A_281 : memref<1x80xi32, #tpu.memory_space<vmem>> -> memref<80xi32, #tpu.memory_space<vmem>>
    %dma_start3A_283 = arith.constant 0 : i32
    %dma_start3A_284 = tpu.memref_slice %arg3[%add3A, %dma_start3A_272, %dma_start3A_283] : memref<32x125x80xi32, #tpu.memory_space<hbm>> -> memref<1x1x80xi32, #tpu.memory_space<hbm>>
    %dma_start3A_285 = tpu.memref_squeeze %dma_start3A_284 : memref<1x1x80xi32, #tpu.memory_space<hbm>> -> memref<80xi32, #tpu.memory_space<hbm>>
    tpu.enqueue_dma source(%dma_start3A_285 : memref<80xi32, #tpu.memory_space<hbm>>) target(%dma_start3A_282 : memref<80xi32, #tpu.memory_space<vmem>>) target_semaphore(%arg13 : memref<!tpu.dma_semaphore, #tpu.memory_space<semaphore_mem>>)
    %dma_start3A_286 = arith.constant 4 : i32
    %dma_start3A_287 = arith.constant 4 : i32
    %dma_start3A_288 = arith.constant 0 : i32
    %dma_start3A_289 = tpu.memref_slice %arg8[%dma_start3A_287, %dma_start3A_288] : memref<8x80xi32, #tpu.memory_space<vmem>> -> memref<1x80xi32, #tpu.memory_space<vmem>>
    %dma_start3A_290 = tpu.memref_squeeze %dma_start3A_289 : memref<1x80xi32, #tpu.memory_space<vmem>> -> memref<80xi32, #tpu.memory_space<vmem>>
    %dma_start3A_291 = arith.constant 0 : i32
    %dma_start3A_292 = tpu.memref_slice %arg4[%add3A, %dma_start3A_286, %dma_start3A_291] : memref<32x125x80xi32, #tpu.memory_space<hbm>> -> memref<1x1x80xi32, #tpu.memory_space<hbm>>
    %dma_start3A_293 = tpu.memref_squeeze %dma_start3A_292 : memref<1x1x80xi32, #tpu.memory_space<hbm>> -> memref<80xi32, #tpu.memory_space<hbm>>
    %dma_start3A_294 = arith.constant 0 : i32
    %dma_start3A_295 = tpu.memref_slice %arg8[%dma_start3A_287, %dma_start3A_294] : memref<8x80xi32, #tpu.memory_space<vmem>> -> memref<1x80xi32, #tpu.memory_space<vmem>>
    %dma_start3A_296 = tpu.memref_squeeze %dma_start3A_295 : memref<1x80xi32, #tpu.memory_space<vmem>> -> memref<80xi32, #tpu.memory_space<vmem>>
    %dma_start3A_297 = arith.constant 0 : i32
    %dma_start3A_298 = tpu.memref_slice %arg4[%add3A, %dma_start3A_286, %dma_start3A_297] : memref<32x125x80xi32, #tpu.memory_space<hbm>> -> memref<1x1x80xi32, #tpu.memory_space<hbm>>
    %dma_start3A_299 = tpu.memref_squeeze %dma_start3A_298 : memref<1x1x80xi32, #tpu.memory_space<hbm>> -> memref<80xi32, #tpu.memory_space<hbm>>
    tpu.enqueue_dma source(%dma_start3A_299 : memref<80xi32, #tpu.memory_space<hbm>>) target(%dma_start3A_296 : memref<80xi32, #tpu.memory_space<vmem>>) target_semaphore(%arg13 : memref<!tpu.dma_semaphore, #tpu.memory_space<semaphore_mem>>)
    %scan3A = arith.constant 0 : i32
    %scan3A_300 = arith.constant 0 : i32
    %scan3A_301 = arith.constant 60 : i32
    %scan3A_302 = arith.addi %scan3A_300, %scan3A_301 : i32
    %scan3A_303 = arith.constant 1 : i32
    scf.for %scan3A_488 = %scan3A_300 to %scan3A_302 step %scan3A_303  : i32 {
      %mul3A_489 = arith.constant 2 : i32
      %mul3A_490 = arith.muli %scan3A_488, %mul3A_489 : i32
      %add3A_491 = arith.constant 2 : i32
      %add3A_492 = arith.addi %add3A_491, %mul3A_490 : i32
      %add3A_493 = arith.constant 0 : i32
      %add3A_494 = arith.addi %add3A_492, %add3A_493 : i32
      %rem3A = arith.constant 4 : i32
      %rem3A_495 = arith.remsi %add3A_494, %rem3A : i32
      %rem3A_496 = arith.constant 8 : i32
      %rem3A_497 = arith.remsi %add3A_494, %rem3A_496 : i32
      %add3A_498 = arith.constant 2 : i32
      %add3A_499 = arith.addi %add3A_494, %add3A_498 : i32
      %rem3A_500 = arith.constant 4 : i32
      %rem3A_501 = arith.remsi %add3A_499, %rem3A_500 : i32
      %add3A_502 = arith.constant 2 : i32
      %add3A_503 = arith.addi %add3A_494, %add3A_502 : i32
      %rem3A_504 = arith.constant 8 : i32
      %rem3A_505 = arith.remsi %add3A_503, %rem3A_504 : i32
      %add3A_506 = arith.constant 2 : i32
      %add3A_507 = arith.addi %add3A_494, %add3A_506 : i32
      %rem3A_508 = arith.constant 4 : i32
      %rem3A_509 = arith.remsi %add3A_507, %rem3A_508 : i32
      %add3A_510 = arith.constant 6 : i32
      %add3A_511 = arith.addi %add3A_494, %add3A_510 : i32
      %rem3A_512 = arith.constant 8 : i32
      %rem3A_513 = arith.remsi %add3A_511, %rem3A_512 : i32
      %add3A_514 = arith.constant 2 : i32
      %add3A_515 = arith.addi %add3A_494, %add3A_514 : i32
      %add3A_516 = arith.constant 1 : i32
      %add3A_517 = arith.addi %add3A_515, %add3A_516 : i32
      %rem3A_518 = arith.constant 4 : i32
      %rem3A_519 = arith.remsi %add3A_517, %rem3A_518 : i32
      %add3A_520 = arith.constant 2 : i32
      %add3A_521 = arith.addi %add3A_494, %add3A_520 : i32
      %add3A_522 = arith.constant 1 : i32
      %add3A_523 = arith.addi %add3A_521, %add3A_522 : i32
      %rem3A_524 = arith.constant 8 : i32
      %rem3A_525 = arith.remsi %add3A_523, %rem3A_524 : i32
      %dma_wait3A_526 = arith.constant 0 : i32
      %dma_wait3A_527 = arith.constant 0 : i32
      %dma_wait3A_528 = tpu.memref_slice %arg9[%rem3A_495, %dma_wait3A_526, %dma_wait3A_527] : memref<4x80x128xf32, #tpu.memory_space<vmem>> -> memref<1x80x128xf32, #tpu.memory_space<vmem>>
      %dma_wait3A_529 = tpu.memref_squeeze %dma_wait3A_528 : memref<1x80x128xf32, #tpu.memory_space<vmem>> -> memref<80x128xf32, #tpu.memory_space<vmem>>
      %dma_wait3A_530 = arith.constant 0 : i32
      %dma_wait3A_531 = tpu.memref_slice %arg7[%rem3A_495, %dma_wait3A_530] : memref<4x80xi32, #tpu.memory_space<vmem>> -> memref<1x80xi32, #tpu.memory_space<vmem>>
      %dma_wait3A_532 = tpu.memref_squeeze %dma_wait3A_531 : memref<1x80xi32, #tpu.memory_space<vmem>> -> memref<80xi32, #tpu.memory_space<vmem>>
      %dma_wait3A_533 = arith.constant 0 : i32
      %dma_wait3A_534 = arith.constant 0 : i32
      %dma_wait3A_535 = tpu.memref_slice %arg2[%dma_wait3A_533, %dma_wait3A_534] : memref<10000x128xf32, #tpu.memory_space<hbm>> -> memref<10000x128xf32, #tpu.memory_space<hbm>>
      tpu.wait_indirect_dma semaphore(%arg11 : memref<!tpu.dma_semaphore, #tpu.memory_space<semaphore_mem>>) src(%dma_wait3A_535 : memref<10000x128xf32, #tpu.memory_space<hbm>>) dst(%dma_wait3A_529 : memref<80x128xf32, #tpu.memory_space<vmem>>)
      %dma_wait3A_536 = arith.constant 0 : i32
      %dma_wait3A_537 = arith.constant 0 : i32
      %dma_wait3A_538 = tpu.memref_slice %arg9[%rem3A_509, %dma_wait3A_536, %dma_wait3A_537] : memref<4x80x128xf32, #tpu.memory_space<vmem>> -> memref<1x80x128xf32, #tpu.memory_space<vmem>>
      %dma_wait3A_539 = tpu.memref_squeeze %dma_wait3A_538 : memref<1x80x128xf32, #tpu.memory_space<vmem>> -> memref<80x128xf32, #tpu.memory_space<vmem>>
      %dma_wait3A_540 = arith.constant 0 : i32
      %dma_wait3A_541 = tpu.memref_slice %arg8[%rem3A_513, %dma_wait3A_540] : memref<8x80xi32, #tpu.memory_space<vmem>> -> memref<1x80xi32, #tpu.memory_space<vmem>>
      %dma_wait3A_542 = tpu.memref_squeeze %dma_wait3A_541 : memref<1x80xi32, #tpu.memory_space<vmem>> -> memref<80xi32, #tpu.memory_space<vmem>>
      %dma_wait3A_543 = arith.constant 0 : i32
      %dma_wait3A_544 = arith.constant 0 : i32
      %dma_wait3A_545 = tpu.memref_slice %arg10[%dma_wait3A_543, %dma_wait3A_544] : memref<10000x128xf32, #tpu.memory_space<vmem_shared>> -> memref<10000x128xf32, #tpu.memory_space<vmem_shared>>
      tpu.wait_indirect_dma semaphore(%arg14 : memref<!tpu.dma_semaphore, #tpu.memory_space<semaphore_mem>>) src(%dma_wait3A_539 : memref<80x128xf32, #tpu.memory_space<vmem>>) dst(%dma_wait3A_545 : memref<10000x128xf32, #tpu.memory_space<vmem_shared>>)
      %dma_start3A_546 = arith.constant 0 : i32
      %dma_start3A_547 = arith.constant 0 : i32
      %dma_start3A_548 = tpu.memref_slice %arg9[%rem3A_495, %dma_start3A_546, %dma_start3A_547] : memref<4x80x128xf32, #tpu.memory_space<vmem>> -> memref<1x80x128xf32, #tpu.memory_space<vmem>>
      %dma_start3A_549 = tpu.memref_squeeze %dma_start3A_548 : memref<1x80x128xf32, #tpu.memory_space<vmem>> -> memref<80x128xf32, #tpu.memory_space<vmem>>
      %dma_start3A_550 = arith.constant 0 : i32
      %dma_start3A_551 = tpu.memref_slice %arg8[%rem3A_497, %dma_start3A_550] : memref<8x80xi32, #tpu.memory_space<vmem>> -> memref<1x80xi32, #tpu.memory_space<vmem>>
      %dma_start3A_552 = tpu.memref_squeeze %dma_start3A_551 : memref<1x80xi32, #tpu.memory_space<vmem>> -> memref<80xi32, #tpu.memory_space<vmem>>
      %dma_start3A_553 = arith.constant 0 : i32
      %dma_start3A_554 = arith.constant 0 : i32
      %dma_start3A_555 = tpu.memref_slice %arg10[%dma_start3A_553, %dma_start3A_554] : memref<10000x128xf32, #tpu.memory_space<vmem_shared>> -> memref<10000x128xf32, #tpu.memory_space<vmem_shared>>
      tpu.enqueue_indirect_dma source(%dma_start3A_549 : memref<80x128xf32, #tpu.memory_space<vmem>>) target(%dma_start3A_555 : memref<10000x128xf32, #tpu.memory_space<vmem_shared>>) offsets(%dma_start3A_552 : memref<80xi32, #tpu.memory_space<vmem>>) semaphore(%arg14 : memref<!tpu.dma_semaphore, #tpu.memory_space<semaphore_mem>>) {add = true}
      %dma_wait3A_556 = arith.constant 0 : i32
      %dma_wait3A_557 = arith.constant 0 : i32
      %dma_wait3A_558 = tpu.memref_slice %arg7[%rem3A_501, %dma_wait3A_557] : memref<4x80xi32, #tpu.memory_space<vmem>> -> memref<1x80xi32, #tpu.memory_space<vmem>>
      %dma_wait3A_559 = tpu.memref_squeeze %dma_wait3A_558 : memref<1x80xi32, #tpu.memory_space<vmem>> -> memref<80xi32, #tpu.memory_space<vmem>>
      %dma_wait3A_560 = arith.constant 0 : i32
      %dma_wait3A_561 = tpu.memref_slice %arg3[%add3A, %dma_wait3A_556, %dma_wait3A_560] : memref<32x125x80xi32, #tpu.memory_space<hbm>> -> memref<1x1x80xi32, #tpu.memory_space<hbm>>
      %dma_wait3A_562 = tpu.memref_squeeze %dma_wait3A_561 : memref<1x1x80xi32, #tpu.memory_space<hbm>> -> memref<80xi32, #tpu.memory_space<hbm>>
      %dma_wait3A_563 = arith.constant 0 : i32
      %dma_wait3A_564 = tpu.memref_slice %arg7[%rem3A_501, %dma_wait3A_563] : memref<4x80xi32, #tpu.memory_space<vmem>> -> memref<1x80xi32, #tpu.memory_space<vmem>>
      %dma_wait3A_565 = tpu.memref_squeeze %dma_wait3A_564 : memref<1x80xi32, #tpu.memory_space<vmem>> -> memref<80xi32, #tpu.memory_space<vmem>>
      %dma_wait3A_566 = arith.constant 0 : i32
      %dma_wait3A_567 = tpu.memref_slice %arg3[%add3A, %dma_wait3A_556, %dma_wait3A_566] : memref<32x125x80xi32, #tpu.memory_space<hbm>> -> memref<1x1x80xi32, #tpu.memory_space<hbm>>
      %dma_wait3A_568 = tpu.memref_squeeze %dma_wait3A_567 : memref<1x1x80xi32, #tpu.memory_space<hbm>> -> memref<80xi32, #tpu.memory_space<hbm>>
      tpu.wait_dma2 semaphore(%arg13 : memref<!tpu.dma_semaphore, #tpu.memory_space<semaphore_mem>>) src(%dma_wait3A_568 : memref<80xi32, #tpu.memory_space<hbm>>) dst(%dma_wait3A_565 : memref<80xi32, #tpu.memory_space<vmem>>)
      %dma_wait3A_569 = arith.constant 0 : i32
      %dma_wait3A_570 = arith.constant 0 : i32
      %dma_wait3A_571 = tpu.memref_slice %arg8[%rem3A_505, %dma_wait3A_570] : memref<8x80xi32, #tpu.memory_space<vmem>> -> memref<1x80xi32, #tpu.memory_space<vmem>>
      %dma_wait3A_572 = tpu.memref_squeeze %dma_wait3A_571 : memref<1x80xi32, #tpu.memory_space<vmem>> -> memref<80xi32, #tpu.memory_space<vmem>>
      %dma_wait3A_573 = arith.constant 0 : i32
      %dma_wait3A_574 = tpu.memref_slice %arg4[%add3A, %dma_wait3A_569, %dma_wait3A_573] : memref<32x125x80xi32, #tpu.memory_space<hbm>> -> memref<1x1x80xi32, #tpu.memory_space<hbm>>
      %dma_wait3A_575 = tpu.memref_squeeze %dma_wait3A_574 : memref<1x1x80xi32, #tpu.memory_space<hbm>> -> memref<80xi32, #tpu.memory_space<hbm>>
      %dma_wait3A_576 = arith.constant 0 : i32
      %dma_wait3A_577 = tpu.memref_slice %arg8[%rem3A_505, %dma_wait3A_576] : memref<8x80xi32, #tpu.memory_space<vmem>> -> memref<1x80xi32, #tpu.memory_space<vmem>>
      %dma_wait3A_578 = tpu.memref_squeeze %dma_wait3A_577 : memref<1x80xi32, #tpu.memory_space<vmem>> -> memref<80xi32, #tpu.memory_space<vmem>>
      %dma_wait3A_579 = arith.constant 0 : i32
      %dma_wait3A_580 = tpu.memref_slice %arg4[%add3A, %dma_wait3A_569, %dma_wait3A_579] : memref<32x125x80xi32, #tpu.memory_space<hbm>> -> memref<1x1x80xi32, #tpu.memory_space<hbm>>
      %dma_wait3A_581 = tpu.memref_squeeze %dma_wait3A_580 : memref<1x1x80xi32, #tpu.memory_space<hbm>> -> memref<80xi32, #tpu.memory_space<hbm>>
      tpu.wait_dma2 semaphore(%arg13 : memref<!tpu.dma_semaphore, #tpu.memory_space<semaphore_mem>>) src(%dma_wait3A_581 : memref<80xi32, #tpu.memory_space<hbm>>) dst(%dma_wait3A_578 : memref<80xi32, #tpu.memory_space<vmem>>)
      %dma_start3A_582 = arith.constant 0 : i32
      %dma_start3A_583 = arith.constant 0 : i32
      %dma_start3A_584 = tpu.memref_slice %arg9[%rem3A_501, %dma_start3A_582, %dma_start3A_583] : memref<4x80x128xf32, #tpu.memory_space<vmem>> -> memref<1x80x128xf32, #tpu.memory_space<vmem>>
      %dma_start3A_585 = tpu.memref_squeeze %dma_start3A_584 : memref<1x80x128xf32, #tpu.memory_space<vmem>> -> memref<80x128xf32, #tpu.memory_space<vmem>>
      %dma_start3A_586 = arith.constant 0 : i32
      %dma_start3A_587 = tpu.memref_slice %arg7[%rem3A_501, %dma_start3A_586] : memref<4x80xi32, #tpu.memory_space<vmem>> -> memref<1x80xi32, #tpu.memory_space<vmem>>
      %dma_start3A_588 = tpu.memref_squeeze %dma_start3A_587 : memref<1x80xi32, #tpu.memory_space<vmem>> -> memref<80xi32, #tpu.memory_space<vmem>>
      %dma_start3A_589 = arith.constant 0 : i32
      %dma_start3A_590 = arith.constant 0 : i32
      %dma_start3A_591 = tpu.memref_slice %arg2[%dma_start3A_589, %dma_start3A_590] : memref<10000x128xf32, #tpu.memory_space<hbm>> -> memref<10000x128xf32, #tpu.memory_space<hbm>>
      tpu.enqueue_indirect_dma source(%dma_start3A_591 : memref<10000x128xf32, #tpu.memory_space<hbm>>) target(%dma_start3A_585 : memref<80x128xf32, #tpu.memory_space<vmem>>) offsets(%dma_start3A_588 : memref<80xi32, #tpu.memory_space<vmem>>) semaphore(%arg11 : memref<!tpu.dma_semaphore, #tpu.memory_space<semaphore_mem>>)
      %add3A_592 = arith.constant 2 : i32
      %add3A_593 = arith.addi %add3A_494, %add3A_592 : i32
      %add3A_594 = arith.constant 1 : i32
      %add3A_595 = arith.addi %add3A_593, %add3A_594 : i32
      %dma_start3A_596 = arith.constant 0 : i32
      %dma_start3A_597 = tpu.memref_slice %arg7[%rem3A_519, %dma_start3A_596] : memref<4x80xi32, #tpu.memory_space<vmem>> -> memref<1x80xi32, #tpu.memory_space<vmem>>
      %dma_start3A_598 = tpu.memref_squeeze %dma_start3A_597 : memref<1x80xi32, #tpu.memory_space<vmem>> -> memref<80xi32, #tpu.memory_space<vmem>>
      %dma_start3A_599 = arith.constant 0 : i32
      %dma_start3A_600 = tpu.memref_slice %arg3[%add3A, %add3A_595, %dma_start3A_599] : memref<32x125x80xi32, #tpu.memory_space<hbm>> -> memref<1x1x80xi32, #tpu.memory_space<hbm>>
      %dma_start3A_601 = tpu.memref_squeeze %dma_start3A_600 : memref<1x1x80xi32, #tpu.memory_space<hbm>> -> memref<80xi32, #tpu.memory_space<hbm>>
      %dma_start3A_602 = arith.constant 0 : i32
      %dma_start3A_603 = tpu.memref_slice %arg7[%rem3A_519, %dma_start3A_602] : memref<4x80xi32, #tpu.memory_space<vmem>> -> memref<1x80xi32, #tpu.memory_space<vmem>>
      %dma_start3A_604 = tpu.memref_squeeze %dma_start3A_603 : memref<1x80xi32, #tpu.memory_space<vmem>> -> memref<80xi32, #tpu.memory_space<vmem>>
      %dma_start3A_605 = arith.constant 0 : i32
      %dma_start3A_606 = tpu.memref_slice %arg3[%add3A, %add3A_595, %dma_start3A_605] : memref<32x125x80xi32, #tpu.memory_space<hbm>> -> memref<1x1x80xi32, #tpu.memory_space<hbm>>
      %dma_start3A_607 = tpu.memref_squeeze %dma_start3A_606 : memref<1x1x80xi32, #tpu.memory_space<hbm>> -> memref<80xi32, #tpu.memory_space<hbm>>
      tpu.enqueue_dma source(%dma_start3A_607 : memref<80xi32, #tpu.memory_space<hbm>>) target(%dma_start3A_604 : memref<80xi32, #tpu.memory_space<vmem>>) target_semaphore(%arg13 : memref<!tpu.dma_semaphore, #tpu.memory_space<semaphore_mem>>)
      %dma_start3A_608 = arith.constant 0 : i32
      %dma_start3A_609 = tpu.memref_slice %arg8[%rem3A_525, %dma_start3A_608] : memref<8x80xi32, #tpu.memory_space<vmem>> -> memref<1x80xi32, #tpu.memory_space<vmem>>
      %dma_start3A_610 = tpu.memref_squeeze %dma_start3A_609 : memref<1x80xi32, #tpu.memory_space<vmem>> -> memref<80xi32, #tpu.memory_space<vmem>>
      %dma_start3A_611 = arith.constant 0 : i32
      %dma_start3A_612 = tpu.memref_slice %arg4[%add3A, %add3A_595, %dma_start3A_611] : memref<32x125x80xi32, #tpu.memory_space<hbm>> -> memref<1x1x80xi32, #tpu.memory_space<hbm>>
      %dma_start3A_613 = tpu.memref_squeeze %dma_start3A_612 : memref<1x1x80xi32, #tpu.memory_space<hbm>> -> memref<80xi32, #tpu.memory_space<hbm>>
      %dma_start3A_614 = arith.constant 0 : i32
      %dma_start3A_615 = tpu.memref_slice %arg8[%rem3A_525, %dma_start3A_614] : memref<8x80xi32, #tpu.memory_space<vmem>> -> memref<1x80xi32, #tpu.memory_space<vmem>>
      %dma_start3A_616 = tpu.memref_squeeze %dma_start3A_615 : memref<1x80xi32, #tpu.memory_space<vmem>> -> memref<80xi32, #tpu.memory_space<vmem>>
      %dma_start3A_617 = arith.constant 0 : i32
      %dma_start3A_618 = tpu.memref_slice %arg4[%add3A, %add3A_595, %dma_start3A_617] : memref<32x125x80xi32, #tpu.memory_space<hbm>> -> memref<1x1x80xi32, #tpu.memory_space<hbm>>
      %dma_start3A_619 = tpu.memref_squeeze %dma_start3A_618 : memref<1x1x80xi32, #tpu.memory_space<hbm>> -> memref<80xi32, #tpu.memory_space<hbm>>
      tpu.enqueue_dma source(%dma_start3A_619 : memref<80xi32, #tpu.memory_space<hbm>>) target(%dma_start3A_616 : memref<80xi32, #tpu.memory_space<vmem>>) target_semaphore(%arg13 : memref<!tpu.dma_semaphore, #tpu.memory_space<semaphore_mem>>)
      %add3A_620 = arith.constant 1 : i32
      %add3A_621 = arith.addi %add3A_492, %add3A_620 : i32
      %rem3A_622 = arith.constant 4 : i32
      %rem3A_623 = arith.remsi %add3A_621, %rem3A_622 : i32
      %rem3A_624 = arith.constant 8 : i32
      %rem3A_625 = arith.remsi %add3A_621, %rem3A_624 : i32
      %add3A_626 = arith.constant 2 : i32
      %add3A_627 = arith.addi %add3A_621, %add3A_626 : i32
      %rem3A_628 = arith.constant 4 : i32
      %rem3A_629 = arith.remsi %add3A_627, %rem3A_628 : i32
      %add3A_630 = arith.constant 2 : i32
      %add3A_631 = arith.addi %add3A_621, %add3A_630 : i32
      %rem3A_632 = arith.constant 8 : i32
      %rem3A_633 = arith.remsi %add3A_631, %rem3A_632 : i32
      %add3A_634 = arith.constant 2 : i32
      %add3A_635 = arith.addi %add3A_621, %add3A_634 : i32
      %rem3A_636 = arith.constant 4 : i32
      %rem3A_637 = arith.remsi %add3A_635, %rem3A_636 : i32
      %add3A_638 = arith.constant 6 : i32
      %add3A_639 = arith.addi %add3A_621, %add3A_638 : i32
      %rem3A_640 = arith.constant 8 : i32
      %rem3A_641 = arith.remsi %add3A_639, %rem3A_640 : i32
      %add3A_642 = arith.constant 2 : i32
      %add3A_643 = arith.addi %add3A_621, %add3A_642 : i32
      %add3A_644 = arith.constant 1 : i32
      %add3A_645 = arith.addi %add3A_643, %add3A_644 : i32
      %rem3A_646 = arith.constant 4 : i32
      %rem3A_647 = arith.remsi %add3A_645, %rem3A_646 : i32
      %add3A_648 = arith.constant 2 : i32
      %add3A_649 = arith.addi %add3A_621, %add3A_648 : i32
      %add3A_650 = arith.constant 1 : i32
      %add3A_651 = arith.addi %add3A_649, %add3A_650 : i32
      %rem3A_652 = arith.constant 8 : i32
      %rem3A_653 = arith.remsi %add3A_651, %rem3A_652 : i32
      %dma_wait3A_654 = arith.constant 0 : i32
      %dma_wait3A_655 = arith.constant 0 : i32
      %dma_wait3A_656 = tpu.memref_slice %arg9[%rem3A_623, %dma_wait3A_654, %dma_wait3A_655] : memref<4x80x128xf32, #tpu.memory_space<vmem>> -> memref<1x80x128xf32, #tpu.memory_space<vmem>>
      %dma_wait3A_657 = tpu.memref_squeeze %dma_wait3A_656 : memref<1x80x128xf32, #tpu.memory_space<vmem>> -> memref<80x128xf32, #tpu.memory_space<vmem>>
      %dma_wait3A_658 = arith.constant 0 : i32
      %dma_wait3A_659 = tpu.memref_slice %arg7[%rem3A_623, %dma_wait3A_658] : memref<4x80xi32, #tpu.memory_space<vmem>> -> memref<1x80xi32, #tpu.memory_space<vmem>>
      %dma_wait3A_660 = tpu.memref_squeeze %dma_wait3A_659 : memref<1x80xi32, #tpu.memory_space<vmem>> -> memref<80xi32, #tpu.memory_space<vmem>>
      %dma_wait3A_661 = arith.constant 0 : i32
      %dma_wait3A_662 = arith.constant 0 : i32
      %dma_wait3A_663 = tpu.memref_slice %arg2[%dma_wait3A_661, %dma_wait3A_662] : memref<10000x128xf32, #tpu.memory_space<hbm>> -> memref<10000x128xf32, #tpu.memory_space<hbm>>
      tpu.wait_indirect_dma semaphore(%arg12 : memref<!tpu.dma_semaphore, #tpu.memory_space<semaphore_mem>>) src(%dma_wait3A_663 : memref<10000x128xf32, #tpu.memory_space<hbm>>) dst(%dma_wait3A_657 : memref<80x128xf32, #tpu.memory_space<vmem>>)
      %dma_wait3A_664 = arith.constant 0 : i32
      %dma_wait3A_665 = arith.constant 0 : i32
      %dma_wait3A_666 = tpu.memref_slice %arg9[%rem3A_637, %dma_wait3A_664, %dma_wait3A_665] : memref<4x80x128xf32, #tpu.memory_space<vmem>> -> memref<1x80x128xf32, #tpu.memory_space<vmem>>
      %dma_wait3A_667 = tpu.memref_squeeze %dma_wait3A_666 : memref<1x80x128xf32, #tpu.memory_space<vmem>> -> memref<80x128xf32, #tpu.memory_space<vmem>>
      %dma_wait3A_668 = arith.constant 0 : i32
      %dma_wait3A_669 = tpu.memref_slice %arg8[%rem3A_641, %dma_wait3A_668] : memref<8x80xi32, #tpu.memory_space<vmem>> -> memref<1x80xi32, #tpu.memory_space<vmem>>
      %dma_wait3A_670 = tpu.memref_squeeze %dma_wait3A_669 : memref<1x80xi32, #tpu.memory_space<vmem>> -> memref<80xi32, #tpu.memory_space<vmem>>
      %dma_wait3A_671 = arith.constant 0 : i32
      %dma_wait3A_672 = arith.constant 0 : i32
      %dma_wait3A_673 = tpu.memref_slice %arg10[%dma_wait3A_671, %dma_wait3A_672] : memref<10000x128xf32, #tpu.memory_space<vmem_shared>> -> memref<10000x128xf32, #tpu.memory_space<vmem_shared>>
      tpu.wait_indirect_dma semaphore(%arg15 : memref<!tpu.dma_semaphore, #tpu.memory_space<semaphore_mem>>) src(%dma_wait3A_667 : memref<80x128xf32, #tpu.memory_space<vmem>>) dst(%dma_wait3A_673 : memref<10000x128xf32, #tpu.memory_space<vmem_shared>>)
      %dma_start3A_674 = arith.constant 0 : i32
      %dma_start3A_675 = arith.constant 0 : i32
      %dma_start3A_676 = tpu.memref_slice %arg9[%rem3A_623, %dma_start3A_674, %dma_start3A_675] : memref<4x80x128xf32, #tpu.memory_space<vmem>> -> memref<1x80x128xf32, #tpu.memory_space<vmem>>
      %dma_start3A_677 = tpu.memref_squeeze %dma_start3A_676 : memref<1x80x128xf32, #tpu.memory_space<vmem>> -> memref<80x128xf32, #tpu.memory_space<vmem>>
      %dma_start3A_678 = arith.constant 0 : i32
      %dma_start3A_679 = tpu.memref_slice %arg8[%rem3A_625, %dma_start3A_678] : memref<8x80xi32, #tpu.memory_space<vmem>> -> memref<1x80xi32, #tpu.memory_space<vmem>>
      %dma_start3A_680 = tpu.memref_squeeze %dma_start3A_679 : memref<1x80xi32, #tpu.memory_space<vmem>> -> memref<80xi32, #tpu.memory_space<vmem>>
      %dma_start3A_681 = arith.constant 0 : i32
      %dma_start3A_682 = arith.constant 0 : i32
      %dma_start3A_683 = tpu.memref_slice %arg10[%dma_start3A_681, %dma_start3A_682] : memref<10000x128xf32, #tpu.memory_space<vmem_shared>> -> memref<10000x128xf32, #tpu.memory_space<vmem_shared>>
      tpu.enqueue_indirect_dma source(%dma_start3A_677 : memref<80x128xf32, #tpu.memory_space<vmem>>) target(%dma_start3A_683 : memref<10000x128xf32, #tpu.memory_space<vmem_shared>>) offsets(%dma_start3A_680 : memref<80xi32, #tpu.memory_space<vmem>>) semaphore(%arg15 : memref<!tpu.dma_semaphore, #tpu.memory_space<semaphore_mem>>) {add = true}
      %dma_wait3A_684 = arith.constant 0 : i32
      %dma_wait3A_685 = arith.constant 0 : i32
      %dma_wait3A_686 = tpu.memref_slice %arg7[%rem3A_629, %dma_wait3A_685] : memref<4x80xi32, #tpu.memory_space<vmem>> -> memref<1x80xi32, #tpu.memory_space<vmem>>
      %dma_wait3A_687 = tpu.memref_squeeze %dma_wait3A_686 : memref<1x80xi32, #tpu.memory_space<vmem>> -> memref<80xi32, #tpu.memory_space<vmem>>
      %dma_wait3A_688 = arith.constant 0 : i32
      %dma_wait3A_689 = tpu.memref_slice %arg3[%add3A, %dma_wait3A_684, %dma_wait3A_688] : memref<32x125x80xi32, #tpu.memory_space<hbm>> -> memref<1x1x80xi32, #tpu.memory_space<hbm>>
      %dma_wait3A_690 = tpu.memref_squeeze %dma_wait3A_689 : memref<1x1x80xi32, #tpu.memory_space<hbm>> -> memref<80xi32, #tpu.memory_space<hbm>>
      %dma_wait3A_691 = arith.constant 0 : i32
      %dma_wait3A_692 = tpu.memref_slice %arg7[%rem3A_629, %dma_wait3A_691] : memref<4x80xi32, #tpu.memory_space<vmem>> -> memref<1x80xi32, #tpu.memory_space<vmem>>
      %dma_wait3A_693 = tpu.memref_squeeze %dma_wait3A_692 : memref<1x80xi32, #tpu.memory_space<vmem>> -> memref<80xi32, #tpu.memory_space<vmem>>
      %dma_wait3A_694 = arith.constant 0 : i32
      %dma_wait3A_695 = tpu.memref_slice %arg3[%add3A, %dma_wait3A_684, %dma_wait3A_694] : memref<32x125x80xi32, #tpu.memory_space<hbm>> -> memref<1x1x80xi32, #tpu.memory_space<hbm>>
      %dma_wait3A_696 = tpu.memref_squeeze %dma_wait3A_695 : memref<1x1x80xi32, #tpu.memory_space<hbm>> -> memref<80xi32, #tpu.memory_space<hbm>>
      tpu.wait_dma2 semaphore(%arg13 : memref<!tpu.dma_semaphore, #tpu.memory_space<semaphore_mem>>) src(%dma_wait3A_696 : memref<80xi32, #tpu.memory_space<hbm>>) dst(%dma_wait3A_693 : memref<80xi32, #tpu.memory_space<vmem>>)
      %dma_wait3A_697 = arith.constant 0 : i32
      %dma_wait3A_698 = arith.constant 0 : i32
      %dma_wait3A_699 = tpu.memref_slice %arg8[%rem3A_633, %dma_wait3A_698] : memref<8x80xi32, #tpu.memory_space<vmem>> -> memref<1x80xi32, #tpu.memory_space<vmem>>
      %dma_wait3A_700 = tpu.memref_squeeze %dma_wait3A_699 : memref<1x80xi32, #tpu.memory_space<vmem>> -> memref<80xi32, #tpu.memory_space<vmem>>
      %dma_wait3A_701 = arith.constant 0 : i32
      %dma_wait3A_702 = tpu.memref_slice %arg4[%add3A, %dma_wait3A_697, %dma_wait3A_701] : memref<32x125x80xi32, #tpu.memory_space<hbm>> -> memref<1x1x80xi32, #tpu.memory_space<hbm>>
      %dma_wait3A_703 = tpu.memref_squeeze %dma_wait3A_702 : memref<1x1x80xi32, #tpu.memory_space<hbm>> -> memref<80xi32, #tpu.memory_space<hbm>>
      %dma_wait3A_704 = arith.constant 0 : i32
      %dma_wait3A_705 = tpu.memref_slice %arg8[%rem3A_633, %dma_wait3A_704] : memref<8x80xi32, #tpu.memory_space<vmem>> -> memref<1x80xi32, #tpu.memory_space<vmem>>
      %dma_wait3A_706 = tpu.memref_squeeze %dma_wait3A_705 : memref<1x80xi32, #tpu.memory_space<vmem>> -> memref<80xi32, #tpu.memory_space<vmem>>
      %dma_wait3A_707 = arith.constant 0 : i32
      %dma_wait3A_708 = tpu.memref_slice %arg4[%add3A, %dma_wait3A_697, %dma_wait3A_707] : memref<32x125x80xi32, #tpu.memory_space<hbm>> -> memref<1x1x80xi32, #tpu.memory_space<hbm>>
      %dma_wait3A_709 = tpu.memref_squeeze %dma_wait3A_708 : memref<1x1x80xi32, #tpu.memory_space<hbm>> -> memref<80xi32, #tpu.memory_space<hbm>>
      tpu.wait_dma2 semaphore(%arg13 : memref<!tpu.dma_semaphore, #tpu.memory_space<semaphore_mem>>) src(%dma_wait3A_709 : memref<80xi32, #tpu.memory_space<hbm>>) dst(%dma_wait3A_706 : memref<80xi32, #tpu.memory_space<vmem>>)
      %dma_start3A_710 = arith.constant 0 : i32
      %dma_start3A_711 = arith.constant 0 : i32
      %dma_start3A_712 = tpu.memref_slice %arg9[%rem3A_629, %dma_start3A_710, %dma_start3A_711] : memref<4x80x128xf32, #tpu.memory_space<vmem>> -> memref<1x80x128xf32, #tpu.memory_space<vmem>>
      %dma_start3A_713 = tpu.memref_squeeze %dma_start3A_712 : memref<1x80x128xf32, #tpu.memory_space<vmem>> -> memref<80x128xf32, #tpu.memory_space<vmem>>
      %dma_start3A_714 = arith.constant 0 : i32
      %dma_start3A_715 = tpu.memref_slice %arg7[%rem3A_629, %dma_start3A_714] : memref<4x80xi32, #tpu.memory_space<vmem>> -> memref<1x80xi32, #tpu.memory_space<vmem>>
      %dma_start3A_716 = tpu.memref_squeeze %dma_start3A_715 : memref<1x80xi32, #tpu.memory_space<vmem>> -> memref<80xi32, #tpu.memory_space<vmem>>
      %dma_start3A_717 = arith.constant 0 : i32
      %dma_start3A_718 = arith.constant 0 : i32
      %dma_start3A_719 = tpu.memref_slice %arg2[%dma_start3A_717, %dma_start3A_718] : memref<10000x128xf32, #tpu.memory_space<hbm>> -> memref<10000x128xf32, #tpu.memory_space<hbm>>
      tpu.enqueue_indirect_dma source(%dma_start3A_719 : memref<10000x128xf32, #tpu.memory_space<hbm>>) target(%dma_start3A_713 : memref<80x128xf32, #tpu.memory_space<vmem>>) offsets(%dma_start3A_716 : memref<80xi32, #tpu.memory_space<vmem>>) semaphore(%arg12 : memref<!tpu.dma_semaphore, #tpu.memory_space<semaphore_mem>>)
      %add3A_720 = arith.constant 2 : i32
      %add3A_721 = arith.addi %add3A_621, %add3A_720 : i32
      %add3A_722 = arith.constant 1 : i32
      %add3A_723 = arith.addi %add3A_721, %add3A_722 : i32
      %dma_start3A_724 = arith.constant 0 : i32
      %dma_start3A_725 = tpu.memref_slice %arg7[%rem3A_647, %dma_start3A_724] : memref<4x80xi32, #tpu.memory_space<vmem>> -> memref<1x80xi32, #tpu.memory_space<vmem>>
      %dma_start3A_726 = tpu.memref_squeeze %dma_start3A_725 : memref<1x80xi32, #tpu.memory_space<vmem>> -> memref<80xi32, #tpu.memory_space<vmem>>
      %dma_start3A_727 = arith.constant 0 : i32
      %dma_start3A_728 = tpu.memref_slice %arg3[%add3A, %add3A_723, %dma_start3A_727] : memref<32x125x80xi32, #tpu.memory_space<hbm>> -> memref<1x1x80xi32, #tpu.memory_space<hbm>>
      %dma_start3A_729 = tpu.memref_squeeze %dma_start3A_728 : memref<1x1x80xi32, #tpu.memory_space<hbm>> -> memref<80xi32, #tpu.memory_space<hbm>>
      %dma_start3A_730 = arith.constant 0 : i32
      %dma_start3A_731 = tpu.memref_slice %arg7[%rem3A_647, %dma_start3A_730] : memref<4x80xi32, #tpu.memory_space<vmem>> -> memref<1x80xi32, #tpu.memory_space<vmem>>
      %dma_start3A_732 = tpu.memref_squeeze %dma_start3A_731 : memref<1x80xi32, #tpu.memory_space<vmem>> -> memref<80xi32, #tpu.memory_space<vmem>>
      %dma_start3A_733 = arith.constant 0 : i32
      %dma_start3A_734 = tpu.memref_slice %arg3[%add3A, %add3A_723, %dma_start3A_733] : memref<32x125x80xi32, #tpu.memory_space<hbm>> -> memref<1x1x80xi32, #tpu.memory_space<hbm>>
      %dma_start3A_735 = tpu.memref_squeeze %dma_start3A_734 : memref<1x1x80xi32, #tpu.memory_space<hbm>> -> memref<80xi32, #tpu.memory_space<hbm>>
      tpu.enqueue_dma source(%dma_start3A_735 : memref<80xi32, #tpu.memory_space<hbm>>) target(%dma_start3A_732 : memref<80xi32, #tpu.memory_space<vmem>>) target_semaphore(%arg13 : memref<!tpu.dma_semaphore, #tpu.memory_space<semaphore_mem>>)
      %dma_start3A_736 = arith.constant 0 : i32
      %dma_start3A_737 = tpu.memref_slice %arg8[%rem3A_653, %dma_start3A_736] : memref<8x80xi32, #tpu.memory_space<vmem>> -> memref<1x80xi32, #tpu.memory_space<vmem>>
      %dma_start3A_738 = tpu.memref_squeeze %dma_start3A_737 : memref<1x80xi32, #tpu.memory_space<vmem>> -> memref<80xi32, #tpu.memory_space<vmem>>
      %dma_start3A_739 = arith.constant 0 : i32
      %dma_start3A_740 = tpu.memref_slice %arg4[%add3A, %add3A_723, %dma_start3A_739] : memref<32x125x80xi32, #tpu.memory_space<hbm>> -> memref<1x1x80xi32, #tpu.memory_space<hbm>>
      %dma_start3A_741 = tpu.memref_squeeze %dma_start3A_740 : memref<1x1x80xi32, #tpu.memory_space<hbm>> -> memref<80xi32, #tpu.memory_space<hbm>>
      %dma_start3A_742 = arith.constant 0 : i32
      %dma_start3A_743 = tpu.memref_slice %arg8[%rem3A_653, %dma_start3A_742] : memref<8x80xi32, #tpu.memory_space<vmem>> -> memref<1x80xi32, #tpu.memory_space<vmem>>
      %dma_start3A_744 = tpu.memref_squeeze %dma_start3A_743 : memref<1x80xi32, #tpu.memory_space<vmem>> -> memref<80xi32, #tpu.memory_space<vmem>>
      %dma_start3A_745 = arith.constant 0 : i32
      %dma_start3A_746 = tpu.memref_slice %arg4[%add3A, %add3A_723, %dma_start3A_745] : memref<32x125x80xi32, #tpu.memory_space<hbm>> -> memref<1x1x80xi32, #tpu.memory_space<hbm>>
      %dma_start3A_747 = tpu.memref_squeeze %dma_start3A_746 : memref<1x1x80xi32, #tpu.memory_space<hbm>> -> memref<80xi32, #tpu.memory_space<hbm>>
      tpu.enqueue_dma source(%dma_start3A_747 : memref<80xi32, #tpu.memory_space<hbm>>) target(%dma_start3A_744 : memref<80xi32, #tpu.memory_space<vmem>>) target_semaphore(%arg13 : memref<!tpu.dma_semaphore, #tpu.memory_space<semaphore_mem>>)
    }
    %scan3A_304 = arith.constant 60 : i32
    %dma_wait3A_305 = arith.constant 2 : i32
    %dma_wait3A_306 = arith.constant 2 : i32
    %dma_wait3A_307 = arith.constant 0 : i32
    %dma_wait3A_308 = arith.constant 0 : i32
    %dma_wait3A_309 = tpu.memref_slice %arg9[%dma_wait3A_306, %dma_wait3A_307, %dma_wait3A_308] : memref<4x80x128xf32, #tpu.memory_space<vmem>> -> memref<1x80x128xf32, #tpu.memory_space<vmem>>
    %dma_wait3A_310 = tpu.memref_squeeze %dma_wait3A_309 : memref<1x80x128xf32, #tpu.memory_space<vmem>> -> memref<80x128xf32, #tpu.memory_space<vmem>>
    %dma_wait3A_311 = arith.constant 0 : i32
    %dma_wait3A_312 = tpu.memref_slice %arg7[%dma_wait3A_305, %dma_wait3A_311] : memref<4x80xi32, #tpu.memory_space<vmem>> -> memref<1x80xi32, #tpu.memory_space<vmem>>
    %dma_wait3A_313 = tpu.memref_squeeze %dma_wait3A_312 : memref<1x80xi32, #tpu.memory_space<vmem>> -> memref<80xi32, #tpu.memory_space<vmem>>
    %dma_wait3A_314 = arith.constant 0 : i32
    %dma_wait3A_315 = arith.constant 0 : i32
    %dma_wait3A_316 = tpu.memref_slice %arg2[%dma_wait3A_314, %dma_wait3A_315] : memref<10000x128xf32, #tpu.memory_space<hbm>> -> memref<10000x128xf32, #tpu.memory_space<hbm>>
    tpu.wait_indirect_dma semaphore(%arg11 : memref<!tpu.dma_semaphore, #tpu.memory_space<semaphore_mem>>) src(%dma_wait3A_316 : memref<10000x128xf32, #tpu.memory_space<hbm>>) dst(%dma_wait3A_310 : memref<80x128xf32, #tpu.memory_space<vmem>>)
    %dma_wait3A_317 = arith.constant 0 : i32
    %dma_wait3A_318 = arith.constant 0 : i32
    %dma_wait3A_319 = arith.constant 0 : i32
    %dma_wait3A_320 = arith.constant 0 : i32
    %dma_wait3A_321 = tpu.memref_slice %arg9[%dma_wait3A_317, %dma_wait3A_319, %dma_wait3A_320] : memref<4x80x128xf32, #tpu.memory_space<vmem>> -> memref<1x80x128xf32, #tpu.memory_space<vmem>>
    %dma_wait3A_322 = tpu.memref_squeeze %dma_wait3A_321 : memref<1x80x128xf32, #tpu.memory_space<vmem>> -> memref<80x128xf32, #tpu.memory_space<vmem>>
    %dma_wait3A_323 = arith.constant 0 : i32
    %dma_wait3A_324 = tpu.memref_slice %arg8[%dma_wait3A_318, %dma_wait3A_323] : memref<8x80xi32, #tpu.memory_space<vmem>> -> memref<1x80xi32, #tpu.memory_space<vmem>>
    %dma_wait3A_325 = tpu.memref_squeeze %dma_wait3A_324 : memref<1x80xi32, #tpu.memory_space<vmem>> -> memref<80xi32, #tpu.memory_space<vmem>>
    %dma_wait3A_326 = arith.constant 0 : i32
    %dma_wait3A_327 = arith.constant 0 : i32
    %dma_wait3A_328 = tpu.memref_slice %arg10[%dma_wait3A_326, %dma_wait3A_327] : memref<10000x128xf32, #tpu.memory_space<vmem_shared>> -> memref<10000x128xf32, #tpu.memory_space<vmem_shared>>
    tpu.wait_indirect_dma semaphore(%arg14 : memref<!tpu.dma_semaphore, #tpu.memory_space<semaphore_mem>>) src(%dma_wait3A_322 : memref<80x128xf32, #tpu.memory_space<vmem>>) dst(%dma_wait3A_328 : memref<10000x128xf32, #tpu.memory_space<vmem_shared>>)
    %dma_start3A_329 = arith.constant 2 : i32
    %dma_start3A_330 = arith.constant 2 : i32
    %dma_start3A_331 = arith.constant 0 : i32
    %dma_start3A_332 = arith.constant 0 : i32
    %dma_start3A_333 = tpu.memref_slice %arg9[%dma_start3A_329, %dma_start3A_331, %dma_start3A_332] : memref<4x80x128xf32, #tpu.memory_space<vmem>> -> memref<1x80x128xf32, #tpu.memory_space<vmem>>
    %dma_start3A_334 = tpu.memref_squeeze %dma_start3A_333 : memref<1x80x128xf32, #tpu.memory_space<vmem>> -> memref<80x128xf32, #tpu.memory_space<vmem>>
    %dma_start3A_335 = arith.constant 0 : i32
    %dma_start3A_336 = tpu.memref_slice %arg8[%dma_start3A_330, %dma_start3A_335] : memref<8x80xi32, #tpu.memory_space<vmem>> -> memref<1x80xi32, #tpu.memory_space<vmem>>
    %dma_start3A_337 = tpu.memref_squeeze %dma_start3A_336 : memref<1x80xi32, #tpu.memory_space<vmem>> -> memref<80xi32, #tpu.memory_space<vmem>>
    %dma_start3A_338 = arith.constant 0 : i32
    %dma_start3A_339 = arith.constant 0 : i32
    %dma_start3A_340 = tpu.memref_slice %arg10[%dma_start3A_338, %dma_start3A_339] : memref<10000x128xf32, #tpu.memory_space<vmem_shared>> -> memref<10000x128xf32, #tpu.memory_space<vmem_shared>>
    tpu.enqueue_indirect_dma source(%dma_start3A_334 : memref<80x128xf32, #tpu.memory_space<vmem>>) target(%dma_start3A_340 : memref<10000x128xf32, #tpu.memory_space<vmem_shared>>) offsets(%dma_start3A_337 : memref<80xi32, #tpu.memory_space<vmem>>) semaphore(%arg14 : memref<!tpu.dma_semaphore, #tpu.memory_space<semaphore_mem>>) {add = true}
    %dma_wait3A_341 = arith.constant 0 : i32
    %dma_wait3A_342 = arith.constant 0 : i32
    %dma_wait3A_343 = arith.constant 0 : i32
    %dma_wait3A_344 = tpu.memref_slice %arg7[%dma_wait3A_342, %dma_wait3A_343] : memref<4x80xi32, #tpu.memory_space<vmem>> -> memref<1x80xi32, #tpu.memory_space<vmem>>
    %dma_wait3A_345 = tpu.memref_squeeze %dma_wait3A_344 : memref<1x80xi32, #tpu.memory_space<vmem>> -> memref<80xi32, #tpu.memory_space<vmem>>
    %dma_wait3A_346 = arith.constant 0 : i32
    %dma_wait3A_347 = tpu.memref_slice %arg3[%add3A, %dma_wait3A_341, %dma_wait3A_346] : memref<32x125x80xi32, #tpu.memory_space<hbm>> -> memref<1x1x80xi32, #tpu.memory_space<hbm>>
    %dma_wait3A_348 = tpu.memref_squeeze %dma_wait3A_347 : memref<1x1x80xi32, #tpu.memory_space<hbm>> -> memref<80xi32, #tpu.memory_space<hbm>>
    %dma_wait3A_349 = arith.constant 0 : i32
    %dma_wait3A_350 = tpu.memref_slice %arg7[%dma_wait3A_342, %dma_wait3A_349] : memref<4x80xi32, #tpu.memory_space<vmem>> -> memref<1x80xi32, #tpu.memory_space<vmem>>
    %dma_wait3A_351 = tpu.memref_squeeze %dma_wait3A_350 : memref<1x80xi32, #tpu.memory_space<vmem>> -> memref<80xi32, #tpu.memory_space<vmem>>
    %dma_wait3A_352 = arith.constant 0 : i32
    %dma_wait3A_353 = tpu.memref_slice %arg3[%add3A, %dma_wait3A_341, %dma_wait3A_352] : memref<32x125x80xi32, #tpu.memory_space<hbm>> -> memref<1x1x80xi32, #tpu.memory_space<hbm>>
    %dma_wait3A_354 = tpu.memref_squeeze %dma_wait3A_353 : memref<1x1x80xi32, #tpu.memory_space<hbm>> -> memref<80xi32, #tpu.memory_space<hbm>>
    tpu.wait_dma2 semaphore(%arg13 : memref<!tpu.dma_semaphore, #tpu.memory_space<semaphore_mem>>) src(%dma_wait3A_354 : memref<80xi32, #tpu.memory_space<hbm>>) dst(%dma_wait3A_351 : memref<80xi32, #tpu.memory_space<vmem>>)
    %dma_wait3A_355 = arith.constant 0 : i32
    %dma_wait3A_356 = arith.constant 4 : i32
    %dma_wait3A_357 = arith.constant 0 : i32
    %dma_wait3A_358 = tpu.memref_slice %arg8[%dma_wait3A_356, %dma_wait3A_357] : memref<8x80xi32, #tpu.memory_space<vmem>> -> memref<1x80xi32, #tpu.memory_space<vmem>>
    %dma_wait3A_359 = tpu.memref_squeeze %dma_wait3A_358 : memref<1x80xi32, #tpu.memory_space<vmem>> -> memref<80xi32, #tpu.memory_space<vmem>>
    %dma_wait3A_360 = arith.constant 0 : i32
    %dma_wait3A_361 = tpu.memref_slice %arg4[%add3A, %dma_wait3A_355, %dma_wait3A_360] : memref<32x125x80xi32, #tpu.memory_space<hbm>> -> memref<1x1x80xi32, #tpu.memory_space<hbm>>
    %dma_wait3A_362 = tpu.memref_squeeze %dma_wait3A_361 : memref<1x1x80xi32, #tpu.memory_space<hbm>> -> memref<80xi32, #tpu.memory_space<hbm>>
    %dma_wait3A_363 = arith.constant 0 : i32
    %dma_wait3A_364 = tpu.memref_slice %arg8[%dma_wait3A_356, %dma_wait3A_363] : memref<8x80xi32, #tpu.memory_space<vmem>> -> memref<1x80xi32, #tpu.memory_space<vmem>>
    %dma_wait3A_365 = tpu.memref_squeeze %dma_wait3A_364 : memref<1x80xi32, #tpu.memory_space<vmem>> -> memref<80xi32, #tpu.memory_space<vmem>>
    %dma_wait3A_366 = arith.constant 0 : i32
    %dma_wait3A_367 = tpu.memref_slice %arg4[%add3A, %dma_wait3A_355, %dma_wait3A_366] : memref<32x125x80xi32, #tpu.memory_space<hbm>> -> memref<1x1x80xi32, #tpu.memory_space<hbm>>
    %dma_wait3A_368 = tpu.memref_squeeze %dma_wait3A_367 : memref<1x1x80xi32, #tpu.memory_space<hbm>> -> memref<80xi32, #tpu.memory_space<hbm>>
    tpu.wait_dma2 semaphore(%arg13 : memref<!tpu.dma_semaphore, #tpu.memory_space<semaphore_mem>>) src(%dma_wait3A_368 : memref<80xi32, #tpu.memory_space<hbm>>) dst(%dma_wait3A_365 : memref<80xi32, #tpu.memory_space<vmem>>)
    %dma_start3A_369 = arith.constant 0 : i32
    %dma_start3A_370 = arith.constant 0 : i32
    %dma_start3A_371 = arith.constant 0 : i32
    %dma_start3A_372 = arith.constant 0 : i32
    %dma_start3A_373 = tpu.memref_slice %arg9[%dma_start3A_370, %dma_start3A_371, %dma_start3A_372] : memref<4x80x128xf32, #tpu.memory_space<vmem>> -> memref<1x80x128xf32, #tpu.memory_space<vmem>>
    %dma_start3A_374 = tpu.memref_squeeze %dma_start3A_373 : memref<1x80x128xf32, #tpu.memory_space<vmem>> -> memref<80x128xf32, #tpu.memory_space<vmem>>
    %dma_start3A_375 = arith.constant 0 : i32
    %dma_start3A_376 = tpu.memref_slice %arg7[%dma_start3A_369, %dma_start3A_375] : memref<4x80xi32, #tpu.memory_space<vmem>> -> memref<1x80xi32, #tpu.memory_space<vmem>>
    %dma_start3A_377 = tpu.memref_squeeze %dma_start3A_376 : memref<1x80xi32, #tpu.memory_space<vmem>> -> memref<80xi32, #tpu.memory_space<vmem>>
    %dma_start3A_378 = arith.constant 0 : i32
    %dma_start3A_379 = arith.constant 0 : i32
    %dma_start3A_380 = tpu.memref_slice %arg2[%dma_start3A_378, %dma_start3A_379] : memref<10000x128xf32, #tpu.memory_space<hbm>> -> memref<10000x128xf32, #tpu.memory_space<hbm>>
    tpu.enqueue_indirect_dma source(%dma_start3A_380 : memref<10000x128xf32, #tpu.memory_space<hbm>>) target(%dma_start3A_374 : memref<80x128xf32, #tpu.memory_space<vmem>>) offsets(%dma_start3A_377 : memref<80xi32, #tpu.memory_space<vmem>>) semaphore(%arg11 : memref<!tpu.dma_semaphore, #tpu.memory_space<semaphore_mem>>)
    %dma_wait3A_381 = arith.constant 3 : i32
    %dma_wait3A_382 = arith.constant 3 : i32
    %dma_wait3A_383 = arith.constant 0 : i32
    %dma_wait3A_384 = arith.constant 0 : i32
    %dma_wait3A_385 = tpu.memref_slice %arg9[%dma_wait3A_382, %dma_wait3A_383, %dma_wait3A_384] : memref<4x80x128xf32, #tpu.memory_space<vmem>> -> memref<1x80x128xf32, #tpu.memory_space<vmem>>
    %dma_wait3A_386 = tpu.memref_squeeze %dma_wait3A_385 : memref<1x80x128xf32, #tpu.memory_space<vmem>> -> memref<80x128xf32, #tpu.memory_space<vmem>>
    %dma_wait3A_387 = arith.constant 0 : i32
    %dma_wait3A_388 = tpu.memref_slice %arg7[%dma_wait3A_381, %dma_wait3A_387] : memref<4x80xi32, #tpu.memory_space<vmem>> -> memref<1x80xi32, #tpu.memory_space<vmem>>
    %dma_wait3A_389 = tpu.memref_squeeze %dma_wait3A_388 : memref<1x80xi32, #tpu.memory_space<vmem>> -> memref<80xi32, #tpu.memory_space<vmem>>
    %dma_wait3A_390 = arith.constant 0 : i32
    %dma_wait3A_391 = arith.constant 0 : i32
    %dma_wait3A_392 = tpu.memref_slice %arg2[%dma_wait3A_390, %dma_wait3A_391] : memref<10000x128xf32, #tpu.memory_space<hbm>> -> memref<10000x128xf32, #tpu.memory_space<hbm>>
    tpu.wait_indirect_dma semaphore(%arg12 : memref<!tpu.dma_semaphore, #tpu.memory_space<semaphore_mem>>) src(%dma_wait3A_392 : memref<10000x128xf32, #tpu.memory_space<hbm>>) dst(%dma_wait3A_386 : memref<80x128xf32, #tpu.memory_space<vmem>>)
    %dma_wait3A_393 = arith.constant 1 : i32
    %dma_wait3A_394 = arith.constant 1 : i32
    %dma_wait3A_395 = arith.constant 0 : i32
    %dma_wait3A_396 = arith.constant 0 : i32
    %dma_wait3A_397 = tpu.memref_slice %arg9[%dma_wait3A_393, %dma_wait3A_395, %dma_wait3A_396] : memref<4x80x128xf32, #tpu.memory_space<vmem>> -> memref<1x80x128xf32, #tpu.memory_space<vmem>>
    %dma_wait3A_398 = tpu.memref_squeeze %dma_wait3A_397 : memref<1x80x128xf32, #tpu.memory_space<vmem>> -> memref<80x128xf32, #tpu.memory_space<vmem>>
    %dma_wait3A_399 = arith.constant 0 : i32
    %dma_wait3A_400 = tpu.memref_slice %arg8[%dma_wait3A_394, %dma_wait3A_399] : memref<8x80xi32, #tpu.memory_space<vmem>> -> memref<1x80xi32, #tpu.memory_space<vmem>>
    %dma_wait3A_401 = tpu.memref_squeeze %dma_wait3A_400 : memref<1x80xi32, #tpu.memory_space<vmem>> -> memref<80xi32, #tpu.memory_space<vmem>>
    %dma_wait3A_402 = arith.constant 0 : i32
    %dma_wait3A_403 = arith.constant 0 : i32
    %dma_wait3A_404 = tpu.memref_slice %arg10[%dma_wait3A_402, %dma_wait3A_403] : memref<10000x128xf32, #tpu.memory_space<vmem_shared>> -> memref<10000x128xf32, #tpu.memory_space<vmem_shared>>
    tpu.wait_indirect_dma semaphore(%arg15 : memref<!tpu.dma_semaphore, #tpu.memory_space<semaphore_mem>>) src(%dma_wait3A_398 : memref<80x128xf32, #tpu.memory_space<vmem>>) dst(%dma_wait3A_404 : memref<10000x128xf32, #tpu.memory_space<vmem_shared>>)
    %dma_start3A_405 = arith.constant 3 : i32
    %dma_start3A_406 = arith.constant 3 : i32
    %dma_start3A_407 = arith.constant 0 : i32
    %dma_start3A_408 = arith.constant 0 : i32
    %dma_start3A_409 = tpu.memref_slice %arg9[%dma_start3A_405, %dma_start3A_407, %dma_start3A_408] : memref<4x80x128xf32, #tpu.memory_space<vmem>> -> memref<1x80x128xf32, #tpu.memory_space<vmem>>
    %dma_start3A_410 = tpu.memref_squeeze %dma_start3A_409 : memref<1x80x128xf32, #tpu.memory_space<vmem>> -> memref<80x128xf32, #tpu.memory_space<vmem>>
    %dma_start3A_411 = arith.constant 0 : i32
    %dma_start3A_412 = tpu.memref_slice %arg8[%dma_start3A_406, %dma_start3A_411] : memref<8x80xi32, #tpu.memory_space<vmem>> -> memref<1x80xi32, #tpu.memory_space<vmem>>
    %dma_start3A_413 = tpu.memref_squeeze %dma_start3A_412 : memref<1x80xi32, #tpu.memory_space<vmem>> -> memref<80xi32, #tpu.memory_space<vmem>>
    %dma_start3A_414 = arith.constant 0 : i32
    %dma_start3A_415 = arith.constant 0 : i32
    %dma_start3A_416 = tpu.memref_slice %arg10[%dma_start3A_414, %dma_start3A_415] : memref<10000x128xf32, #tpu.memory_space<vmem_shared>> -> memref<10000x128xf32, #tpu.memory_space<vmem_shared>>
    tpu.enqueue_indirect_dma source(%dma_start3A_410 : memref<80x128xf32, #tpu.memory_space<vmem>>) target(%dma_start3A_416 : memref<10000x128xf32, #tpu.memory_space<vmem_shared>>) offsets(%dma_start3A_413 : memref<80xi32, #tpu.memory_space<vmem>>) semaphore(%arg15 : memref<!tpu.dma_semaphore, #tpu.memory_space<semaphore_mem>>) {add = true}
    %dma_wait3A_417 = arith.constant 0 : i32
    %dma_wait3A_418 = arith.constant 0 : i32
    %dma_wait3A_419 = arith.constant 0 : i32
    %dma_wait3A_420 = arith.constant 0 : i32
    %dma_wait3A_421 = tpu.memref_slice %arg9[%dma_wait3A_418, %dma_wait3A_419, %dma_wait3A_420] : memref<4x80x128xf32, #tpu.memory_space<vmem>> -> memref<1x80x128xf32, #tpu.memory_space<vmem>>
    %dma_wait3A_422 = tpu.memref_squeeze %dma_wait3A_421 : memref<1x80x128xf32, #tpu.memory_space<vmem>> -> memref<80x128xf32, #tpu.memory_space<vmem>>
    %dma_wait3A_423 = arith.constant 0 : i32
    %dma_wait3A_424 = tpu.memref_slice %arg7[%dma_wait3A_417, %dma_wait3A_423] : memref<4x80xi32, #tpu.memory_space<vmem>> -> memref<1x80xi32, #tpu.memory_space<vmem>>
    %dma_wait3A_425 = tpu.memref_squeeze %dma_wait3A_424 : memref<1x80xi32, #tpu.memory_space<vmem>> -> memref<80xi32, #tpu.memory_space<vmem>>
    %dma_wait3A_426 = arith.constant 0 : i32
    %dma_wait3A_427 = arith.constant 0 : i32
    %dma_wait3A_428 = tpu.memref_slice %arg2[%dma_wait3A_426, %dma_wait3A_427] : memref<10000x128xf32, #tpu.memory_space<hbm>> -> memref<10000x128xf32, #tpu.memory_space<hbm>>
    tpu.wait_indirect_dma semaphore(%arg11 : memref<!tpu.dma_semaphore, #tpu.memory_space<semaphore_mem>>) src(%dma_wait3A_428 : memref<10000x128xf32, #tpu.memory_space<hbm>>) dst(%dma_wait3A_422 : memref<80x128xf32, #tpu.memory_space<vmem>>)
    %dma_wait3A_429 = arith.constant 2 : i32
    %dma_wait3A_430 = arith.constant 2 : i32
    %dma_wait3A_431 = arith.constant 0 : i32
    %dma_wait3A_432 = arith.constant 0 : i32
    %dma_wait3A_433 = tpu.memref_slice %arg9[%dma_wait3A_429, %dma_wait3A_431, %dma_wait3A_432] : memref<4x80x128xf32, #tpu.memory_space<vmem>> -> memref<1x80x128xf32, #tpu.memory_space<vmem>>
    %dma_wait3A_434 = tpu.memref_squeeze %dma_wait3A_433 : memref<1x80x128xf32, #tpu.memory_space<vmem>> -> memref<80x128xf32, #tpu.memory_space<vmem>>
    %dma_wait3A_435 = arith.constant 0 : i32
    %dma_wait3A_436 = tpu.memref_slice %arg8[%dma_wait3A_430, %dma_wait3A_435] : memref<8x80xi32, #tpu.memory_space<vmem>> -> memref<1x80xi32, #tpu.memory_space<vmem>>
    %dma_wait3A_437 = tpu.memref_squeeze %dma_wait3A_436 : memref<1x80xi32, #tpu.memory_space<vmem>> -> memref<80xi32, #tpu.memory_space<vmem>>
    %dma_wait3A_438 = arith.constant 0 : i32
    %dma_wait3A_439 = arith.constant 0 : i32
    %dma_wait3A_440 = tpu.memref_slice %arg10[%dma_wait3A_438, %dma_wait3A_439] : memref<10000x128xf32, #tpu.memory_space<vmem_shared>> -> memref<10000x128xf32, #tpu.memory_space<vmem_shared>>
    tpu.wait_indirect_dma semaphore(%arg14 : memref<!tpu.dma_semaphore, #tpu.memory_space<semaphore_mem>>) src(%dma_wait3A_434 : memref<80x128xf32, #tpu.memory_space<vmem>>) dst(%dma_wait3A_440 : memref<10000x128xf32, #tpu.memory_space<vmem_shared>>)
    %dma_start3A_441 = arith.constant 0 : i32
    %dma_start3A_442 = arith.constant 4 : i32
    %dma_start3A_443 = arith.constant 0 : i32
    %dma_start3A_444 = arith.constant 0 : i32
    %dma_start3A_445 = tpu.memref_slice %arg9[%dma_start3A_441, %dma_start3A_443, %dma_start3A_444] : memref<4x80x128xf32, #tpu.memory_space<vmem>> -> memref<1x80x128xf32, #tpu.memory_space<vmem>>
    %dma_start3A_446 = tpu.memref_squeeze %dma_start3A_445 : memref<1x80x128xf32, #tpu.memory_space<vmem>> -> memref<80x128xf32, #tpu.memory_space<vmem>>
    %dma_start3A_447 = arith.constant 0 : i32
    %dma_start3A_448 = tpu.memref_slice %arg8[%dma_start3A_442, %dma_start3A_447] : memref<8x80xi32, #tpu.memory_space<vmem>> -> memref<1x80xi32, #tpu.memory_space<vmem>>
    %dma_start3A_449 = tpu.memref_squeeze %dma_start3A_448 : memref<1x80xi32, #tpu.memory_space<vmem>> -> memref<80xi32, #tpu.memory_space<vmem>>
    %dma_start3A_450 = arith.constant 0 : i32
    %dma_start3A_451 = arith.constant 0 : i32
    %dma_start3A_452 = tpu.memref_slice %arg10[%dma_start3A_450, %dma_start3A_451] : memref<10000x128xf32, #tpu.memory_space<vmem_shared>> -> memref<10000x128xf32, #tpu.memory_space<vmem_shared>>
    tpu.enqueue_indirect_dma source(%dma_start3A_446 : memref<80x128xf32, #tpu.memory_space<vmem>>) target(%dma_start3A_452 : memref<10000x128xf32, #tpu.memory_space<vmem_shared>>) offsets(%dma_start3A_449 : memref<80xi32, #tpu.memory_space<vmem>>) semaphore(%arg14 : memref<!tpu.dma_semaphore, #tpu.memory_space<semaphore_mem>>) {add = true}
    %dma_wait3A_453 = arith.constant 3 : i32
    %dma_wait3A_454 = arith.constant 3 : i32
    %dma_wait3A_455 = arith.constant 0 : i32
    %dma_wait3A_456 = arith.constant 0 : i32
    %dma_wait3A_457 = tpu.memref_slice %arg9[%dma_wait3A_453, %dma_wait3A_455, %dma_wait3A_456] : memref<4x80x128xf32, #tpu.memory_space<vmem>> -> memref<1x80x128xf32, #tpu.memory_space<vmem>>
    %dma_wait3A_458 = tpu.memref_squeeze %dma_wait3A_457 : memref<1x80x128xf32, #tpu.memory_space<vmem>> -> memref<80x128xf32, #tpu.memory_space<vmem>>
    %dma_wait3A_459 = arith.constant 0 : i32
    %dma_wait3A_460 = tpu.memref_slice %arg8[%dma_wait3A_454, %dma_wait3A_459] : memref<8x80xi32, #tpu.memory_space<vmem>> -> memref<1x80xi32, #tpu.memory_space<vmem>>
    %dma_wait3A_461 = tpu.memref_squeeze %dma_wait3A_460 : memref<1x80xi32, #tpu.memory_space<vmem>> -> memref<80xi32, #tpu.memory_space<vmem>>
    %dma_wait3A_462 = arith.constant 0 : i32
    %dma_wait3A_463 = arith.constant 0 : i32
    %dma_wait3A_464 = tpu.memref_slice %arg10[%dma_wait3A_462, %dma_wait3A_463] : memref<10000x128xf32, #tpu.memory_space<vmem_shared>> -> memref<10000x128xf32, #tpu.memory_space<vmem_shared>>
    tpu.wait_indirect_dma semaphore(%arg15 : memref<!tpu.dma_semaphore, #tpu.memory_space<semaphore_mem>>) src(%dma_wait3A_458 : memref<80x128xf32, #tpu.memory_space<vmem>>) dst(%dma_wait3A_464 : memref<10000x128xf32, #tpu.memory_space<vmem_shared>>)
    %dma_wait3A_465 = arith.constant 0 : i32
    %dma_wait3A_466 = arith.constant 4 : i32
    %dma_wait3A_467 = arith.constant 0 : i32
    %dma_wait3A_468 = arith.constant 0 : i32
    %dma_wait3A_469 = tpu.memref_slice %arg9[%dma_wait3A_465, %dma_wait3A_467, %dma_wait3A_468] : memref<4x80x128xf32, #tpu.memory_space<vmem>> -> memref<1x80x128xf32, #tpu.memory_space<vmem>>
    %dma_wait3A_470 = tpu.memref_squeeze %dma_wait3A_469 : memref<1x80x128xf32, #tpu.memory_space<vmem>> -> memref<80x128xf32, #tpu.memory_space<vmem>>
    %dma_wait3A_471 = arith.constant 0 : i32
    %dma_wait3A_472 = tpu.memref_slice %arg8[%dma_wait3A_466, %dma_wait3A_471] : memref<8x80xi32, #tpu.memory_space<vmem>> -> memref<1x80xi32, #tpu.memory_space<vmem>>
    %dma_wait3A_473 = tpu.memref_squeeze %dma_wait3A_472 : memref<1x80xi32, #tpu.memory_space<vmem>> -> memref<80xi32, #tpu.memory_space<vmem>>
    %dma_wait3A_474 = arith.constant 0 : i32
    %dma_wait3A_475 = arith.constant 0 : i32
    %dma_wait3A_476 = tpu.memref_slice %arg10[%dma_wait3A_474, %dma_wait3A_475] : memref<10000x128xf32, #tpu.memory_space<vmem_shared>> -> memref<10000x128xf32, #tpu.memory_space<vmem_shared>>
    tpu.wait_indirect_dma semaphore(%arg14 : memref<!tpu.dma_semaphore, #tpu.memory_space<semaphore_mem>>) src(%dma_wait3A_470 : memref<80x128xf32, #tpu.memory_space<vmem>>) dst(%dma_wait3A_476 : memref<10000x128xf32, #tpu.memory_space<vmem_shared>>)
    %barrier3A_477 = arith.constant 0 : index
    tpu.barrier barrier_id(%barrier3A_477)
    %lt3A_478 = arith.constant 15 : i32
    %lt3A_479 = arith.cmpi slt, %arg1, %lt3A_478 : i32
    %convert_element_type3A_480 = arith.extui %lt3A_479 : i1 to i32
    %cond3A_481 = arith.constant 0 : i32
    %cond3A_482 = arith.cmpi ne, %convert_element_type3A_480, %cond3A_481 : i32
    scf.if %cond3A_482 {
      %mul3A_488 = arith.constant 640 : i32
      %mul3A_489 = arith.muli %arg1, %mul3A_488 : i32
      %mul3A_490 = arith.constant 640 : i32
      %mul3A_491 = arith.muli %arg1, %mul3A_490 : i32
      "tpu.region"() ({
        %run_scoped3A_492 = tpu.sem_alloc : memref<!tpu.dma_semaphore, #tpu.memory_space<semaphore_mem>>
        %dma_start3A_493 = arith.constant 0 : i32
        %dma_start3A_494 = tpu.memref_slice %arg6[%arg0, %mul3A_491, %dma_start3A_493] : memref<2x10000x128xf32, #tpu.memory_space<hbm>> -> memref<1x640x128xf32, #tpu.memory_space<hbm>>
        %dma_start3A_495 = tpu.memref_squeeze %dma_start3A_494 : memref<1x640x128xf32, #tpu.memory_space<hbm>> -> memref<640x128xf32, #tpu.memory_space<hbm>>
        %dma_start3A_496 = arith.constant 0 : i32
        %dma_start3A_497 = tpu.memref_slice %arg10[%mul3A_489, %dma_start3A_496] : memref<10000x128xf32, #tpu.memory_space<vmem_shared>> -> memref<640x128xf32, #tpu.memory_space<vmem_shared>>
        tpu.enqueue_dma source(%dma_start3A_497 : memref<640x128xf32, #tpu.memory_space<vmem_shared>>) target(%dma_start3A_495 : memref<640x128xf32, #tpu.memory_space<hbm>>) target_semaphore(%run_scoped3A_492 : memref<!tpu.dma_semaphore, #tpu.memory_space<semaphore_mem>>)
        %dma_wait3A_498 = arith.constant 0 : i32
        %dma_wait3A_499 = tpu.memref_slice %arg6[%arg0, %mul3A_491, %dma_wait3A_498] : memref<2x10000x128xf32, #tpu.memory_space<hbm>> -> memref<1x640x128xf32, #tpu.memory_space<hbm>>
        %dma_wait3A_500 = tpu.memref_squeeze %dma_wait3A_499 : memref<1x640x128xf32, #tpu.memory_space<hbm>> -> memref<640x128xf32, #tpu.memory_space<hbm>>
        %dma_wait3A_501 = arith.constant 0 : i32
        %dma_wait3A_502 = tpu.memref_slice %arg10[%mul3A_489, %dma_wait3A_501] : memref<10000x128xf32, #tpu.memory_space<vmem_shared>> -> memref<640x128xf32, #tpu.memory_space<vmem_shared>>
        tpu.wait_dma2 semaphore(%run_scoped3A_492 : memref<!tpu.dma_semaphore, #tpu.memory_space<semaphore_mem>>) src(%dma_wait3A_502 : memref<640x128xf32, #tpu.memory_space<vmem_shared>>) dst(%dma_wait3A_500 : memref<640x128xf32, #tpu.memory_space<hbm>>)
        tpu.yield
      }) : () -> ()
    } else {
    }
    %eq3A_483 = arith.constant 15 : i32
    %eq3A_484 = arith.cmpi eq, %arg1, %eq3A_483 : i32
    %convert_element_type3A_485 = arith.extui %eq3A_484 : i1 to i32
    %cond3A_486 = arith.constant 0 : i32
    %cond3A_487 = arith.cmpi ne, %convert_element_type3A_485, %cond3A_486 : i32
    scf.if %cond3A_487 {
      "tpu.region"() ({
        %run_scoped3A_488 = tpu.sem_alloc : memref<!tpu.dma_semaphore, #tpu.memory_space<semaphore_mem>>
        %dma_start3A_489 = arith.constant 9600 : i32
        %dma_start3A_490 = arith.constant 0 : i32
        %dma_start3A_491 = tpu.memref_slice %arg6[%arg0, %dma_start3A_489, %dma_start3A_490] : memref<2x10000x128xf32, #tpu.memory_space<hbm>> -> memref<1x400x128xf32, #tpu.memory_space<hbm>>
        %dma_start3A_492 = tpu.memref_squeeze %dma_start3A_491 : memref<1x400x128xf32, #tpu.memory_space<hbm>> -> memref<400x128xf32, #tpu.memory_space<hbm>>
        %dma_start3A_493 = arith.constant 9600 : i32
        %dma_start3A_494 = arith.constant 0 : i32
        %dma_start3A_495 = tpu.memref_slice %arg10[%dma_start3A_493, %dma_start3A_494] : memref<10000x128xf32, #tpu.memory_space<vmem_shared>> -> memref<400x128xf32, #tpu.memory_space<vmem_shared>>
        tpu.enqueue_dma source(%dma_start3A_495 : memref<400x128xf32, #tpu.memory_space<vmem_shared>>) target(%dma_start3A_492 : memref<400x128xf32, #tpu.memory_space<hbm>>) target_semaphore(%run_scoped3A_488 : memref<!tpu.dma_semaphore, #tpu.memory_space<semaphore_mem>>)
        %dma_wait3A_496 = arith.constant 9600 : i32
        %dma_wait3A_497 = arith.constant 0 : i32
        %dma_wait3A_498 = tpu.memref_slice %arg6[%arg0, %dma_wait3A_496, %dma_wait3A_497] : memref<2x10000x128xf32, #tpu.memory_space<hbm>> -> memref<1x400x128xf32, #tpu.memory_space<hbm>>
        %dma_wait3A_499 = tpu.memref_squeeze %dma_wait3A_498 : memref<1x400x128xf32, #tpu.memory_space<hbm>> -> memref<400x128xf32, #tpu.memory_space<hbm>>
        %dma_wait3A_500 = arith.constant 9600 : i32
        %dma_wait3A_501 = arith.constant 0 : i32
        %dma_wait3A_502 = tpu.memref_slice %arg10[%dma_wait3A_500, %dma_wait3A_501] : memref<10000x128xf32, #tpu.memory_space<vmem_shared>> -> memref<400x128xf32, #tpu.memory_space<vmem_shared>>
        tpu.wait_dma2 semaphore(%run_scoped3A_488 : memref<!tpu.dma_semaphore, #tpu.memory_space<semaphore_mem>>) src(%dma_wait3A_502 : memref<400x128xf32, #tpu.memory_space<vmem_shared>>) dst(%dma_wait3A_499 : memref<400x128xf32, #tpu.memory_space<hbm>>)
        tpu.yield
      }) : () -> ()
    } else {
    }
    return
  }
}

#map = affine_map<(d0, d1) -> (0, 0, 0)>
#map1 = affine_map<(d0, d1) -> (0, 0)>
module attributes {stable_mosaic.version = 14 : i64} {
  func.func @deg_kernel(%arg0: i32, %arg1: i32, %arg2: memref<32x125x80xi32, #tpu.memory_space<hbm>>, %arg3: memref<80x16xf32, #tpu.memory_space<hbm>>, %arg4: memref<640x16xf32, #tpu.memory_space<hbm>>, %arg5: memref<2x10000x16xf32, #tpu.memory_space<hbm>>, %arg6: memref<8x80xi32, #tpu.memory_space<vmem>>, %arg7: memref<80x16xf32, #tpu.memory_space<vmem>>, %arg8: memref<10000x16xf32, #tpu.memory_space<vmem_shared>>, %arg9: memref<!tpu.dma_semaphore, #tpu.memory_space<semaphore_mem>>, %arg10: memref<!tpu.dma_semaphore, #tpu.memory_space<semaphore_mem>>, %arg11: memref<!tpu.dma_semaphore, #tpu.memory_space<semaphore_mem>>) attributes {dimension_semantics = [#tpu.dimension_semantics<core_parallel>, #tpu.dimension_semantics<subcore_parallel>], iteration_bounds = array<i64: 2, 16>, scalar_prefetch = 0 : i64, scratch_operands = 6 : i64, tpu.core_type = #tpu.core_type<sc_vector_subcore>, window_params = [{transform_indices = #map}, {transform_indices = #map1}, {transform_indices = #map1}, {transform_indices = #map}]} {
    %mul3A = arith.constant 16 : i32
    %mul3A_0 = arith.muli %arg0, %mul3A : i32
    %add3A = arith.addi %mul3A_0, %arg1 : i32
    %lt3A = arith.constant 15 : i32
    %lt3A_1 = arith.cmpi slt, %arg1, %lt3A : i32
    %convert_element_type3A = arith.extui %lt3A_1 : i1 to i32
    %cond3A = arith.constant 0 : i32
    %cond3A_2 = arith.cmpi ne, %convert_element_type3A, %cond3A : i32
    scf.if %cond3A_2 {
      %mul3A_204 = arith.constant 640 : i32
      %mul3A_205 = arith.muli %arg1, %mul3A_204 : i32
      "tpu.region"() ({
        %run_scoped3A_206 = tpu.sem_alloc : memref<!tpu.dma_semaphore, #tpu.memory_space<semaphore_mem>>
        %dma_start3A_207 = arith.constant 0 : i32
        %dma_start3A_208 = tpu.memref_slice %arg8[%mul3A_205, %dma_start3A_207] : memref<10000x16xf32, #tpu.memory_space<vmem_shared>> -> memref<640x16xf32, #tpu.memory_space<vmem_shared>>
        tpu.enqueue_dma source(%arg4 : memref<640x16xf32, #tpu.memory_space<hbm>>) target(%dma_start3A_208 : memref<640x16xf32, #tpu.memory_space<vmem_shared>>) target_semaphore(%run_scoped3A_206 : memref<!tpu.dma_semaphore, #tpu.memory_space<semaphore_mem>>)
        %dma_wait3A_209 = arith.constant 0 : i32
        %dma_wait3A_210 = tpu.memref_slice %arg8[%mul3A_205, %dma_wait3A_209] : memref<10000x16xf32, #tpu.memory_space<vmem_shared>> -> memref<640x16xf32, #tpu.memory_space<vmem_shared>>
        tpu.wait_dma2 semaphore(%run_scoped3A_206 : memref<!tpu.dma_semaphore, #tpu.memory_space<semaphore_mem>>) src(%arg4 : memref<640x16xf32, #tpu.memory_space<hbm>>) dst(%dma_wait3A_210 : memref<640x16xf32, #tpu.memory_space<vmem_shared>>)
        tpu.yield
      }) : () -> ()
    } else {
    }
    %eq3A = arith.constant 15 : i32
    %eq3A_3 = arith.cmpi eq, %arg1, %eq3A : i32
    %convert_element_type3A_4 = arith.extui %eq3A_3 : i1 to i32
    %cond3A_5 = arith.constant 0 : i32
    %cond3A_6 = arith.cmpi ne, %convert_element_type3A_4, %cond3A_5 : i32
    scf.if %cond3A_6 {
      "tpu.region"() ({
        %run_scoped3A_204 = tpu.sem_alloc : memref<!tpu.dma_semaphore, #tpu.memory_space<semaphore_mem>>
        %dma_start3A_205 = arith.constant 9600 : i32
        %dma_start3A_206 = arith.constant 0 : i32
        %dma_start3A_207 = tpu.memref_slice %arg8[%dma_start3A_205, %dma_start3A_206] : memref<10000x16xf32, #tpu.memory_space<vmem_shared>> -> memref<400x16xf32, #tpu.memory_space<vmem_shared>>
        %dma_start3A_208 = arith.constant 0 : i32
        %dma_start3A_209 = arith.constant 0 : i32
        %dma_start3A_210 = tpu.memref_slice %arg4[%dma_start3A_208, %dma_start3A_209] : memref<640x16xf32, #tpu.memory_space<hbm>> -> memref<400x16xf32, #tpu.memory_space<hbm>>
        tpu.enqueue_dma source(%dma_start3A_210 : memref<400x16xf32, #tpu.memory_space<hbm>>) target(%dma_start3A_207 : memref<400x16xf32, #tpu.memory_space<vmem_shared>>) target_semaphore(%run_scoped3A_204 : memref<!tpu.dma_semaphore, #tpu.memory_space<semaphore_mem>>)
        %dma_wait3A_211 = arith.constant 9600 : i32
        %dma_wait3A_212 = arith.constant 0 : i32
        %dma_wait3A_213 = tpu.memref_slice %arg8[%dma_wait3A_211, %dma_wait3A_212] : memref<10000x16xf32, #tpu.memory_space<vmem_shared>> -> memref<400x16xf32, #tpu.memory_space<vmem_shared>>
        %dma_wait3A_214 = arith.constant 0 : i32
        %dma_wait3A_215 = arith.constant 0 : i32
        %dma_wait3A_216 = tpu.memref_slice %arg4[%dma_wait3A_214, %dma_wait3A_215] : memref<640x16xf32, #tpu.memory_space<hbm>> -> memref<400x16xf32, #tpu.memory_space<hbm>>
        tpu.wait_dma2 semaphore(%run_scoped3A_204 : memref<!tpu.dma_semaphore, #tpu.memory_space<semaphore_mem>>) src(%dma_wait3A_216 : memref<400x16xf32, #tpu.memory_space<hbm>>) dst(%dma_wait3A_213 : memref<400x16xf32, #tpu.memory_space<vmem_shared>>)
        tpu.yield
      }) : () -> ()
    } else {
    }
    "tpu.region"() ({
      %run_scoped3A_204 = tpu.sem_alloc : memref<!tpu.dma_semaphore, #tpu.memory_space<semaphore_mem>>
      tpu.enqueue_dma source(%arg3 : memref<80x16xf32, #tpu.memory_space<hbm>>) target(%arg7 : memref<80x16xf32, #tpu.memory_space<vmem>>) target_semaphore(%run_scoped3A_204 : memref<!tpu.dma_semaphore, #tpu.memory_space<semaphore_mem>>)
      tpu.wait_dma2 semaphore(%run_scoped3A_204 : memref<!tpu.dma_semaphore, #tpu.memory_space<semaphore_mem>>) src(%arg3 : memref<80x16xf32, #tpu.memory_space<hbm>>) dst(%arg7 : memref<80x16xf32, #tpu.memory_space<vmem>>)
      tpu.yield
    }) : () -> ()
    %run_scoped3A = arith.constant 0 : i32
    %run_scoped3A_7 = arith.constant 0 : i32
    "tpu.region"() ({
      %run_scoped3A_204 = tpu.sem_alloc : memref<!tpu.dma_semaphore, #tpu.memory_space<semaphore_mem>>
      %dma_start3A_205 = arith.constant 0 : i32
      %dma_start3A_206 = tpu.memref_slice %arg6[%run_scoped3A_7, %dma_start3A_205] : memref<8x80xi32, #tpu.memory_space<vmem>> -> memref<1x80xi32, #tpu.memory_space<vmem>>
      %dma_start3A_207 = tpu.memref_squeeze %dma_start3A_206 : memref<1x80xi32, #tpu.memory_space<vmem>> -> memref<80xi32, #tpu.memory_space<vmem>>
      %dma_start3A_208 = arith.constant 0 : i32
      %dma_start3A_209 = tpu.memref_slice %arg2[%add3A, %run_scoped3A, %dma_start3A_208] : memref<32x125x80xi32, #tpu.memory_space<hbm>> -> memref<1x1x80xi32, #tpu.memory_space<hbm>>
      %dma_start3A_210 = tpu.memref_squeeze %dma_start3A_209 : memref<1x1x80xi32, #tpu.memory_space<hbm>> -> memref<80xi32, #tpu.memory_space<hbm>>
      %dma_start3A_211 = arith.constant 0 : i32
      %dma_start3A_212 = tpu.memref_slice %arg6[%run_scoped3A_7, %dma_start3A_211] : memref<8x80xi32, #tpu.memory_space<vmem>> -> memref<1x80xi32, #tpu.memory_space<vmem>>
      %dma_start3A_213 = tpu.memref_squeeze %dma_start3A_212 : memref<1x80xi32, #tpu.memory_space<vmem>> -> memref<80xi32, #tpu.memory_space<vmem>>
      %dma_start3A_214 = arith.constant 0 : i32
      %dma_start3A_215 = tpu.memref_slice %arg2[%add3A, %run_scoped3A, %dma_start3A_214] : memref<32x125x80xi32, #tpu.memory_space<hbm>> -> memref<1x1x80xi32, #tpu.memory_space<hbm>>
      %dma_start3A_216 = tpu.memref_squeeze %dma_start3A_215 : memref<1x1x80xi32, #tpu.memory_space<hbm>> -> memref<80xi32, #tpu.memory_space<hbm>>
      tpu.enqueue_dma source(%dma_start3A_216 : memref<80xi32, #tpu.memory_space<hbm>>) target(%dma_start3A_213 : memref<80xi32, #tpu.memory_space<vmem>>) target_semaphore(%run_scoped3A_204 : memref<!tpu.dma_semaphore, #tpu.memory_space<semaphore_mem>>)
      %dma_wait3A_217 = arith.constant 0 : i32
      %dma_wait3A_218 = tpu.memref_slice %arg6[%run_scoped3A_7, %dma_wait3A_217] : memref<8x80xi32, #tpu.memory_space<vmem>> -> memref<1x80xi32, #tpu.memory_space<vmem>>
      %dma_wait3A_219 = tpu.memref_squeeze %dma_wait3A_218 : memref<1x80xi32, #tpu.memory_space<vmem>> -> memref<80xi32, #tpu.memory_space<vmem>>
      %dma_wait3A_220 = arith.constant 0 : i32
      %dma_wait3A_221 = tpu.memref_slice %arg2[%add3A, %run_scoped3A, %dma_wait3A_220] : memref<32x125x80xi32, #tpu.memory_space<hbm>> -> memref<1x1x80xi32, #tpu.memory_space<hbm>>
      %dma_wait3A_222 = tpu.memref_squeeze %dma_wait3A_221 : memref<1x1x80xi32, #tpu.memory_space<hbm>> -> memref<80xi32, #tpu.memory_space<hbm>>
      %dma_wait3A_223 = arith.constant 0 : i32
      %dma_wait3A_224 = tpu.memref_slice %arg6[%run_scoped3A_7, %dma_wait3A_223] : memref<8x80xi32, #tpu.memory_space<vmem>> -> memref<1x80xi32, #tpu.memory_space<vmem>>
      %dma_wait3A_225 = tpu.memref_squeeze %dma_wait3A_224 : memref<1x80xi32, #tpu.memory_space<vmem>> -> memref<80xi32, #tpu.memory_space<vmem>>
      %dma_wait3A_226 = arith.constant 0 : i32
      %dma_wait3A_227 = tpu.memref_slice %arg2[%add3A, %run_scoped3A, %dma_wait3A_226] : memref<32x125x80xi32, #tpu.memory_space<hbm>> -> memref<1x1x80xi32, #tpu.memory_space<hbm>>
      %dma_wait3A_228 = tpu.memref_squeeze %dma_wait3A_227 : memref<1x1x80xi32, #tpu.memory_space<hbm>> -> memref<80xi32, #tpu.memory_space<hbm>>
      tpu.wait_dma2 semaphore(%run_scoped3A_204 : memref<!tpu.dma_semaphore, #tpu.memory_space<semaphore_mem>>) src(%dma_wait3A_228 : memref<80xi32, #tpu.memory_space<hbm>>) dst(%dma_wait3A_225 : memref<80xi32, #tpu.memory_space<vmem>>)
      tpu.yield
    }) : () -> ()
    %barrier3A = arith.constant 0 : index
    tpu.barrier barrier_id(%barrier3A)
    %dma_start3A = arith.constant 1 : i32
    %dma_start3A_8 = arith.constant 1 : i32
    %dma_start3A_9 = arith.constant 0 : i32
    %dma_start3A_10 = tpu.memref_slice %arg6[%dma_start3A_8, %dma_start3A_9] : memref<8x80xi32, #tpu.memory_space<vmem>> -> memref<1x80xi32, #tpu.memory_space<vmem>>
    %dma_start3A_11 = tpu.memref_squeeze %dma_start3A_10 : memref<1x80xi32, #tpu.memory_space<vmem>> -> memref<80xi32, #tpu.memory_space<vmem>>
    %dma_start3A_12 = arith.constant 0 : i32
    %dma_start3A_13 = tpu.memref_slice %arg2[%add3A, %dma_start3A, %dma_start3A_12] : memref<32x125x80xi32, #tpu.memory_space<hbm>> -> memref<1x1x80xi32, #tpu.memory_space<hbm>>
    %dma_start3A_14 = tpu.memref_squeeze %dma_start3A_13 : memref<1x1x80xi32, #tpu.memory_space<hbm>> -> memref<80xi32, #tpu.memory_space<hbm>>
    %dma_start3A_15 = arith.constant 0 : i32
    %dma_start3A_16 = tpu.memref_slice %arg6[%dma_start3A_8, %dma_start3A_15] : memref<8x80xi32, #tpu.memory_space<vmem>> -> memref<1x80xi32, #tpu.memory_space<vmem>>
    %dma_start3A_17 = tpu.memref_squeeze %dma_start3A_16 : memref<1x80xi32, #tpu.memory_space<vmem>> -> memref<80xi32, #tpu.memory_space<vmem>>
    %dma_start3A_18 = arith.constant 0 : i32
    %dma_start3A_19 = tpu.memref_slice %arg2[%add3A, %dma_start3A, %dma_start3A_18] : memref<32x125x80xi32, #tpu.memory_space<hbm>> -> memref<1x1x80xi32, #tpu.memory_space<hbm>>
    %dma_start3A_20 = tpu.memref_squeeze %dma_start3A_19 : memref<1x1x80xi32, #tpu.memory_space<hbm>> -> memref<80xi32, #tpu.memory_space<hbm>>
    tpu.enqueue_dma source(%dma_start3A_20 : memref<80xi32, #tpu.memory_space<hbm>>) target(%dma_start3A_17 : memref<80xi32, #tpu.memory_space<vmem>>) target_semaphore(%arg9 : memref<!tpu.dma_semaphore, #tpu.memory_space<semaphore_mem>>)
    %dma_start3A_21 = arith.constant 0 : i32
    %dma_start3A_22 = arith.constant 0 : i32
    %dma_start3A_23 = tpu.memref_slice %arg6[%dma_start3A_21, %dma_start3A_22] : memref<8x80xi32, #tpu.memory_space<vmem>> -> memref<1x80xi32, #tpu.memory_space<vmem>>
    %dma_start3A_24 = tpu.memref_squeeze %dma_start3A_23 : memref<1x80xi32, #tpu.memory_space<vmem>> -> memref<80xi32, #tpu.memory_space<vmem>>
    %dma_start3A_25 = arith.constant 0 : i32
    %dma_start3A_26 = arith.constant 0 : i32
    %dma_start3A_27 = tpu.memref_slice %arg8[%dma_start3A_25, %dma_start3A_26] : memref<10000x16xf32, #tpu.memory_space<vmem_shared>> -> memref<10000x16xf32, #tpu.memory_space<vmem_shared>>
    tpu.enqueue_indirect_dma source(%arg7 : memref<80x16xf32, #tpu.memory_space<vmem>>) target(%dma_start3A_27 : memref<10000x16xf32, #tpu.memory_space<vmem_shared>>) offsets(%dma_start3A_24 : memref<80xi32, #tpu.memory_space<vmem>>) semaphore(%arg10 : memref<!tpu.dma_semaphore, #tpu.memory_space<semaphore_mem>>) {add = true}
    %dma_wait3A = arith.constant 0 : i32
    %dma_wait3A_28 = arith.constant 1 : i32
    %dma_wait3A_29 = arith.constant 0 : i32
    %dma_wait3A_30 = tpu.memref_slice %arg6[%dma_wait3A_28, %dma_wait3A_29] : memref<8x80xi32, #tpu.memory_space<vmem>> -> memref<1x80xi32, #tpu.memory_space<vmem>>
    %dma_wait3A_31 = tpu.memref_squeeze %dma_wait3A_30 : memref<1x80xi32, #tpu.memory_space<vmem>> -> memref<80xi32, #tpu.memory_space<vmem>>
    %dma_wait3A_32 = arith.constant 0 : i32
    %dma_wait3A_33 = tpu.memref_slice %arg2[%add3A, %dma_wait3A, %dma_wait3A_32] : memref<32x125x80xi32, #tpu.memory_space<hbm>> -> memref<1x1x80xi32, #tpu.memory_space<hbm>>
    %dma_wait3A_34 = tpu.memref_squeeze %dma_wait3A_33 : memref<1x1x80xi32, #tpu.memory_space<hbm>> -> memref<80xi32, #tpu.memory_space<hbm>>
    %dma_wait3A_35 = arith.constant 0 : i32
    %dma_wait3A_36 = tpu.memref_slice %arg6[%dma_wait3A_28, %dma_wait3A_35] : memref<8x80xi32, #tpu.memory_space<vmem>> -> memref<1x80xi32, #tpu.memory_space<vmem>>
    %dma_wait3A_37 = tpu.memref_squeeze %dma_wait3A_36 : memref<1x80xi32, #tpu.memory_space<vmem>> -> memref<80xi32, #tpu.memory_space<vmem>>
    %dma_wait3A_38 = arith.constant 0 : i32
    %dma_wait3A_39 = tpu.memref_slice %arg2[%add3A, %dma_wait3A, %dma_wait3A_38] : memref<32x125x80xi32, #tpu.memory_space<hbm>> -> memref<1x1x80xi32, #tpu.memory_space<hbm>>
    %dma_wait3A_40 = tpu.memref_squeeze %dma_wait3A_39 : memref<1x1x80xi32, #tpu.memory_space<hbm>> -> memref<80xi32, #tpu.memory_space<hbm>>
    tpu.wait_dma2 semaphore(%arg9 : memref<!tpu.dma_semaphore, #tpu.memory_space<semaphore_mem>>) src(%dma_wait3A_40 : memref<80xi32, #tpu.memory_space<hbm>>) dst(%dma_wait3A_37 : memref<80xi32, #tpu.memory_space<vmem>>)
    %dma_start3A_41 = arith.constant 2 : i32
    %dma_start3A_42 = arith.constant 2 : i32
    %dma_start3A_43 = arith.constant 0 : i32
    %dma_start3A_44 = tpu.memref_slice %arg6[%dma_start3A_42, %dma_start3A_43] : memref<8x80xi32, #tpu.memory_space<vmem>> -> memref<1x80xi32, #tpu.memory_space<vmem>>
    %dma_start3A_45 = tpu.memref_squeeze %dma_start3A_44 : memref<1x80xi32, #tpu.memory_space<vmem>> -> memref<80xi32, #tpu.memory_space<vmem>>
    %dma_start3A_46 = arith.constant 0 : i32
    %dma_start3A_47 = tpu.memref_slice %arg2[%add3A, %dma_start3A_41, %dma_start3A_46] : memref<32x125x80xi32, #tpu.memory_space<hbm>> -> memref<1x1x80xi32, #tpu.memory_space<hbm>>
    %dma_start3A_48 = tpu.memref_squeeze %dma_start3A_47 : memref<1x1x80xi32, #tpu.memory_space<hbm>> -> memref<80xi32, #tpu.memory_space<hbm>>
    %dma_start3A_49 = arith.constant 0 : i32
    %dma_start3A_50 = tpu.memref_slice %arg6[%dma_start3A_42, %dma_start3A_49] : memref<8x80xi32, #tpu.memory_space<vmem>> -> memref<1x80xi32, #tpu.memory_space<vmem>>
    %dma_start3A_51 = tpu.memref_squeeze %dma_start3A_50 : memref<1x80xi32, #tpu.memory_space<vmem>> -> memref<80xi32, #tpu.memory_space<vmem>>
    %dma_start3A_52 = arith.constant 0 : i32
    %dma_start3A_53 = tpu.memref_slice %arg2[%add3A, %dma_start3A_41, %dma_start3A_52] : memref<32x125x80xi32, #tpu.memory_space<hbm>> -> memref<1x1x80xi32, #tpu.memory_space<hbm>>
    %dma_start3A_54 = tpu.memref_squeeze %dma_start3A_53 : memref<1x1x80xi32, #tpu.memory_space<hbm>> -> memref<80xi32, #tpu.memory_space<hbm>>
    tpu.enqueue_dma source(%dma_start3A_54 : memref<80xi32, #tpu.memory_space<hbm>>) target(%dma_start3A_51 : memref<80xi32, #tpu.memory_space<vmem>>) target_semaphore(%arg9 : memref<!tpu.dma_semaphore, #tpu.memory_space<semaphore_mem>>)
    %dma_start3A_55 = arith.constant 1 : i32
    %dma_start3A_56 = arith.constant 0 : i32
    %dma_start3A_57 = tpu.memref_slice %arg6[%dma_start3A_55, %dma_start3A_56] : memref<8x80xi32, #tpu.memory_space<vmem>> -> memref<1x80xi32, #tpu.memory_space<vmem>>
    %dma_start3A_58 = tpu.memref_squeeze %dma_start3A_57 : memref<1x80xi32, #tpu.memory_space<vmem>> -> memref<80xi32, #tpu.memory_space<vmem>>
    %dma_start3A_59 = arith.constant 0 : i32
    %dma_start3A_60 = arith.constant 0 : i32
    %dma_start3A_61 = tpu.memref_slice %arg8[%dma_start3A_59, %dma_start3A_60] : memref<10000x16xf32, #tpu.memory_space<vmem_shared>> -> memref<10000x16xf32, #tpu.memory_space<vmem_shared>>
    tpu.enqueue_indirect_dma source(%arg7 : memref<80x16xf32, #tpu.memory_space<vmem>>) target(%dma_start3A_61 : memref<10000x16xf32, #tpu.memory_space<vmem_shared>>) offsets(%dma_start3A_58 : memref<80xi32, #tpu.memory_space<vmem>>) semaphore(%arg11 : memref<!tpu.dma_semaphore, #tpu.memory_space<semaphore_mem>>) {add = true}
    %dma_wait3A_62 = arith.constant 0 : i32
    %dma_wait3A_63 = arith.constant 2 : i32
    %dma_wait3A_64 = arith.constant 0 : i32
    %dma_wait3A_65 = tpu.memref_slice %arg6[%dma_wait3A_63, %dma_wait3A_64] : memref<8x80xi32, #tpu.memory_space<vmem>> -> memref<1x80xi32, #tpu.memory_space<vmem>>
    %dma_wait3A_66 = tpu.memref_squeeze %dma_wait3A_65 : memref<1x80xi32, #tpu.memory_space<vmem>> -> memref<80xi32, #tpu.memory_space<vmem>>
    %dma_wait3A_67 = arith.constant 0 : i32
    %dma_wait3A_68 = tpu.memref_slice %arg2[%add3A, %dma_wait3A_62, %dma_wait3A_67] : memref<32x125x80xi32, #tpu.memory_space<hbm>> -> memref<1x1x80xi32, #tpu.memory_space<hbm>>
    %dma_wait3A_69 = tpu.memref_squeeze %dma_wait3A_68 : memref<1x1x80xi32, #tpu.memory_space<hbm>> -> memref<80xi32, #tpu.memory_space<hbm>>
    %dma_wait3A_70 = arith.constant 0 : i32
    %dma_wait3A_71 = tpu.memref_slice %arg6[%dma_wait3A_63, %dma_wait3A_70] : memref<8x80xi32, #tpu.memory_space<vmem>> -> memref<1x80xi32, #tpu.memory_space<vmem>>
    %dma_wait3A_72 = tpu.memref_squeeze %dma_wait3A_71 : memref<1x80xi32, #tpu.memory_space<vmem>> -> memref<80xi32, #tpu.memory_space<vmem>>
    %dma_wait3A_73 = arith.constant 0 : i32
    %dma_wait3A_74 = tpu.memref_slice %arg2[%add3A, %dma_wait3A_62, %dma_wait3A_73] : memref<32x125x80xi32, #tpu.memory_space<hbm>> -> memref<1x1x80xi32, #tpu.memory_space<hbm>>
    %dma_wait3A_75 = tpu.memref_squeeze %dma_wait3A_74 : memref<1x1x80xi32, #tpu.memory_space<hbm>> -> memref<80xi32, #tpu.memory_space<hbm>>
    tpu.wait_dma2 semaphore(%arg9 : memref<!tpu.dma_semaphore, #tpu.memory_space<semaphore_mem>>) src(%dma_wait3A_75 : memref<80xi32, #tpu.memory_space<hbm>>) dst(%dma_wait3A_72 : memref<80xi32, #tpu.memory_space<vmem>>)
    %dma_start3A_76 = arith.constant 3 : i32
    %dma_start3A_77 = arith.constant 3 : i32
    %dma_start3A_78 = arith.constant 0 : i32
    %dma_start3A_79 = tpu.memref_slice %arg6[%dma_start3A_77, %dma_start3A_78] : memref<8x80xi32, #tpu.memory_space<vmem>> -> memref<1x80xi32, #tpu.memory_space<vmem>>
    %dma_start3A_80 = tpu.memref_squeeze %dma_start3A_79 : memref<1x80xi32, #tpu.memory_space<vmem>> -> memref<80xi32, #tpu.memory_space<vmem>>
    %dma_start3A_81 = arith.constant 0 : i32
    %dma_start3A_82 = tpu.memref_slice %arg2[%add3A, %dma_start3A_76, %dma_start3A_81] : memref<32x125x80xi32, #tpu.memory_space<hbm>> -> memref<1x1x80xi32, #tpu.memory_space<hbm>>
    %dma_start3A_83 = tpu.memref_squeeze %dma_start3A_82 : memref<1x1x80xi32, #tpu.memory_space<hbm>> -> memref<80xi32, #tpu.memory_space<hbm>>
    %dma_start3A_84 = arith.constant 0 : i32
    %dma_start3A_85 = tpu.memref_slice %arg6[%dma_start3A_77, %dma_start3A_84] : memref<8x80xi32, #tpu.memory_space<vmem>> -> memref<1x80xi32, #tpu.memory_space<vmem>>
    %dma_start3A_86 = tpu.memref_squeeze %dma_start3A_85 : memref<1x80xi32, #tpu.memory_space<vmem>> -> memref<80xi32, #tpu.memory_space<vmem>>
    %dma_start3A_87 = arith.constant 0 : i32
    %dma_start3A_88 = tpu.memref_slice %arg2[%add3A, %dma_start3A_76, %dma_start3A_87] : memref<32x125x80xi32, #tpu.memory_space<hbm>> -> memref<1x1x80xi32, #tpu.memory_space<hbm>>
    %dma_start3A_89 = tpu.memref_squeeze %dma_start3A_88 : memref<1x1x80xi32, #tpu.memory_space<hbm>> -> memref<80xi32, #tpu.memory_space<hbm>>
    tpu.enqueue_dma source(%dma_start3A_89 : memref<80xi32, #tpu.memory_space<hbm>>) target(%dma_start3A_86 : memref<80xi32, #tpu.memory_space<vmem>>) target_semaphore(%arg9 : memref<!tpu.dma_semaphore, #tpu.memory_space<semaphore_mem>>)
    %scan3A = arith.constant 0 : i32
    %scan3A_90 = arith.constant 1 : i32
    %scan3A_91 = arith.constant 60 : i32
    %scan3A_92 = arith.addi %scan3A_90, %scan3A_91 : i32
    %scan3A_93 = arith.constant 1 : i32
    scf.for %scan3A_204 = %scan3A_90 to %scan3A_92 step %scan3A_93  : i32 {
      %mul3A_205 = arith.constant 2 : i32
      %mul3A_206 = arith.muli %mul3A_205, %scan3A_204 : i32
      %add3A_207 = arith.constant 6 : i32
      %add3A_208 = arith.addi %mul3A_206, %add3A_207 : i32
      %rem3A = arith.constant 8 : i32
      %rem3A_209 = arith.remsi %add3A_208, %rem3A : i32
      %dma_wait3A_210 = arith.constant 0 : i32
      %dma_wait3A_211 = tpu.memref_slice %arg6[%rem3A_209, %dma_wait3A_210] : memref<8x80xi32, #tpu.memory_space<vmem>> -> memref<1x80xi32, #tpu.memory_space<vmem>>
      %dma_wait3A_212 = tpu.memref_squeeze %dma_wait3A_211 : memref<1x80xi32, #tpu.memory_space<vmem>> -> memref<80xi32, #tpu.memory_space<vmem>>
      %dma_wait3A_213 = arith.constant 0 : i32
      %dma_wait3A_214 = arith.constant 0 : i32
      %dma_wait3A_215 = tpu.memref_slice %arg8[%dma_wait3A_213, %dma_wait3A_214] : memref<10000x16xf32, #tpu.memory_space<vmem_shared>> -> memref<10000x16xf32, #tpu.memory_space<vmem_shared>>
      tpu.wait_indirect_dma semaphore(%arg10 : memref<!tpu.dma_semaphore, #tpu.memory_space<semaphore_mem>>) src(%arg7 : memref<80x16xf32, #tpu.memory_space<vmem>>) dst(%dma_wait3A_215 : memref<10000x16xf32, #tpu.memory_space<vmem_shared>>)
      %rem3A_216 = arith.constant 8 : i32
      %rem3A_217 = arith.remsi %mul3A_206, %rem3A_216 : i32
      %dma_start3A_218 = arith.constant 0 : i32
      %dma_start3A_219 = tpu.memref_slice %arg6[%rem3A_217, %dma_start3A_218] : memref<8x80xi32, #tpu.memory_space<vmem>> -> memref<1x80xi32, #tpu.memory_space<vmem>>
      %dma_start3A_220 = tpu.memref_squeeze %dma_start3A_219 : memref<1x80xi32, #tpu.memory_space<vmem>> -> memref<80xi32, #tpu.memory_space<vmem>>
      %dma_start3A_221 = arith.constant 0 : i32
      %dma_start3A_222 = arith.constant 0 : i32
      %dma_start3A_223 = tpu.memref_slice %arg8[%dma_start3A_221, %dma_start3A_222] : memref<10000x16xf32, #tpu.memory_space<vmem_shared>> -> memref<10000x16xf32, #tpu.memory_space<vmem_shared>>
      tpu.enqueue_indirect_dma source(%arg7 : memref<80x16xf32, #tpu.memory_space<vmem>>) target(%dma_start3A_223 : memref<10000x16xf32, #tpu.memory_space<vmem_shared>>) offsets(%dma_start3A_220 : memref<80xi32, #tpu.memory_space<vmem>>) semaphore(%arg10 : memref<!tpu.dma_semaphore, #tpu.memory_space<semaphore_mem>>) {add = true}
      %add3A_224 = arith.constant 1 : i32
      %add3A_225 = arith.addi %mul3A_206, %add3A_224 : i32
      %rem3A_226 = arith.constant 8 : i32
      %rem3A_227 = arith.remsi %add3A_225, %rem3A_226 : i32
      %dma_wait3A_228 = arith.constant 0 : i32
      %dma_wait3A_229 = arith.constant 0 : i32
      %dma_wait3A_230 = tpu.memref_slice %arg6[%rem3A_227, %dma_wait3A_229] : memref<8x80xi32, #tpu.memory_space<vmem>> -> memref<1x80xi32, #tpu.memory_space<vmem>>
      %dma_wait3A_231 = tpu.memref_squeeze %dma_wait3A_230 : memref<1x80xi32, #tpu.memory_space<vmem>> -> memref<80xi32, #tpu.memory_space<vmem>>
      %dma_wait3A_232 = arith.constant 0 : i32
      %dma_wait3A_233 = tpu.memref_slice %arg2[%add3A, %dma_wait3A_228, %dma_wait3A_232] : memref<32x125x80xi32, #tpu.memory_space<hbm>> -> memref<1x1x80xi32, #tpu.memory_space<hbm>>
      %dma_wait3A_234 = tpu.memref_squeeze %dma_wait3A_233 : memref<1x1x80xi32, #tpu.memory_space<hbm>> -> memref<80xi32, #tpu.memory_space<hbm>>
      %dma_wait3A_235 = arith.constant 0 : i32
      %dma_wait3A_236 = tpu.memref_slice %arg6[%rem3A_227, %dma_wait3A_235] : memref<8x80xi32, #tpu.memory_space<vmem>> -> memref<1x80xi32, #tpu.memory_space<vmem>>
      %dma_wait3A_237 = tpu.memref_squeeze %dma_wait3A_236 : memref<1x80xi32, #tpu.memory_space<vmem>> -> memref<80xi32, #tpu.memory_space<vmem>>
      %dma_wait3A_238 = arith.constant 0 : i32
      %dma_wait3A_239 = tpu.memref_slice %arg2[%add3A, %dma_wait3A_228, %dma_wait3A_238] : memref<32x125x80xi32, #tpu.memory_space<hbm>> -> memref<1x1x80xi32, #tpu.memory_space<hbm>>
      %dma_wait3A_240 = tpu.memref_squeeze %dma_wait3A_239 : memref<1x1x80xi32, #tpu.memory_space<hbm>> -> memref<80xi32, #tpu.memory_space<hbm>>
      tpu.wait_dma2 semaphore(%arg9 : memref<!tpu.dma_semaphore, #tpu.memory_space<semaphore_mem>>) src(%dma_wait3A_240 : memref<80xi32, #tpu.memory_space<hbm>>) dst(%dma_wait3A_237 : memref<80xi32, #tpu.memory_space<vmem>>)
      %add3A_241 = arith.constant 2 : i32
      %add3A_242 = arith.addi %mul3A_206, %add3A_241 : i32
      %add3A_243 = arith.constant 2 : i32
      %add3A_244 = arith.addi %mul3A_206, %add3A_243 : i32
      %rem3A_245 = arith.constant 8 : i32
      %rem3A_246 = arith.remsi %add3A_244, %rem3A_245 : i32
      %dma_start3A_247 = arith.constant 0 : i32
      %dma_start3A_248 = tpu.memref_slice %arg6[%rem3A_246, %dma_start3A_247] : memref<8x80xi32, #tpu.memory_space<vmem>> -> memref<1x80xi32, #tpu.memory_space<vmem>>
      %dma_start3A_249 = tpu.memref_squeeze %dma_start3A_248 : memref<1x80xi32, #tpu.memory_space<vmem>> -> memref<80xi32, #tpu.memory_space<vmem>>
      %dma_start3A_250 = arith.constant 0 : i32
      %dma_start3A_251 = tpu.memref_slice %arg2[%add3A, %add3A_242, %dma_start3A_250] : memref<32x125x80xi32, #tpu.memory_space<hbm>> -> memref<1x1x80xi32, #tpu.memory_space<hbm>>
      %dma_start3A_252 = tpu.memref_squeeze %dma_start3A_251 : memref<1x1x80xi32, #tpu.memory_space<hbm>> -> memref<80xi32, #tpu.memory_space<hbm>>
      %dma_start3A_253 = arith.constant 0 : i32
      %dma_start3A_254 = tpu.memref_slice %arg6[%rem3A_246, %dma_start3A_253] : memref<8x80xi32, #tpu.memory_space<vmem>> -> memref<1x80xi32, #tpu.memory_space<vmem>>
      %dma_start3A_255 = tpu.memref_squeeze %dma_start3A_254 : memref<1x80xi32, #tpu.memory_space<vmem>> -> memref<80xi32, #tpu.memory_space<vmem>>
      %dma_start3A_256 = arith.constant 0 : i32
      %dma_start3A_257 = tpu.memref_slice %arg2[%add3A, %add3A_242, %dma_start3A_256] : memref<32x125x80xi32, #tpu.memory_space<hbm>> -> memref<1x1x80xi32, #tpu.memory_space<hbm>>
      %dma_start3A_258 = tpu.memref_squeeze %dma_start3A_257 : memref<1x1x80xi32, #tpu.memory_space<hbm>> -> memref<80xi32, #tpu.memory_space<hbm>>
      tpu.enqueue_dma source(%dma_start3A_258 : memref<80xi32, #tpu.memory_space<hbm>>) target(%dma_start3A_255 : memref<80xi32, #tpu.memory_space<vmem>>) target_semaphore(%arg9 : memref<!tpu.dma_semaphore, #tpu.memory_space<semaphore_mem>>)
      %add3A_259 = arith.constant 7 : i32
      %add3A_260 = arith.addi %mul3A_206, %add3A_259 : i32
      %rem3A_261 = arith.constant 8 : i32
      %rem3A_262 = arith.remsi %add3A_260, %rem3A_261 : i32
      %dma_wait3A_263 = arith.constant 0 : i32
      %dma_wait3A_264 = tpu.memref_slice %arg6[%rem3A_262, %dma_wait3A_263] : memref<8x80xi32, #tpu.memory_space<vmem>> -> memref<1x80xi32, #tpu.memory_space<vmem>>
      %dma_wait3A_265 = tpu.memref_squeeze %dma_wait3A_264 : memref<1x80xi32, #tpu.memory_space<vmem>> -> memref<80xi32, #tpu.memory_space<vmem>>
      %dma_wait3A_266 = arith.constant 0 : i32
      %dma_wait3A_267 = arith.constant 0 : i32
      %dma_wait3A_268 = tpu.memref_slice %arg8[%dma_wait3A_266, %dma_wait3A_267] : memref<10000x16xf32, #tpu.memory_space<vmem_shared>> -> memref<10000x16xf32, #tpu.memory_space<vmem_shared>>
      tpu.wait_indirect_dma semaphore(%arg11 : memref<!tpu.dma_semaphore, #tpu.memory_space<semaphore_mem>>) src(%arg7 : memref<80x16xf32, #tpu.memory_space<vmem>>) dst(%dma_wait3A_268 : memref<10000x16xf32, #tpu.memory_space<vmem_shared>>)
      %add3A_269 = arith.constant 1 : i32
      %add3A_270 = arith.addi %mul3A_206, %add3A_269 : i32
      %rem3A_271 = arith.constant 8 : i32
      %rem3A_272 = arith.remsi %add3A_270, %rem3A_271 : i32
      %dma_start3A_273 = arith.constant 0 : i32
      %dma_start3A_274 = tpu.memref_slice %arg6[%rem3A_272, %dma_start3A_273] : memref<8x80xi32, #tpu.memory_space<vmem>> -> memref<1x80xi32, #tpu.memory_space<vmem>>
      %dma_start3A_275 = tpu.memref_squeeze %dma_start3A_274 : memref<1x80xi32, #tpu.memory_space<vmem>> -> memref<80xi32, #tpu.memory_space<vmem>>
      %dma_start3A_276 = arith.constant 0 : i32
      %dma_start3A_277 = arith.constant 0 : i32
      %dma_start3A_278 = tpu.memref_slice %arg8[%dma_start3A_276, %dma_start3A_277] : memref<10000x16xf32, #tpu.memory_space<vmem_shared>> -> memref<10000x16xf32, #tpu.memory_space<vmem_shared>>
      tpu.enqueue_indirect_dma source(%arg7 : memref<80x16xf32, #tpu.memory_space<vmem>>) target(%dma_start3A_278 : memref<10000x16xf32, #tpu.memory_space<vmem_shared>>) offsets(%dma_start3A_275 : memref<80xi32, #tpu.memory_space<vmem>>) semaphore(%arg11 : memref<!tpu.dma_semaphore, #tpu.memory_space<semaphore_mem>>) {add = true}
      %add3A_279 = arith.constant 2 : i32
      %add3A_280 = arith.addi %mul3A_206, %add3A_279 : i32
      %rem3A_281 = arith.constant 8 : i32
      %rem3A_282 = arith.remsi %add3A_280, %rem3A_281 : i32
      %dma_wait3A_283 = arith.constant 0 : i32
      %dma_wait3A_284 = arith.constant 0 : i32
      %dma_wait3A_285 = tpu.memref_slice %arg6[%rem3A_282, %dma_wait3A_284] : memref<8x80xi32, #tpu.memory_space<vmem>> -> memref<1x80xi32, #tpu.memory_space<vmem>>
      %dma_wait3A_286 = tpu.memref_squeeze %dma_wait3A_285 : memref<1x80xi32, #tpu.memory_space<vmem>> -> memref<80xi32, #tpu.memory_space<vmem>>
      %dma_wait3A_287 = arith.constant 0 : i32
      %dma_wait3A_288 = tpu.memref_slice %arg2[%add3A, %dma_wait3A_283, %dma_wait3A_287] : memref<32x125x80xi32, #tpu.memory_space<hbm>> -> memref<1x1x80xi32, #tpu.memory_space<hbm>>
      %dma_wait3A_289 = tpu.memref_squeeze %dma_wait3A_288 : memref<1x1x80xi32, #tpu.memory_space<hbm>> -> memref<80xi32, #tpu.memory_space<hbm>>
      %dma_wait3A_290 = arith.constant 0 : i32
      %dma_wait3A_291 = tpu.memref_slice %arg6[%rem3A_282, %dma_wait3A_290] : memref<8x80xi32, #tpu.memory_space<vmem>> -> memref<1x80xi32, #tpu.memory_space<vmem>>
      %dma_wait3A_292 = tpu.memref_squeeze %dma_wait3A_291 : memref<1x80xi32, #tpu.memory_space<vmem>> -> memref<80xi32, #tpu.memory_space<vmem>>
      %dma_wait3A_293 = arith.constant 0 : i32
      %dma_wait3A_294 = tpu.memref_slice %arg2[%add3A, %dma_wait3A_283, %dma_wait3A_293] : memref<32x125x80xi32, #tpu.memory_space<hbm>> -> memref<1x1x80xi32, #tpu.memory_space<hbm>>
      %dma_wait3A_295 = tpu.memref_squeeze %dma_wait3A_294 : memref<1x1x80xi32, #tpu.memory_space<hbm>> -> memref<80xi32, #tpu.memory_space<hbm>>
      tpu.wait_dma2 semaphore(%arg9 : memref<!tpu.dma_semaphore, #tpu.memory_space<semaphore_mem>>) src(%dma_wait3A_295 : memref<80xi32, #tpu.memory_space<hbm>>) dst(%dma_wait3A_292 : memref<80xi32, #tpu.memory_space<vmem>>)
      %add3A_296 = arith.constant 3 : i32
      %add3A_297 = arith.addi %mul3A_206, %add3A_296 : i32
      %add3A_298 = arith.constant 3 : i32
      %add3A_299 = arith.addi %mul3A_206, %add3A_298 : i32
      %rem3A_300 = arith.constant 8 : i32
      %rem3A_301 = arith.remsi %add3A_299, %rem3A_300 : i32
      %dma_start3A_302 = arith.constant 0 : i32
      %dma_start3A_303 = tpu.memref_slice %arg6[%rem3A_301, %dma_start3A_302] : memref<8x80xi32, #tpu.memory_space<vmem>> -> memref<1x80xi32, #tpu.memory_space<vmem>>
      %dma_start3A_304 = tpu.memref_squeeze %dma_start3A_303 : memref<1x80xi32, #tpu.memory_space<vmem>> -> memref<80xi32, #tpu.memory_space<vmem>>
      %dma_start3A_305 = arith.constant 0 : i32
      %dma_start3A_306 = tpu.memref_slice %arg2[%add3A, %add3A_297, %dma_start3A_305] : memref<32x125x80xi32, #tpu.memory_space<hbm>> -> memref<1x1x80xi32, #tpu.memory_space<hbm>>
      %dma_start3A_307 = tpu.memref_squeeze %dma_start3A_306 : memref<1x1x80xi32, #tpu.memory_space<hbm>> -> memref<80xi32, #tpu.memory_space<hbm>>
      %dma_start3A_308 = arith.constant 0 : i32
      %dma_start3A_309 = tpu.memref_slice %arg6[%rem3A_301, %dma_start3A_308] : memref<8x80xi32, #tpu.memory_space<vmem>> -> memref<1x80xi32, #tpu.memory_space<vmem>>
      %dma_start3A_310 = tpu.memref_squeeze %dma_start3A_309 : memref<1x80xi32, #tpu.memory_space<vmem>> -> memref<80xi32, #tpu.memory_space<vmem>>
      %dma_start3A_311 = arith.constant 0 : i32
      %dma_start3A_312 = tpu.memref_slice %arg2[%add3A, %add3A_297, %dma_start3A_311] : memref<32x125x80xi32, #tpu.memory_space<hbm>> -> memref<1x1x80xi32, #tpu.memory_space<hbm>>
      %dma_start3A_313 = tpu.memref_squeeze %dma_start3A_312 : memref<1x1x80xi32, #tpu.memory_space<hbm>> -> memref<80xi32, #tpu.memory_space<hbm>>
      tpu.enqueue_dma source(%dma_start3A_313 : memref<80xi32, #tpu.memory_space<hbm>>) target(%dma_start3A_310 : memref<80xi32, #tpu.memory_space<vmem>>) target_semaphore(%arg9 : memref<!tpu.dma_semaphore, #tpu.memory_space<semaphore_mem>>)
    }
    %scan3A_94 = arith.constant 60 : i32
    %dma_wait3A_95 = arith.constant 0 : i32
    %dma_wait3A_96 = arith.constant 0 : i32
    %dma_wait3A_97 = tpu.memref_slice %arg6[%dma_wait3A_95, %dma_wait3A_96] : memref<8x80xi32, #tpu.memory_space<vmem>> -> memref<1x80xi32, #tpu.memory_space<vmem>>
    %dma_wait3A_98 = tpu.memref_squeeze %dma_wait3A_97 : memref<1x80xi32, #tpu.memory_space<vmem>> -> memref<80xi32, #tpu.memory_space<vmem>>
    %dma_wait3A_99 = arith.constant 0 : i32
    %dma_wait3A_100 = arith.constant 0 : i32
    %dma_wait3A_101 = tpu.memref_slice %arg8[%dma_wait3A_99, %dma_wait3A_100] : memref<10000x16xf32, #tpu.memory_space<vmem_shared>> -> memref<10000x16xf32, #tpu.memory_space<vmem_shared>>
    tpu.wait_indirect_dma semaphore(%arg10 : memref<!tpu.dma_semaphore, #tpu.memory_space<semaphore_mem>>) src(%arg7 : memref<80x16xf32, #tpu.memory_space<vmem>>) dst(%dma_wait3A_101 : memref<10000x16xf32, #tpu.memory_space<vmem_shared>>)
    %dma_start3A_102 = arith.constant 2 : i32
    %dma_start3A_103 = arith.constant 0 : i32
    %dma_start3A_104 = tpu.memref_slice %arg6[%dma_start3A_102, %dma_start3A_103] : memref<8x80xi32, #tpu.memory_space<vmem>> -> memref<1x80xi32, #tpu.memory_space<vmem>>
    %dma_start3A_105 = tpu.memref_squeeze %dma_start3A_104 : memref<1x80xi32, #tpu.memory_space<vmem>> -> memref<80xi32, #tpu.memory_space<vmem>>
    %dma_start3A_106 = arith.constant 0 : i32
    %dma_start3A_107 = arith.constant 0 : i32
    %dma_start3A_108 = tpu.memref_slice %arg8[%dma_start3A_106, %dma_start3A_107] : memref<10000x16xf32, #tpu.memory_space<vmem_shared>> -> memref<10000x16xf32, #tpu.memory_space<vmem_shared>>
    tpu.enqueue_indirect_dma source(%arg7 : memref<80x16xf32, #tpu.memory_space<vmem>>) target(%dma_start3A_108 : memref<10000x16xf32, #tpu.memory_space<vmem_shared>>) offsets(%dma_start3A_105 : memref<80xi32, #tpu.memory_space<vmem>>) semaphore(%arg10 : memref<!tpu.dma_semaphore, #tpu.memory_space<semaphore_mem>>) {add = true}
    %dma_wait3A_109 = arith.constant 0 : i32
    %dma_wait3A_110 = arith.constant 3 : i32
    %dma_wait3A_111 = arith.constant 0 : i32
    %dma_wait3A_112 = tpu.memref_slice %arg6[%dma_wait3A_110, %dma_wait3A_111] : memref<8x80xi32, #tpu.memory_space<vmem>> -> memref<1x80xi32, #tpu.memory_space<vmem>>
    %dma_wait3A_113 = tpu.memref_squeeze %dma_wait3A_112 : memref<1x80xi32, #tpu.memory_space<vmem>> -> memref<80xi32, #tpu.memory_space<vmem>>
    %dma_wait3A_114 = arith.constant 0 : i32
    %dma_wait3A_115 = tpu.memref_slice %arg2[%add3A, %dma_wait3A_109, %dma_wait3A_114] : memref<32x125x80xi32, #tpu.memory_space<hbm>> -> memref<1x1x80xi32, #tpu.memory_space<hbm>>
    %dma_wait3A_116 = tpu.memref_squeeze %dma_wait3A_115 : memref<1x1x80xi32, #tpu.memory_space<hbm>> -> memref<80xi32, #tpu.memory_space<hbm>>
    %dma_wait3A_117 = arith.constant 0 : i32
    %dma_wait3A_118 = tpu.memref_slice %arg6[%dma_wait3A_110, %dma_wait3A_117] : memref<8x80xi32, #tpu.memory_space<vmem>> -> memref<1x80xi32, #tpu.memory_space<vmem>>
    %dma_wait3A_119 = tpu.memref_squeeze %dma_wait3A_118 : memref<1x80xi32, #tpu.memory_space<vmem>> -> memref<80xi32, #tpu.memory_space<vmem>>
    %dma_wait3A_120 = arith.constant 0 : i32
    %dma_wait3A_121 = tpu.memref_slice %arg2[%add3A, %dma_wait3A_109, %dma_wait3A_120] : memref<32x125x80xi32, #tpu.memory_space<hbm>> -> memref<1x1x80xi32, #tpu.memory_space<hbm>>
    %dma_wait3A_122 = tpu.memref_squeeze %dma_wait3A_121 : memref<1x1x80xi32, #tpu.memory_space<hbm>> -> memref<80xi32, #tpu.memory_space<hbm>>
    tpu.wait_dma2 semaphore(%arg9 : memref<!tpu.dma_semaphore, #tpu.memory_space<semaphore_mem>>) src(%dma_wait3A_122 : memref<80xi32, #tpu.memory_space<hbm>>) dst(%dma_wait3A_119 : memref<80xi32, #tpu.memory_space<vmem>>)
    %dma_start3A_123 = arith.constant 124 : i32
    %dma_start3A_124 = arith.constant 4 : i32
    %dma_start3A_125 = arith.constant 0 : i32
    %dma_start3A_126 = tpu.memref_slice %arg6[%dma_start3A_124, %dma_start3A_125] : memref<8x80xi32, #tpu.memory_space<vmem>> -> memref<1x80xi32, #tpu.memory_space<vmem>>
    %dma_start3A_127 = tpu.memref_squeeze %dma_start3A_126 : memref<1x80xi32, #tpu.memory_space<vmem>> -> memref<80xi32, #tpu.memory_space<vmem>>
    %dma_start3A_128 = arith.constant 0 : i32
    %dma_start3A_129 = tpu.memref_slice %arg2[%add3A, %dma_start3A_123, %dma_start3A_128] : memref<32x125x80xi32, #tpu.memory_space<hbm>> -> memref<1x1x80xi32, #tpu.memory_space<hbm>>
    %dma_start3A_130 = tpu.memref_squeeze %dma_start3A_129 : memref<1x1x80xi32, #tpu.memory_space<hbm>> -> memref<80xi32, #tpu.memory_space<hbm>>
    %dma_start3A_131 = arith.constant 0 : i32
    %dma_start3A_132 = tpu.memref_slice %arg6[%dma_start3A_124, %dma_start3A_131] : memref<8x80xi32, #tpu.memory_space<vmem>> -> memref<1x80xi32, #tpu.memory_space<vmem>>
    %dma_start3A_133 = tpu.memref_squeeze %dma_start3A_132 : memref<1x80xi32, #tpu.memory_space<vmem>> -> memref<80xi32, #tpu.memory_space<vmem>>
    %dma_start3A_134 = arith.constant 0 : i32
    %dma_start3A_135 = tpu.memref_slice %arg2[%add3A, %dma_start3A_123, %dma_start3A_134] : memref<32x125x80xi32, #tpu.memory_space<hbm>> -> memref<1x1x80xi32, #tpu.memory_space<hbm>>
    %dma_start3A_136 = tpu.memref_squeeze %dma_start3A_135 : memref<1x1x80xi32, #tpu.memory_space<hbm>> -> memref<80xi32, #tpu.memory_space<hbm>>
    tpu.enqueue_dma source(%dma_start3A_136 : memref<80xi32, #tpu.memory_space<hbm>>) target(%dma_start3A_133 : memref<80xi32, #tpu.memory_space<vmem>>) target_semaphore(%arg9 : memref<!tpu.dma_semaphore, #tpu.memory_space<semaphore_mem>>)
    %dma_wait3A_137 = arith.constant 1 : i32
    %dma_wait3A_138 = arith.constant 0 : i32
    %dma_wait3A_139 = tpu.memref_slice %arg6[%dma_wait3A_137, %dma_wait3A_138] : memref<8x80xi32, #tpu.memory_space<vmem>> -> memref<1x80xi32, #tpu.memory_space<vmem>>
    %dma_wait3A_140 = tpu.memref_squeeze %dma_wait3A_139 : memref<1x80xi32, #tpu.memory_space<vmem>> -> memref<80xi32, #tpu.memory_space<vmem>>
    %dma_wait3A_141 = arith.constant 0 : i32
    %dma_wait3A_142 = arith.constant 0 : i32
    %dma_wait3A_143 = tpu.memref_slice %arg8[%dma_wait3A_141, %dma_wait3A_142] : memref<10000x16xf32, #tpu.memory_space<vmem_shared>> -> memref<10000x16xf32, #tpu.memory_space<vmem_shared>>
    tpu.wait_indirect_dma semaphore(%arg11 : memref<!tpu.dma_semaphore, #tpu.memory_space<semaphore_mem>>) src(%arg7 : memref<80x16xf32, #tpu.memory_space<vmem>>) dst(%dma_wait3A_143 : memref<10000x16xf32, #tpu.memory_space<vmem_shared>>)
    %dma_start3A_144 = arith.constant 3 : i32
    %dma_start3A_145 = arith.constant 0 : i32
    %dma_start3A_146 = tpu.memref_slice %arg6[%dma_start3A_144, %dma_start3A_145] : memref<8x80xi32, #tpu.memory_space<vmem>> -> memref<1x80xi32, #tpu.memory_space<vmem>>
    %dma_start3A_147 = tpu.memref_squeeze %dma_start3A_146 : memref<1x80xi32, #tpu.memory_space<vmem>> -> memref<80xi32, #tpu.memory_space<vmem>>
    %dma_start3A_148 = arith.constant 0 : i32
    %dma_start3A_149 = arith.constant 0 : i32
    %dma_start3A_150 = tpu.memref_slice %arg8[%dma_start3A_148, %dma_start3A_149] : memref<10000x16xf32, #tpu.memory_space<vmem_shared>> -> memref<10000x16xf32, #tpu.memory_space<vmem_shared>>
    tpu.enqueue_indirect_dma source(%arg7 : memref<80x16xf32, #tpu.memory_space<vmem>>) target(%dma_start3A_150 : memref<10000x16xf32, #tpu.memory_space<vmem_shared>>) offsets(%dma_start3A_147 : memref<80xi32, #tpu.memory_space<vmem>>) semaphore(%arg11 : memref<!tpu.dma_semaphore, #tpu.memory_space<semaphore_mem>>) {add = true}
    %dma_wait3A_151 = arith.constant 0 : i32
    %dma_wait3A_152 = arith.constant 4 : i32
    %dma_wait3A_153 = arith.constant 0 : i32
    %dma_wait3A_154 = tpu.memref_slice %arg6[%dma_wait3A_152, %dma_wait3A_153] : memref<8x80xi32, #tpu.memory_space<vmem>> -> memref<1x80xi32, #tpu.memory_space<vmem>>
    %dma_wait3A_155 = tpu.memref_squeeze %dma_wait3A_154 : memref<1x80xi32, #tpu.memory_space<vmem>> -> memref<80xi32, #tpu.memory_space<vmem>>
    %dma_wait3A_156 = arith.constant 0 : i32
    %dma_wait3A_157 = tpu.memref_slice %arg2[%add3A, %dma_wait3A_151, %dma_wait3A_156] : memref<32x125x80xi32, #tpu.memory_space<hbm>> -> memref<1x1x80xi32, #tpu.memory_space<hbm>>
    %dma_wait3A_158 = tpu.memref_squeeze %dma_wait3A_157 : memref<1x1x80xi32, #tpu.memory_space<hbm>> -> memref<80xi32, #tpu.memory_space<hbm>>
    %dma_wait3A_159 = arith.constant 0 : i32
    %dma_wait3A_160 = tpu.memref_slice %arg6[%dma_wait3A_152, %dma_wait3A_159] : memref<8x80xi32, #tpu.memory_space<vmem>> -> memref<1x80xi32, #tpu.memory_space<vmem>>
    %dma_wait3A_161 = tpu.memref_squeeze %dma_wait3A_160 : memref<1x80xi32, #tpu.memory_space<vmem>> -> memref<80xi32, #tpu.memory_space<vmem>>
    %dma_wait3A_162 = arith.constant 0 : i32
    %dma_wait3A_163 = tpu.memref_slice %arg2[%add3A, %dma_wait3A_151, %dma_wait3A_162] : memref<32x125x80xi32, #tpu.memory_space<hbm>> -> memref<1x1x80xi32, #tpu.memory_space<hbm>>
    %dma_wait3A_164 = tpu.memref_squeeze %dma_wait3A_163 : memref<1x1x80xi32, #tpu.memory_space<hbm>> -> memref<80xi32, #tpu.memory_space<hbm>>
    tpu.wait_dma2 semaphore(%arg9 : memref<!tpu.dma_semaphore, #tpu.memory_space<semaphore_mem>>) src(%dma_wait3A_164 : memref<80xi32, #tpu.memory_space<hbm>>) dst(%dma_wait3A_161 : memref<80xi32, #tpu.memory_space<vmem>>)
    %dma_wait3A_165 = arith.constant 2 : i32
    %dma_wait3A_166 = arith.constant 0 : i32
    %dma_wait3A_167 = tpu.memref_slice %arg6[%dma_wait3A_165, %dma_wait3A_166] : memref<8x80xi32, #tpu.memory_space<vmem>> -> memref<1x80xi32, #tpu.memory_space<vmem>>
    %dma_wait3A_168 = tpu.memref_squeeze %dma_wait3A_167 : memref<1x80xi32, #tpu.memory_space<vmem>> -> memref<80xi32, #tpu.memory_space<vmem>>
    %dma_wait3A_169 = arith.constant 0 : i32
    %dma_wait3A_170 = arith.constant 0 : i32
    %dma_wait3A_171 = tpu.memref_slice %arg8[%dma_wait3A_169, %dma_wait3A_170] : memref<10000x16xf32, #tpu.memory_space<vmem_shared>> -> memref<10000x16xf32, #tpu.memory_space<vmem_shared>>
    tpu.wait_indirect_dma semaphore(%arg10 : memref<!tpu.dma_semaphore, #tpu.memory_space<semaphore_mem>>) src(%arg7 : memref<80x16xf32, #tpu.memory_space<vmem>>) dst(%dma_wait3A_171 : memref<10000x16xf32, #tpu.memory_space<vmem_shared>>)
    %dma_start3A_172 = arith.constant 4 : i32
    %dma_start3A_173 = arith.constant 0 : i32
    %dma_start3A_174 = tpu.memref_slice %arg6[%dma_start3A_172, %dma_start3A_173] : memref<8x80xi32, #tpu.memory_space<vmem>> -> memref<1x80xi32, #tpu.memory_space<vmem>>
    %dma_start3A_175 = tpu.memref_squeeze %dma_start3A_174 : memref<1x80xi32, #tpu.memory_space<vmem>> -> memref<80xi32, #tpu.memory_space<vmem>>
    %dma_start3A_176 = arith.constant 0 : i32
    %dma_start3A_177 = arith.constant 0 : i32
    %dma_start3A_178 = tpu.memref_slice %arg8[%dma_start3A_176, %dma_start3A_177] : memref<10000x16xf32, #tpu.memory_space<vmem_shared>> -> memref<10000x16xf32, #tpu.memory_space<vmem_shared>>
    tpu.enqueue_indirect_dma source(%arg7 : memref<80x16xf32, #tpu.memory_space<vmem>>) target(%dma_start3A_178 : memref<10000x16xf32, #tpu.memory_space<vmem_shared>>) offsets(%dma_start3A_175 : memref<80xi32, #tpu.memory_space<vmem>>) semaphore(%arg10 : memref<!tpu.dma_semaphore, #tpu.memory_space<semaphore_mem>>) {add = true}
    %dma_wait3A_179 = arith.constant 3 : i32
    %dma_wait3A_180 = arith.constant 0 : i32
    %dma_wait3A_181 = tpu.memref_slice %arg6[%dma_wait3A_179, %dma_wait3A_180] : memref<8x80xi32, #tpu.memory_space<vmem>> -> memref<1x80xi32, #tpu.memory_space<vmem>>
    %dma_wait3A_182 = tpu.memref_squeeze %dma_wait3A_181 : memref<1x80xi32, #tpu.memory_space<vmem>> -> memref<80xi32, #tpu.memory_space<vmem>>
    %dma_wait3A_183 = arith.constant 0 : i32
    %dma_wait3A_184 = arith.constant 0 : i32
    %dma_wait3A_185 = tpu.memref_slice %arg8[%dma_wait3A_183, %dma_wait3A_184] : memref<10000x16xf32, #tpu.memory_space<vmem_shared>> -> memref<10000x16xf32, #tpu.memory_space<vmem_shared>>
    tpu.wait_indirect_dma semaphore(%arg11 : memref<!tpu.dma_semaphore, #tpu.memory_space<semaphore_mem>>) src(%arg7 : memref<80x16xf32, #tpu.memory_space<vmem>>) dst(%dma_wait3A_185 : memref<10000x16xf32, #tpu.memory_space<vmem_shared>>)
    %dma_wait3A_186 = arith.constant 4 : i32
    %dma_wait3A_187 = arith.constant 0 : i32
    %dma_wait3A_188 = tpu.memref_slice %arg6[%dma_wait3A_186, %dma_wait3A_187] : memref<8x80xi32, #tpu.memory_space<vmem>> -> memref<1x80xi32, #tpu.memory_space<vmem>>
    %dma_wait3A_189 = tpu.memref_squeeze %dma_wait3A_188 : memref<1x80xi32, #tpu.memory_space<vmem>> -> memref<80xi32, #tpu.memory_space<vmem>>
    %dma_wait3A_190 = arith.constant 0 : i32
    %dma_wait3A_191 = arith.constant 0 : i32
    %dma_wait3A_192 = tpu.memref_slice %arg8[%dma_wait3A_190, %dma_wait3A_191] : memref<10000x16xf32, #tpu.memory_space<vmem_shared>> -> memref<10000x16xf32, #tpu.memory_space<vmem_shared>>
    tpu.wait_indirect_dma semaphore(%arg10 : memref<!tpu.dma_semaphore, #tpu.memory_space<semaphore_mem>>) src(%arg7 : memref<80x16xf32, #tpu.memory_space<vmem>>) dst(%dma_wait3A_192 : memref<10000x16xf32, #tpu.memory_space<vmem_shared>>)
    %barrier3A_193 = arith.constant 0 : index
    tpu.barrier barrier_id(%barrier3A_193)
    %lt3A_194 = arith.constant 15 : i32
    %lt3A_195 = arith.cmpi slt, %arg1, %lt3A_194 : i32
    %convert_element_type3A_196 = arith.extui %lt3A_195 : i1 to i32
    %cond3A_197 = arith.constant 0 : i32
    %cond3A_198 = arith.cmpi ne, %convert_element_type3A_196, %cond3A_197 : i32
    scf.if %cond3A_198 {
      %mul3A_204 = arith.constant 640 : i32
      %mul3A_205 = arith.muli %arg1, %mul3A_204 : i32
      %mul3A_206 = arith.constant 640 : i32
      %mul3A_207 = arith.muli %arg1, %mul3A_206 : i32
      "tpu.region"() ({
        %run_scoped3A_208 = tpu.sem_alloc : memref<!tpu.dma_semaphore, #tpu.memory_space<semaphore_mem>>
        %dma_start3A_209 = arith.constant 0 : i32
        %dma_start3A_210 = tpu.memref_slice %arg5[%arg0, %mul3A_207, %dma_start3A_209] : memref<2x10000x16xf32, #tpu.memory_space<hbm>> -> memref<1x640x16xf32, #tpu.memory_space<hbm>>
        %dma_start3A_211 = tpu.memref_squeeze %dma_start3A_210 : memref<1x640x16xf32, #tpu.memory_space<hbm>> -> memref<640x16xf32, #tpu.memory_space<hbm>>
        %dma_start3A_212 = arith.constant 0 : i32
        %dma_start3A_213 = tpu.memref_slice %arg8[%mul3A_205, %dma_start3A_212] : memref<10000x16xf32, #tpu.memory_space<vmem_shared>> -> memref<640x16xf32, #tpu.memory_space<vmem_shared>>
        tpu.enqueue_dma source(%dma_start3A_213 : memref<640x16xf32, #tpu.memory_space<vmem_shared>>) target(%dma_start3A_211 : memref<640x16xf32, #tpu.memory_space<hbm>>) target_semaphore(%run_scoped3A_208 : memref<!tpu.dma_semaphore, #tpu.memory_space<semaphore_mem>>)
        %dma_wait3A_214 = arith.constant 0 : i32
        %dma_wait3A_215 = tpu.memref_slice %arg5[%arg0, %mul3A_207, %dma_wait3A_214] : memref<2x10000x16xf32, #tpu.memory_space<hbm>> -> memref<1x640x16xf32, #tpu.memory_space<hbm>>
        %dma_wait3A_216 = tpu.memref_squeeze %dma_wait3A_215 : memref<1x640x16xf32, #tpu.memory_space<hbm>> -> memref<640x16xf32, #tpu.memory_space<hbm>>
        %dma_wait3A_217 = arith.constant 0 : i32
        %dma_wait3A_218 = tpu.memref_slice %arg8[%mul3A_205, %dma_wait3A_217] : memref<10000x16xf32, #tpu.memory_space<vmem_shared>> -> memref<640x16xf32, #tpu.memory_space<vmem_shared>>
        tpu.wait_dma2 semaphore(%run_scoped3A_208 : memref<!tpu.dma_semaphore, #tpu.memory_space<semaphore_mem>>) src(%dma_wait3A_218 : memref<640x16xf32, #tpu.memory_space<vmem_shared>>) dst(%dma_wait3A_216 : memref<640x16xf32, #tpu.memory_space<hbm>>)
        tpu.yield
      }) : () -> ()
    } else {
    }
    %eq3A_199 = arith.constant 15 : i32
    %eq3A_200 = arith.cmpi eq, %arg1, %eq3A_199 : i32
    %convert_element_type3A_201 = arith.extui %eq3A_200 : i1 to i32
    %cond3A_202 = arith.constant 0 : i32
    %cond3A_203 = arith.cmpi ne, %convert_element_type3A_201, %cond3A_202 : i32
    scf.if %cond3A_203 {
      "tpu.region"() ({
        %run_scoped3A_204 = tpu.sem_alloc : memref<!tpu.dma_semaphore, #tpu.memory_space<semaphore_mem>>
        %dma_start3A_205 = arith.constant 9600 : i32
        %dma_start3A_206 = arith.constant 0 : i32
        %dma_start3A_207 = tpu.memref_slice %arg5[%arg0, %dma_start3A_205, %dma_start3A_206] : memref<2x10000x16xf32, #tpu.memory_space<hbm>> -> memref<1x400x16xf32, #tpu.memory_space<hbm>>
        %dma_start3A_208 = tpu.memref_squeeze %dma_start3A_207 : memref<1x400x16xf32, #tpu.memory_space<hbm>> -> memref<400x16xf32, #tpu.memory_space<hbm>>
        %dma_start3A_209 = arith.constant 9600 : i32
        %dma_start3A_210 = arith.constant 0 : i32
        %dma_start3A_211 = tpu.memref_slice %arg8[%dma_start3A_209, %dma_start3A_210] : memref<10000x16xf32, #tpu.memory_space<vmem_shared>> -> memref<400x16xf32, #tpu.memory_space<vmem_shared>>
        tpu.enqueue_dma source(%dma_start3A_211 : memref<400x16xf32, #tpu.memory_space<vmem_shared>>) target(%dma_start3A_208 : memref<400x16xf32, #tpu.memory_space<hbm>>) target_semaphore(%run_scoped3A_204 : memref<!tpu.dma_semaphore, #tpu.memory_space<semaphore_mem>>)
        %dma_wait3A_212 = arith.constant 9600 : i32
        %dma_wait3A_213 = arith.constant 0 : i32
        %dma_wait3A_214 = tpu.memref_slice %arg5[%arg0, %dma_wait3A_212, %dma_wait3A_213] : memref<2x10000x16xf32, #tpu.memory_space<hbm>> -> memref<1x400x16xf32, #tpu.memory_space<hbm>>
        %dma_wait3A_215 = tpu.memref_squeeze %dma_wait3A_214 : memref<1x400x16xf32, #tpu.memory_space<hbm>> -> memref<400x16xf32, #tpu.memory_space<hbm>>
        %dma_wait3A_216 = arith.constant 9600 : i32
        %dma_wait3A_217 = arith.constant 0 : i32
        %dma_wait3A_218 = tpu.memref_slice %arg8[%dma_wait3A_216, %dma_wait3A_217] : memref<10000x16xf32, #tpu.memory_space<vmem_shared>> -> memref<400x16xf32, #tpu.memory_space<vmem_shared>>
        tpu.wait_dma2 semaphore(%run_scoped3A_204 : memref<!tpu.dma_semaphore, #tpu.memory_space<semaphore_mem>>) src(%dma_wait3A_218 : memref<400x16xf32, #tpu.memory_space<vmem_shared>>) dst(%dma_wait3A_215 : memref<400x16xf32, #tpu.memory_space<hbm>>)
        tpu.yield
      }) : () -> ()
    } else {
    }
    return
  }
}

module attributes {stable_mosaic.version = 14 : i64} {
  func.func @_tc1_body(%arg0: i32, %arg1: memref<2x1000x16xf32, #tpu.memory_space<vmem>>, %arg2: memref<1000x128xf32, #tpu.memory_space<vmem>>, %arg3: memref<128x128xf32, #tpu.memory_space<vmem>>, %arg4: memref<1000x128xf32, #tpu.memory_space<vmem>>, %arg5: memref<1000x1xf32, #tpu.memory_space<vmem>>) attributes {dimension_semantics = [#tpu.dimension_semantics<arbitrary>], iteration_bounds = array<i64: 10>, scalar_prefetch = 0 : i64, scratch_operands = 0 : i64, tpu.core_type = #tpu.core_type<tc>, window_params = [{transform_indices = @transform_0, window_bounds = array<i64: 2, 1000, 16>}, {transform_indices = @transform_1, window_bounds = array<i64: 1000, 128>}, {pipeline_mode = #tpu.pipeline_mode<synchronous>, transform_indices = @transform_2, window_bounds = array<i64: 128, 128>}, {transform_indices = @transform_3, window_bounds = array<i64: 1000, 128>}, {transform_indices = @transform_4, window_bounds = array<i64: 1000, 1>}]} {
    %get3A = arith.constant 0 : index
    %get3A_0 = arith.constant 0 : index
    %get3A_1 = arith.constant 0 : index
    %get3A_2 = vector.load %arg1[%get3A, %get3A_0, %get3A_1] : memref<2x1000x16xf32, #tpu.memory_space<vmem>>, vector<2x1000x16xf32>
    %reduce_sum3A = arith.constant dense<0.000000e+00> : vector<1000xf32>
    %reduce_sum3A_3 = vector.multi_reduction <add>, %get3A_2, %reduce_sum3A [0, 2] : vector<2x1000x16xf32> to vector<1000xf32>
    %mul3A = arith.constant 6.250000e-02 : f32
    %mul3A_4 = vector.broadcast %mul3A : f32 to vector<1000xf32>
    %mul3A_5 = arith.mulf %reduce_sum3A_3, %mul3A_4 : vector<1000xf32>
    %broadcast_in_dim3A = vector.shape_cast %mul3A_5 : vector<1000xf32> to vector<1000x1xf32>
    %add3A = arith.constant 1.000000e+00 : f32
    %add3A_6 = vector.broadcast %add3A : f32 to vector<1000x1xf32>
    %add3A_7 = arith.addf %broadcast_in_dim3A, %add3A_6 : vector<1000x1xf32>
    %rsqrt3A = math.rsqrt %add3A_7 : vector<1000x1xf32>
    %get3A_8 = arith.constant 0 : index
    %get3A_9 = arith.constant 0 : index
    %get3A_10 = vector.load %arg2[%get3A_8, %get3A_9] : memref<1000x128xf32, #tpu.memory_space<vmem>>, vector<1000x128xf32>
    %get3A_11 = arith.constant 0 : index
    %get3A_12 = arith.constant 0 : index
    %get3A_13 = vector.load %arg3[%get3A_11, %get3A_12] : memref<128x128xf32, #tpu.memory_space<vmem>>, vector<128x128xf32>
    %dot_general3A = arith.constant dense<0.000000e+00> : vector<1000x128xf32>
    %dot_general3A_14 = tpu.matmul %get3A_10, %get3A_13, %dot_general3A {dimension_numbers = #tpu.dot_dimension_numbers<[1], [0], [0], [1], [0, 0, 1, 1], [], []>, transpose_lhs_hint = false} : vector<1000x128xf32>, vector<128x128xf32>, vector<1000x128xf32> -> vector<1000x128xf32>
    %mul3A_15 = vector.broadcast %rsqrt3A : vector<1000x1xf32> to vector<1000x128xf32>
    %mul3A_16 = arith.mulf %dot_general3A_14, %mul3A_15 : vector<1000x128xf32>
    %swap3A = arith.constant 0 : index
    %swap3A_17 = arith.constant 0 : index
    %swap3A_18 = vector.load %arg4[%swap3A, %swap3A_17] : memref<1000x128xf32, #tpu.memory_space<vmem>>, vector<1000x128xf32>
    tpu.vector_store %arg4[%swap3A, %swap3A_17], %mul3A_16 {strides = array<i32>} : memref<1000x128xf32, #tpu.memory_space<vmem>>, vector<1000x128xf32>,
    %swap3A_19 = arith.constant 0 : index
    %swap3A_20 = arith.constant 0 : index
    %swap3A_21 = vector.load %arg5[%swap3A_19, %swap3A_20] : memref<1000x1xf32, #tpu.memory_space<vmem>>, vector<1000x1xf32>
    tpu.vector_store %arg5[%swap3A_19, %swap3A_20], %rsqrt3A {strides = array<i32>} : memref<1000x1xf32, #tpu.memory_space<vmem>>, vector<1000x1xf32>,
    return
  }
  func.func @transform_0(%arg0: i32) -> (i32, i32, i32) {
    %c0_i32 = arith.constant 0 : i32
    %c0_i32_0 = arith.constant 0 : i32
    %c0_i32_1 = arith.constant 0 : i32
    return %c0_i32, %arg0, %c0_i32_0 : i32, i32, i32
  }
  func.func @transform_1(%arg0: i32) -> (i32, i32) {
    %c0_i32 = arith.constant 0 : i32
    %c0_i32_0 = arith.constant 0 : i32
    return %arg0, %c0_i32 : i32, i32
  }
  func.func @transform_2(%arg0: i32) -> (i32, i32) {
    %c0_i32 = arith.constant 0 : i32
    %c0_i32_0 = arith.constant 0 : i32
    %c0_i32_1 = arith.constant 0 : i32
    return %c0_i32, %c0_i32_0 : i32, i32
  }
  func.func @transform_3(%arg0: i32) -> (i32, i32) {
    %c0_i32 = arith.constant 0 : i32
    %c0_i32_0 = arith.constant 0 : i32
    return %arg0, %c0_i32 : i32, i32
  }
  func.func @transform_4(%arg0: i32) -> (i32, i32) {
    %c0_i32 = arith.constant 0 : i32
    %c0_i32_0 = arith.constant 0 : i32
    return %arg0, %c0_i32 : i32, i32
  }
}

module attributes {stable_mosaic.version = 14 : i64} {
  func.func @_tc2_body(%arg0: i32, %arg1: memref<2x1000x128xf32, #tpu.memory_space<vmem>>, %arg2: memref<1000x128xf32, #tpu.memory_space<vmem>>, %arg3: memref<1000x1xf32, #tpu.memory_space<vmem>>, %arg4: memref<1x128xf32, #tpu.memory_space<vmem>>, %arg5: memref<128x40xf32, #tpu.memory_space<vmem>>, %arg6: memref<1000x40xf32, #tpu.memory_space<vmem>>) attributes {dimension_semantics = [#tpu.dimension_semantics<arbitrary>], iteration_bounds = array<i64: 10>, scalar_prefetch = 0 : i64, scratch_operands = 0 : i64, tpu.core_type = #tpu.core_type<tc>, window_params = [{transform_indices = @transform_0, window_bounds = array<i64: 2, 1000, 128>}, {transform_indices = @transform_1, window_bounds = array<i64: 1000, 128>}, {transform_indices = @transform_2, window_bounds = array<i64: 1000, 1>}, {pipeline_mode = #tpu.pipeline_mode<synchronous>, transform_indices = @transform_3, window_bounds = array<i64: 1, 128>}, {pipeline_mode = #tpu.pipeline_mode<synchronous>, transform_indices = @transform_4, window_bounds = array<i64: 128, 40>}, {transform_indices = @transform_5, window_bounds = array<i64: 1000, 40>}]} {
    %get3A = arith.constant 0 : index
    %get3A_0 = arith.constant 0 : index
    %get3A_1 = vector.load %arg3[%get3A, %get3A_0] : memref<1000x1xf32, #tpu.memory_space<vmem>>, vector<1000x1xf32>
    %get3A_2 = arith.constant 0 : index
    %get3A_3 = arith.constant 0 : index
    %get3A_4 = arith.constant 0 : index
    %get3A_5 = vector.load %arg1[%get3A_2, %get3A_3, %get3A_4] : memref<2x1000x128xf32, #tpu.memory_space<vmem>>, vector<1x1000x128xf32>
    %get3A_6 = vector.shape_cast %get3A_5 : vector<1x1000x128xf32> to vector<1000x128xf32>
    %get3A_7 = arith.constant 1 : index
    %get3A_8 = arith.constant 0 : index
    %get3A_9 = arith.constant 0 : index
    %get3A_10 = vector.load %arg1[%get3A_7, %get3A_8, %get3A_9] : memref<2x1000x128xf32, #tpu.memory_space<vmem>>, vector<1x1000x128xf32>
    %get3A_11 = vector.shape_cast %get3A_10 : vector<1x1000x128xf32> to vector<1000x128xf32>
    %add3A = arith.addf %get3A_6, %get3A_11 : vector<1000x128xf32>
    %get3A_12 = arith.constant 0 : index
    %get3A_13 = arith.constant 0 : index
    %get3A_14 = vector.load %arg2[%get3A_12, %get3A_13] : memref<1000x128xf32, #tpu.memory_space<vmem>>, vector<1000x128xf32>
    %add3A_15 = arith.addf %add3A, %get3A_14 : vector<1000x128xf32>
    %mul3A = vector.broadcast %get3A_1 : vector<1000x1xf32> to vector<1000x128xf32>
    %mul3A_16 = arith.mulf %add3A_15, %mul3A : vector<1000x128xf32>
    %get3A_17 = arith.constant 0 : index
    %get3A_18 = arith.constant 0 : index
    %get3A_19 = vector.load %arg4[%get3A_17, %get3A_18] : memref<1x128xf32, #tpu.memory_space<vmem>>, vector<1x128xf32>
    %add3A_20 = vector.broadcast %get3A_19 : vector<1x128xf32> to vector<1000x128xf32>
    %add3A_21 = arith.addf %mul3A_16, %add3A_20 : vector<1000x128xf32>
    %max3A = arith.constant 0.000000e+00 : f32
    %max3A_22 = vector.broadcast %max3A : f32 to vector<1000x128xf32>
    %max3A_23 = arith.maximumf %add3A_21, %max3A_22 : vector<1000x128xf32>
    %get3A_24 = arith.constant 0 : index
    %get3A_25 = arith.constant 0 : index
    %get3A_26 = vector.load %arg5[%get3A_24, %get3A_25] : memref<128x40xf32, #tpu.memory_space<vmem>>, vector<128x40xf32>
    %dot_general3A = arith.constant dense<0.000000e+00> : vector<1000x40xf32>
    %dot_general3A_27 = tpu.matmul %max3A_23, %get3A_26, %dot_general3A {dimension_numbers = #tpu.dot_dimension_numbers<[1], [0], [0], [1], [0, 0, 1, 1], [], []>, transpose_lhs_hint = false} : vector<1000x128xf32>, vector<128x40xf32>, vector<1000x40xf32> -> vector<1000x40xf32>
    %mul3A_28 = vector.broadcast %get3A_1 : vector<1000x1xf32> to vector<1000x40xf32>
    %mul3A_29 = arith.mulf %dot_general3A_27, %mul3A_28 : vector<1000x40xf32>
    %swap3A = arith.constant 0 : index
    %swap3A_30 = arith.constant 0 : index
    %swap3A_31 = vector.load %arg6[%swap3A, %swap3A_30] : memref<1000x40xf32, #tpu.memory_space<vmem>>, vector<1000x40xf32>
    tpu.vector_store %arg6[%swap3A, %swap3A_30], %mul3A_29 {strides = array<i32>} : memref<1000x40xf32, #tpu.memory_space<vmem>>, vector<1000x40xf32>,
    return
  }
  func.func @transform_0(%arg0: i32) -> (i32, i32, i32) {
    %c0_i32 = arith.constant 0 : i32
    %c0_i32_0 = arith.constant 0 : i32
    %c0_i32_1 = arith.constant 0 : i32
    return %c0_i32, %arg0, %c0_i32_0 : i32, i32, i32
  }
  func.func @transform_1(%arg0: i32) -> (i32, i32) {
    %c0_i32 = arith.constant 0 : i32
    %c0_i32_0 = arith.constant 0 : i32
    return %arg0, %c0_i32 : i32, i32
  }
  func.func @transform_2(%arg0: i32) -> (i32, i32) {
    %c0_i32 = arith.constant 0 : i32
    %c0_i32_0 = arith.constant 0 : i32
    return %arg0, %c0_i32 : i32, i32
  }
  func.func @transform_3(%arg0: i32) -> (i32, i32) {
    %c0_i32 = arith.constant 0 : i32
    %c0_i32_0 = arith.constant 0 : i32
    %c0_i32_1 = arith.constant 0 : i32
    return %c0_i32, %c0_i32_0 : i32, i32
  }
  func.func @transform_4(%arg0: i32) -> (i32, i32) {
    %c0_i32 = arith.constant 0 : i32
    %c0_i32_0 = arith.constant 0 : i32
    %c0_i32_1 = arith.constant 0 : i32
    return %c0_i32, %c0_i32_0 : i32, i32
  }
  func.func @transform_5(%arg0: i32) -> (i32, i32) {
    %c0_i32 = arith.constant 0 : i32
    %c0_i32_0 = arith.constant 0 : i32
    return %arg0, %c0_i32 : i32, i32
  }
}

module attributes {stable_mosaic.version = 14 : i64} {
  func.func @_tc3_body(%arg0: i32, %arg1: memref<2x1000x40xf32, #tpu.memory_space<vmem>>, %arg2: memref<1000x40xf32, #tpu.memory_space<vmem>>, %arg3: memref<1000x1xf32, #tpu.memory_space<vmem>>, %arg4: memref<1x40xf32, #tpu.memory_space<vmem>>, %arg5: memref<1000x40xf32, #tpu.memory_space<vmem>>) attributes {dimension_semantics = [#tpu.dimension_semantics<arbitrary>], iteration_bounds = array<i64: 10>, scalar_prefetch = 0 : i64, scratch_operands = 0 : i64, tpu.core_type = #tpu.core_type<tc>, window_params = [{transform_indices = @transform_0, window_bounds = array<i64: 2, 1000, 40>}, {transform_indices = @transform_1, window_bounds = array<i64: 1000, 40>}, {transform_indices = @transform_2, window_bounds = array<i64: 1000, 1>}, {pipeline_mode = #tpu.pipeline_mode<synchronous>, transform_indices = @transform_3, window_bounds = array<i64: 1, 40>}, {transform_indices = @transform_4, window_bounds = array<i64: 1000, 40>}]} {
    %get3A = arith.constant 0 : index
    %get3A_0 = arith.constant 0 : index
    %get3A_1 = arith.constant 0 : index
    %get3A_2 = vector.load %arg1[%get3A, %get3A_0, %get3A_1] : memref<2x1000x40xf32, #tpu.memory_space<vmem>>, vector<1x1000x40xf32>
    %get3A_3 = vector.shape_cast %get3A_2 : vector<1x1000x40xf32> to vector<1000x40xf32>
    %get3A_4 = arith.constant 1 : index
    %get3A_5 = arith.constant 0 : index
    %get3A_6 = arith.constant 0 : index
    %get3A_7 = vector.load %arg1[%get3A_4, %get3A_5, %get3A_6] : memref<2x1000x40xf32, #tpu.memory_space<vmem>>, vector<1x1000x40xf32>
    %get3A_8 = vector.shape_cast %get3A_7 : vector<1x1000x40xf32> to vector<1000x40xf32>
    %add3A = arith.addf %get3A_3, %get3A_8 : vector<1000x40xf32>
    %get3A_9 = arith.constant 0 : index
    %get3A_10 = arith.constant 0 : index
    %get3A_11 = vector.load %arg2[%get3A_9, %get3A_10] : memref<1000x40xf32, #tpu.memory_space<vmem>>, vector<1000x40xf32>
    %add3A_12 = arith.addf %add3A, %get3A_11 : vector<1000x40xf32>
    %get3A_13 = arith.constant 0 : index
    %get3A_14 = arith.constant 0 : index
    %get3A_15 = vector.load %arg3[%get3A_13, %get3A_14] : memref<1000x1xf32, #tpu.memory_space<vmem>>, vector<1000x1xf32>
    %mul3A = vector.broadcast %get3A_15 : vector<1000x1xf32> to vector<1000x40xf32>
    %mul3A_16 = arith.mulf %add3A_12, %mul3A : vector<1000x40xf32>
    %get3A_17 = arith.constant 0 : index
    %get3A_18 = arith.constant 0 : index
    %get3A_19 = vector.load %arg4[%get3A_17, %get3A_18] : memref<1x40xf32, #tpu.memory_space<vmem>>, vector<1x40xf32>
    %add3A_20 = vector.broadcast %get3A_19 : vector<1x40xf32> to vector<1000x40xf32>
    %add3A_21 = arith.addf %mul3A_16, %add3A_20 : vector<1000x40xf32>
    %reduce_max3A = arith.constant dense<0xFF800000> : vector<1000xf32>
    %reduce_max3A_22 = vector.multi_reduction <maximumf>, %add3A_21, %reduce_max3A [1] : vector<1000x40xf32> to vector<1000xf32>
    %broadcast_in_dim3A = vector.shape_cast %reduce_max3A_22 : vector<1000xf32> to vector<1000x1xf32>
    %sub3A = vector.broadcast %broadcast_in_dim3A : vector<1000x1xf32> to vector<1000x40xf32>
    %sub3A_23 = arith.subf %add3A_21, %sub3A : vector<1000x40xf32>
    %exp3A = math.exp %sub3A_23 : vector<1000x40xf32>
    %reduce_sum3A = arith.constant dense<0.000000e+00> : vector<1000xf32>
    %reduce_sum3A_24 = vector.multi_reduction <add>, %exp3A, %reduce_sum3A [1] : vector<1000x40xf32> to vector<1000xf32>
    %broadcast_in_dim3A_25 = vector.shape_cast %reduce_sum3A_24 : vector<1000xf32> to vector<1000x1xf32>
    %log3A = math.log %broadcast_in_dim3A_25 : vector<1000x1xf32>
    %add3A_26 = arith.addf %log3A, %broadcast_in_dim3A : vector<1000x1xf32>
    %sub3A_27 = vector.broadcast %add3A_26 : vector<1000x1xf32> to vector<1000x40xf32>
    %sub3A_28 = arith.subf %add3A_21, %sub3A_27 : vector<1000x40xf32>
    %swap3A = arith.constant 0 : index
    %swap3A_29 = arith.constant 0 : index
    %swap3A_30 = vector.load %arg5[%swap3A, %swap3A_29] : memref<1000x40xf32, #tpu.memory_space<vmem>>, vector<1000x40xf32>
    tpu.vector_store %arg5[%swap3A, %swap3A_29], %sub3A_28 {strides = array<i32>} : memref<1000x40xf32, #tpu.memory_space<vmem>>, vector<1000x40xf32>,
    return
  }
  func.func @transform_0(%arg0: i32) -> (i32, i32, i32) {
    %c0_i32 = arith.constant 0 : i32
    %c0_i32_0 = arith.constant 0 : i32
    %c0_i32_1 = arith.constant 0 : i32
    return %c0_i32, %arg0, %c0_i32_0 : i32, i32, i32
  }
  func.func @transform_1(%arg0: i32) -> (i32, i32) {
    %c0_i32 = arith.constant 0 : i32
    %c0_i32_0 = arith.constant 0 : i32
    return %arg0, %c0_i32 : i32, i32
  }
  func.func @transform_2(%arg0: i32) -> (i32, i32) {
    %c0_i32 = arith.constant 0 : i32
    %c0_i32_0 = arith.constant 0 : i32
    return %arg0, %c0_i32 : i32, i32
  }
  func.func @transform_3(%arg0: i32) -> (i32, i32) {
    %c0_i32 = arith.constant 0 : i32
    %c0_i32_0 = arith.constant 0 : i32
    %c0_i32_1 = arith.constant 0 : i32
    return %c0_i32, %c0_i32_0 : i32, i32
  }
  func.func @transform_4(%arg0: i32) -> (i32, i32) {
    %c0_i32 = arith.constant 0 : i32
    %c0_i32_0 = arith.constant 0 : i32
    return %arg0, %c0_i32 : i32, i32
  }
}

</mosaic_0001>

<sc_bundles>
// kernel: kernel.11.cloned.1.call-start
scs
__scs_entry_jumppad:
0x0: {  	(pc) =	sbr.rel $0x88, $3  }
0x1: {  	(tag) =	ssettag $0x0;
	lr =	simm.s32 $0x1  }
0x2: {  	[smem:$0x3F9B] =	sst lr;
	_ =	strace $0xD0000000  }
0x3: {  	_ = 	snop  }
0x4: {  	_ = 	snop  }
0x5: {  	_ = 	snop  }
0x6: {  	_ = 	snop  }
0x7: {  	_ = 	snop  }
__scs_overlays_trampoline_lowered:
0x8: {  	[smem:$0x3FAA] =	sst s0  }
0x9: {  	[smem:$0x3FAB] =	sst s1  }
0xa: {  	[smem:$0x3FAC] =	sst s2  }
0xb: {  	[smem:$0x3FAD] =	sst s3  }
0xc: {  	[smem:$0x3FAE] =	sst s4  }
0xd: {  	[smem:$0x3FAF] =	sst s5  }
0xe: {  	[smem:$0x3FB0] =	sst s6  }
0xf: {  	[smem:$0x3FB1] =	sst s7  }
0x10: {  	[smem:$0x3FB2] =	sst s8  }
0x11: {  	[smem:$0x3FB3] =	sst s9;
	s0 =	simm.s32 @!p0 $0x0  }
0x12: {  	s1 =	sld [smem:$0x3F99];
	s0 =	simm.s32 @p0 $0x1  }
0x13: {  	[smem:$0x3FB4] =	sst s0;
	s0 =	simm.s32 @!p1 $0x0  }
0x14: {  	s2 =	sld [smem:$0x3F98];
	s0 =	simm.s32 @p1 $0x1  }
0x15: {  	[smem:$0x3FB5] =	sst s0;
	s0 =	simm.s32 @!p2 $0x0  }
0x16: {  	s3 =	sld [smem:$0x3FDB];
	s0 =	simm.s32 @p2 $0x1  }
0x17: {  	s4 =	simm.s32 $0x1BF5;
	[smem:$0x3FB7] =	sst s0  }
0x18: {  	s0 =	sld [smem:$0x3F9A];
	_ =	swait.ge [sflag:s4], $0x0  }
0x19: {  	s7 =	sld [smem:$0x3F9B]  }
0x1a: {  	s8 =	sadd.s32 $0xFFFFE003, lr  }
0x1b: {  	s9 =	sadd.s32 $0xFFFFFEF7, lr;
	s5 =	simm.s32 $0xFFFFFFFF;
	p2 =	slt.u32 s8, $0xFFFFF086  }
0x1c: {  	p1 =	slt.u32 s9, $0xF7A;
	s5 =	simm.s32 @!p2 $0x0  }
0x1d: {  	s5 =	simm.s32 @p1 $0x1;
	p0 =	seq.s32 s7, s2  }
0x1e: {  	s7 =	smul.u32 @!p0 $0xF7A, s2;
	p2 =	seq.s32 @!p0 s5, $0x0  }
0x1f: {  	s9 =	smul.u32 $0xF7A, s1;
	s8 =	simm.s32 @!p0 $0x1BF5;
	p2 =	por !p2, p0  }
0x20: {  	[sflag:s8] =	ssyncset.s32 @!p0 $0xFFFFF086;
	s6 =	sadd.s32 @!p0 s3, s7;
	s7 =	simm.s32 @!p0 $0x108  }
0x21: {  	s3 =	sadd.s32 s3, s9;
	s6 =	sadd.s32 @!p0 $0x88, s6;
	s7 =	simm.s32 @p2 $0x1082  }
0x22: {  	[simem:s7], [sflag:s8] =	dma.local @!p0 [hbm:s6], $0xF7A  }
0x23: {  	s9 =	sor.u32 $0xD0000000, s2;
	s6 =	simm.s32 $0x108;
	_ =	swait.ge @!p0 [sflag:s8], $0x0  }
0x24: {  	s3 =	sadd.s32 $0x88, s3;
	s6 =	simm.s32 @!p1 $0x1082;
	[sflag:s4] =	ssyncset.s32 $0xFFFFF086  }
0x25: {  	[simem:s6], [sflag:s4] =	dma.local [hbm:s3], $0xF7A  }
0x26: {  	[smem:$0x3F9B] =	sst s1;
	(tag) =	ssettag s2;
	_ =	strace s9  }
0x27: {  	s1 =	sld [smem:$0x3FAB]  }
0x28: {  	s2 =	sld [smem:$0x3FAC]  }
0x29: {  	s4 =	sld [smem:$0x3FAE]  }
0x2a: {  	p0 =	seq.s32 s5, $0x0;
	s5 =	sld [smem:$0x3FAF]  }
0x2b: {  	s6 =	sld [smem:$0x3FB0]  }
0x2c: {  	s7 =	sld [smem:$0x3FB1]  }
0x2d: {  	s3 =	simm.s32 $0x108;
	s8 =	sld [smem:$0x3FB2]  }
0x2e: {  	s3 =	simm.s32 @!p0 $0x1082;
	s9 =	sld [smem:$0x3FB3]  }
0x2f: {  	lr =	sadd.s32 s0, s3;
	s0 =	sld [smem:$0x3FAA]  }
0x30: {  	s3 =	sld [smem:$0x3FAD]  }
0x31: {  	[smem:$0x3FB6] =	sst s10  }
0x32: {  	s10 =	sld [smem:$0x3FB4];
	_ =	sdelay $0x3  }
0x33: {  	p0 =	seq.s32 s10, $0x1;
	s10 =	sld [smem:$0x3FB6];
	_ =	sdelay $0x3  }
0x34: {  	[smem:$0x3FB6] =	sst s10  }
0x35: {  	s10 =	sld [smem:$0x3FB5];
	_ =	sdelay $0x3  }
0x36: {  	p1 =	seq.s32 s10, $0x1;
	s10 =	sld [smem:$0x3FB6];
	_ =	sdelay $0x3  }
0x37: {  	[smem:$0x3FB6] =	sst s10  }
0x38: {  	s10 =	sld [smem:$0x3FB7]  }
0x39: {  	_ = 	snop;
	(pc) =	sbr.ind lr, $3  }
0x3a: {  	_ = 	snop  }
0x3b: {  	_ = 	snop  }
0x3c: {  	p2 =	seq.s32 s10, $0x1;
	s10 =	sld [smem:$0x3FB6]  }
0x3d: {  	_ =	shalt  }
0x3e: {  	_ =	shalt  }
0x3f: {  	_ =	shalt  }
0x40: {  	_ =	shalt  }
0x41: {  	_ =	shalt  }
0x42: {  	_ =	shalt  }
0x43: {  	_ =	shalt  }
0x44: {  	_ =	shalt  }
0x45: {  	_ =	shalt  }
0x46: {  	_ =	shalt  }
0x47: {  	_ =	shalt  }
0x48: {  	_ =	shalt  }
0x49: {  	_ =	shalt  }
0x4a: {  	_ =	shalt  }
0x4b: {  	_ =	shalt  }
0x4c: {  	_ =	shalt  }
0x4d: {  	_ =	shalt  }
0x4e: {  	_ =	shalt  }
0x4f: {  	_ =	shalt  }
0x50: {  	_ =	shalt  }
0x51: {  	_ =	shalt  }
0x52: {  	_ =	shalt  }
0x53: {  	_ =	shalt  }
0x54: {  	_ =	shalt  }
0x55: {  	_ =	shalt  }
0x56: {  	_ =	shalt  }
0x57: {  	_ =	shalt  }
0x58: {  	_ =	shalt  }
0x59: {  	_ =	shalt  }
0x5a: {  	_ =	shalt  }
0x5b: {  	_ =	shalt  }
0x5c: {  	_ =	shalt  }
0x5d: {  	_ =	shalt  }
0x5e: {  	_ =	shalt  }
0x5f: {  	_ =	shalt  }
0x60: {  	_ =	shalt  }
0x61: {  	_ =	shalt  }
0x62: {  	_ =	shalt  }
0x63: {  	_ =	shalt  }
0x64: {  	_ =	shalt  }
0x65: {  	_ =	shalt  }
0x66: {  	_ =	shalt  }
0x67: {  	_ =	shalt  }
0x68: {  	_ =	shalt  }
0x69: {  	_ =	shalt  }
0x6a: {  	_ =	shalt  }
0x6b: {  	_ =	shalt  }
0x6c: {  	_ =	shalt  }
0x6d: {  	_ =	shalt  }
0x6e: {  	_ =	shalt  }
0x6f: {  	_ =	shalt  }
0x70: {  	_ =	shalt  }
0x71: {  	_ =	shalt  }
0x72: {  	_ =	shalt  }
0x73: {  	_ =	shalt  }
0x74: {  	_ =	shalt  }
0x75: {  	_ =	shalt  }
0x76: {  	_ =	shalt  }
0x77: {  	_ =	shalt  }
0x78: {  	_ =	shalt  }
0x79: {  	_ =	shalt  }
0x7a: {  	_ =	shalt  }
0x7b: {  	_ =	shalt  }
0x7c: {  	_ =	shalt  }
0x7d: {  	_ =	shalt  }
0x7e: {  	_ =	shalt  }
0x7f: {  	_ =	shalt  }
0x80: {  	_ =	shalt  }
0x81: {  	_ =	shalt  }
0x82: {  	_ =	shalt  }
0x83: {  	_ =	shalt  }
0x84: {  	_ =	shalt  }
0x85: {  	_ =	shalt  }
0x86: {  	_ =	shalt  }
0x87: {  	_ =	shalt  }
.Lfunc_end0:
.L_simem_size_0:
called_computation.1_lowered:
.L_overlay_start_0:
0x88: {  	s2 =	sld [smem:$0x3FD9]  }
0x89: {  	s3 =	sld [smem:$0x3FFE];
	_ =	sdelay $0x1  }
0x8a: {  	s1 =	srdreg.scid  }
0x8b: {  	s0 =	sand.u32 $0x1, s1  }
0x8c: {  	s17 =	sshll.u32 s0, $0xA;
	s2 =	sadd.s32 s3, s2  }
0x8d: {  	s2 =	sadd.s32 s2, s17  }
0x8e: {  	[smem:$0x3FC2] =	sst s2  }
0x8f: {  	_ = 	snop  }
0x90: {  	s2 =	sld [smem:$0x3FD0];
	(tm) =	ssettm $0x1  }
0x91: {  	s18 =	sld [smem:$0x3FFB];
	_ =	sdelay $0x3  }
0x92: {  	_ =	strace s18  }
0x93: {  	s3 =	sld [smem:$0x3FFC];
	_ =	sdelay $0x3  }
0x94: {  	_ =	strace s3  }
0x95: {  	s3 =	sld [smem:$0x3FFD];
	_ =	sdelay $0x3  }
0x96: {  	_ =	strace s3  }
0x97: {  	_ =	strace $0x8FFFFFFF  }
0x98: {  	s19 =	sld [smem:$0x3FDB];
	_ =	sdelay $0x1  }
0x99: {  	s4 =	simm.s32 $_scs_section_size  }
0x9a: {  	s5 =	simm.s32 $_size__tile_overlayer_lowered;
	s6 =	simm.s32 $_tile_overlayer_lowered  }
0x9b: {  	s22 =	simm.s32 $0x1BFF;
	s21 =	sshll.u32 s6, $0x1;
	s3 =	sadd.s32 s4, s19  }
0x9c: {  	s7 =	simm.s32 $0x0;
	s20 =	sshll.u32 s5, $0x1;
	s5 =	sadd.s32 s21, s3  }
0x9d: {  	[timem:s7], [sflag:s22] =	dma.local [hbm:s5], s20  }
0x9e: {  	_ =	swait.ge [sflag:s22], s20  }
0x9f: {  	s4 =	ssub.s32 $0x0, s20;
	[sflag:s22] =	ssyncset.done $0x0  }
0xa0: {  	[sflag:s22] =	ssyncadd.s32 s4;
	_ =	sdelay $0x1  }
0xa1: {  	s23 =	simm.s32 $0x1B8B  }
0xa2: {  	_ =	swait.ge [sflag:s23], $0x1  }
0xa3: {  	[sflag:s23] =	ssyncset.done $0x0  }
0xa4: {  	s25 =	simm.s32 $0x1B8E;
	s24 =	sld [smem:$0x3FFE];
	[sflag:s23] =	ssyncadd.s32 $0xFFFFFFFF  }
0xa5: {  	s26 =	simm.s32 $execute0_lowered;
	[smem:$0x3FD2] =	sst s25  }
0xa6: {  	s5 =	sshll.u32 s26, $0x1;
	_ =	strace $0x80000049;
	[dreg:$0x1] =	wrdreg $0xFFFFFFFF  }
0xa7: {  	s28 =	simm.s32 $_size_execute0_lowered;
	s3 =	sadd.s32 s3, s5;
	[dreg:$0x0] =	wrdreg $0x0  }
0xa8: {  	s5 =	sshll.u32 s28, $0x1;
	[dreg:$0x2] =	wrdreg s3  }
0xa9: {  	[dreg:$0x3] =	wrdreg s5  }
0xaa: {  	[dreg:$0x4] =	wrdreg $0xC0  }
0xab: {  	_ =	task [dreg:s7], $0x5FFFF  }
0xac: {  	[dreg:$0x1] =	wrdreg $0xFFFFFFFF  }
0xad: {  	[dreg:$0x0] =	wrdreg $0x60  }
0xae: {  	[dreg:$0x2] =	wrdreg s24  }
0xaf: {  	[dreg:$0x3] =	wrdreg s2  }
0xb0: {  	[dreg:$0x4] =	wrdreg $0xA3C00  }
0xb1: {  	[dreg:$0x5] =	wrdreg $0x9  }
0xb2: {  	_ =	task.clear_ibuf [dreg:s7], $0x6FFFF;
	_ =	strace $0x90000049  }
0xb3: {  	s29 =	simm.s32 $0x9;
	_ =	strace $0x8000004B  }
0xb4: {  	_ =	swait.ge [sflag:s29], $0x1  }
0xb5: {  	[sflag:s29] =	ssyncadd.s32 $0xFFFFFFFF  }
0xb6: {  	_ =	strace $0x9000004B  }
0xb7: {  	_ =	sfence  }
0xb8: {  	s30 =	sld [smem:$0x0];
	_ =	sdelay $0x2  }
0xb9: {  	s31 =	sshll.u32 s1, $0xD;
	s1 =	sshrl.u32 s1, $0x2  }
0xba: {  	s3 =	sand.u32 $0x4000, s31;
	s1 =	sadd.s32 s1, s30  }
0xbb: {  	s0 =	sor.u32 s3, s0;
	s1 =	sshll.u32 s1, $0x11  }
0xbc: {  	s0 =	sor.u32 s1, s0  }
0xbd: {  	s0 =	sadd.s32 $0x8F2B, s0  }
0xbe: {  	[sflag:s0] =	ssyncadd.remote.s32 $0x1  }
0xbf: {  	_ =	sfence.sel $0xFFFF  }
0xc0: {  	[dreg:$0x0] =	wrdreg $0xFFFFFFFF;
	(pc) =	sbr.abs _section_cstart, $3  }
0xc1: {  	[dreg:$0x1] =	wrdreg $0xFFFFFFFF  }
0xc2: {  	_ =	task.clear_ibuf [dreg:s7], $0x2FFFF;
	_ =	strace $0x9FFFFFFF  }
0xc3: {  	(tm) =	ssettm $0x7FFFFFFF  }
tec
execute0_lowered:
.L_overlay_start_1:
0x0: {  	(tag) =	ssettag $0x1  }
0x1: {  	s0 =	rddreg [dreg:$0x0]  }
0x2: {  	s2 =	rddreg [dreg:$0x2];
	s3 =	simm.s32 $0x0  }
0x3: {  	s1 =	srdreg.scid;
	s12 =	stileid.u32;
	s29 =	simm.s32 $0x50  }
0x4: {  	s30 =	simm.s32 $0x3C0;
	[smem:$0x7FF] =	sst s3;
	s7 =	smul.u32 $0x50000, s12  }
0x5: {  	s4 =	sand.u32 $0x1, s1;
	s5 =	sadd.s32 $0x15C00, s0;
	s11 =	smul.u32 $0x14000, s12  }
0x6: {  	s24 =	sadd.s32 $0x2000, s0;
	s13 =	sadd.s32 $0x12C000, s2;
	s23 =	smul.u32 $0x2710, s12  }
0x7: {  	p0 =	seq.s32 s12, $0xF;
	_ =	strace $0x8000004A;
	s1 =	sshll.u32 s4, $0x4  }
0x8: {  	s8 =	ssub.s32 $0x2, s4;
	[dreg:$0x4] =	wrdreg s13;
	s17 =	smul.u32 $0x138800, s4  }
0x9: {  	s4 =	smul.u32 $0x27100, s4;
	s6 =	sor.u32 s12, s1;
	s1 =	sadd.s32 $0xBE00, s0  }
0xa: {  	s0 =	sadd.s32 $0x3CE00, s0;
	s9 =	sshrl.u32 s8, $0x1;
	s7 =	sshrl.u32 s7, $0x2  }
0xb: {  	s12 =	simm.s32 $0x53C0;
	s6 =	smul.u32 $0x2710, s6;
	s8 =	ssub.s32 s8, s9  }
0xc: {  	s7 =	sadd.s32 s7, s2;
	s21 =	sadd.s32 s11, s17;
	s22 =	sshrl.u32 s17, $0x3  }
0xd: {  	s26 =	sadd.s32 s23, s4;
	s28 =	smax.u32 s8, $0x1;
	s6 =	sshrl.u32 s6, $0x3  }
0xe: {  	s17 =	simm.s32 $0x5;
	[dreg:$0x11] =	wrdreg s28;
	s14 =	sadd.s32 s24, s6  }
0xf: {  	s15 =	sadd.s32 $0xA, s6;
	s10 =	sadd.s32 s1, s6;
	[dreg:$0x5] =	wrdreg s14  }
0x10: {  	s31 =	sadd.s32 $0x190, s26;
	[dreg:$0x6] =	wrdreg s10;
	s16 =	sadd.s32 s24, s15  }
0x11: {  	s18 =	sadd.s32 $0x14, s6;
	s9 =	sadd.s32 s1, s15;
	[dreg:$0x7] =	wrdreg s16  }
0x12: {  	s19 =	sadd.s32 $0x1E, s6;
	s13 =	sadd.s32 s24, s18;
	[dreg:$0x8] =	wrdreg s9  }
0x13: {  	s6 =	sadd.s32 $0x28, s6;
	s20 =	sadd.s32 s24, s19;
	[dreg:$0x9] =	wrdreg s13  }
0x14: {  	s25 =	sadd.s32 s24, s6;
	s6 =	sadd.s32 s1, s6;
	[dreg:$0xb] =	wrdreg s20  }
0x15: {  	s14 =	simm.s32 $0x230;
	s15 =	simm.s32 $0x7BC0;
	[dreg:$0xe] =	wrdreg s25  }
0x16: {  	s9 =	sadd.s32 s1, s18;
	[dreg:$0xf] =	wrdreg s6;
	s6 =	sadd.s32 s11, s2  }
0x17: {  	s11 =	simm.s32 $0x1E0;
	[dreg:$0xa] =	wrdreg s9;
	s9 =	sadd.s32 s1, s19  }
0x18: {  	s13 =	simm.s32 $0x2;
	[dreg:$0xc] =	wrdreg s9;
	s9 =	sshrl.u32 s21, $0x3  }
0x19: {  	s16 =	simm.s32 $0x4;
	s9 =	sadd.s32 s0, s9;
	s0 =	sadd.s32 s0, s22  }
0x1a: {  	s18 =	simm.s32 $0x0;
	s21 =	simm.s32 $0x280;
	s0 =	sadd.s32 $0x25800, s0  }
0x1b: {  	s22 =	sshrl.u32 s31, $0x3;
	[dreg:$0x10] =	wrdreg s0;
	s0 =	sadd.s32 $0x1E0, s26  }
0x1c: {  	[dreg:$0xd] =	wrdreg s9;
	s23 =	sshrl.u32 s0, $0x3;
	s0 =	sshrl.u32 @!p0 s7, $0x3  }
0x1d: {  	s9 =	simm.s32 $0x1;
	[dreg:$0x12] =	wrdreg s0;
	s0 =	sshrl.u32 @!p0 s6, $0x3  }
0x1e: {  	s26 =	simm.s32 $0x6;
	[dreg:$0x13] =	wrdreg s0;
	s0 =	simm.s32 $0x3  }
.LBB2_1:
0x1f: {  	s4 =	rddreg [dreg:$0x4]  }
0x20: {  	s7 =	rddreg [dreg:$0x1];
	s19 =	sshrl.u32 @p0 s4, $0x3;
	s4 =	simm.s32 @p0 $0x1FC6  }
0x21: {  	[spmem:s19], [sflag:s4] =	dma.local @p0 [hbm:s7], $0x1900  }
0x22: {  	s4 =	simm.s32 @p0 $0x6  }
0x23: {  	s6 =	stileid.u32;
	_ =	swait.ge @p0 [sflag:s4], $0x1900  }
0x24: {  	s6 =	sshll.u32 @!p0 s6, $0x6;
	[sflag:s4] =	ssyncset.done @p0 $0x0  }
0x25: {  	s20 =	sor.u32 @!p0 $0x1C06, s6;
	[sflag:s4] =	ssyncadd.s32 @p0 $0xFFFFE700;
	s4 =	rddreg [dreg:$0x12]  }
0x26: {  	[spmem:s4], [sflag:s20] =	dma.local @!p0 [hbm:s7], $0x2800  }
0x27: {  	s4 =	simm.s32 @!p0 $0x6  }
0x28: {  	_ =	swait.ge @!p0 [sflag:s4], $0x2800  }
0x29: {  	[sflag:s4] =	ssyncset.done @!p0 $0x0  }
0x2a: {  	s6 =	rddreg [dreg:$0x5];
	[sflag:s4] =	ssyncadd.s32 @!p0 $0xFFFFD800  }
0x2b: {  	[tilespmem:s3], [sflag:$0x6] =	stream.linear.gather [hbm4b:s6+s3], $0x50, $0x38;
	[tilespmem:$0x1DC40] =	vst v63  }
0x2c: {  	_ =	swait.ge [sflag:s26], $0x50  }
0x2d: {  	[sflag:s26] =	ssyncset.done $0x0  }
0x2e: {  	s6 =	simm.s32 $0x140;
	s7 =	rddreg [dreg:$0x6];
	[sflag:s26] =	ssyncadd.s32 $0xFFFFFFB0  }
0x2f: {  	[tilespmem:s6], [sflag:$0x6] =	stream.linear.gather [hbm4b:s7+s3], $0x50, $0x38;
	[tilespmem:$0x1DC40] =	vst v63  }
0x30: {  	_ =	swait.ge [sflag:s26], $0x50  }
0x31: {  	[sflag:s26] =	ssyncset.done $0x0  }
0x32: {  	[sflag:s26] =	ssyncadd.s32 $0xFFFFFFB0  }
0x33: {  	[bflag:$0x0] =	sbarrier.arrive $0xFFFF  }
0x34: {  	[tilespmem:s30], [sflag:$0x1] =	stream.indirect.gather [hbm4b:s5+s29], $0x80, s3, s29, $0xb8;
	[tilespmem:$0x1DC40] =	vst v63  }
0x35: {  	s8 =	rddreg [dreg:$0x7]  }
0x36: {  	[tilespmem:s29], [sflag:$0x3] =	stream.linear.gather [hbm4b:s8+s3], $0x50, $0x38;
	[tilespmem:$0x1DC40] =	vst v63  }
0x37: {  	s7 =	simm.s32 $0x190;
	s10 =	rddreg [dreg:$0x8]  }
0x38: {  	[tilespmem:s7], [sflag:$0x3] =	stream.linear.gather [hbm4b:s10+s3], $0x50, $0x38;
	[tilespmem:$0x1DC40] =	vst v63  }
0x39: {  	_ =	swait.ge [sflag:s0], $0x50  }
0x3a: {  	[sflag:s0] =	ssyncset.done $0x0  }
0x3b: {  	[sflag:s0] =	ssyncadd.s32 $0xFFFFFFB0  }
0x3c: {  	_ =	swait.ge [sflag:s0], $0x50  }
0x3d: {  	[sflag:s0] =	ssyncset.done $0x0  }
0x3e: {  	s8 =	simm.s32 $0x2BC0;
	[sflag:s0] =	ssyncadd.s32 $0xFFFFFFB0  }
0x3f: {  	[tilespmem:s8], [sflag:$0x2] =	stream.indirect.gather [hbm4b:s5+s29], $0x80, s29, s29, $0xb8;
	[tilespmem:$0x1DC40] =	vst v63  }
0x40: {  	s10 =	simm.s32 $0xA0;
	s25 =	rddreg [dreg:$0x9]  }
0x41: {  	[tilespmem:s10], [sflag:$0x3] =	stream.linear.gather [hbm4b:s25+s3], $0x50, $0x38;
	[tilespmem:$0x1DC40] =	vst v63  }
0x42: {  	s25 =	rddreg [dreg:$0xa]  }
0x43: {  	[tilespmem:s11], [sflag:$0x3] =	stream.linear.gather [hbm4b:s25+s3], $0x50, $0x38;
	[tilespmem:$0x1DC40] =	vst v63  }
0x44: {  	_ =	swait.ge [sflag:s9], $0x2800  }
0x45: {  	[sflag:s9] =	ssyncset.done $0x0  }
0x46: {  	[sflag:s9] =	ssyncadd.s32 $0xFFFFD800  }
0x47: {  	[spmem:s2] =	stream.indirect.scatter.add.f32 [tilespmem:s30], [sflag:$0x4], $0x80, s6, s29, $0xb8;
	[tilespmem:$0x1DC40] =	vst v63  }
0x48: {  	_ =	swait.ge [sflag:s0], $0x50  }
0x49: {  	[sflag:s0] =	ssyncset.done $0x0  }
0x4a: {  	[sflag:s0] =	ssyncadd.s32 $0xFFFFFFB0  }
0x4b: {  	_ =	swait.ge [sflag:s0], $0x50  }
0x4c: {  	[sflag:s0] =	ssyncset.done $0x0  }
0x4d: {  	[sflag:s0] =	ssyncadd.s32 $0xFFFFFFB0  }
0x4e: {  	[tilespmem:s12], [sflag:$0x1] =	stream.indirect.gather [hbm4b:s5+s29], $0x80, s10, s29, $0xb8;
	[tilespmem:$0x1DC40] =	vst v63  }
0x4f: {  	s11 =	rddreg [dreg:$0xb];
	s12 =	simm.s32 $0xF0  }
0x50: {  	[tilespmem:s12], [sflag:$0x3] =	stream.linear.gather [hbm4b:s11+s3], $0x50, $0x38;
	[tilespmem:$0x1DC40] =	vst v63  }
0x51: {  	s25 =	rddreg [dreg:$0xc]  }
0x52: {  	[tilespmem:s14], [sflag:$0x3] =	stream.linear.gather [hbm4b:s25+s3], $0x50, $0x38;
	[tilespmem:$0x1DC40] =	vst v63  }
0x53: {  	_ =	swait.ge [sflag:s13], $0x2800  }
0x54: {  	[sflag:s13] =	ssyncset.done $0x0  }
0x55: {  	[sflag:s13] =	ssyncadd.s32 $0xFFFFD800  }
0x56: {  	[spmem:s2] =	stream.indirect.scatter.add.f32 [tilespmem:s8], [sflag:$0x5], $0x80, s7, s29, $0xb8;
	[tilespmem:$0x1DC40] =	vst v63  }
0x57: {  	_ =	swait.ge [sflag:s0], $0x50  }
0x58: {  	[sflag:s0] =	ssyncset.done $0x0  }
0x59: {  	[sflag:s0] =	ssyncadd.s32 $0xFFFFFFB0  }
0x5a: {  	_ =	swait.ge [sflag:s0], $0x50  }
0x5b: {  	[sflag:s0] =	ssyncset.done $0x0  }
0x5c: {  	[sflag:s0] =	ssyncadd.s32 $0xFFFFFFB0  }
0x5d: {  	[tilespmem:s15], [sflag:$0x2] =	stream.indirect.gather [hbm4b:s5+s29], $0x80, s12, s29, $0xb8;
	[tilespmem:$0x1DC40] =	vst v63  }
0x5e: {  	s7 =	rddreg [dreg:$0xe]  }
0x5f: {  	[tilespmem:s3], [sflag:$0x3] =	stream.linear.gather [hbm4b:s7+s3], $0x50, $0x38;
	[tilespmem:$0x1DC40] =	vst v63  }
0x60: {  	s31 =	simm.s32 $0x2;
	s8 =	rddreg [dreg:$0xf]  }
0x61: {  	[tilespmem:s21], [sflag:$0x3] =	stream.linear.gather [hbm4b:s8+s3], $0x50, $0x38;
	[tilespmem:$0x1DC40] =	vst v63  }
0x62: {  	s10 =	sand.u32 $0x6, s31;
	_ =	swait.ge [sflag:s9], $0x2800  }
0x63: {  	s4 =	smul.u32 $0x140, s10;
	s11 =	sand.u32 $0x2, s31;
	[sflag:s9] =	ssyncset.done $0x0  }
0x64: {  	s6 =	smul.u32 $0xA000, s11;
	[sflag:s9] =	ssyncadd.s32 $0xFFFFD800  }
0x65: {  	_ =	swait.ge [sflag:s16], $0x2800  }
0x66: {  	s4 =	sshrl.u32 s4, $0x2;
	s6 =	sshrl.u32 s6, $0x2;
	[sflag:s16] =	ssyncset.done $0x0  }
0x67: {  	s4 =	sadd.s32 $0x140, s4;
	s6 =	sor.u32 $0x3C0, s6;
	[sflag:s16] =	ssyncadd.s32 $0xFFFFD800  }
0x68: {  	[spmem:s2] =	stream.indirect.scatter.add.f32 [tilespmem:s6], [sflag:$0x4], $0x80, s4, s29, $0xb8;
	[tilespmem:$0x1DC40] =	vst v63  }
0x69: {  	s12 =	sand.u32 $0x2, s3;
	s15 =	simm.s32 $0x5;
	_ =	swait.ge [sflag:s0], $0x50  }
0x6a: {  	s14 =	smul.u32 $0xA000, s12;
	s7 =	sand.u32 $0x3, s15;
	[sflag:s0] =	ssyncset.done $0x0  }
0x6b: {  	s28 =	sadd.s32 $0x14, s1;
	s25 =	smul.u32 $0x140, s7;
	[sflag:s0] =	ssyncadd.s32 $0xFFFFFFB0  }
0x6c: {  	s21 =	sand.u32 $0x7, s15;
	s4 =	smul.u32 $0x140, s12;
	_ =	swait.ge [sflag:s0], $0x50  }
0x6d: {  	s8 =	smul.u32 $0x140, s21;
	s6 =	sshrl.u32 s14, $0x2;
	[sflag:s0] =	ssyncset.done $0x0  }
0x6e: {  	s6 =	sor.u32 $0x3C0, s6;
	s4 =	sshrl.u32 s4, $0x2;
	[sflag:s0] =	ssyncadd.s32 $0xFFFFFFB0  }
0x6f: {  	[tilespmem:s6], [sflag:$0x1] =	stream.indirect.gather [hbm4b:s5+s29], $0x80, s4, s29, $0xb8;
	[tilespmem:$0x1DC40] =	vst v63  }
0x70: {  	s11 =	sshrl.u32 s8, $0x2;
	s12 =	sadd.s32 s24, s22;
	s4 =	sshrl.u32 s25, $0x2  }
0x71: {  	[tilespmem:s4], [sflag:$0x3] =	stream.linear.gather [hbm4b:s12+s3], $0x50, $0x38;
	[tilespmem:$0x1DC40] =	vst v63  }
0x72: {  	s15 =	simm.s32 $0x3;
	s14 =	sadd.s32 s1, s22;
	s6 =	sadd.s32 $0x140, s11  }
0x73: {  	[tilespmem:s6], [sflag:$0x3] =	stream.linear.gather [hbm4b:s14+s3], $0x50, $0x38;
	[tilespmem:$0x1DC40] =	vst v63  }
0x74: {  	s7 =	smul.u32 $0xA000, s7;
	s25 =	sand.u32 $0x7, s15;
	_ =	swait.ge [sflag:s13], $0x2800  }
0x75: {  	s21 =	sand.u32 $0x3, s15;
	s8 =	smul.u32 $0x140, s25;
	[sflag:s13] =	ssyncset.done $0x0  }
0x76: {  	s10 =	sshrl.u32 s7, $0x2;
	s6 =	smul.u32 $0xA000, s21;
	[sflag:s13] =	ssyncadd.s32 $0xFFFFD800  }
0x77: {  	s7 =	smov.u32 s1;
	s11 =	simm.s32 $0x6;
	_ =	swait.ge [sflag:s17], $0x2800  }
0x78: {  	s8 =	sshrl.u32 s8, $0x2;
	s6 =	sshrl.u32 s6, $0x2;
	[sflag:s17] =	ssyncset.done $0x0  }
0x79: {  	s8 =	sadd.s32 $0x140, s8;
	s6 =	sor.u32 $0x3C0, s6;
	[sflag:s17] =	ssyncadd.s32 $0xFFFFD800  }
0x7a: {  	[spmem:s2] =	stream.indirect.scatter.add.f32 [tilespmem:s6], [sflag:$0x5], $0x80, s8, s29, $0xb8;
	[tilespmem:$0x1DC40] =	vst v63  }
0x7b: {  	s21 =	sadd.s32 $0x14, s24;
	s6 =	smov.u32 s24;
	_ =	swait.ge [sflag:s0], $0x50  }
.LBB2_2:
0x7c: {  	s10 =	sor.u32 $0x3C0, s10  }
0x7d: {  	[sflag:s0] =	ssyncset.done $0x0;
	s25 =	smov.u32 s31;
	s8 =	sadd.s32 $0x2, s31  }
0x7e: {  	s12 =	sand.u32 $0x2, s8;
	s14 =	sand.u32 $0x6, s8;
	[sflag:s0] =	ssyncadd.s32 $0xFFFFFFB0  }
0x7f: {  	s15 =	sand.u32 $0x2, s11;
	s14 =	smul.u32 $0x140, s14;
	_ =	swait.ge [sflag:s0], $0x50  }
0x80: {  	p1 =	sne.s32 s31, $0x76;
	s15 =	smul.u32 $0x140, s15;
	[sflag:s0] =	ssyncset.done $0x0  }
0x81: {  	s11 =	sand.u32 $0x6, s11;
	s12 =	smul.u32 $0xA000, s12;
	[sflag:s0] =	ssyncadd.s32 $0xFFFFFFB0  }
0x82: {  	s7 =	sadd.s32 s7, s23;
	s11 =	smul.u32 $0x140, s11;
	s14 =	sshrl.u32 s14, $0x2  }
0x83: {  	[tilespmem:s10], [sflag:$0x2] =	stream.indirect.gather [hbm4b:s5+s29], $0x80, s4, s29, $0xb8;
	[tilespmem:$0x1DC40] =	vst v63  }
0x84: {  	s6 =	sadd.s32 s6, s23;
	s4 =	sshrl.u32 s15, $0x2;
	s10 =	sshrl.u32 s11, $0x2  }
0x85: {  	[tilespmem:s4], [sflag:$0x3] =	stream.linear.gather [hbm4b:s6+s3], $0x50, $0x38;
	[tilespmem:$0x1DC40] =	vst v63  }
0x86: {  	s10 =	sadd.s32 $0x140, s10;
	s4 =	sand.u32 $0x2, s25;
	s6 =	sshrl.u32 s12, $0x2  }
0x87: {  	[tilespmem:s10], [sflag:$0x3] =	stream.linear.gather [hbm4b:s7+s3], $0x50, $0x38;
	[tilespmem:$0x1DC40] =	vst v63  }
0x88: {  	s10 =	sor.u32 $0x3C0, s6;
	s7 =	smul.u32 $0xA000, s4;
	_ =	swait.ge [sflag:s9], $0x2800  }
0x89: {  	s4 =	smul.u32 $0x140, s4;
	s6 =	smov.u32 s21;
	[sflag:s9] =	ssyncset.done $0x0  }
0x8a: {  	s11 =	sadd.s32 $0x5, s25;
	s12 =	sshrl.u32 s7, $0x2;
	[sflag:s9] =	ssyncadd.s32 $0xFFFFD800  }
0x8b: {  	s15 =	sand.u32 $0x3, s11;
	s7 =	sand.u32 $0x7, s11;
	_ =	swait.ge [sflag:s16], $0x2800  }
0x8c: {  	s11 =	smul.u32 $0x140, s7;
	s7 =	smov.u32 s28;
	[sflag:s16] =	ssyncset.done $0x0  }
0x8d: {  	s14 =	sadd.s32 $0x140, s14;
	s31 =	smul.u32 $0xA000, s15;
	[sflag:s16] =	ssyncadd.s32 $0xFFFFD800  }
0x8e: {  	[spmem:s2] =	stream.indirect.scatter.add.f32 [tilespmem:s10], [sflag:$0x4], $0x80, s14, s29, $0xb8;
	[tilespmem:$0x1DC40] =	vst v63  }
0x8f: {  	s11 =	sshrl.u32 s11, $0x2;
	s10 =	smul.u32 $0x140, s15;
	_ =	swait.ge [sflag:s0], $0x50  }
0x90: {  	s12 =	sor.u32 $0x3C0, s12;
	s14 =	sshrl.u32 s4, $0x2;
	[sflag:s0] =	ssyncset.done $0x0  }
0x91: {  	s4 =	sshrl.u32 s10, $0x2;
	s10 =	sshrl.u32 s31, $0x2;
	[sflag:s0] =	ssyncadd.s32 $0xFFFFFFB0  }
0x92: {  	s15 =	sadd.s32 s21, s22;
	_ =	swait.ge [sflag:s0], $0x50  }
0x93: {  	[sflag:s0] =	ssyncset.done $0x0  }
0x94: {  	s31 =	sadd.s32 s28, s22;
	[sflag:s0] =	ssyncadd.s32 $0xFFFFFFB0  }
0x95: {  	[tilespmem:s12], [sflag:$0x1] =	stream.indirect.gather [hbm4b:s5+s29], $0x80, s14, s29, $0xb8;
	[tilespmem:$0x1DC40] =	vst v63  }
0x96: {  	s11 =	sadd.s32 $0x140, s11;
	s12 =	sadd.s32 $0x3, s25  }
0x97: {  	[tilespmem:s4], [sflag:$0x3] =	stream.linear.gather [hbm4b:s15+s3], $0x50, $0x38;
	[tilespmem:$0x1DC40] =	vst v63  }
0x98: {  	s14 =	sand.u32 $0x3, s12;
	s12 =	sand.u32 $0x7, s12  }
0x99: {  	[tilespmem:s11], [sflag:$0x3] =	stream.linear.gather [hbm4b:s31+s3], $0x50, $0x38;
	[tilespmem:$0x1DC40] =	vst v63  }
0x9a: {  	s11 =	smul.u32 $0xA000, s14;
	_ =	swait.ge [sflag:s13], $0x2800  }
0x9b: {  	s12 =	smul.u32 $0x140, s12;
	[sflag:s13] =	ssyncset.done $0x0  }
0x9c: {  	s11 =	sshrl.u32 s11, $0x2;
	[sflag:s13] =	ssyncadd.s32 $0xFFFFD800  }
.Ltmp0:
0x9d: {  	s12 =	sshrl.u32 s12, $0x2;
	_ =	swait.ge [sflag:s17], $0x2800;
	(pc) =	sbr.rel @p1 .LBB2_2-.Ltmp0, $4  }
0x9e: {  	s21 =	sadd.s32 $0x14, s21;
	s28 =	sadd.s32 $0x14, s28;
	[sflag:s17] =	ssyncset.done $0x0  }
0x9f: {  	s12 =	sadd.s32 $0x140, s12;
	s11 =	sor.u32 $0x3C0, s11;
	[sflag:s17] =	ssyncadd.s32 $0xFFFFD800  }
0xa0: {  	[spmem:s2] =	stream.indirect.scatter.add.f32 [tilespmem:s11], [sflag:$0x5], $0x80, s12, s29, $0xb8;
	[tilespmem:$0x1DC40] =	vst v63  }
0xa1: {  	s31 =	smov.u32 s8;
	s11 =	sadd.s32 $0x6, s25;
	_ =	swait.ge [sflag:s0], $0x50  }
0xa2: {  	[sflag:s0] =	ssyncset.done $0x0  }
0xa3: {  	[sflag:s0] =	ssyncadd.s32 $0xFFFFFFB0  }
0xa4: {  	_ =	swait.ge [sflag:s0], $0x50  }
0xa5: {  	[sflag:s0] =	ssyncset.done $0x0  }
0xa6: {  	s8 =	sor.u32 $0x3C0, s10;
	s15 =	sand.u32 $0x2, s11;
	[sflag:s0] =	ssyncadd.s32 $0xFFFFFFB0  }
0xa7: {  	[tilespmem:s8], [sflag:$0x2] =	stream.indirect.gather [hbm4b:s5+s29], $0x80, s4, s29, $0xb8;
	[tilespmem:$0x1DC40] =	vst v63  }
0xa8: {  	s21 =	sand.u32 $0x6, s11;
	s4 =	smul.u32 $0x140, s15  }
0xa9: {  	s8 =	smul.u32 $0x140, s21;
	_ =	sdelay $0x1  }
0xaa: {  	s6 =	sadd.s32 s6, s23;
	s4 =	sshrl.u32 s4, $0x2;
	s25 =	sshrl.u32 s8, $0x2  }
0xab: {  	[tilespmem:s4], [sflag:$0x3] =	stream.linear.gather [hbm4b:s6+s3], $0x50, $0x38;
	[tilespmem:$0x1DC40] =	vst v63  }
0xac: {  	s28 =	sadd.s32 s7, s23;
	s4 =	sadd.s32 $0x140, s25  }
0xad: {  	[tilespmem:s4], [sflag:$0x3] =	stream.linear.gather [hbm4b:s28+s3], $0x50, $0x38;
	[tilespmem:$0x1DC40] =	vst v63  }
0xae: {  	_ =	swait.ge [sflag:s9], $0x2800  }
0xaf: {  	[sflag:s9] =	ssyncset.done $0x0  }
0xb0: {  	[sflag:s9] =	ssyncadd.s32 $0xFFFFD800  }
0xb1: {  	_ =	swait.ge [sflag:s16], $0x2800  }
0xb2: {  	[sflag:s16] =	ssyncset.done $0x0  }
0xb3: {  	s11 =	simm.s32 $0x1E0;
	s12 =	simm.s32 $0x53C0;
	[sflag:s16] =	ssyncadd.s32 $0xFFFFD800  }
0xb4: {  	[spmem:s2] =	stream.indirect.scatter.add.f32 [tilespmem:s12], [sflag:$0x4], $0x80, s11, s29, $0xb8;
	[tilespmem:$0x1DC40] =	vst v63  }
0xb5: {  	_ =	swait.ge [sflag:s0], $0x50  }
0xb6: {  	[sflag:s0] =	ssyncset.done $0x0  }
0xb7: {  	[sflag:s0] =	ssyncadd.s32 $0xFFFFFFB0  }
0xb8: {  	_ =	swait.ge [sflag:s0], $0x50  }
0xb9: {  	[sflag:s0] =	ssyncset.done $0x0  }
0xba: {  	[sflag:s0] =	ssyncadd.s32 $0xFFFFFFB0  }
0xbb: {  	[tilespmem:s30], [sflag:$0x1] =	stream.indirect.gather [hbm4b:s5+s29], $0x80, s3, s29, $0xb8;
	[tilespmem:$0x1DC40] =	vst v63  }
0xbc: {  	_ =	swait.ge [sflag:s13], $0x2800  }
0xbd: {  	[sflag:s13] =	ssyncset.done $0x0  }
0xbe: {  	[sflag:s13] =	ssyncadd.s32 $0xFFFFD800  }
0xbf: {  	_ =	swait.ge [sflag:s17], $0x2800  }
0xc0: {  	[sflag:s17] =	ssyncset.done $0x0  }
0xc1: {  	s14 =	simm.s32 $0x230;
	s15 =	simm.s32 $0x7BC0;
	[sflag:s17] =	ssyncadd.s32 $0xFFFFD800  }
0xc2: {  	[spmem:s2] =	stream.indirect.scatter.add.f32 [tilespmem:s15], [sflag:$0x5], $0x80, s14, s29, $0xb8;
	[tilespmem:$0x1DC40] =	vst v63  }
0xc3: {  	_ =	swait.ge [sflag:s9], $0x2800  }
0xc4: {  	[sflag:s9] =	ssyncset.done $0x0  }
0xc5: {  	[sflag:s9] =	ssyncadd.s32 $0xFFFFD800  }
0xc6: {  	_ =	swait.ge [sflag:s16], $0x2800  }
0xc7: {  	[sflag:s16] =	ssyncset.done $0x0  }
0xc8: {  	s21 =	simm.s32 $0x280;
	[sflag:s16] =	ssyncadd.s32 $0xFFFFD800  }
0xc9: {  	[spmem:s2] =	stream.indirect.scatter.add.f32 [tilespmem:s30], [sflag:$0x4], $0x80, s21, s29, $0xb8;
	[tilespmem:$0x1DC40] =	vst v63  }
0xca: {  	_ =	swait.ge [sflag:s17], $0x2800  }
0xcb: {  	[sflag:s17] =	ssyncset.done $0x0  }
0xcc: {  	[sflag:s17] =	ssyncadd.s32 $0xFFFFD800  }
0xcd: {  	_ =	swait.ge [sflag:s16], $0x2800  }
0xce: {  	[sflag:s16] =	ssyncset.done $0x0  }
0xcf: {  	[sflag:s16] =	ssyncadd.s32 $0xFFFFD800  }
0xd0: {  	[bflag:$0x0] =	sbarrier.arrive $0xFFFF  }
0xd1: {  	s4 =	simm.s32 @p0 $0x1FC6;
	s6 =	rddreg [dreg:$0x10]  }
0xd2: {  	[hbm:s6], [sflag:s4] =	dma.local @p0 [spmem:s19], $0x1900  }
0xd3: {  	s4 =	simm.s32 @p0 $0x6  }
0xd4: {  	_ =	swait.ge @p0 [sflag:s4], $0x1900  }
0xd5: {  	[sflag:s4] =	ssyncset.done @p0 $0x0;
	s6 =	rddreg [dreg:$0x13]  }
0xd6: {  	[sflag:s4] =	ssyncadd.s32 @p0 $0xFFFFE700;
	s4 =	rddreg [dreg:$0xd]  }
0xd7: {  	[hbm:s4], [sflag:s20] =	dma.local @!p0 [spmem:s6], $0x2800  }
0xd8: {  	s4 =	simm.s32 @!p0 $0x6  }
0xd9: {  	_ =	swait.ge @!p0 [sflag:s4], $0x2800  }
0xda: {  	s18 =	sadd.s32 $0x1, s18;
	s31 =	rddreg [dreg:$0x11]  }
0xdb: {  	p1 =	sne.s32 s18, s31  }
.Ltmp1:
0xdc: {  	_ = 	snop;
	(pc) =	sbr.rel @p1 .LBB2_1-.Ltmp1, $3  }
0xdd: {  	_ =	sdelay $0x1  }
0xde: {  	[sflag:s4] =	ssyncset.done @!p0 $0x0  }
0xdf: {  	[sflag:s4] =	ssyncadd.s32 @!p0 $0xFFFFD800  }
0xe0: {  	_ =	sfence.sel $0x180000  }
0xe1: {  	[bflag:$0x0] =	sbarrier.arrive $0xFFFF  }
0xe2: {  	_ =	strace $0x9000004A  }
0xe3: {  	s0 =	stileid.u32;
	[bflag:$0x2] =	sbarrier.arrive $0xFFFF  }
0xe4: {  	p0 =	sne.s32 s0, $0x0;
	s0 =	rddreg [dreg:$0x3]  }
0xe5: {  	s0 =	sadd.s32 @!p0 $0x100000, s0  }
0xe6: {  	[sflag:s0] =	ssyncadd.tile.s32 @!p0 $0x1;
	_ =	shalt  }
.Lfunc_end2:
_tile_overlayer_lowered:
.L_overlay_start_2:
0xe7: {  	(tag) =	ssettag $0x2  }
0xe8: {  	s0 =	rddreg [dreg:$0x0];
	s2 =	stileid.u32  }
0xe9: {  	s1 =	rddreg [dreg:$0x1];
	p0 =	sne.s32 s2, $0x0  }
0xea: {  	s3 =	rddreg [dreg:$0x2];
	[bflag:$0x3] =	sbarrier.arrive $0xFFFF;
	s2 =	simm.s32 @!p0 $0x1C06  }
0xeb: {  	[timem:s3], [sflag:s2] =	dma.local @!p0 [hbm:s0], s1  }
0xec: {  	s0 =	simm.s32 @!p0 $0x6  }
0xed: {  	_ =	swait.ge @!p0 [sflag:s0], s1  }
0xee: {  	s1 =	ssub.s32 @!p0 $0x0, s1;
	[sflag:s0] =	ssyncset.done @!p0 $0x0  }
0xef: {  	[sflag:s0] =	ssyncadd.s32 @!p0 s1  }
0xf0: {  	[bflag:$0x3] =	sbarrier.arrive $0xFFFF  }
0xf1: {  	_ =	shalt  }

// kernel: kernel.14.cloned.1.call-start
scs
__scs_entry_jumppad:
0x0: {  	(pc) =	sbr.rel $0x88, $3  }
0x1: {  	(tag) =	ssettag $0x0;
	lr =	simm.s32 $0x1  }
0x2: {  	[smem:$0x3F9B] =	sst lr;
	_ =	strace $0xD0000000  }
0x3: {  	_ = 	snop  }
0x4: {  	_ = 	snop  }
0x5: {  	_ = 	snop  }
0x6: {  	_ = 	snop  }
0x7: {  	_ = 	snop  }
__scs_overlays_trampoline_lowered:
0x8: {  	[smem:$0x3FAA] =	sst s0  }
0x9: {  	[smem:$0x3FAB] =	sst s1  }
0xa: {  	[smem:$0x3FAC] =	sst s2  }
0xb: {  	[smem:$0x3FAD] =	sst s3  }
0xc: {  	[smem:$0x3FAE] =	sst s4  }
0xd: {  	[smem:$0x3FAF] =	sst s5  }
0xe: {  	[smem:$0x3FB0] =	sst s6  }
0xf: {  	[smem:$0x3FB1] =	sst s7  }
0x10: {  	[smem:$0x3FB2] =	sst s8  }
0x11: {  	[smem:$0x3FB3] =	sst s9;
	s0 =	simm.s32 @!p0 $0x0  }
0x12: {  	s1 =	sld [smem:$0x3F99];
	s0 =	simm.s32 @p0 $0x1  }
0x13: {  	[smem:$0x3FB4] =	sst s0;
	s0 =	simm.s32 @!p1 $0x0  }
0x14: {  	s2 =	sld [smem:$0x3F98];
	s0 =	simm.s32 @p1 $0x1  }
0x15: {  	[smem:$0x3FB5] =	sst s0;
	s0 =	simm.s32 @!p2 $0x0  }
0x16: {  	s3 =	sld [smem:$0x3FDB];
	s0 =	simm.s32 @p2 $0x1  }
0x17: {  	s4 =	simm.s32 $0x1BF5;
	[smem:$0x3FB7] =	sst s0  }
0x18: {  	s0 =	sld [smem:$0x3F9A];
	_ =	swait.ge [sflag:s4], $0x0  }
0x19: {  	s7 =	sld [smem:$0x3F9B]  }
0x1a: {  	s8 =	sadd.s32 $0xFFFFE003, lr  }
0x1b: {  	s9 =	sadd.s32 $0xFFFFFEF7, lr;
	s5 =	simm.s32 $0xFFFFFFFF;
	p2 =	slt.u32 s8, $0xFFFFF086  }
0x1c: {  	p1 =	slt.u32 s9, $0xF7A;
	s5 =	simm.s32 @!p2 $0x0  }
0x1d: {  	s5 =	simm.s32 @p1 $0x1;
	p0 =	seq.s32 s7, s2  }
0x1e: {  	s7 =	smul.u32 @!p0 $0xF7A, s2;
	p2 =	seq.s32 @!p0 s5, $0x0  }
0x1f: {  	s9 =	smul.u32 $0xF7A, s1;
	s8 =	simm.s32 @!p0 $0x1BF5;
	p2 =	por !p2, p0  }
0x20: {  	[sflag:s8] =	ssyncset.s32 @!p0 $0xFFFFF086;
	s6 =	sadd.s32 @!p0 s3, s7;
	s7 =	simm.s32 @!p0 $0x108  }
0x21: {  	s3 =	sadd.s32 s3, s9;
	s6 =	sadd.s32 @!p0 $0x88, s6;
	s7 =	simm.s32 @p2 $0x1082  }
0x22: {  	[simem:s7], [sflag:s8] =	dma.local @!p0 [hbm:s6], $0xF7A  }
0x23: {  	s9 =	sor.u32 $0xD0000000, s2;
	s6 =	simm.s32 $0x108;
	_ =	swait.ge @!p0 [sflag:s8], $0x0  }
0x24: {  	s3 =	sadd.s32 $0x88, s3;
	s6 =	simm.s32 @!p1 $0x1082;
	[sflag:s4] =	ssyncset.s32 $0xFFFFF086  }
0x25: {  	[simem:s6], [sflag:s4] =	dma.local [hbm:s3], $0xF7A  }
0x26: {  	[smem:$0x3F9B] =	sst s1;
	(tag) =	ssettag s2;
	_ =	strace s9  }
0x27: {  	s1 =	sld [smem:$0x3FAB]  }
0x28: {  	s2 =	sld [smem:$0x3FAC]  }
0x29: {  	s4 =	sld [smem:$0x3FAE]  }
0x2a: {  	p0 =	seq.s32 s5, $0x0;
	s5 =	sld [smem:$0x3FAF]  }
0x2b: {  	s6 =	sld [smem:$0x3FB0]  }
0x2c: {  	s7 =	sld [smem:$0x3FB1]  }
0x2d: {  	s3 =	simm.s32 $0x108;
	s8 =	sld [smem:$0x3FB2]  }
0x2e: {  	s3 =	simm.s32 @!p0 $0x1082;
	s9 =	sld [smem:$0x3FB3]  }
0x2f: {  	lr =	sadd.s32 s0, s3;
	s0 =	sld [smem:$0x3FAA]  }
0x30: {  	s3 =	sld [smem:$0x3FAD]  }
0x31: {  	[smem:$0x3FB6] =	sst s10  }
0x32: {  	s10 =	sld [smem:$0x3FB4];
	_ =	sdelay $0x3  }
0x33: {  	p0 =	seq.s32 s10, $0x1;
	s10 =	sld [smem:$0x3FB6];
	_ =	sdelay $0x3  }
0x34: {  	[smem:$0x3FB6] =	sst s10  }
0x35: {  	s10 =	sld [smem:$0x3FB5];
	_ =	sdelay $0x3  }
0x36: {  	p1 =	seq.s32 s10, $0x1;
	s10 =	sld [smem:$0x3FB6];
	_ =	sdelay $0x3  }
0x37: {  	[smem:$0x3FB6] =	sst s10  }
0x38: {  	s10 =	sld [smem:$0x3FB7]  }
0x39: {  	_ = 	snop;
	(pc) =	sbr.ind lr, $3  }
0x3a: {  	_ = 	snop  }
0x3b: {  	_ = 	snop  }
0x3c: {  	p2 =	seq.s32 s10, $0x1;
	s10 =	sld [smem:$0x3FB6]  }
0x3d: {  	_ =	shalt  }
0x3e: {  	_ =	shalt  }
0x3f: {  	_ =	shalt  }
0x40: {  	_ =	shalt  }
0x41: {  	_ =	shalt  }
0x42: {  	_ =	shalt  }
0x43: {  	_ =	shalt  }
0x44: {  	_ =	shalt  }
0x45: {  	_ =	shalt  }
0x46: {  	_ =	shalt  }
0x47: {  	_ =	shalt  }
0x48: {  	_ =	shalt  }
0x49: {  	_ =	shalt  }
0x4a: {  	_ =	shalt  }
0x4b: {  	_ =	shalt  }
0x4c: {  	_ =	shalt  }
0x4d: {  	_ =	shalt  }
0x4e: {  	_ =	shalt  }
0x4f: {  	_ =	shalt  }
0x50: {  	_ =	shalt  }
0x51: {  	_ =	shalt  }
0x52: {  	_ =	shalt  }
0x53: {  	_ =	shalt  }
0x54: {  	_ =	shalt  }
0x55: {  	_ =	shalt  }
0x56: {  	_ =	shalt  }
0x57: {  	_ =	shalt  }
0x58: {  	_ =	shalt  }
0x59: {  	_ =	shalt  }
0x5a: {  	_ =	shalt  }
0x5b: {  	_ =	shalt  }
0x5c: {  	_ =	shalt  }
0x5d: {  	_ =	shalt  }
0x5e: {  	_ =	shalt  }
0x5f: {  	_ =	shalt  }
0x60: {  	_ =	shalt  }
0x61: {  	_ =	shalt  }
0x62: {  	_ =	shalt  }
0x63: {  	_ =	shalt  }
0x64: {  	_ =	shalt  }
0x65: {  	_ =	shalt  }
0x66: {  	_ =	shalt  }
0x67: {  	_ =	shalt  }
0x68: {  	_ =	shalt  }
0x69: {  	_ =	shalt  }
0x6a: {  	_ =	shalt  }
0x6b: {  	_ =	shalt  }
0x6c: {  	_ =	shalt  }
0x6d: {  	_ =	shalt  }
0x6e: {  	_ =	shalt  }
0x6f: {  	_ =	shalt  }
0x70: {  	_ =	shalt  }
0x71: {  	_ =	shalt  }
0x72: {  	_ =	shalt  }
0x73: {  	_ =	shalt  }
0x74: {  	_ =	shalt  }
0x75: {  	_ =	shalt  }
0x76: {  	_ =	shalt  }
0x77: {  	_ =	shalt  }
0x78: {  	_ =	shalt  }
0x79: {  	_ =	shalt  }
0x7a: {  	_ =	shalt  }
0x7b: {  	_ =	shalt  }
0x7c: {  	_ =	shalt  }
0x7d: {  	_ =	shalt  }
0x7e: {  	_ =	shalt  }
0x7f: {  	_ =	shalt  }
0x80: {  	_ =	shalt  }
0x81: {  	_ =	shalt  }
0x82: {  	_ =	shalt  }
0x83: {  	_ =	shalt  }
0x84: {  	_ =	shalt  }
0x85: {  	_ =	shalt  }
0x86: {  	_ =	shalt  }
0x87: {  	_ =	shalt  }
.Lfunc_end0:
.L_simem_size_0:
called_computation.2_lowered:
.L_overlay_start_0:
0x88: {  	s2 =	sld [smem:$0x3FD9]  }
0x89: {  	s3 =	sld [smem:$0x3FFE];
	_ =	sdelay $0x1  }
0x8a: {  	s1 =	srdreg.scid  }
0x8b: {  	s0 =	sand.u32 $0x1, s1  }
0x8c: {  	s17 =	sshll.u32 s0, $0xA;
	s2 =	sadd.s32 s3, s2  }
0x8d: {  	s2 =	sadd.s32 s2, s17  }
0x8e: {  	[smem:$0x3FC2] =	sst s2  }
0x8f: {  	_ = 	snop  }
0x90: {  	s2 =	sld [smem:$0x3FD0];
	(tm) =	ssettm $0x1  }
0x91: {  	s18 =	sld [smem:$0x3FFB];
	_ =	sdelay $0x3  }
0x92: {  	_ =	strace s18  }
0x93: {  	s3 =	sld [smem:$0x3FFC];
	_ =	sdelay $0x3  }
0x94: {  	_ =	strace s3  }
0x95: {  	s3 =	sld [smem:$0x3FFD];
	_ =	sdelay $0x3  }
0x96: {  	_ =	strace s3  }
0x97: {  	_ =	strace $0x8FFFFFFF  }
0x98: {  	s19 =	sld [smem:$0x3FDB];
	_ =	sdelay $0x1  }
0x99: {  	s4 =	simm.s32 $_scs_section_size  }
0x9a: {  	s5 =	simm.s32 $_size__tile_overlayer_lowered;
	s6 =	simm.s32 $_tile_overlayer_lowered  }
0x9b: {  	s22 =	simm.s32 $0x1BFF;
	s21 =	sshll.u32 s6, $0x1;
	s3 =	sadd.s32 s4, s19  }
0x9c: {  	s7 =	simm.s32 $0x0;
	s20 =	sshll.u32 s5, $0x1;
	s5 =	sadd.s32 s21, s3  }
0x9d: {  	[timem:s7], [sflag:s22] =	dma.local [hbm:s5], s20  }
0x9e: {  	_ =	swait.ge [sflag:s22], s20  }
0x9f: {  	s4 =	ssub.s32 $0x0, s20;
	[sflag:s22] =	ssyncset.done $0x0  }
0xa0: {  	[sflag:s22] =	ssyncadd.s32 s4;
	_ =	sdelay $0x1  }
0xa1: {  	s23 =	simm.s32 $0x1B8B  }
0xa2: {  	_ =	swait.ge [sflag:s23], $0x1  }
0xa3: {  	[sflag:s23] =	ssyncset.done $0x0  }
0xa4: {  	s25 =	simm.s32 $0x1B8E;
	s24 =	sld [smem:$0x3FFE];
	[sflag:s23] =	ssyncadd.s32 $0xFFFFFFFF  }
0xa5: {  	s26 =	simm.s32 $execute0_lowered;
	[smem:$0x3FD2] =	sst s25  }
0xa6: {  	s5 =	sshll.u32 s26, $0x1;
	_ =	strace $0x8000004C;
	[dreg:$0x1] =	wrdreg $0xFFFFFFFF  }
0xa7: {  	s28 =	simm.s32 $_size_execute0_lowered;
	s3 =	sadd.s32 s3, s5;
	[dreg:$0x0] =	wrdreg $0x0  }
0xa8: {  	s5 =	sshll.u32 s28, $0x1;
	[dreg:$0x2] =	wrdreg s3  }
0xa9: {  	[dreg:$0x3] =	wrdreg s5  }
0xaa: {  	[dreg:$0x4] =	wrdreg $0xC0  }
0xab: {  	_ =	task [dreg:s7], $0x5FFFF  }
0xac: {  	[dreg:$0x1] =	wrdreg $0xFFFFFFFF  }
0xad: {  	[dreg:$0x0] =	wrdreg $0x60  }
0xae: {  	[dreg:$0x2] =	wrdreg s2  }
0xaf: {  	[dreg:$0x3] =	wrdreg s24  }
0xb0: {  	[dreg:$0x4] =	wrdreg $0x35C00  }
0xb1: {  	[dreg:$0x5] =	wrdreg $0x9  }
0xb2: {  	_ =	task.clear_ibuf [dreg:s7], $0x6FFFF;
	_ =	strace $0x9000004C  }
0xb3: {  	s29 =	simm.s32 $0x9;
	_ =	strace $0x8000004E  }
0xb4: {  	_ =	swait.ge [sflag:s29], $0x1  }
0xb5: {  	[sflag:s29] =	ssyncadd.s32 $0xFFFFFFFF  }
0xb6: {  	_ =	strace $0x9000004E  }
0xb7: {  	_ =	sfence  }
0xb8: {  	s30 =	sld [smem:$0x0];
	_ =	sdelay $0x2  }
0xb9: {  	s31 =	sshll.u32 s1, $0xD;
	s1 =	sshrl.u32 s1, $0x2  }
0xba: {  	s3 =	sand.u32 $0x4000, s31;
	s1 =	sadd.s32 s1, s30  }
0xbb: {  	s0 =	sor.u32 s3, s0;
	s1 =	sshll.u32 s1, $0x11  }
0xbc: {  	s0 =	sor.u32 s1, s0  }
0xbd: {  	s0 =	sadd.s32 $0x8F2B, s0  }
0xbe: {  	[sflag:s0] =	ssyncadd.remote.s32 $0x1  }
0xbf: {  	_ =	sfence.sel $0xFFFF  }
0xc0: {  	[dreg:$0x0] =	wrdreg $0xFFFFFFFF;
	(pc) =	sbr.abs _section_cstart, $3  }
0xc1: {  	[dreg:$0x1] =	wrdreg $0xFFFFFFFF  }
0xc2: {  	_ =	task.clear_ibuf [dreg:s7], $0x2FFFF;
	_ =	strace $0x9FFFFFFF  }
0xc3: {  	(tm) =	ssettm $0x7FFFFFFF  }
tec
execute0_lowered:
.L_overlay_start_1:
0x0: {  	(tag) =	ssettag $0x1  }
0x1: {  	s1 =	rddreg [dreg:$0x0]  }
0x2: {  	s0 =	rddreg [dreg:$0x1]  }
0x3: {  	s2 =	rddreg [dreg:$0x2];
	s3 =	simm.s32 $0x0;
	s4 =	srdreg.scid  }
0x4: {  	s7 =	stileid.u32;
	s29 =	simm.s32 $0x50;
	s30 =	simm.s32 $0x3C0  }
0x5: {  	[smem:$0x7FF] =	sst s3;
	s4 =	sand.u32 $0x1, s4;
	s31 =	sadd.s32 $0x2000, s0  }
0x6: {  	s9 =	sadd.s32 $0xBE00, s0;
	s6 =	smul.u32 $0x19000, s7;
	s8 =	sadd.s32 $0x15C00, s0  }
0x7: {  	s0 =	sadd.s32 $0x16A00, s0;
	s13 =	sadd.s32 $0x5DC00, s2;
	s23 =	smul.u32 $0x2710, s7  }
0x8: {  	p0 =	seq.s32 s7, $0xF;
	_ =	strace $0x8000004D;
	s5 =	sshll.u32 s4, $0x4  }
0x9: {  	[dreg:$0x4] =	wrdreg s8;
	s12 =	ssub.s32 $0x2, s4;
	s17 =	smul.u32 $0x61A80, s4  }
0xa: {  	[dreg:$0x5] =	wrdreg s13;
	s4 =	smul.u32 $0x27100, s4;
	s5 =	sor.u32 s7, s5  }
0xb: {  	s10 =	sshrl.u32 s12, $0x1;
	s6 =	sshrl.u32 s6, $0x2;
	s5 =	smul.u32 $0x2710, s5  }
0xc: {  	s8 =	ssub.s32 s12, s10;
	s6 =	sadd.s32 s6, s2;
	s12 =	smul.u32 $0x6400, s7  }
0xd: {  	s22 =	sshrl.u32 s17, $0x3;
	s25 =	sadd.s32 s23, s4;
	s26 =	smax.u32 s8, $0x1  }
0xe: {  	s28 =	sadd.s32 $0x190, s25;
	s5 =	sshrl.u32 s5, $0x3;
	s21 =	sadd.s32 s12, s17  }
0xf: {  	[dreg:$0x12] =	wrdreg s26;
	s26 =	simm.s32 $0x6;
	s14 =	sadd.s32 s31, s5  }
0x10: {  	s15 =	sadd.s32 $0xA, s5;
	s11 =	sadd.s32 s9, s5;
	[dreg:$0x6] =	wrdreg s14  }
0x11: {  	s17 =	simm.s32 $0x4;
	[dreg:$0x7] =	wrdreg s11;
	s16 =	sadd.s32 s31, s15  }
0x12: {  	s18 =	sadd.s32 $0x14, s5;
	s10 =	sadd.s32 s9, s15;
	[dreg:$0x8] =	wrdreg s16  }
0x13: {  	s19 =	sadd.s32 $0x1E, s5;
	s13 =	sadd.s32 s31, s18;
	[dreg:$0x9] =	wrdreg s10  }
0x14: {  	s5 =	sadd.s32 $0x28, s5;
	s20 =	sadd.s32 s31, s19;
	[dreg:$0xa] =	wrdreg s13  }
0x15: {  	s24 =	sadd.s32 s31, s5;
	s5 =	sadd.s32 s9, s5;
	[dreg:$0xc] =	wrdreg s20  }
0x16: {  	s11 =	simm.s32 $0x1E0;
	s14 =	simm.s32 $0x2;
	[dreg:$0xf] =	wrdreg s24  }
0x17: {  	s15 =	simm.s32 $0x2940;
	s10 =	sadd.s32 s9, s18;
	[dreg:$0x10] =	wrdreg s5  }
0x18: {  	s5 =	sadd.s32 s12, s2;
	[dreg:$0xb] =	wrdreg s10;
	s10 =	sadd.s32 s9, s19  }
0x19: {  	s12 =	simm.s32 $0x1CC0;
	[dreg:$0xd] =	wrdreg s10;
	s10 =	sshrl.u32 s21, $0x3  }
0x1a: {  	s13 =	simm.s32 $0x230;
	s10 =	sadd.s32 s0, s10;
	s0 =	sadd.s32 s0, s22  }
0x1b: {  	s16 =	simm.s32 $0x280;
	s18 =	simm.s32 $0x5;
	s0 =	sadd.s32 $0xBB80, s0  }
0x1c: {  	s19 =	simm.s32 $0x0;
	[dreg:$0x11] =	wrdreg s0;
	s0 =	sadd.s32 $0x1E0, s25  }
0x1d: {  	[dreg:$0xe] =	wrdreg s10;
	s23 =	sshrl.u32 s0, $0x3;
	s0 =	sshrl.u32 @!p0 s6, $0x3  }
0x1e: {  	s22 =	sshrl.u32 s28, $0x3;
	[dreg:$0x13] =	wrdreg s0;
	s0 =	sshrl.u32 @!p0 s5, $0x3  }
0x1f: {  	s10 =	simm.s32 $0x1;
	[dreg:$0x14] =	wrdreg s0;
	s0 =	simm.s32 $0x3  }
.LBB2_1:
0x20: {  	s4 =	rddreg [dreg:$0x5]  }
0x21: {  	s6 =	rddreg [dreg:$0x4];
	s20 =	sshrl.u32 @p0 s4, $0x3;
	s4 =	simm.s32 @p0 $0x1FC6  }
0x22: {  	[spmem:s20], [sflag:s4] =	dma.local @p0 [hbm:s6], $0x7D0  }
0x23: {  	s4 =	simm.s32 @p0 $0x6  }
0x24: {  	s5 =	stileid.u32;
	_ =	swait.ge @p0 [sflag:s4], $0x7D0  }
0x25: {  	s5 =	sshll.u32 @!p0 s5, $0x6;
	[sflag:s4] =	ssyncset.done @p0 $0x0  }
0x26: {  	s21 =	sor.u32 @!p0 $0x1C06, s5;
	[sflag:s4] =	ssyncadd.s32 @p0 $0xFFFFF830;
	s4 =	rddreg [dreg:$0x13]  }
0x27: {  	[spmem:s4], [sflag:s21] =	dma.local @!p0 [hbm:s6], $0xC80  }
0x28: {  	s4 =	simm.s32 @!p0 $0x6  }
0x29: {  	_ =	swait.ge @!p0 [sflag:s4], $0xC80  }
0x2a: {  	[sflag:s4] =	ssyncset.done @!p0 $0x0  }
0x2b: {  	s5 =	rddreg [dreg:$0x6];
	[sflag:s4] =	ssyncadd.s32 @!p0 $0xFFFFF380  }
0x2c: {  	[tilespmem:s3], [sflag:$0x6] =	stream.linear.gather [hbm4b:s5+s3], $0x50, $0x38;
	[tilespmem:$0x9768] =	vst v63  }
0x2d: {  	_ =	swait.ge [sflag:s26], $0x50  }
0x2e: {  	[sflag:s26] =	ssyncset.done $0x0  }
0x2f: {  	s5 =	simm.s32 $0x140;
	s6 =	rddreg [dreg:$0x7];
	[sflag:s26] =	ssyncadd.s32 $0xFFFFFFB0  }
0x30: {  	[tilespmem:s5], [sflag:$0x6] =	stream.linear.gather [hbm4b:s6+s3], $0x50, $0x38;
	[tilespmem:$0x9768] =	vst v63  }
0x31: {  	_ =	swait.ge [sflag:s26], $0x50  }
0x32: {  	[sflag:s26] =	ssyncset.done $0x0  }
0x33: {  	[sflag:s26] =	ssyncadd.s32 $0xFFFFFFB0  }
0x34: {  	[bflag:$0x0] =	sbarrier.arrive $0xFFFF  }
0x35: {  	[tilespmem:s30], [sflag:$0x1] =	stream.indirect.gather [hbm4b:s1+s29], $0x28, s3, s29, $0xb8;
	[tilespmem:$0x9768] =	vst v63  }
0x36: {  	s7 =	rddreg [dreg:$0x8]  }
0x37: {  	[tilespmem:s29], [sflag:$0x3] =	stream.linear.gather [hbm4b:s7+s3], $0x50, $0x38;
	[tilespmem:$0x9768] =	vst v63  }
0x38: {  	s6 =	simm.s32 $0x190;
	s8 =	rddreg [dreg:$0x9]  }
0x39: {  	[tilespmem:s6], [sflag:$0x3] =	stream.linear.gather [hbm4b:s8+s3], $0x50, $0x38;
	[tilespmem:$0x9768] =	vst v63  }
0x3a: {  	_ =	swait.ge [sflag:s0], $0x50  }
0x3b: {  	[sflag:s0] =	ssyncset.done $0x0  }
0x3c: {  	[sflag:s0] =	ssyncadd.s32 $0xFFFFFFB0  }
0x3d: {  	_ =	swait.ge [sflag:s0], $0x50  }
0x3e: {  	[sflag:s0] =	ssyncset.done $0x0  }
0x3f: {  	s7 =	simm.s32 $0x1040;
	[sflag:s0] =	ssyncadd.s32 $0xFFFFFFB0  }
0x40: {  	[tilespmem:s7], [sflag:$0x2] =	stream.indirect.gather [hbm4b:s1+s29], $0x28, s29, s29, $0xb8;
	[tilespmem:$0x9768] =	vst v63  }
0x41: {  	s8 =	simm.s32 $0xA0;
	s24 =	rddreg [dreg:$0xa]  }
0x42: {  	[tilespmem:s8], [sflag:$0x3] =	stream.linear.gather [hbm4b:s24+s3], $0x50, $0x38;
	[tilespmem:$0x9768] =	vst v63  }
0x43: {  	s25 =	rddreg [dreg:$0xb]  }
0x44: {  	[tilespmem:s11], [sflag:$0x3] =	stream.linear.gather [hbm4b:s25+s3], $0x50, $0x38;
	[tilespmem:$0x9768] =	vst v63  }
0x45: {  	_ =	swait.ge [sflag:s10], $0xC80  }
0x46: {  	[sflag:s10] =	ssyncset.done $0x0  }
0x47: {  	[sflag:s10] =	ssyncadd.s32 $0xFFFFF380  }
0x48: {  	[spmem:s2] =	stream.indirect.scatter.add.f32 [tilespmem:s30], [sflag:$0x4], $0x28, s5, s29, $0xb8;
	[tilespmem:$0x9768] =	vst v63  }
0x49: {  	_ =	swait.ge [sflag:s0], $0x50  }
0x4a: {  	[sflag:s0] =	ssyncset.done $0x0  }
0x4b: {  	[sflag:s0] =	ssyncadd.s32 $0xFFFFFFB0  }
0x4c: {  	_ =	swait.ge [sflag:s0], $0x50  }
0x4d: {  	[sflag:s0] =	ssyncset.done $0x0  }
0x4e: {  	[sflag:s0] =	ssyncadd.s32 $0xFFFFFFB0  }
0x4f: {  	[tilespmem:s12], [sflag:$0x1] =	stream.indirect.gather [hbm4b:s1+s29], $0x28, s8, s29, $0xb8;
	[tilespmem:$0x9768] =	vst v63  }
0x50: {  	s24 =	simm.s32 $0xF0;
	s12 =	rddreg [dreg:$0xc]  }
0x51: {  	[tilespmem:s24], [sflag:$0x3] =	stream.linear.gather [hbm4b:s12+s3], $0x50, $0x38;
	[tilespmem:$0x9768] =	vst v63  }
0x52: {  	s25 =	rddreg [dreg:$0xd]  }
0x53: {  	[tilespmem:s13], [sflag:$0x3] =	stream.linear.gather [hbm4b:s25+s3], $0x50, $0x38;
	[tilespmem:$0x9768] =	vst v63  }
0x54: {  	_ =	swait.ge [sflag:s14], $0xC80  }
0x55: {  	[sflag:s14] =	ssyncset.done $0x0  }
0x56: {  	[sflag:s14] =	ssyncadd.s32 $0xFFFFF380  }
0x57: {  	[spmem:s2] =	stream.indirect.scatter.add.f32 [tilespmem:s7], [sflag:$0x5], $0x28, s6, s29, $0xb8;
	[tilespmem:$0x9768] =	vst v63  }
0x58: {  	_ =	swait.ge [sflag:s0], $0x50  }
0x59: {  	[sflag:s0] =	ssyncset.done $0x0  }
0x5a: {  	[sflag:s0] =	ssyncadd.s32 $0xFFFFFFB0  }
0x5b: {  	_ =	swait.ge [sflag:s0], $0x50  }
0x5c: {  	[sflag:s0] =	ssyncset.done $0x0  }
0x5d: {  	[sflag:s0] =	ssyncadd.s32 $0xFFFFFFB0  }
0x5e: {  	[tilespmem:s15], [sflag:$0x2] =	stream.indirect.gather [hbm4b:s1+s29], $0x28, s24, s29, $0xb8;
	[tilespmem:$0x9768] =	vst v63  }
0x5f: {  	s6 =	rddreg [dreg:$0xf]  }
0x60: {  	[tilespmem:s3], [sflag:$0x3] =	stream.linear.gather [hbm4b:s6+s3], $0x50, $0x38;
	[tilespmem:$0x9768] =	vst v63  }
0x61: {  	s25 =	simm.s32 $0x2;
	s7 =	rddreg [dreg:$0x10]  }
0x62: {  	[tilespmem:s16], [sflag:$0x3] =	stream.linear.gather [hbm4b:s7+s3], $0x50, $0x38;
	[tilespmem:$0x9768] =	vst v63  }
0x63: {  	s8 =	sand.u32 $0x6, s25;
	_ =	swait.ge [sflag:s10], $0xC80  }
0x64: {  	s11 =	sand.u32 $0x2, s25;
	s4 =	smul.u32 $0x140, s8;
	[sflag:s10] =	ssyncset.done $0x0  }
0x65: {  	s5 =	smul.u32 $0x3200, s11;
	[sflag:s10] =	ssyncadd.s32 $0xFFFFF380  }
0x66: {  	_ =	swait.ge [sflag:s17], $0xC80  }
0x67: {  	s4 =	sshrl.u32 s4, $0x2;
	s5 =	sshrl.u32 s5, $0x2;
	[sflag:s17] =	ssyncset.done $0x0  }
0x68: {  	s5 =	sadd.s32 $0x3C0, s5;
	s4 =	sadd.s32 $0x140, s4;
	[sflag:s17] =	ssyncadd.s32 $0xFFFFF380  }
0x69: {  	[spmem:s2] =	stream.indirect.scatter.add.f32 [tilespmem:s5], [sflag:$0x4], $0x28, s4, s29, $0xb8;
	[tilespmem:$0x9768] =	vst v63  }
0x6a: {  	s12 =	sand.u32 $0x2, s3;
	s15 =	simm.s32 $0x5;
	_ =	swait.ge [sflag:s0], $0x50  }
0x6b: {  	s13 =	smul.u32 $0x3200, s12;
	s6 =	sand.u32 $0x3, s15;
	[sflag:s0] =	ssyncset.done $0x0  }
0x6c: {  	s28 =	sadd.s32 $0x14, s31;
	s24 =	smul.u32 $0x140, s6;
	[sflag:s0] =	ssyncadd.s32 $0xFFFFFFB0  }
0x6d: {  	s16 =	sand.u32 $0x7, s15;
	s4 =	smul.u32 $0x140, s12;
	_ =	swait.ge [sflag:s0], $0x50  }
0x6e: {  	s8 =	smul.u32 $0x140, s16;
	s5 =	sshrl.u32 s13, $0x2;
	[sflag:s0] =	ssyncset.done $0x0  }
0x6f: {  	s5 =	sadd.s32 $0x3C0, s5;
	s4 =	sshrl.u32 s4, $0x2;
	[sflag:s0] =	ssyncadd.s32 $0xFFFFFFB0  }
0x70: {  	[tilespmem:s5], [sflag:$0x1] =	stream.indirect.gather [hbm4b:s1+s29], $0x28, s4, s29, $0xb8;
	[tilespmem:$0x9768] =	vst v63  }
0x71: {  	s7 =	sshrl.u32 s8, $0x2;
	s8 =	sshrl.u32 s24, $0x2;
	s12 =	sadd.s32 s31, s22  }
0x72: {  	[tilespmem:s8], [sflag:$0x3] =	stream.linear.gather [hbm4b:s12+s3], $0x50, $0x38;
	[tilespmem:$0x9768] =	vst v63  }
0x73: {  	s15 =	simm.s32 $0x3;
	s13 =	sadd.s32 s9, s22;
	s4 =	sadd.s32 $0x140, s7  }
0x74: {  	[tilespmem:s4], [sflag:$0x3] =	stream.linear.gather [hbm4b:s13+s3], $0x50, $0x38;
	[tilespmem:$0x9768] =	vst v63  }
0x75: {  	s6 =	smul.u32 $0x3200, s6;
	s24 =	sand.u32 $0x7, s15;
	_ =	swait.ge [sflag:s14], $0xC80  }
0x76: {  	s16 =	sand.u32 $0x3, s15;
	s5 =	smul.u32 $0x140, s24;
	[sflag:s14] =	ssyncset.done $0x0  }
0x77: {  	s24 =	sadd.s32 $0x14, s9;
	s4 =	smul.u32 $0x3200, s16;
	[sflag:s14] =	ssyncadd.s32 $0xFFFFF380  }
0x78: {  	s5 =	sshrl.u32 s5, $0x2;
	s12 =	sshrl.u32 s6, $0x2;
	_ =	swait.ge [sflag:s18], $0xC80  }
0x79: {  	s6 =	smov.u32 s9;
	s4 =	sshrl.u32 s4, $0x2;
	[sflag:s18] =	ssyncset.done $0x0  }
0x7a: {  	s5 =	sadd.s32 $0x140, s5;
	s4 =	sadd.s32 $0x3C0, s4;
	[sflag:s18] =	ssyncadd.s32 $0xFFFFF380  }
0x7b: {  	[spmem:s2] =	stream.indirect.scatter.add.f32 [tilespmem:s4], [sflag:$0x5], $0x28, s5, s29, $0xb8;
	[tilespmem:$0x9768] =	vst v63  }
0x7c: {  	s13 =	simm.s32 $0x6;
	s5 =	smov.u32 s31;
	_ =	swait.ge [sflag:s0], $0x50  }
.LBB2_2:
0x7d: {  	s12 =	sadd.s32 $0x3C0, s12  }
0x7e: {  	[sflag:s0] =	ssyncset.done $0x0;
	s4 =	smov.u32 s25;
	s11 =	sadd.s32 $0x2, s25  }
0x7f: {  	s15 =	sand.u32 $0x2, s11;
	s16 =	sand.u32 $0x6, s11;
	[sflag:s0] =	ssyncadd.s32 $0xFFFFFFB0  }
0x80: {  	s7 =	sand.u32 $0x2, s13;
	s16 =	smul.u32 $0x140, s16;
	_ =	swait.ge [sflag:s0], $0x50  }
0x81: {  	p1 =	sne.s32 s25, $0x76;
	s7 =	smul.u32 $0x140, s7;
	[sflag:s0] =	ssyncset.done $0x0  }
0x82: {  	s13 =	sand.u32 $0x6, s13;
	s15 =	smul.u32 $0x3200, s15;
	[sflag:s0] =	ssyncadd.s32 $0xFFFFFFB0  }
0x83: {  	s6 =	sadd.s32 s6, s23;
	s13 =	smul.u32 $0x140, s13;
	s16 =	sshrl.u32 s16, $0x2  }
0x84: {  	[tilespmem:s12], [sflag:$0x2] =	stream.indirect.gather [hbm4b:s1+s29], $0x28, s8, s29, $0xb8;
	[tilespmem:$0x9768] =	vst v63  }
0x85: {  	s5 =	sadd.s32 s5, s23;
	s7 =	sshrl.u32 s7, $0x2;
	s8 =	sshrl.u32 s13, $0x2  }
0x86: {  	[tilespmem:s7], [sflag:$0x3] =	stream.linear.gather [hbm4b:s5+s3], $0x50, $0x38;
	[tilespmem:$0x9768] =	vst v63  }
0x87: {  	s8 =	sadd.s32 $0x140, s8;
	s5 =	sand.u32 $0x2, s4;
	s7 =	sshrl.u32 s15, $0x2  }
0x88: {  	[tilespmem:s8], [sflag:$0x3] =	stream.linear.gather [hbm4b:s6+s3], $0x50, $0x38;
	[tilespmem:$0x9768] =	vst v63  }
0x89: {  	s7 =	sadd.s32 $0x3C0, s7;
	s6 =	smul.u32 $0x3200, s5;
	_ =	swait.ge [sflag:s10], $0xC80  }
0x8a: {  	s8 =	smul.u32 $0x140, s5;
	s5 =	smov.u32 s28;
	[sflag:s10] =	ssyncset.done $0x0  }
0x8b: {  	s12 =	sadd.s32 $0x5, s4;
	s13 =	sshrl.u32 s6, $0x2;
	[sflag:s10] =	ssyncadd.s32 $0xFFFFF380  }
0x8c: {  	s15 =	sand.u32 $0x3, s12;
	s6 =	sand.u32 $0x7, s12;
	_ =	swait.ge [sflag:s17], $0xC80  }
0x8d: {  	s12 =	smul.u32 $0x140, s6;
	s6 =	smov.u32 s24;
	[sflag:s17] =	ssyncset.done $0x0  }
0x8e: {  	s16 =	sadd.s32 $0x140, s16;
	s25 =	smul.u32 $0x3200, s15;
	[sflag:s17] =	ssyncadd.s32 $0xFFFFF380  }
0x8f: {  	[spmem:s2] =	stream.indirect.scatter.add.f32 [tilespmem:s7], [sflag:$0x4], $0x28, s16, s29, $0xb8;
	[tilespmem:$0x9768] =	vst v63  }
0x90: {  	s7 =	smul.u32 $0x140, s15;
	s15 =	sshrl.u32 s12, $0x2;
	_ =	swait.ge [sflag:s0], $0x50  }
0x91: {  	s13 =	sadd.s32 $0x3C0, s13;
	s16 =	sshrl.u32 s8, $0x2;
	[sflag:s0] =	ssyncset.done $0x0  }
0x92: {  	s12 =	sshrl.u32 s25, $0x2;
	s8 =	sshrl.u32 s7, $0x2;
	[sflag:s0] =	ssyncadd.s32 $0xFFFFFFB0  }
0x93: {  	s7 =	sadd.s32 s28, s22;
	_ =	swait.ge [sflag:s0], $0x50  }
0x94: {  	[sflag:s0] =	ssyncset.done $0x0  }
0x95: {  	s25 =	sadd.s32 s24, s22;
	[sflag:s0] =	ssyncadd.s32 $0xFFFFFFB0  }
0x96: {  	[tilespmem:s13], [sflag:$0x1] =	stream.indirect.gather [hbm4b:s1+s29], $0x28, s16, s29, $0xb8;
	[tilespmem:$0x9768] =	vst v63  }
0x97: {  	s13 =	sadd.s32 $0x140, s15;
	s15 =	sadd.s32 $0x3, s4  }
0x98: {  	[tilespmem:s8], [sflag:$0x3] =	stream.linear.gather [hbm4b:s7+s3], $0x50, $0x38;
	[tilespmem:$0x9768] =	vst v63  }
0x99: {  	s7 =	sand.u32 $0x3, s15;
	s15 =	sand.u32 $0x7, s15  }
0x9a: {  	[tilespmem:s13], [sflag:$0x3] =	stream.linear.gather [hbm4b:s25+s3], $0x50, $0x38;
	[tilespmem:$0x9768] =	vst v63  }
0x9b: {  	s7 =	smul.u32 $0x3200, s7;
	_ =	swait.ge [sflag:s14], $0xC80  }
0x9c: {  	s13 =	smul.u32 $0x140, s15;
	[sflag:s14] =	ssyncset.done $0x0  }
0x9d: {  	s7 =	sshrl.u32 s7, $0x2;
	[sflag:s14] =	ssyncadd.s32 $0xFFFFF380  }
.Ltmp0:
0x9e: {  	s13 =	sshrl.u32 s13, $0x2;
	_ =	swait.ge [sflag:s18], $0xC80;
	(pc) =	sbr.rel @p1 .LBB2_2-.Ltmp0, $4  }
0x9f: {  	s24 =	sadd.s32 $0x14, s24;
	s28 =	sadd.s32 $0x14, s28;
	[sflag:s18] =	ssyncset.done $0x0  }
0xa0: {  	s7 =	sadd.s32 $0x3C0, s7;
	s13 =	sadd.s32 $0x140, s13;
	[sflag:s18] =	ssyncadd.s32 $0xFFFFF380  }
0xa1: {  	[spmem:s2] =	stream.indirect.scatter.add.f32 [tilespmem:s7], [sflag:$0x5], $0x28, s13, s29, $0xb8;
	[tilespmem:$0x9768] =	vst v63  }
0xa2: {  	s25 =	smov.u32 s11;
	s13 =	sadd.s32 $0x6, s4;
	_ =	swait.ge [sflag:s0], $0x50  }
0xa3: {  	[sflag:s0] =	ssyncset.done $0x0  }
0xa4: {  	[sflag:s0] =	ssyncadd.s32 $0xFFFFFFB0  }
0xa5: {  	_ =	swait.ge [sflag:s0], $0x50  }
0xa6: {  	s4 =	sadd.s32 $0x3C0, s12;
	s7 =	sand.u32 $0x6, s13;
	[sflag:s0] =	ssyncset.done $0x0  }
0xa7: {  	s16 =	sand.u32 $0x2, s13;
	s7 =	smul.u32 $0x140, s7;
	[sflag:s0] =	ssyncadd.s32 $0xFFFFFFB0  }
0xa8: {  	[tilespmem:s4], [sflag:$0x2] =	stream.indirect.gather [hbm4b:s1+s29], $0x28, s8, s29, $0xb8;
	[tilespmem:$0x9768] =	vst v63  }
0xa9: {  	s4 =	smul.u32 $0x140, s16;
	_ =	sdelay $0x1  }
0xaa: {  	s5 =	sadd.s32 s5, s23;
	s24 =	sshrl.u32 s7, $0x2;
	s4 =	sshrl.u32 s4, $0x2  }
0xab: {  	[tilespmem:s4], [sflag:$0x3] =	stream.linear.gather [hbm4b:s5+s3], $0x50, $0x38;
	[tilespmem:$0x9768] =	vst v63  }
0xac: {  	s25 =	sadd.s32 s6, s23;
	s4 =	sadd.s32 $0x140, s24  }
0xad: {  	[tilespmem:s4], [sflag:$0x3] =	stream.linear.gather [hbm4b:s25+s3], $0x50, $0x38;
	[tilespmem:$0x9768] =	vst v63  }
0xae: {  	_ =	swait.ge [sflag:s10], $0xC80  }
0xaf: {  	[sflag:s10] =	ssyncset.done $0x0  }
0xb0: {  	[sflag:s10] =	ssyncadd.s32 $0xFFFFF380  }
0xb1: {  	_ =	swait.ge [sflag:s17], $0xC80  }
0xb2: {  	[sflag:s17] =	ssyncset.done $0x0  }
0xb3: {  	s11 =	simm.s32 $0x1E0;
	s12 =	simm.s32 $0x1CC0;
	[sflag:s17] =	ssyncadd.s32 $0xFFFFF380  }
0xb4: {  	[spmem:s2] =	stream.indirect.scatter.add.f32 [tilespmem:s12], [sflag:$0x4], $0x28, s11, s29, $0xb8;
	[tilespmem:$0x9768] =	vst v63  }
0xb5: {  	_ =	swait.ge [sflag:s0], $0x50  }
0xb6: {  	[sflag:s0] =	ssyncset.done $0x0  }
0xb7: {  	[sflag:s0] =	ssyncadd.s32 $0xFFFFFFB0  }
0xb8: {  	_ =	swait.ge [sflag:s0], $0x50  }
0xb9: {  	[sflag:s0] =	ssyncset.done $0x0  }
0xba: {  	[sflag:s0] =	ssyncadd.s32 $0xFFFFFFB0  }
0xbb: {  	[tilespmem:s30], [sflag:$0x1] =	stream.indirect.gather [hbm4b:s1+s29], $0x28, s3, s29, $0xb8;
	[tilespmem:$0x9768] =	vst v63  }
0xbc: {  	_ =	swait.ge [sflag:s14], $0xC80  }
0xbd: {  	[sflag:s14] =	ssyncset.done $0x0  }
0xbe: {  	[sflag:s14] =	ssyncadd.s32 $0xFFFFF380  }
0xbf: {  	_ =	swait.ge [sflag:s18], $0xC80  }
0xc0: {  	[sflag:s18] =	ssyncset.done $0x0  }
0xc1: {  	s13 =	simm.s32 $0x230;
	s15 =	simm.s32 $0x2940;
	[sflag:s18] =	ssyncadd.s32 $0xFFFFF380  }
0xc2: {  	[spmem:s2] =	stream.indirect.scatter.add.f32 [tilespmem:s15], [sflag:$0x5], $0x28, s13, s29, $0xb8;
	[tilespmem:$0x9768] =	vst v63  }
0xc3: {  	_ =	swait.ge [sflag:s10], $0xC80  }
0xc4: {  	[sflag:s10] =	ssyncset.done $0x0  }
0xc5: {  	[sflag:s10] =	ssyncadd.s32 $0xFFFFF380  }
0xc6: {  	_ =	swait.ge [sflag:s17], $0xC80  }
0xc7: {  	[sflag:s17] =	ssyncset.done $0x0  }
0xc8: {  	s16 =	simm.s32 $0x280;
	[sflag:s17] =	ssyncadd.s32 $0xFFFFF380  }
0xc9: {  	[spmem:s2] =	stream.indirect.scatter.add.f32 [tilespmem:s30], [sflag:$0x4], $0x28, s16, s29, $0xb8;
	[tilespmem:$0x9768] =	vst v63  }
0xca: {  	_ =	swait.ge [sflag:s18], $0xC80  }
0xcb: {  	[sflag:s18] =	ssyncset.done $0x0  }
0xcc: {  	[sflag:s18] =	ssyncadd.s32 $0xFFFFF380  }
0xcd: {  	_ =	swait.ge [sflag:s17], $0xC80  }
0xce: {  	[sflag:s17] =	ssyncset.done $0x0  }
0xcf: {  	[sflag:s17] =	ssyncadd.s32 $0xFFFFF380  }
0xd0: {  	[bflag:$0x0] =	sbarrier.arrive $0xFFFF  }
0xd1: {  	s4 =	simm.s32 @p0 $0x1FC6;
	s5 =	rddreg [dreg:$0x11]  }
0xd2: {  	[hbm:s5], [sflag:s4] =	dma.local @p0 [spmem:s20], $0x7D0  }
0xd3: {  	s4 =	simm.s32 @p0 $0x6  }
0xd4: {  	_ =	swait.ge @p0 [sflag:s4], $0x7D0  }
0xd5: {  	[sflag:s4] =	ssyncset.done @p0 $0x0;
	s5 =	rddreg [dreg:$0x14]  }
0xd6: {  	[sflag:s4] =	ssyncadd.s32 @p0 $0xFFFFF830;
	s4 =	rddreg [dreg:$0xe]  }
0xd7: {  	[hbm:s4], [sflag:s21] =	dma.local @!p0 [spmem:s5], $0xC80  }
0xd8: {  	s4 =	simm.s32 @!p0 $0x6  }
0xd9: {  	_ =	swait.ge @!p0 [sflag:s4], $0xC80  }
0xda: {  	s19 =	sadd.s32 $0x1, s19;
	s28 =	rddreg [dreg:$0x12]  }
0xdb: {  	p1 =	sne.s32 s19, s28  }
.Ltmp1:
0xdc: {  	_ = 	snop;
	(pc) =	sbr.rel @p1 .LBB2_1-.Ltmp1, $3  }
0xdd: {  	_ =	sdelay $0x1  }
0xde: {  	[sflag:s4] =	ssyncset.done @!p0 $0x0  }
0xdf: {  	[sflag:s4] =	ssyncadd.s32 @!p0 $0xFFFFF380  }
0xe0: {  	_ =	sfence.sel $0x180000  }
0xe1: {  	[bflag:$0x0] =	sbarrier.arrive $0xFFFF  }
0xe2: {  	_ =	strace $0x9000004D  }
0xe3: {  	s0 =	stileid.u32;
	[bflag:$0x2] =	sbarrier.arrive $0xFFFF  }
0xe4: {  	p0 =	sne.s32 s0, $0x0;
	s0 =	rddreg [dreg:$0x3]  }
0xe5: {  	s0 =	sadd.s32 @!p0 $0x100000, s0  }
0xe6: {  	[sflag:s0] =	ssyncadd.tile.s32 @!p0 $0x1;
	_ =	shalt  }
.Lfunc_end2:
_tile_overlayer_lowered:
.L_overlay_start_2:
0xe7: {  	(tag) =	ssettag $0x2  }
0xe8: {  	s0 =	rddreg [dreg:$0x0];
	s2 =	stileid.u32  }
0xe9: {  	s1 =	rddreg [dreg:$0x1];
	p0 =	sne.s32 s2, $0x0  }
0xea: {  	s3 =	rddreg [dreg:$0x2];
	[bflag:$0x3] =	sbarrier.arrive $0xFFFF;
	s2 =	simm.s32 @!p0 $0x1C06  }
0xeb: {  	[timem:s3], [sflag:s2] =	dma.local @!p0 [hbm:s0], s1  }
0xec: {  	s0 =	simm.s32 @!p0 $0x6  }
0xed: {  	_ =	swait.ge @!p0 [sflag:s0], s1  }
0xee: {  	s1 =	ssub.s32 @!p0 $0x0, s1;
	[sflag:s0] =	ssyncset.done @!p0 $0x0  }
0xef: {  	[sflag:s0] =	ssyncadd.s32 @!p0 s1  }
0xf0: {  	[bflag:$0x3] =	sbarrier.arrive $0xFFFF  }
0xf1: {  	_ =	shalt  }

// kernel: kernel.8.cloned.1.call-start
scs
__scs_entry_jumppad:
0x0: {  	(pc) =	sbr.rel $0x88, $3  }
0x1: {  	(tag) =	ssettag $0x0;
	lr =	simm.s32 $0x1  }
0x2: {  	[smem:$0x3F9B] =	sst lr;
	_ =	strace $0xD0000000  }
0x3: {  	_ = 	snop  }
0x4: {  	_ = 	snop  }
0x5: {  	_ = 	snop  }
0x6: {  	_ = 	snop  }
0x7: {  	_ = 	snop  }
__scs_overlays_trampoline_lowered:
0x8: {  	[smem:$0x3FAA] =	sst s0  }
0x9: {  	[smem:$0x3FAB] =	sst s1  }
0xa: {  	[smem:$0x3FAC] =	sst s2  }
0xb: {  	[smem:$0x3FAD] =	sst s3  }
0xc: {  	[smem:$0x3FAE] =	sst s4  }
0xd: {  	[smem:$0x3FAF] =	sst s5  }
0xe: {  	[smem:$0x3FB0] =	sst s6  }
0xf: {  	[smem:$0x3FB1] =	sst s7  }
0x10: {  	[smem:$0x3FB2] =	sst s8  }
0x11: {  	[smem:$0x3FB3] =	sst s9;
	s0 =	simm.s32 @!p0 $0x0  }
0x12: {  	s1 =	sld [smem:$0x3F99];
	s0 =	simm.s32 @p0 $0x1  }
0x13: {  	[smem:$0x3FB4] =	sst s0;
	s0 =	simm.s32 @!p1 $0x0  }
0x14: {  	s2 =	sld [smem:$0x3F98];
	s0 =	simm.s32 @p1 $0x1  }
0x15: {  	[smem:$0x3FB5] =	sst s0;
	s0 =	simm.s32 @!p2 $0x0  }
0x16: {  	s3 =	sld [smem:$0x3FDB];
	s0 =	simm.s32 @p2 $0x1  }
0x17: {  	s4 =	simm.s32 $0x1BF5;
	[smem:$0x3FB7] =	sst s0  }
0x18: {  	s0 =	sld [smem:$0x3F9A];
	_ =	swait.ge [sflag:s4], $0x0  }
0x19: {  	s7 =	sld [smem:$0x3F9B]  }
0x1a: {  	s8 =	sadd.s32 $0xFFFFE003, lr  }
0x1b: {  	s9 =	sadd.s32 $0xFFFFFEF7, lr;
	s5 =	simm.s32 $0xFFFFFFFF;
	p2 =	slt.u32 s8, $0xFFFFF086  }
0x1c: {  	p1 =	slt.u32 s9, $0xF7A;
	s5 =	simm.s32 @!p2 $0x0  }
0x1d: {  	s5 =	simm.s32 @p1 $0x1;
	p0 =	seq.s32 s7, s2  }
0x1e: {  	s7 =	smul.u32 @!p0 $0xF7A, s2;
	p2 =	seq.s32 @!p0 s5, $0x0  }
0x1f: {  	s9 =	smul.u32 $0xF7A, s1;
	s8 =	simm.s32 @!p0 $0x1BF5;
	p2 =	por !p2, p0  }
0x20: {  	[sflag:s8] =	ssyncset.s32 @!p0 $0xFFFFF086;
	s6 =	sadd.s32 @!p0 s3, s7;
	s7 =	simm.s32 @!p0 $0x108  }
0x21: {  	s3 =	sadd.s32 s3, s9;
	s6 =	sadd.s32 @!p0 $0x88, s6;
	s7 =	simm.s32 @p2 $0x1082  }
0x22: {  	[simem:s7], [sflag:s8] =	dma.local @!p0 [hbm:s6], $0xF7A  }
0x23: {  	s9 =	sor.u32 $0xD0000000, s2;
	s6 =	simm.s32 $0x108;
	_ =	swait.ge @!p0 [sflag:s8], $0x0  }
0x24: {  	s3 =	sadd.s32 $0x88, s3;
	s6 =	simm.s32 @!p1 $0x1082;
	[sflag:s4] =	ssyncset.s32 $0xFFFFF086  }
0x25: {  	[simem:s6], [sflag:s4] =	dma.local [hbm:s3], $0xF7A  }
0x26: {  	[smem:$0x3F9B] =	sst s1;
	(tag) =	ssettag s2;
	_ =	strace s9  }
0x27: {  	s1 =	sld [smem:$0x3FAB]  }
0x28: {  	s2 =	sld [smem:$0x3FAC]  }
0x29: {  	s4 =	sld [smem:$0x3FAE]  }
0x2a: {  	p0 =	seq.s32 s5, $0x0;
	s5 =	sld [smem:$0x3FAF]  }
0x2b: {  	s6 =	sld [smem:$0x3FB0]  }
0x2c: {  	s7 =	sld [smem:$0x3FB1]  }
0x2d: {  	s3 =	simm.s32 $0x108;
	s8 =	sld [smem:$0x3FB2]  }
0x2e: {  	s3 =	simm.s32 @!p0 $0x1082;
	s9 =	sld [smem:$0x3FB3]  }
0x2f: {  	lr =	sadd.s32 s0, s3;
	s0 =	sld [smem:$0x3FAA]  }
0x30: {  	s3 =	sld [smem:$0x3FAD]  }
0x31: {  	[smem:$0x3FB6] =	sst s10  }
0x32: {  	s10 =	sld [smem:$0x3FB4];
	_ =	sdelay $0x3  }
0x33: {  	p0 =	seq.s32 s10, $0x1;
	s10 =	sld [smem:$0x3FB6];
	_ =	sdelay $0x3  }
0x34: {  	[smem:$0x3FB6] =	sst s10  }
0x35: {  	s10 =	sld [smem:$0x3FB5];
	_ =	sdelay $0x3  }
0x36: {  	p1 =	seq.s32 s10, $0x1;
	s10 =	sld [smem:$0x3FB6];
	_ =	sdelay $0x3  }
0x37: {  	[smem:$0x3FB6] =	sst s10  }
0x38: {  	s10 =	sld [smem:$0x3FB7]  }
0x39: {  	_ = 	snop;
	(pc) =	sbr.ind lr, $3  }
0x3a: {  	_ = 	snop  }
0x3b: {  	_ = 	snop  }
0x3c: {  	p2 =	seq.s32 s10, $0x1;
	s10 =	sld [smem:$0x3FB6]  }
0x3d: {  	_ =	shalt  }
0x3e: {  	_ =	shalt  }
0x3f: {  	_ =	shalt  }
0x40: {  	_ =	shalt  }
0x41: {  	_ =	shalt  }
0x42: {  	_ =	shalt  }
0x43: {  	_ =	shalt  }
0x44: {  	_ =	shalt  }
0x45: {  	_ =	shalt  }
0x46: {  	_ =	shalt  }
0x47: {  	_ =	shalt  }
0x48: {  	_ =	shalt  }
0x49: {  	_ =	shalt  }
0x4a: {  	_ =	shalt  }
0x4b: {  	_ =	shalt  }
0x4c: {  	_ =	shalt  }
0x4d: {  	_ =	shalt  }
0x4e: {  	_ =	shalt  }
0x4f: {  	_ =	shalt  }
0x50: {  	_ =	shalt  }
0x51: {  	_ =	shalt  }
0x52: {  	_ =	shalt  }
0x53: {  	_ =	shalt  }
0x54: {  	_ =	shalt  }
0x55: {  	_ =	shalt  }
0x56: {  	_ =	shalt  }
0x57: {  	_ =	shalt  }
0x58: {  	_ =	shalt  }
0x59: {  	_ =	shalt  }
0x5a: {  	_ =	shalt  }
0x5b: {  	_ =	shalt  }
0x5c: {  	_ =	shalt  }
0x5d: {  	_ =	shalt  }
0x5e: {  	_ =	shalt  }
0x5f: {  	_ =	shalt  }
0x60: {  	_ =	shalt  }
0x61: {  	_ =	shalt  }
0x62: {  	_ =	shalt  }
0x63: {  	_ =	shalt  }
0x64: {  	_ =	shalt  }
0x65: {  	_ =	shalt  }
0x66: {  	_ =	shalt  }
0x67: {  	_ =	shalt  }
0x68: {  	_ =	shalt  }
0x69: {  	_ =	shalt  }
0x6a: {  	_ =	shalt  }
0x6b: {  	_ =	shalt  }
0x6c: {  	_ =	shalt  }
0x6d: {  	_ =	shalt  }
0x6e: {  	_ =	shalt  }
0x6f: {  	_ =	shalt  }
0x70: {  	_ =	shalt  }
0x71: {  	_ =	shalt  }
0x72: {  	_ =	shalt  }
0x73: {  	_ =	shalt  }
0x74: {  	_ =	shalt  }
0x75: {  	_ =	shalt  }
0x76: {  	_ =	shalt  }
0x77: {  	_ =	shalt  }
0x78: {  	_ =	shalt  }
0x79: {  	_ =	shalt  }
0x7a: {  	_ =	shalt  }
0x7b: {  	_ =	shalt  }
0x7c: {  	_ =	shalt  }
0x7d: {  	_ =	shalt  }
0x7e: {  	_ =	shalt  }
0x7f: {  	_ =	shalt  }
0x80: {  	_ =	shalt  }
0x81: {  	_ =	shalt  }
0x82: {  	_ =	shalt  }
0x83: {  	_ =	shalt  }
0x84: {  	_ =	shalt  }
0x85: {  	_ =	shalt  }
0x86: {  	_ =	shalt  }
0x87: {  	_ =	shalt  }
.Lfunc_end0:
.L_simem_size_0:
called_computation_lowered:
.L_overlay_start_0:
0x88: {  	s2 =	sld [smem:$0x3FD9]  }
0x89: {  	s3 =	sld [smem:$0x3FFE];
	_ =	sdelay $0x1  }
0x8a: {  	s1 =	srdreg.scid  }
0x8b: {  	s0 =	sand.u32 $0x1, s1  }
0x8c: {  	s17 =	sshll.u32 s0, $0xA;
	s2 =	sadd.s32 s3, s2  }
0x8d: {  	s2 =	sadd.s32 s2, s17  }
0x8e: {  	[smem:$0x3FC2] =	sst s2  }
0x8f: {  	_ = 	snop  }
0x90: {  	s2 =	sld [smem:$0x3FD0];
	(tm) =	ssettm $0x1  }
0x91: {  	s18 =	sld [smem:$0x3FFB];
	_ =	sdelay $0x3  }
0x92: {  	_ =	strace s18  }
0x93: {  	s3 =	sld [smem:$0x3FFC];
	_ =	sdelay $0x3  }
0x94: {  	_ =	strace s3  }
0x95: {  	s3 =	sld [smem:$0x3FFD];
	_ =	sdelay $0x3  }
0x96: {  	_ =	strace s3  }
0x97: {  	_ =	strace $0x8FFFFFFF  }
0x98: {  	s19 =	sld [smem:$0x3FDB];
	_ =	sdelay $0x1  }
0x99: {  	s4 =	simm.s32 $_scs_section_size  }
0x9a: {  	s5 =	simm.s32 $_size__tile_overlayer_lowered;
	s6 =	simm.s32 $_tile_overlayer_lowered  }
0x9b: {  	s22 =	simm.s32 $0x1BFF;
	s21 =	sshll.u32 s6, $0x1;
	s3 =	sadd.s32 s4, s19  }
0x9c: {  	s7 =	simm.s32 $0x0;
	s20 =	sshll.u32 s5, $0x1;
	s5 =	sadd.s32 s21, s3  }
0x9d: {  	[timem:s7], [sflag:s22] =	dma.local [hbm:s5], s20  }
0x9e: {  	_ =	swait.ge [sflag:s22], s20  }
0x9f: {  	s4 =	ssub.s32 $0x0, s20;
	[sflag:s22] =	ssyncset.done $0x0  }
0xa0: {  	[sflag:s22] =	ssyncadd.s32 s4;
	_ =	sdelay $0x1  }
0xa1: {  	s23 =	simm.s32 $0x1B8B  }
0xa2: {  	_ =	swait.ge [sflag:s23], $0x1  }
0xa3: {  	[sflag:s23] =	ssyncset.done $0x0  }
0xa4: {  	s25 =	simm.s32 $0x1B8E;
	s24 =	sld [smem:$0x3FFE];
	[sflag:s23] =	ssyncadd.s32 $0xFFFFFFFF  }
0xa5: {  	s26 =	simm.s32 $execute0_lowered;
	[smem:$0x3FD2] =	sst s25  }
0xa6: {  	s5 =	sshll.u32 s26, $0x1;
	_ =	strace $0x80000046;
	[dreg:$0x1] =	wrdreg $0xFFFFFFFF  }
0xa7: {  	s28 =	simm.s32 $_size_execute0_lowered;
	s3 =	sadd.s32 s3, s5;
	[dreg:$0x0] =	wrdreg $0x0  }
0xa8: {  	s5 =	sshll.u32 s28, $0x1;
	[dreg:$0x2] =	wrdreg s3  }
0xa9: {  	[dreg:$0x3] =	wrdreg s5  }
0xaa: {  	[dreg:$0x4] =	wrdreg $0xC0  }
0xab: {  	_ =	task [dreg:s7], $0x5FFFF  }
0xac: {  	[dreg:$0x1] =	wrdreg $0xFFFFFFFF  }
0xad: {  	[dreg:$0x0] =	wrdreg $0x60  }
0xae: {  	[dreg:$0x2] =	wrdreg s24  }
0xaf: {  	[dreg:$0x3] =	wrdreg s2  }
0xb0: {  	[dreg:$0x4] =	wrdreg $0x7800  }
0xb1: {  	[dreg:$0x5] =	wrdreg $0x9  }
0xb2: {  	_ =	task.clear_ibuf [dreg:s7], $0x6FFFF;
	_ =	strace $0x90000046  }
0xb3: {  	s29 =	simm.s32 $0x9;
	_ =	strace $0x80000048  }
0xb4: {  	_ =	swait.ge [sflag:s29], $0x1  }
0xb5: {  	[sflag:s29] =	ssyncadd.s32 $0xFFFFFFFF  }
0xb6: {  	_ =	strace $0x90000048  }
0xb7: {  	_ =	sfence  }
0xb8: {  	s30 =	sld [smem:$0x0];
	_ =	sdelay $0x2  }
0xb9: {  	s31 =	sshll.u32 s1, $0xD;
	s1 =	sshrl.u32 s1, $0x2  }
0xba: {  	s3 =	sand.u32 $0x4000, s31;
	s1 =	sadd.s32 s1, s30  }
0xbb: {  	s0 =	sor.u32 s3, s0;
	s1 =	sshll.u32 s1, $0x11  }
0xbc: {  	s0 =	sor.u32 s1, s0  }
0xbd: {  	s0 =	sadd.s32 $0x8F2B, s0  }
0xbe: {  	[sflag:s0] =	ssyncadd.remote.s32 $0x1  }
0xbf: {  	_ =	sfence.sel $0xFFFF  }
0xc0: {  	[dreg:$0x0] =	wrdreg $0xFFFFFFFF;
	(pc) =	sbr.abs _section_cstart, $3  }
0xc1: {  	[dreg:$0x1] =	wrdreg $0xFFFFFFFF  }
0xc2: {  	_ =	task.clear_ibuf [dreg:s7], $0x2FFFF;
	_ =	strace $0x9FFFFFFF  }
0xc3: {  	(tm) =	ssettm $0x7FFFFFFF  }
tec
execute0_lowered:
.L_overlay_start_1:
0x0: {  	(tag) =	ssettag $0x1  }
0x1: {  	s0 =	rddreg [dreg:$0x0]  }
0x2: {  	s3 =	rddreg [dreg:$0x1]  }
0x3: {  	s1 =	rddreg [dreg:$0x2];
	s2 =	simm.s32 $0x0;
	s4 =	srdreg.scid  }
0x4: {  	s11 =	stileid.u32;
	s28 =	simm.s32 $0x3;
	s29 =	simm.s32 $0x140  }
0x5: {  	s30 =	simm.s32 $0x0;
	[smem:$0x7FF] =	sst s2;
	s4 =	sand.u32 $0x1, s4  }
0x6: {  	s7 =	sadd.s32 $0xBE00, s0;
	s8 =	smul.u32 $0xA000, s11;
	s9 =	sadd.s32 $0x16200, s0  }
0x7: {  	s12 =	smul.u32 $0x2800, s11;
	s16 =	sadd.s32 $0x25800, s1;
	p0 =	seq.s32 s11, $0xF  }
0x8: {  	_ =	strace $0x80000047;
	s5 =	sshll.u32 s4, $0x4;
	s6 =	ssub.s32 $0x2, s4  }
0x9: {  	[dreg:$0x4] =	wrdreg s9;
	s4 =	smul.u32 $0x27100, s4;
	s16 =	sshrl.u32 @p0 s16, $0x3  }
0xa: {  	s5 =	sor.u32 s11, s5;
	s13 =	sshrl.u32 s6, $0x1;
	s17 =	sshrl.u32 s8, $0x2  }
0xb: {  	s25 =	sadd.s32 s12, s1;
	s10 =	smul.u32 $0x2710, s5;
	s5 =	sadd.s32 $0x15C00, s0  }
0xc: {  	s14 =	ssub.s32 s6, s13;
	s15 =	sadd.s32 s17, s1;
	s13 =	smul.u32 $0x2710, s11  }
0xd: {  	s20 =	sadd.s32 s12, s4;
	s23 =	sshrl.u32 s4, $0x3;
	s25 =	sshrl.u32 @!p0 s25, $0x3  }
0xe: {  	s18 =	sshrl.u32 s10, $0x3;
	s4 =	sadd.s32 s13, s4;
	s13 =	smax.u32 s14, $0x1  }
0xf: {  	s6 =	sadd.s32 s7, s18;
	s24 =	sadd.s32 $0x140, s4;
	s26 =	sadd.s32 $0x190, s4  }
0x10: {  	s18 =	sshrl.u32 @!p0 s15, $0x3;
	s8 =	sadd.s32 $0xA, s6;
	s19 =	sadd.s32 $0x14, s6  }
0x11: {  	s21 =	sadd.s32 $0x1E, s6;
	s22 =	sadd.s32 $0x4D8, s6;
	[dreg:$0x5] =	wrdreg s8  }
0x12: {  	s0 =	sshrl.u32 s24, $0x3;
	s31 =	sshrl.u32 s26, $0x3;
	[dreg:$0x6] =	wrdreg s19  }
0x13: {  	s24 =	simm.s32 $0xF0;
	s26 =	simm.s32 $0x2;
	[dreg:$0x7] =	wrdreg s21  }
0x14: {  	s8 =	sshrl.u32 s20, $0x3;
	[dreg:$0x8] =	wrdreg s22;
	s14 =	sadd.s32 s0, s7  }
0x15: {  	s4 =	sadd.s32 s31, s7;
	s19 =	simm.s32 $0x280;
	s20 =	simm.s32 $0x4  }
0x16: {  	s21 =	simm.s32 $0x50;
	s8 =	sadd.s32 s3, s8;
	s3 =	sadd.s32 s3, s23  }
0x17: {  	s22 =	simm.s32 $0x1;
	s12 =	sadd.s32 $0x4B00, s3;
	s3 =	sshll.u32 @!p0 s11, $0x6  }
0x18: {  	s23 =	simm.s32 $0xA0;
	[dreg:$0x9] =	wrdreg s8;
	s17 =	sor.u32 @!p0 $0x1C04, s3  }
.LBB2_1:
0x19: {  	s0 =	simm.s32 @p0 $0x1FC4  }
0x1a: {  	[spmem:s16], [sflag:s0] =	dma.local @p0 [hbm:s5], $0x320  }
0x1b: {  	s0 =	simm.s32 @p0 $0x4  }
0x1c: {  	_ =	swait.ge @p0 [sflag:s0], $0x320  }
0x1d: {  	[sflag:s0] =	ssyncset.done @p0 $0x0  }
0x1e: {  	[sflag:s0] =	ssyncadd.s32 @p0 $0xFFFFFCE0;
	s0 =	simm.s32 @!p0 $0x4  }
0x1f: {  	[spmem:s18], [sflag:s17] =	dma.local @!p0 [hbm:s5], $0x500  }
0x20: {  	_ =	swait.ge @!p0 [sflag:s0], $0x500  }
0x21: {  	[sflag:s0] =	ssyncset.done @!p0 $0x0  }
0x22: {  	s8 =	rddreg [dreg:$0x4];
	[sflag:s0] =	ssyncadd.s32 @!p0 $0xFFFFFB00  }
0x23: {  	[tilespmem:s19], [sflag:$0x4] =	stream.linear.gather [hbm4b:s8+s2], $0x500, $0x38;
	[tilespmem:$0x2E90] =	vst v63  }
0x24: {  	_ =	swait.ge [sflag:s20], $0x500  }
0x25: {  	[sflag:s20] =	ssyncset.done $0x0  }
0x26: {  	[sflag:s20] =	ssyncadd.s32 $0xFFFFFB00  }
0x27: {  	[tilespmem:s2], [sflag:$0x4] =	stream.linear.gather [hbm4b:s6+s2], $0x50, $0x38;
	[tilespmem:$0x2E90] =	vst v63  }
0x28: {  	_ =	swait.ge [sflag:s20], $0x50  }
0x29: {  	[sflag:s20] =	ssyncset.done $0x0  }
0x2a: {  	[sflag:s20] =	ssyncadd.s32 $0xFFFFFFB0  }
0x2b: {  	[bflag:$0x0] =	sbarrier.arrive $0xFFFF  }
0x2c: {  	s9 =	rddreg [dreg:$0x5]  }
0x2d: {  	[tilespmem:s21], [sflag:$0x1] =	stream.linear.gather [hbm4b:s9+s2], $0x50, $0x38;
	[tilespmem:$0x2E90] =	vst v63  }
0x2e: {  	_ = 	snop  }
0x2f: {  	[spmem:s1] =	stream.indirect.scatter.add.f32 [tilespmem:s19], [sflag:$0x2], $0x10, s2, s21, $0xb8;
	[tilespmem:$0x2E90] =	vst v63  }
0x30: {  	_ =	swait.ge [sflag:s22], $0x50  }
0x31: {  	[sflag:s22] =	ssyncset.done $0x0  }
0x32: {  	s10 =	rddreg [dreg:$0x6];
	[sflag:s22] =	ssyncadd.s32 $0xFFFFFFB0  }
0x33: {  	[tilespmem:s23], [sflag:$0x1] =	stream.linear.gather [hbm4b:s10+s2], $0x50, $0x38;
	[tilespmem:$0x2E90] =	vst v63  }
0x34: {  	_ = 	snop  }
0x35: {  	[spmem:s1] =	stream.indirect.scatter.add.f32 [tilespmem:s19], [sflag:$0x3], $0x10, s21, s21, $0xb8;
	[tilespmem:$0x2E90] =	vst v63  }
0x36: {  	_ =	swait.ge [sflag:s22], $0x50  }
0x37: {  	s15 =	simm.s32 $0x2;
	[sflag:s22] =	ssyncset.done $0x0  }
0x38: {  	s0 =	sand.u32 $0x6, s15;
	s11 =	rddreg [dreg:$0x7];
	[sflag:s22] =	ssyncadd.s32 $0xFFFFFFB0  }
0x39: {  	[tilespmem:s24], [sflag:$0x1] =	stream.linear.gather [hbm4b:s11+s2], $0x50, $0x38;
	[tilespmem:$0x2E90] =	vst v63  }
0x3a: {  	s0 =	smul.u32 $0x140, s0;
	_ =	swait.ge [sflag:s26], $0x500  }
0x3b: {  	s3 =	simm.s32 $0x4;
	[sflag:s26] =	ssyncset.done $0x0  }
0x3c: {  	s3 =	sand.u32 $0x6, s3;
	s0 =	sshrl.u32 s0, $0x2;
	[sflag:s26] =	ssyncadd.s32 $0xFFFFFB00  }
0x3d: {  	[spmem:s1] =	stream.indirect.scatter.add.f32 [tilespmem:s19], [sflag:$0x2], $0x10, s0, s21, $0xb8;
	[tilespmem:$0x2E90] =	vst v63  }
0x3e: {  	s3 =	smul.u32 $0x140, s3;
	_ =	swait.ge [sflag:s22], $0x50  }
0x3f: {  	[sflag:s22] =	ssyncset.done $0x0  }
0x40: {  	s3 =	sshrl.u32 s3, $0x2;
	[sflag:s22] =	ssyncadd.s32 $0xFFFFFFB0  }
0x41: {  	[tilespmem:s3], [sflag:$0x1] =	stream.linear.gather [hbm4b:s14+s2], $0x50, $0x38;
	[tilespmem:$0x2E90] =	vst v63  }
0x42: {  	s7 =	simm.s32 $0x5;
	_ =	swait.ge [sflag:s28], $0x500  }
0x43: {  	s31 =	sadd.s32 $0x14, s4;
	s7 =	sand.u32 $0x7, s7;
	[sflag:s28] =	ssyncset.done $0x0  }
0x44: {  	s15 =	smov.u32 s4;
	s0 =	sadd.s32 $0x50, s0;
	[sflag:s28] =	ssyncadd.s32 $0xFFFFFB00  }
0x45: {  	[spmem:s1] =	stream.indirect.scatter.add.f32 [tilespmem:s19], [sflag:$0x3], $0x10, s0, s21, $0xb8;
	[tilespmem:$0x2E90] =	vst v63  }
0x46: {  	s8 =	simm.s32 $0x9;
	s3 =	sadd.s32 $0x14, s14;
	s0 =	simm.s32 $0x7  }
.LBB2_2:
0x47: {  	s9 =	sadd.s32 $0xFFFFFFFD, s0;
	_ =	swait.ge [sflag:s22], $0x50  }
0x48: {  	s10 =	smov.u32 s0;
	s0 =	smov.u32 s8;
	s11 =	sadd.s32 $0x2, s8  }
0x49: {  	s7 =	smul.u32 $0x140, s7;
	s9 =	sand.u32 $0x6, s9;
	[sflag:s22] =	ssyncset.done $0x0  }
0x4a: {  	p1 =	sne.s32 s8, $0x7B;
	s8 =	smul.u32 $0x140, s9;
	[sflag:s22] =	ssyncadd.s32 $0xFFFFFFB0  }
0x4b: {  	s9 =	sadd.s32 $0xFFFFFFFF, s10;
	s7 =	sshrl.u32 s7, $0x2  }
0x4c: {  	[tilespmem:s7], [sflag:$0x1] =	stream.linear.gather [hbm4b:s15+s2], $0x50, $0x38;
	[tilespmem:$0x2E90] =	vst v63  }
0x4d: {  	s7 =	sand.u32 $0x6, s9;
	s15 =	smov.u32 s31;
	_ =	swait.ge [sflag:s26], $0x500  }
0x4e: {  	[sflag:s26] =	ssyncset.done $0x0  }
0x4f: {  	s8 =	sshrl.u32 s8, $0x2;
	s7 =	smul.u32 $0x140, s7;
	[sflag:s26] =	ssyncadd.s32 $0xFFFFFB00  }
0x50: {  	[spmem:s1] =	stream.indirect.scatter.add.f32 [tilespmem:s19], [sflag:$0x2], $0x10, s8, s21, $0xb8;
	[tilespmem:$0x2E90] =	vst v63  }
0x51: {  	s7 =	sshrl.u32 s7, $0x2;
	_ =	swait.ge [sflag:s22], $0x50  }
0x52: {  	[sflag:s22] =	ssyncset.done $0x0  }
0x53: {  	[sflag:s22] =	ssyncadd.s32 $0xFFFFFFB0  }
0x54: {  	[tilespmem:s7], [sflag:$0x1] =	stream.linear.gather [hbm4b:s3+s2], $0x50, $0x38;
	[tilespmem:$0x2E90] =	vst v63  }
.Ltmp0:
0x55: {  	_ =	swait.ge [sflag:s28], $0x500;
	(pc) =	sbr.rel @p1 .LBB2_2-.Ltmp0, $4  }
0x56: {  	s31 =	sadd.s32 $0x14, s31;
	s3 =	sadd.s32 $0x14, s3;
	[sflag:s28] =	ssyncset.done $0x0  }
0x57: {  	s8 =	sadd.s32 $0x50, s8;
	s7 =	sand.u32 $0x7, s10;
	[sflag:s28] =	ssyncadd.s32 $0xFFFFFB00  }
0x58: {  	[spmem:s1] =	stream.indirect.scatter.add.f32 [tilespmem:s19], [sflag:$0x3], $0x10, s8, s21, $0xb8;
	[tilespmem:$0x2E90] =	vst v63  }
0x59: {  	s8 =	smov.u32 s11  }
0x5a: {  	_ =	swait.ge [sflag:s22], $0x50;
	s7 =	smul.u32 $0x140, s7  }
0x5b: {  	s8 =	sadd.s32 $0xFFFFFFFD, s0;
	[sflag:s22] =	ssyncset.done $0x0  }
0x5c: {  	s8 =	sand.u32 $0x6, s8;
	[sflag:s22] =	ssyncadd.s32 $0xFFFFFFB0;
	s7 =	sshrl.u32 s7, $0x2  }
0x5d: {  	[tilespmem:s7], [sflag:$0x1] =	stream.linear.gather [hbm4b:s15+s2], $0x50, $0x38;
	[tilespmem:$0x2E90] =	vst v63  }
0x5e: {  	s9 =	smul.u32 $0x140, s8;
	_ =	swait.ge [sflag:s26], $0x500  }
0x5f: {  	s10 =	sadd.s32 $0xFFFFFFFF, s0;
	[sflag:s26] =	ssyncset.done $0x0  }
0x60: {  	s8 =	sand.u32 $0x6, s10;
	s7 =	sshrl.u32 s9, $0x2;
	[sflag:s26] =	ssyncadd.s32 $0xFFFFFB00  }
0x61: {  	[spmem:s1] =	stream.indirect.scatter.add.f32 [tilespmem:s19], [sflag:$0x2], $0x10, s7, s21, $0xb8;
	[tilespmem:$0x2E90] =	vst v63  }
0x62: {  	s8 =	smul.u32 $0x140, s8;
	_ =	swait.ge [sflag:s22], $0x50  }
0x63: {  	[sflag:s22] =	ssyncset.done $0x0  }
0x64: {  	s8 =	sshrl.u32 s8, $0x2;
	[sflag:s22] =	ssyncadd.s32 $0xFFFFFFB0  }
0x65: {  	[tilespmem:s8], [sflag:$0x1] =	stream.linear.gather [hbm4b:s3+s2], $0x50, $0x38;
	[tilespmem:$0x2E90] =	vst v63  }
0x66: {  	_ =	swait.ge [sflag:s28], $0x500  }
0x67: {  	[sflag:s28] =	ssyncset.done $0x0  }
0x68: {  	s15 =	sand.u32 $0x7, s0;
	s11 =	sadd.s32 $0x50, s7;
	[sflag:s28] =	ssyncadd.s32 $0xFFFFFB00  }
0x69: {  	[spmem:s1] =	stream.indirect.scatter.add.f32 [tilespmem:s19], [sflag:$0x3], $0x10, s11, s21, $0xb8;
	[tilespmem:$0x2E90] =	vst v63  }
0x6a: {  	s0 =	smul.u32 $0x140, s15;
	_ =	swait.ge [sflag:s22], $0x50  }
0x6b: {  	[sflag:s22] =	ssyncset.done $0x0  }
0x6c: {  	s0 =	sshrl.u32 s0, $0x2;
	[sflag:s22] =	ssyncadd.s32 $0xFFFFFFB0  }
0x6d: {  	[tilespmem:s0], [sflag:$0x1] =	stream.linear.gather [hbm4b:s31+s2], $0x50, $0x38;
	[tilespmem:$0x2E90] =	vst v63  }
0x6e: {  	_ =	swait.ge [sflag:s26], $0x500  }
0x6f: {  	[sflag:s26] =	ssyncset.done $0x0  }
0x70: {  	[sflag:s26] =	ssyncadd.s32 $0xFFFFFB00  }
0x71: {  	[spmem:s1] =	stream.indirect.scatter.add.f32 [tilespmem:s19], [sflag:$0x2], $0x10, s23, s21, $0xb8;
	[tilespmem:$0x2E90] =	vst v63  }
0x72: {  	_ =	swait.ge [sflag:s22], $0x50  }
0x73: {  	[sflag:s22] =	ssyncset.done $0x0  }
0x74: {  	s31 =	rddreg [dreg:$0x8];
	[sflag:s22] =	ssyncadd.s32 $0xFFFFFFB0  }
0x75: {  	[tilespmem:s29], [sflag:$0x1] =	stream.linear.gather [hbm4b:s31+s2], $0x50, $0x38;
	[tilespmem:$0x2E90] =	vst v63  }
0x76: {  	_ =	swait.ge [sflag:s28], $0x500  }
0x77: {  	[sflag:s28] =	ssyncset.done $0x0  }
0x78: {  	[sflag:s28] =	ssyncadd.s32 $0xFFFFFB00  }
0x79: {  	[spmem:s1] =	stream.indirect.scatter.add.f32 [tilespmem:s19], [sflag:$0x3], $0x10, s24, s21, $0xb8;
	[tilespmem:$0x2E90] =	vst v63  }
0x7a: {  	_ =	swait.ge [sflag:s22], $0x50  }
0x7b: {  	[sflag:s22] =	ssyncset.done $0x0  }
0x7c: {  	[sflag:s22] =	ssyncadd.s32 $0xFFFFFFB0  }
0x7d: {  	_ =	swait.ge [sflag:s26], $0x500  }
0x7e: {  	[sflag:s26] =	ssyncset.done $0x0  }
0x7f: {  	[sflag:s26] =	ssyncadd.s32 $0xFFFFFB00  }
0x80: {  	[spmem:s1] =	stream.indirect.scatter.add.f32 [tilespmem:s19], [sflag:$0x2], $0x10, s29, s21, $0xb8;
	[tilespmem:$0x2E90] =	vst v63  }
0x81: {  	_ =	swait.ge [sflag:s28], $0x500  }
0x82: {  	[sflag:s28] =	ssyncset.done $0x0  }
0x83: {  	[sflag:s28] =	ssyncadd.s32 $0xFFFFFB00  }
0x84: {  	_ =	swait.ge [sflag:s26], $0x500  }
0x85: {  	[sflag:s26] =	ssyncset.done $0x0  }
0x86: {  	[sflag:s26] =	ssyncadd.s32 $0xFFFFFB00  }
0x87: {  	s0 =	simm.s32 @p0 $0x1FC4;
	[bflag:$0x0] =	sbarrier.arrive $0xFFFF  }
0x88: {  	[hbm:s12], [sflag:s0] =	dma.local @p0 [spmem:s16], $0x320  }
0x89: {  	s0 =	simm.s32 @p0 $0x4  }
0x8a: {  	_ =	swait.ge @p0 [sflag:s0], $0x320  }
0x8b: {  	s30 =	sadd.s32 $0x1, s30;
	[sflag:s0] =	ssyncset.done @p0 $0x0  }
0x8c: {  	p1 =	sne.s32 s30, s13;
	[sflag:s0] =	ssyncadd.s32 @p0 $0xFFFFFCE0;
	s0 =	rddreg [dreg:$0x9]  }
0x8d: {  	[hbm:s0], [sflag:s17] =	dma.local @!p0 [spmem:s25], $0x500  }
.Ltmp1:
0x8e: {  	_ = 	snop;
	(pc) =	sbr.rel @p1 .LBB2_1-.Ltmp1, $4  }
0x8f: {  	s0 =	simm.s32 @!p0 $0x4  }
0x90: {  	_ =	swait.ge @!p0 [sflag:s0], $0x500  }
0x91: {  	[sflag:s0] =	ssyncset.done @!p0 $0x0  }
0x92: {  	[sflag:s0] =	ssyncadd.s32 @!p0 $0xFFFFFB00  }
0x93: {  	_ =	sfence.sel $0x180000  }
0x94: {  	[bflag:$0x0] =	sbarrier.arrive $0xFFFF  }
0x95: {  	_ =	strace $0x90000047  }
0x96: {  	s0 =	stileid.u32;
	[bflag:$0x2] =	sbarrier.arrive $0xFFFF  }
0x97: {  	p0 =	sne.s32 s0, $0x0;
	s0 =	rddreg [dreg:$0x3]  }
0x98: {  	s0 =	sadd.s32 @!p0 $0x100000, s0  }
0x99: {  	[sflag:s0] =	ssyncadd.tile.s32 @!p0 $0x1;
	_ =	shalt  }
.Lfunc_end2:
_tile_overlayer_lowered:
.L_overlay_start_2:
0x9a: {  	(tag) =	ssettag $0x2  }
0x9b: {  	s0 =	rddreg [dreg:$0x0];
	s2 =	stileid.u32  }
0x9c: {  	s1 =	rddreg [dreg:$0x1];
	p0 =	sne.s32 s2, $0x0  }
0x9d: {  	s3 =	rddreg [dreg:$0x2];
	[bflag:$0x3] =	sbarrier.arrive $0xFFFF;
	s2 =	simm.s32 @!p0 $0x1C04  }
0x9e: {  	[timem:s3], [sflag:s2] =	dma.local @!p0 [hbm:s0], s1  }
0x9f: {  	s0 =	simm.s32 @!p0 $0x4  }
0xa0: {  	_ =	swait.ge @!p0 [sflag:s0], s1  }
0xa1: {  	s1 =	ssub.s32 @!p0 $0x0, s1;
	[sflag:s0] =	ssyncset.done @!p0 $0x0  }
0xa2: {  	[sflag:s0] =	ssyncadd.s32 @!p0 s1  }
0xa3: {  	[bflag:$0x3] =	sbarrier.arrive $0xFFFF  }
0xa4: {  	_ =	shalt  }

</sc_bundles>
